<compile_context>
chip_gen: v7x
topology: tpu7x:2x2x1
jax: 0.10.2.dev20260603
libtpu: 0.0.44.dev20260713+nightly
codegen_flags: <defaults>
</compile_context>

<pallas_src>
import jax
import jax.numpy as jnp
from jax import lax
from jax.experimental import pallas as pl
from jax.experimental.pallas import tpu as pltpu
from jax.experimental.pallas import tpu_sc as plsc

N = 1025
H = 16
RPC = 2
NW = 32
CHUNKS_PER_W = 16
UNROLL = 4


def _sc_body(idx_hbm, w_hbm, out_hbm, idx_v8, buf_a, buf_b,
             wlut_v, sem_a, sem_b):
    cid = lax.axis_index("c")
    sid = lax.axis_index("s")
    wid = sid * 2 + cid

    pltpu.sync_copy(w_hbm, wlut_v)

    lanes = lax.iota(jnp.int32, 16)
    tail_cols = lanes + (N - 16)

    def do_rows(r0, rq, nrows, idx_v, buf, sem, first):
        @pl.when(jnp.logical_not(first))
        def _():
            pltpu.make_async_copy(
                buf.at[pl.ds(0, nrows), :, :],
                out_hbm.at[0, pl.ds(0, nrows), :, :],
                sem,
            ).wait()

        @plsc.parallel_loop(0, nrows * (N // 16), unroll=UNROLL)
        def vec_body(i):
            r = i // (N // 16)
            off = pl.multiple_of((i % (N // 16)) * 16, 16)
            vec = idx_v[rq + r, pl.ds(off, 16)]
            for k in range(H):
                buf[r, k, pl.ds(off, 16)] = plsc.load_gather(
                    wlut_v, [vec + k * 64]
                )
        for r in range(nrows):
            rows16 = jnp.full((16,), rq + r, jnp.int32)
            vec = plsc.load_gather(idx_v, [rows16, tail_cols])
            for k in range(H):
                vals = plsc.load_gather(wlut_v, [vec + k * 64])
                plsc.store_scatter(
                    buf,
                    [jnp.full((16,), r, jnp.int32),
                     jnp.full((16,), k, jnp.int32),
                     tail_cols],
                    vals,
                )

        pltpu.async_copy(
            buf.at[pl.ds(0, nrows), :, :],
            out_hbm.at[0, pl.ds(r0, nrows), :, :],
            sem,
        )

    def final_drain(buf, sem, nrows):
        pltpu.make_async_copy(
            buf.at[pl.ds(0, nrows), :, :],
            out_hbm.at[0, pl.ds(0, nrows), :, :],
            sem,
        ).wait()

    base = wid * CHUNKS_PER_W * RPC

    def octet_body(o, carry):
        r0 = base + o * 8
        pltpu.sync_copy(idx_hbm.at[pl.ds(r0, 8), :], idx_v8)
        for q in range(4):
            buf, sem = (buf_a, sem_a) if q % 2 == 0 else (buf_b, sem_b)
            first = jnp.logical_and(o == 0, q < 2)
            do_rows(r0 + q * RPC, q * RPC, RPC, idx_v8, buf, sem, first)
        return carry

    lax.fori_loop(0, CHUNKS_PER_W * RPC // 8, octet_body, 0)
    final_drain(buf_a, sem_a, RPC)
    final_drain(buf_b, sem_b, RPC)

    @pl.when(wid == NW - 1)
    def _():
        pltpu.sync_copy(
            idx_hbm.at[pl.ds(N - 1, 1), :], idx_v8.at[pl.ds(0, 1), :]
        )
        do_rows(N - 1, 0, 1, idx_v8, buf_a, sem_a, jnp.bool_(True))
        final_drain(buf_a, sem_a, 1)


def kernel(spatial_bias, weight):
    wflat = weight.T.reshape(-1)
    mesh = plsc.VectorSubcoreMesh(core_axis_name="c", subcore_axis_name="s")
    run = pl.kernel(
        _sc_body,
        mesh=mesh,
        compiler_params=pltpu.CompilerParams(needs_layout_passes=False),
        out_type=jax.ShapeDtypeStruct((1, N, H, N), jnp.float32),
        scratch_types=[
            pltpu.VMEM((8, N), jnp.int32),
            pltpu.VMEM((RPC, H, N), jnp.float32),
            pltpu.VMEM((RPC, H, N), jnp.float32),
            pltpu.VMEM((2 * 32 * H,), jnp.float32),
            pltpu.SemaphoreType.DMA,
            pltpu.SemaphoreType.DMA,
        ],
    )
    out = run(spatial_bias, wflat)
    return jnp.transpose(out, (0, 2, 1, 3))

# --- scband reference (transcript-rebuilt; emitter-appended) ---
"""Pipeline reference for scband-spatial-encoding-71433896067259 (READ-ONLY COPY).

The authoritative reference and input builder live on the scoring server;
editing this copy changes nothing except your own understanding.
"""

import jax, jax.numpy as jnp
import numpy as np

NUM_HEADS = 16
NUM_PATCHES = 32


def _build_spatial_bias():
    N = NUM_PATCHES ** 2 + 1  # 1025
    i = np.arange(N - 1)[:, None]
    j = np.arange(N - 1)[None, :]
    d = np.abs(i - j)
    vals = d // NUM_PATCHES + d % NUM_PATCHES
    bias = np.zeros((N, N), dtype=np.int32)
    bias[: N - 1, : N - 1] = vals
    return jnp.asarray(bias)


def setup_inputs(seed: int = 0) -> dict:
    key = jax.random.key(seed)
    # Learned parameter: nn.Embedding(2*num_patches, num_heads).weight
    weight = jax.random.normal(key, (2 * NUM_PATCHES, NUM_HEADS), dtype=jnp.float32)
    spatial_bias = _build_spatial_bias()  # int32 [1025, 1025], values in [0, 62]
    return {"spatial_bias": spatial_bias, "weight": weight}


def reference(spatial_bias, weight):
    # emb lookup: [h, w] -> [h, w, hd]
    emb = jnp.take(weight, spatial_bias, axis=0)
    # einops 'h w hd -> hd h w' then unsqueeze(0)
    out = jnp.transpose(emb, (2, 0, 1))[None, ...]  # [1, hd, h, w]
    return out

if __name__ == "__main__":
    import jax
    _d = setup_inputs()
    print(jax.jit(kernel)(*tuple(_d.values())))

</pallas_src>

<mosaic_0001>
#map = affine_map<(d0, d1) -> (0, 0)>
#map1 = affine_map<(d0, d1) -> (0)>
#map2 = affine_map<(d0, d1) -> (0, 0, 0, 0)>
module attributes {stable_mosaic.version = 14 : i64} {
  func.func @_sc_body(%arg0: i32, %arg1: i32, %arg2: memref<1025x1025xi32, #tpu.memory_space<hbm>>, %arg3: memref<1024xf32, #tpu.memory_space<hbm>>, %arg4: memref<1x1025x16x1025xf32, #tpu.memory_space<hbm>>, %arg5: memref<8x1025xi32, #tpu.memory_space<vmem>>, %arg6: memref<2x16x1025xf32, #tpu.memory_space<vmem>>, %arg7: memref<2x16x1025xf32, #tpu.memory_space<vmem>>, %arg8: memref<1024xf32, #tpu.memory_space<vmem>>, %arg9: memref<!tpu.dma_semaphore, #tpu.memory_space<semaphore_mem>>, %arg10: memref<!tpu.dma_semaphore, #tpu.memory_space<semaphore_mem>>) attributes {dimension_semantics = [#tpu.dimension_semantics<core_parallel>, #tpu.dimension_semantics<subcore_parallel>], iteration_bounds = array<i64: 2, 16>, scalar_prefetch = 0 : i64, scratch_operands = 6 : i64, tpu.core_type = #tpu.core_type<sc_vector_subcore>, window_params = [{transform_indices = #map}, {transform_indices = #map1}, {transform_indices = #map2}]} {
    %mul3A = arith.constant 2 : i32
    %mul3A_0 = arith.muli %arg1, %mul3A : i32
    %add3A = arith.addi %mul3A_0, %arg0 : i32
    "tpu.region"() ({
      %run_scoped3A = tpu.sem_alloc : memref<!tpu.dma_semaphore, #tpu.memory_space<semaphore_mem>>
      tpu.enqueue_dma source(%arg3 : memref<1024xf32, #tpu.memory_space<hbm>>) target(%arg8 : memref<1024xf32, #tpu.memory_space<vmem>>) target_semaphore(%run_scoped3A : memref<!tpu.dma_semaphore, #tpu.memory_space<semaphore_mem>>)
      tpu.wait_dma2 semaphore(%run_scoped3A : memref<!tpu.dma_semaphore, #tpu.memory_space<semaphore_mem>>) src(%arg3 : memref<1024xf32, #tpu.memory_space<hbm>>) dst(%arg8 : memref<1024xf32, #tpu.memory_space<vmem>>)
      tpu.yield
    }) : () -> ()
    %iota3A = tpu.iota {dimensions = array<i32: 0>} : vector<16xi32>
    %add3A_1 = arith.constant 1009 : i32
    %add3A_2 = vector.broadcast %add3A_1 : i32 to vector<16xi32>
    %add3A_3 = arith.addi %iota3A, %add3A_2 : vector<16xi32>
    %mul3A_4 = arith.constant 16 : i32
    %mul3A_5 = arith.muli %add3A, %mul3A_4 : i32
    %mul3A_6 = arith.constant 2 : i32
    %mul3A_7 = arith.muli %mul3A_5, %mul3A_6 : i32
    %scan3A = arith.constant 0 : i32
    %scan3A_8 = arith.constant 0 : i32
    %scan3A_9 = arith.constant 4 : i32
    %scan3A_10 = arith.addi %scan3A_8, %scan3A_9 : i32
    %scan3A_11 = arith.constant 1 : i32
    scf.for %scan3A_52 = %scan3A_8 to %scan3A_10 step %scan3A_11  : i32 {
      %mul3A_53 = arith.constant 8 : i32
      %mul3A_54 = arith.muli %scan3A_52, %mul3A_53 : i32
      %add3A_55 = arith.addi %mul3A_7, %mul3A_54 : i32
      "tpu.region"() ({
        %run_scoped3A = tpu.sem_alloc : memref<!tpu.dma_semaphore, #tpu.memory_space<semaphore_mem>>
        %dma_start3A_1222 = arith.constant 0 : i32
        %dma_start3A_1223 = tpu.memref_slice %arg2[%add3A_55, %dma_start3A_1222] : memref<1025x1025xi32, #tpu.memory_space<hbm>> -> memref<8x1025xi32, #tpu.memory_space<hbm>>
        %dma_start3A_1224 = arith.constant 0 : i32
        %dma_start3A_1225 = tpu.memref_slice %arg2[%add3A_55, %dma_start3A_1224] : memref<1025x1025xi32, #tpu.memory_space<hbm>> -> memref<8x1025xi32, #tpu.memory_space<hbm>>
        tpu.enqueue_dma source(%dma_start3A_1225 : memref<8x1025xi32, #tpu.memory_space<hbm>>) target(%arg5 : memref<8x1025xi32, #tpu.memory_space<vmem>>) target_semaphore(%run_scoped3A : memref<!tpu.dma_semaphore, #tpu.memory_space<semaphore_mem>>)
        %dma_wait3A_1226 = arith.constant 0 : i32
        %dma_wait3A_1227 = tpu.memref_slice %arg2[%add3A_55, %dma_wait3A_1226] : memref<1025x1025xi32, #tpu.memory_space<hbm>> -> memref<8x1025xi32, #tpu.memory_space<hbm>>
        %dma_wait3A_1228 = arith.constant 0 : i32
        %dma_wait3A_1229 = tpu.memref_slice %arg2[%add3A_55, %dma_wait3A_1228] : memref<1025x1025xi32, #tpu.memory_space<hbm>> -> memref<8x1025xi32, #tpu.memory_space<hbm>>
        tpu.wait_dma2 semaphore(%run_scoped3A : memref<!tpu.dma_semaphore, #tpu.memory_space<semaphore_mem>>) src(%dma_wait3A_1229 : memref<8x1025xi32, #tpu.memory_space<hbm>>) dst(%arg5 : memref<8x1025xi32, #tpu.memory_space<vmem>>)
        tpu.yield
      }) : () -> ()
      %eq3A_56 = arith.constant 0 : i32
      %eq3A_57 = arith.cmpi eq, %scan3A_52, %eq3A_56 : i32
      %and3A = arith.constant true
      %and3A_58 = arith.andi %eq3A_57, %and3A : i1
      %add3A_59 = arith.constant 0 : i32
      %add3A_60 = arith.addi %add3A_55, %add3A_59 : i32
      %not3A = arith.constant true
      %not3A_61 = arith.xori %and3A_58, %not3A : i1
      %convert_element_type3A_62 = arith.extui %not3A_61 : i1 to i32
      %cond3A_63 = arith.constant 0 : i32
      %cond3A_64 = arith.cmpi ne, %convert_element_type3A_62, %cond3A_63 : i32
      scf.if %cond3A_64 {
        %dma_wait3A_1222 = arith.constant 0 : i32
        %dma_wait3A_1223 = arith.constant 0 : i32
        %dma_wait3A_1224 = arith.constant 0 : i32
        %dma_wait3A_1225 = arith.constant 0 : i32
        %dma_wait3A_1226 = tpu.memref_slice %arg6[%dma_wait3A_1223, %dma_wait3A_1224, %dma_wait3A_1225] : memref<2x16x1025xf32, #tpu.memory_space<vmem>> -> memref<2x16x1025xf32, #tpu.memory_space<vmem>>
        %dma_wait3A_1227 = arith.constant 0 : i32
        %dma_wait3A_1228 = arith.constant 0 : i32
        %dma_wait3A_1229 = arith.constant 0 : i32
        %dma_wait3A_1230 = tpu.memref_slice %arg4[%dma_wait3A_1222, %dma_wait3A_1227, %dma_wait3A_1228, %dma_wait3A_1229] : memref<1x1025x16x1025xf32, #tpu.memory_space<hbm>> -> memref<1x2x16x1025xf32, #tpu.memory_space<hbm>>
        %dma_wait3A_1231 = tpu.memref_squeeze %dma_wait3A_1230 : memref<1x2x16x1025xf32, #tpu.memory_space<hbm>> -> memref<2x16x1025xf32, #tpu.memory_space<hbm>>
        %dma_wait3A_1232 = arith.constant 0 : i32
        %dma_wait3A_1233 = arith.constant 0 : i32
        %dma_wait3A_1234 = arith.constant 0 : i32
        %dma_wait3A_1235 = tpu.memref_slice %arg4[%dma_wait3A_1222, %dma_wait3A_1232, %dma_wait3A_1233, %dma_wait3A_1234] : memref<1x1025x16x1025xf32, #tpu.memory_space<hbm>> -> memref<1x2x16x1025xf32, #tpu.memory_space<hbm>>
        %dma_wait3A_1236 = tpu.memref_squeeze %dma_wait3A_1235 : memref<1x2x16x1025xf32, #tpu.memory_space<hbm>> -> memref<2x16x1025xf32, #tpu.memory_space<hbm>>
        %dma_wait3A_1237 = arith.constant 0 : i32
        %dma_wait3A_1238 = arith.constant 0 : i32
        %dma_wait3A_1239 = arith.constant 0 : i32
        %dma_wait3A_1240 = tpu.memref_slice %arg6[%dma_wait3A_1237, %dma_wait3A_1238, %dma_wait3A_1239] : memref<2x16x1025xf32, #tpu.memory_space<vmem>> -> memref<2x16x1025xf32, #tpu.memory_space<vmem>>
        tpu.wait_dma2 semaphore(%arg9 : memref<!tpu.dma_semaphore, #tpu.memory_space<semaphore_mem>>) src(%dma_wait3A_1240 : memref<2x16x1025xf32, #tpu.memory_space<vmem>>) dst(%dma_wait3A_1236 : memref<2x16x1025xf32, #tpu.memory_space<hbm>>)
      } else {
      }
      %parallel_loop3A = arith.constant 0 : i32
      %parallel_loop3A_65 = arith.constant 128 : i32
      %parallel_loop3A_66 = arith.constant 1 : i32
      scf.for %parallel_loop3A_1222 = %parallel_loop3A to %parallel_loop3A_65 step %parallel_loop3A_66  : i32 {
        %parallel_loop3A_1223 = arith.constant 64 : i32
        %parallel_loop3A_1224 = arith.divsi %parallel_loop3A_1222, %parallel_loop3A_1223 : i32
        %parallel_loop3A_1225 = arith.constant 0 : i32
        %parallel_loop3A_1226 = arith.cmpi sgt, %parallel_loop3A_1222, %parallel_loop3A_1225 : i32
        %parallel_loop3A_1227 = arith.extui %parallel_loop3A_1226 : i1 to i32
        %parallel_loop3A_1228 = arith.constant 0 : i32
        %parallel_loop3A_1229 = arith.cmpi slt, %parallel_loop3A_1222, %parallel_loop3A_1228 : i32
        %parallel_loop3A_1230 = arith.extui %parallel_loop3A_1229 : i1 to i32
        %parallel_loop3A_1231 = arith.subi %parallel_loop3A_1227, %parallel_loop3A_1230 : i32
        %parallel_loop3A_1232 = arith.constant 0 : i32
        %parallel_loop3A_1233 = arith.cmpi sgt, %parallel_loop3A_1223, %parallel_loop3A_1232 : i32
        %parallel_loop3A_1234 = arith.extui %parallel_loop3A_1233 : i1 to i32
        %parallel_loop3A_1235 = arith.constant 0 : i32
        %parallel_loop3A_1236 = arith.cmpi slt, %parallel_loop3A_1223, %parallel_loop3A_1235 : i32
        %parallel_loop3A_1237 = arith.extui %parallel_loop3A_1236 : i1 to i32
        %parallel_loop3A_1238 = arith.subi %parallel_loop3A_1234, %parallel_loop3A_1237 : i32
        %parallel_loop3A_1239 = arith.cmpi ne, %parallel_loop3A_1231, %parallel_loop3A_1238 : i32
        %parallel_loop3A_1240 = arith.remsi %parallel_loop3A_1222, %parallel_loop3A_1223 : i32
        %parallel_loop3A_1241 = arith.constant 0 : i32
        %parallel_loop3A_1242 = arith.cmpi ne, %parallel_loop3A_1240, %parallel_loop3A_1241 : i32
        %parallel_loop3A_1243 = arith.andi %parallel_loop3A_1239, %parallel_loop3A_1242 : i1
        %parallel_loop3A_1244 = arith.constant 1 : i32
        %parallel_loop3A_1245 = arith.subi %parallel_loop3A_1224, %parallel_loop3A_1244 : i32
        %parallel_loop3A_1246 = arith.select %parallel_loop3A_1243, %parallel_loop3A_1245, %parallel_loop3A_1224 : i32
        %parallel_loop3A_1247 = arith.constant 64 : i32
        %parallel_loop3A_1248 = arith.constant 0 : i32
        %parallel_loop3A_1249 = arith.cmpi eq, %parallel_loop3A_1247, %parallel_loop3A_1248 : i32
        %parallel_loop3A_1250 = arith.constant 1 : i32
        %parallel_loop3A_1251 = arith.select %parallel_loop3A_1249, %parallel_loop3A_1250, %parallel_loop3A_1247 : i32
        %parallel_loop3A_1252 = arith.remsi %parallel_loop3A_1222, %parallel_loop3A_1251 : i32
        %parallel_loop3A_1253 = arith.constant 0 : i32
        %parallel_loop3A_1254 = arith.cmpi ne, %parallel_loop3A_1252, %parallel_loop3A_1253 : i32
        %parallel_loop3A_1255 = arith.constant 0 : i32
        %parallel_loop3A_1256 = arith.cmpi slt, %parallel_loop3A_1252, %parallel_loop3A_1255 : i32
        %parallel_loop3A_1257 = arith.constant 0 : i32
        %parallel_loop3A_1258 = arith.cmpi slt, %parallel_loop3A_1251, %parallel_loop3A_1257 : i32
        %parallel_loop3A_1259 = arith.xori %parallel_loop3A_1256, %parallel_loop3A_1258 : i1
        %parallel_loop3A_1260 = arith.andi %parallel_loop3A_1259, %parallel_loop3A_1254 : i1
        %parallel_loop3A_1261 = arith.addi %parallel_loop3A_1252, %parallel_loop3A_1251 : i32
        %parallel_loop3A_1262 = arith.select %parallel_loop3A_1260, %parallel_loop3A_1261, %parallel_loop3A_1252 : i32
        %parallel_loop3A_1263 = arith.constant 16 : i32
        %parallel_loop3A_1264 = arith.muli %parallel_loop3A_1262, %parallel_loop3A_1263 : i32
        %parallel_loop3A_1265 = tpu.assume_multiple %parallel_loop3A_1264, 16 : i32
        %parallel_loop3A_1266 = arith.constant 0 : i32
        %parallel_loop3A_1267 = arith.addi %parallel_loop3A_1266, %parallel_loop3A_1246 : i32
        %parallel_loop3A_1268 = arith.index_cast %parallel_loop3A_1267 : i32 to index
        %parallel_loop3A_1269 = arith.index_cast %parallel_loop3A_1265 : i32 to index
        %parallel_loop3A_1270 = tpu.vector_load %arg5[%parallel_loop3A_1268, %parallel_loop3A_1269] {strides = array<i32>} : memref<8x1025xi32, #tpu.memory_space<vmem>>, vector<16xi32>,
        %parallel_loop3A_1271 = arith.constant 0 : i32
        %parallel_loop3A_1272 = vector.broadcast %parallel_loop3A_1271 : i32 to vector<16xi32>
        %parallel_loop3A_1273 = arith.addi %parallel_loop3A_1270, %parallel_loop3A_1272 : vector<16xi32>
        %parallel_loop3A_1274 = tpu.vector_load_idx %arg8[%parallel_loop3A_1273] : memref<1024xf32, #tpu.memory_space<vmem>>[vector<16xi32>], vector<16xf32>,
        %parallel_loop3A_1275 = arith.constant 0 : i32
        %parallel_loop3A_1276 = arith.index_cast %parallel_loop3A_1246 : i32 to index
        %parallel_loop3A_1277 = arith.index_cast %parallel_loop3A_1275 : i32 to index
        %parallel_loop3A_1278 = arith.index_cast %parallel_loop3A_1265 : i32 to index
        %parallel_loop3A_1279 = tpu.vector_load %arg6[%parallel_loop3A_1276, %parallel_loop3A_1277, %parallel_loop3A_1278] {strides = array<i32>} : memref<2x16x1025xf32, #tpu.memory_space<vmem>>, vector<16xf32>,
        tpu.vector_store %arg6[%parallel_loop3A_1276, %parallel_loop3A_1277, %parallel_loop3A_1278], %parallel_loop3A_1274 {strides = array<i32>} : memref<2x16x1025xf32, #tpu.memory_space<vmem>>, vector<16xf32>,
        %parallel_loop3A_1280 = arith.constant 64 : i32
        %parallel_loop3A_1281 = vector.broadcast %parallel_loop3A_1280 : i32 to vector<16xi32>
        %parallel_loop3A_1282 = arith.addi %parallel_loop3A_1270, %parallel_loop3A_1281 : vector<16xi32>
        %parallel_loop3A_1283 = tpu.vector_load_idx %arg8[%parallel_loop3A_1282] : memref<1024xf32, #tpu.memory_space<vmem>>[vector<16xi32>], vector<16xf32>,
        %parallel_loop3A_1284 = arith.constant 1 : i32
        %parallel_loop3A_1285 = arith.index_cast %parallel_loop3A_1246 : i32 to index
        %parallel_loop3A_1286 = arith.index_cast %parallel_loop3A_1284 : i32 to index
        %parallel_loop3A_1287 = arith.index_cast %parallel_loop3A_1265 : i32 to index
        %parallel_loop3A_1288 = tpu.vector_load %arg6[%parallel_loop3A_1285, %parallel_loop3A_1286, %parallel_loop3A_1287] {strides = array<i32>} : memref<2x16x1025xf32, #tpu.memory_space<vmem>>, vector<16xf32>,
        tpu.vector_store %arg6[%parallel_loop3A_1285, %parallel_loop3A_1286, %parallel_loop3A_1287], %parallel_loop3A_1283 {strides = array<i32>} : memref<2x16x1025xf32, #tpu.memory_space<vmem>>, vector<16xf32>,
        %parallel_loop3A_1289 = arith.constant 128 : i32
        %parallel_loop3A_1290 = vector.broadcast %parallel_loop3A_1289 : i32 to vector<16xi32>
        %parallel_loop3A_1291 = arith.addi %parallel_loop3A_1270, %parallel_loop3A_1290 : vector<16xi32>
        %parallel_loop3A_1292 = tpu.vector_load_idx %arg8[%parallel_loop3A_1291] : memref<1024xf32, #tpu.memory_space<vmem>>[vector<16xi32>], vector<16xf32>,
        %parallel_loop3A_1293 = arith.constant 2 : i32
        %parallel_loop3A_1294 = arith.index_cast %parallel_loop3A_1246 : i32 to index
        %parallel_loop3A_1295 = arith.index_cast %parallel_loop3A_1293 : i32 to index
        %parallel_loop3A_1296 = arith.index_cast %parallel_loop3A_1265 : i32 to index
        %parallel_loop3A_1297 = tpu.vector_load %arg6[%parallel_loop3A_1294, %parallel_loop3A_1295, %parallel_loop3A_1296] {strides = array<i32>} : memref<2x16x1025xf32, #tpu.memory_space<vmem>>, vector<16xf32>,
        tpu.vector_store %arg6[%parallel_loop3A_1294, %parallel_loop3A_1295, %parallel_loop3A_1296], %parallel_loop3A_1292 {strides = array<i32>} : memref<2x16x1025xf32, #tpu.memory_space<vmem>>, vector<16xf32>,
        %parallel_loop3A_1298 = arith.constant 192 : i32
        %parallel_loop3A_1299 = vector.broadcast %parallel_loop3A_1298 : i32 to vector<16xi32>
        %parallel_loop3A_1300 = arith.addi %parallel_loop3A_1270, %parallel_loop3A_1299 : vector<16xi32>
        %parallel_loop3A_1301 = tpu.vector_load_idx %arg8[%parallel_loop3A_1300] : memref<1024xf32, #tpu.memory_space<vmem>>[vector<16xi32>], vector<16xf32>,
        %parallel_loop3A_1302 = arith.constant 3 : i32
        %parallel_loop3A_1303 = arith.index_cast %parallel_loop3A_1246 : i32 to index
        %parallel_loop3A_1304 = arith.index_cast %parallel_loop3A_1302 : i32 to index
        %parallel_loop3A_1305 = arith.index_cast %parallel_loop3A_1265 : i32 to index
        %parallel_loop3A_1306 = tpu.vector_load %arg6[%parallel_loop3A_1303, %parallel_loop3A_1304, %parallel_loop3A_1305] {strides = array<i32>} : memref<2x16x1025xf32, #tpu.memory_space<vmem>>, vector<16xf32>,
        tpu.vector_store %arg6[%parallel_loop3A_1303, %parallel_loop3A_1304, %parallel_loop3A_1305], %parallel_loop3A_1301 {strides = array<i32>} : memref<2x16x1025xf32, #tpu.memory_space<vmem>>, vector<16xf32>,
        %parallel_loop3A_1307 = arith.constant 256 : i32
        %parallel_loop3A_1308 = vector.broadcast %parallel_loop3A_1307 : i32 to vector<16xi32>
        %parallel_loop3A_1309 = arith.addi %parallel_loop3A_1270, %parallel_loop3A_1308 : vector<16xi32>
        %parallel_loop3A_1310 = tpu.vector_load_idx %arg8[%parallel_loop3A_1309] : memref<1024xf32, #tpu.memory_space<vmem>>[vector<16xi32>], vector<16xf32>,
        %parallel_loop3A_1311 = arith.constant 4 : i32
        %parallel_loop3A_1312 = arith.index_cast %parallel_loop3A_1246 : i32 to index
        %parallel_loop3A_1313 = arith.index_cast %parallel_loop3A_1311 : i32 to index
        %parallel_loop3A_1314 = arith.index_cast %parallel_loop3A_1265 : i32 to index
        %parallel_loop3A_1315 = tpu.vector_load %arg6[%parallel_loop3A_1312, %parallel_loop3A_1313, %parallel_loop3A_1314] {strides = array<i32>} : memref<2x16x1025xf32, #tpu.memory_space<vmem>>, vector<16xf32>,
        tpu.vector_store %arg6[%parallel_loop3A_1312, %parallel_loop3A_1313, %parallel_loop3A_1314], %parallel_loop3A_1310 {strides = array<i32>} : memref<2x16x1025xf32, #tpu.memory_space<vmem>>, vector<16xf32>,
        %parallel_loop3A_1316 = arith.constant 320 : i32
        %parallel_loop3A_1317 = vector.broadcast %parallel_loop3A_1316 : i32 to vector<16xi32>
        %parallel_loop3A_1318 = arith.addi %parallel_loop3A_1270, %parallel_loop3A_1317 : vector<16xi32>
        %parallel_loop3A_1319 = tpu.vector_load_idx %arg8[%parallel_loop3A_1318] : memref<1024xf32, #tpu.memory_space<vmem>>[vector<16xi32>], vector<16xf32>,
        %parallel_loop3A_1320 = arith.constant 5 : i32
        %parallel_loop3A_1321 = arith.index_cast %parallel_loop3A_1246 : i32 to index
        %parallel_loop3A_1322 = arith.index_cast %parallel_loop3A_1320 : i32 to index
        %parallel_loop3A_1323 = arith.index_cast %parallel_loop3A_1265 : i32 to index
        %parallel_loop3A_1324 = tpu.vector_load %arg6[%parallel_loop3A_1321, %parallel_loop3A_1322, %parallel_loop3A_1323] {strides = array<i32>} : memref<2x16x1025xf32, #tpu.memory_space<vmem>>, vector<16xf32>,
        tpu.vector_store %arg6[%parallel_loop3A_1321, %parallel_loop3A_1322, %parallel_loop3A_1323], %parallel_loop3A_1319 {strides = array<i32>} : memref<2x16x1025xf32, #tpu.memory_space<vmem>>, vector<16xf32>,
        %parallel_loop3A_1325 = arith.constant 384 : i32
        %parallel_loop3A_1326 = vector.broadcast %parallel_loop3A_1325 : i32 to vector<16xi32>
        %parallel_loop3A_1327 = arith.addi %parallel_loop3A_1270, %parallel_loop3A_1326 : vector<16xi32>
        %parallel_loop3A_1328 = tpu.vector_load_idx %arg8[%parallel_loop3A_1327] : memref<1024xf32, #tpu.memory_space<vmem>>[vector<16xi32>], vector<16xf32>,
        %parallel_loop3A_1329 = arith.constant 6 : i32
        %parallel_loop3A_1330 = arith.index_cast %parallel_loop3A_1246 : i32 to index
        %parallel_loop3A_1331 = arith.index_cast %parallel_loop3A_1329 : i32 to index
        %parallel_loop3A_1332 = arith.index_cast %parallel_loop3A_1265 : i32 to index
        %parallel_loop3A_1333 = tpu.vector_load %arg6[%parallel_loop3A_1330, %parallel_loop3A_1331, %parallel_loop3A_1332] {strides = array<i32>} : memref<2x16x1025xf32, #tpu.memory_space<vmem>>, vector<16xf32>,
        tpu.vector_store %arg6[%parallel_loop3A_1330, %parallel_loop3A_1331, %parallel_loop3A_1332], %parallel_loop3A_1328 {strides = array<i32>} : memref<2x16x1025xf32, #tpu.memory_space<vmem>>, vector<16xf32>,
        %parallel_loop3A_1334 = arith.constant 448 : i32
        %parallel_loop3A_1335 = vector.broadcast %parallel_loop3A_1334 : i32 to vector<16xi32>
        %parallel_loop3A_1336 = arith.addi %parallel_loop3A_1270, %parallel_loop3A_1335 : vector<16xi32>
        %parallel_loop3A_1337 = tpu.vector_load_idx %arg8[%parallel_loop3A_1336] : memref<1024xf32, #tpu.memory_space<vmem>>[vector<16xi32>], vector<16xf32>,
        %parallel_loop3A_1338 = arith.constant 7 : i32
        %parallel_loop3A_1339 = arith.index_cast %parallel_loop3A_1246 : i32 to index
        %parallel_loop3A_1340 = arith.index_cast %parallel_loop3A_1338 : i32 to index
        %parallel_loop3A_1341 = arith.index_cast %parallel_loop3A_1265 : i32 to index
        %parallel_loop3A_1342 = tpu.vector_load %arg6[%parallel_loop3A_1339, %parallel_loop3A_1340, %parallel_loop3A_1341] {strides = array<i32>} : memref<2x16x1025xf32, #tpu.memory_space<vmem>>, vector<16xf32>,
        tpu.vector_store %arg6[%parallel_loop3A_1339, %parallel_loop3A_1340, %parallel_loop3A_1341], %parallel_loop3A_1337 {strides = array<i32>} : memref<2x16x1025xf32, #tpu.memory_space<vmem>>, vector<16xf32>,
        %parallel_loop3A_1343 = arith.constant 512 : i32
        %parallel_loop3A_1344 = vector.broadcast %parallel_loop3A_1343 : i32 to vector<16xi32>
        %parallel_loop3A_1345 = arith.addi %parallel_loop3A_1270, %parallel_loop3A_1344 : vector<16xi32>
        %parallel_loop3A_1346 = tpu.vector_load_idx %arg8[%parallel_loop3A_1345] : memref<1024xf32, #tpu.memory_space<vmem>>[vector<16xi32>], vector<16xf32>,
        %parallel_loop3A_1347 = arith.constant 8 : i32
        %parallel_loop3A_1348 = arith.index_cast %parallel_loop3A_1246 : i32 to index
        %parallel_loop3A_1349 = arith.index_cast %parallel_loop3A_1347 : i32 to index
        %parallel_loop3A_1350 = arith.index_cast %parallel_loop3A_1265 : i32 to index
        %parallel_loop3A_1351 = tpu.vector_load %arg6[%parallel_loop3A_1348, %parallel_loop3A_1349, %parallel_loop3A_1350] {strides = array<i32>} : memref<2x16x1025xf32, #tpu.memory_space<vmem>>, vector<16xf32>,
        tpu.vector_store %arg6[%parallel_loop3A_1348, %parallel_loop3A_1349, %parallel_loop3A_1350], %parallel_loop3A_1346 {strides = array<i32>} : memref<2x16x1025xf32, #tpu.memory_space<vmem>>, vector<16xf32>,
        %parallel_loop3A_1352 = arith.constant 576 : i32
        %parallel_loop3A_1353 = vector.broadcast %parallel_loop3A_1352 : i32 to vector<16xi32>
        %parallel_loop3A_1354 = arith.addi %parallel_loop3A_1270, %parallel_loop3A_1353 : vector<16xi32>
        %parallel_loop3A_1355 = tpu.vector_load_idx %arg8[%parallel_loop3A_1354] : memref<1024xf32, #tpu.memory_space<vmem>>[vector<16xi32>], vector<16xf32>,
        %parallel_loop3A_1356 = arith.constant 9 : i32
        %parallel_loop3A_1357 = arith.index_cast %parallel_loop3A_1246 : i32 to index
        %parallel_loop3A_1358 = arith.index_cast %parallel_loop3A_1356 : i32 to index
        %parallel_loop3A_1359 = arith.index_cast %parallel_loop3A_1265 : i32 to index
        %parallel_loop3A_1360 = tpu.vector_load %arg6[%parallel_loop3A_1357, %parallel_loop3A_1358, %parallel_loop3A_1359] {strides = array<i32>} : memref<2x16x1025xf32, #tpu.memory_space<vmem>>, vector<16xf32>,
        tpu.vector_store %arg6[%parallel_loop3A_1357, %parallel_loop3A_1358, %parallel_loop3A_1359], %parallel_loop3A_1355 {strides = array<i32>} : memref<2x16x1025xf32, #tpu.memory_space<vmem>>, vector<16xf32>,
        %parallel_loop3A_1361 = arith.constant 640 : i32
        %parallel_loop3A_1362 = vector.broadcast %parallel_loop3A_1361 : i32 to vector<16xi32>
        %parallel_loop3A_1363 = arith.addi %parallel_loop3A_1270, %parallel_loop3A_1362 : vector<16xi32>
        %parallel_loop3A_1364 = tpu.vector_load_idx %arg8[%parallel_loop3A_1363] : memref<1024xf32, #tpu.memory_space<vmem>>[vector<16xi32>], vector<16xf32>,
        %parallel_loop3A_1365 = arith.constant 10 : i32
        %parallel_loop3A_1366 = arith.index_cast %parallel_loop3A_1246 : i32 to index
        %parallel_loop3A_1367 = arith.index_cast %parallel_loop3A_1365 : i32 to index
        %parallel_loop3A_1368 = arith.index_cast %parallel_loop3A_1265 : i32 to index
        %parallel_loop3A_1369 = tpu.vector_load %arg6[%parallel_loop3A_1366, %parallel_loop3A_1367, %parallel_loop3A_1368] {strides = array<i32>} : memref<2x16x1025xf32, #tpu.memory_space<vmem>>, vector<16xf32>,
        tpu.vector_store %arg6[%parallel_loop3A_1366, %parallel_loop3A_1367, %parallel_loop3A_1368], %parallel_loop3A_1364 {strides = array<i32>} : memref<2x16x1025xf32, #tpu.memory_space<vmem>>, vector<16xf32>,
        %parallel_loop3A_1370 = arith.constant 704 : i32
        %parallel_loop3A_1371 = vector.broadcast %parallel_loop3A_1370 : i32 to vector<16xi32>
        %parallel_loop3A_1372 = arith.addi %parallel_loop3A_1270, %parallel_loop3A_1371 : vector<16xi32>
        %parallel_loop3A_1373 = tpu.vector_load_idx %arg8[%parallel_loop3A_1372] : memref<1024xf32, #tpu.memory_space<vmem>>[vector<16xi32>], vector<16xf32>,
        %parallel_loop3A_1374 = arith.constant 11 : i32
        %parallel_loop3A_1375 = arith.index_cast %parallel_loop3A_1246 : i32 to index
        %parallel_loop3A_1376 = arith.index_cast %parallel_loop3A_1374 : i32 to index
        %parallel_loop3A_1377 = arith.index_cast %parallel_loop3A_1265 : i32 to index
        %parallel_loop3A_1378 = tpu.vector_load %arg6[%parallel_loop3A_1375, %parallel_loop3A_1376, %parallel_loop3A_1377] {strides = array<i32>} : memref<2x16x1025xf32, #tpu.memory_space<vmem>>, vector<16xf32>,
        tpu.vector_store %arg6[%parallel_loop3A_1375, %parallel_loop3A_1376, %parallel_loop3A_1377], %parallel_loop3A_1373 {strides = array<i32>} : memref<2x16x1025xf32, #tpu.memory_space<vmem>>, vector<16xf32>,
        %parallel_loop3A_1379 = arith.constant 768 : i32
        %parallel_loop3A_1380 = vector.broadcast %parallel_loop3A_1379 : i32 to vector<16xi32>
        %parallel_loop3A_1381 = arith.addi %parallel_loop3A_1270, %parallel_loop3A_1380 : vector<16xi32>
        %parallel_loop3A_1382 = tpu.vector_load_idx %arg8[%parallel_loop3A_1381] : memref<1024xf32, #tpu.memory_space<vmem>>[vector<16xi32>], vector<16xf32>,
        %parallel_loop3A_1383 = arith.constant 12 : i32
        %parallel_loop3A_1384 = arith.index_cast %parallel_loop3A_1246 : i32 to index
        %parallel_loop3A_1385 = arith.index_cast %parallel_loop3A_1383 : i32 to index
        %parallel_loop3A_1386 = arith.index_cast %parallel_loop3A_1265 : i32 to index
        %parallel_loop3A_1387 = tpu.vector_load %arg6[%parallel_loop3A_1384, %parallel_loop3A_1385, %parallel_loop3A_1386] {strides = array<i32>} : memref<2x16x1025xf32, #tpu.memory_space<vmem>>, vector<16xf32>,
        tpu.vector_store %arg6[%parallel_loop3A_1384, %parallel_loop3A_1385, %parallel_loop3A_1386], %parallel_loop3A_1382 {strides = array<i32>} : memref<2x16x1025xf32, #tpu.memory_space<vmem>>, vector<16xf32>,
        %parallel_loop3A_1388 = arith.constant 832 : i32
        %parallel_loop3A_1389 = vector.broadcast %parallel_loop3A_1388 : i32 to vector<16xi32>
        %parallel_loop3A_1390 = arith.addi %parallel_loop3A_1270, %parallel_loop3A_1389 : vector<16xi32>
        %parallel_loop3A_1391 = tpu.vector_load_idx %arg8[%parallel_loop3A_1390] : memref<1024xf32, #tpu.memory_space<vmem>>[vector<16xi32>], vector<16xf32>,
        %parallel_loop3A_1392 = arith.constant 13 : i32
        %parallel_loop3A_1393 = arith.index_cast %parallel_loop3A_1246 : i32 to index
        %parallel_loop3A_1394 = arith.index_cast %parallel_loop3A_1392 : i32 to index
        %parallel_loop3A_1395 = arith.index_cast %parallel_loop3A_1265 : i32 to index
        %parallel_loop3A_1396 = tpu.vector_load %arg6[%parallel_loop3A_1393, %parallel_loop3A_1394, %parallel_loop3A_1395] {strides = array<i32>} : memref<2x16x1025xf32, #tpu.memory_space<vmem>>, vector<16xf32>,
        tpu.vector_store %arg6[%parallel_loop3A_1393, %parallel_loop3A_1394, %parallel_loop3A_1395], %parallel_loop3A_1391 {strides = array<i32>} : memref<2x16x1025xf32, #tpu.memory_space<vmem>>, vector<16xf32>,
        %parallel_loop3A_1397 = arith.constant 896 : i32
        %parallel_loop3A_1398 = vector.broadcast %parallel_loop3A_1397 : i32 to vector<16xi32>
        %parallel_loop3A_1399 = arith.addi %parallel_loop3A_1270, %parallel_loop3A_1398 : vector<16xi32>
        %parallel_loop3A_1400 = tpu.vector_load_idx %arg8[%parallel_loop3A_1399] : memref<1024xf32, #tpu.memory_space<vmem>>[vector<16xi32>], vector<16xf32>,
        %parallel_loop3A_1401 = arith.constant 14 : i32
        %parallel_loop3A_1402 = arith.index_cast %parallel_loop3A_1246 : i32 to index
        %parallel_loop3A_1403 = arith.index_cast %parallel_loop3A_1401 : i32 to index
        %parallel_loop3A_1404 = arith.index_cast %parallel_loop3A_1265 : i32 to index
        %parallel_loop3A_1405 = tpu.vector_load %arg6[%parallel_loop3A_1402, %parallel_loop3A_1403, %parallel_loop3A_1404] {strides = array<i32>} : memref<2x16x1025xf32, #tpu.memory_space<vmem>>, vector<16xf32>,
        tpu.vector_store %arg6[%parallel_loop3A_1402, %parallel_loop3A_1403, %parallel_loop3A_1404], %parallel_loop3A_1400 {strides = array<i32>} : memref<2x16x1025xf32, #tpu.memory_space<vmem>>, vector<16xf32>,
        %parallel_loop3A_1406 = arith.constant 960 : i32
        %parallel_loop3A_1407 = vector.broadcast %parallel_loop3A_1406 : i32 to vector<16xi32>
        %parallel_loop3A_1408 = arith.addi %parallel_loop3A_1270, %parallel_loop3A_1407 : vector<16xi32>
        %parallel_loop3A_1409 = tpu.vector_load_idx %arg8[%parallel_loop3A_1408] : memref<1024xf32, #tpu.memory_space<vmem>>[vector<16xi32>], vector<16xf32>,
        %parallel_loop3A_1410 = arith.constant 15 : i32
        %parallel_loop3A_1411 = arith.index_cast %parallel_loop3A_1246 : i32 to index
        %parallel_loop3A_1412 = arith.index_cast %parallel_loop3A_1410 : i32 to index
        %parallel_loop3A_1413 = arith.index_cast %parallel_loop3A_1265 : i32 to index
        %parallel_loop3A_1414 = tpu.vector_load %arg6[%parallel_loop3A_1411, %parallel_loop3A_1412, %parallel_loop3A_1413] {strides = array<i32>} : memref<2x16x1025xf32, #tpu.memory_space<vmem>>, vector<16xf32>,
        tpu.vector_store %arg6[%parallel_loop3A_1411, %parallel_loop3A_1412, %parallel_loop3A_1413], %parallel_loop3A_1409 {strides = array<i32>} : memref<2x16x1025xf32, #tpu.memory_space<vmem>>, vector<16xf32>,
      } {sc.loop_unroll_factor = 4 : i64, sc.parallel_access}
      %broadcast_in_dim3A = arith.constant 0 : i32
      %broadcast_in_dim3A_67 = vector.broadcast %broadcast_in_dim3A : i32 to vector<16xi32>
      %gather3A = tpu.vector_load_idx %arg5[%broadcast_in_dim3A_67, %add3A_3] : memref<8x1025xi32, #tpu.memory_space<vmem>>[vector<16xi32>, vector<16xi32>], vector<16xi32>,
      %add3A_68 = arith.constant 0 : i32
      %add3A_69 = vector.broadcast %add3A_68 : i32 to vector<16xi32>
      %add3A_70 = arith.addi %gather3A, %add3A_69 : vector<16xi32>
      %gather3A_71 = tpu.vector_load_idx %arg8[%add3A_70] : memref<1024xf32, #tpu.memory_space<vmem>>[vector<16xi32>], vector<16xf32>,
      %broadcast_in_dim3A_72 = arith.constant 0 : i32
      %broadcast_in_dim3A_73 = vector.broadcast %broadcast_in_dim3A_72 : i32 to vector<16xi32>
      %broadcast_in_dim3A_74 = arith.constant 0 : i32
      %broadcast_in_dim3A_75 = vector.broadcast %broadcast_in_dim3A_74 : i32 to vector<16xi32>
      tpu.vector_store_idx %arg6[%broadcast_in_dim3A_73, %broadcast_in_dim3A_75, %add3A_3], %gather3A_71 : memref<2x16x1025xf32, #tpu.memory_space<vmem>>[vector<16xi32>, vector<16xi32>, vector<16xi32>], vector<16xf32>,
      %add3A_76 = arith.constant 64 : i32
      %add3A_77 = vector.broadcast %add3A_76 : i32 to vector<16xi32>
      %add3A_78 = arith.addi %gather3A, %add3A_77 : vector<16xi32>
      %gather3A_79 = tpu.vector_load_idx %arg8[%add3A_78] : memref<1024xf32, #tpu.memory_space<vmem>>[vector<16xi32>], vector<16xf32>,
      %broadcast_in_dim3A_80 = arith.constant 0 : i32
      %broadcast_in_dim3A_81 = vector.broadcast %broadcast_in_dim3A_80 : i32 to vector<16xi32>
      %broadcast_in_dim3A_82 = arith.constant 1 : i32
      %broadcast_in_dim3A_83 = vector.broadcast %broadcast_in_dim3A_82 : i32 to vector<16xi32>
      tpu.vector_store_idx %arg6[%broadcast_in_dim3A_81, %broadcast_in_dim3A_83, %add3A_3], %gather3A_79 : memref<2x16x1025xf32, #tpu.memory_space<vmem>>[vector<16xi32>, vector<16xi32>, vector<16xi32>], vector<16xf32>,
      %add3A_84 = arith.constant 128 : i32
      %add3A_85 = vector.broadcast %add3A_84 : i32 to vector<16xi32>
      %add3A_86 = arith.addi %gather3A, %add3A_85 : vector<16xi32>
      %gather3A_87 = tpu.vector_load_idx %arg8[%add3A_86] : memref<1024xf32, #tpu.memory_space<vmem>>[vector<16xi32>], vector<16xf32>,
      %broadcast_in_dim3A_88 = arith.constant 0 : i32
      %broadcast_in_dim3A_89 = vector.broadcast %broadcast_in_dim3A_88 : i32 to vector<16xi32>
      %broadcast_in_dim3A_90 = arith.constant 2 : i32
      %broadcast_in_dim3A_91 = vector.broadcast %broadcast_in_dim3A_90 : i32 to vector<16xi32>
      tpu.vector_store_idx %arg6[%broadcast_in_dim3A_89, %broadcast_in_dim3A_91, %add3A_3], %gather3A_87 : memref<2x16x1025xf32, #tpu.memory_space<vmem>>[vector<16xi32>, vector<16xi32>, vector<16xi32>], vector<16xf32>,
      %add3A_92 = arith.constant 192 : i32
      %add3A_93 = vector.broadcast %add3A_92 : i32 to vector<16xi32>
      %add3A_94 = arith.addi %gather3A, %add3A_93 : vector<16xi32>
      %gather3A_95 = tpu.vector_load_idx %arg8[%add3A_94] : memref<1024xf32, #tpu.memory_space<vmem>>[vector<16xi32>], vector<16xf32>,
      %broadcast_in_dim3A_96 = arith.constant 0 : i32
      %broadcast_in_dim3A_97 = vector.broadcast %broadcast_in_dim3A_96 : i32 to vector<16xi32>
      %broadcast_in_dim3A_98 = arith.constant 3 : i32
      %broadcast_in_dim3A_99 = vector.broadcast %broadcast_in_dim3A_98 : i32 to vector<16xi32>
      tpu.vector_store_idx %arg6[%broadcast_in_dim3A_97, %broadcast_in_dim3A_99, %add3A_3], %gather3A_95 : memref<2x16x1025xf32, #tpu.memory_space<vmem>>[vector<16xi32>, vector<16xi32>, vector<16xi32>], vector<16xf32>,
      %add3A_100 = arith.constant 256 : i32
      %add3A_101 = vector.broadcast %add3A_100 : i32 to vector<16xi32>
      %add3A_102 = arith.addi %gather3A, %add3A_101 : vector<16xi32>
      %gather3A_103 = tpu.vector_load_idx %arg8[%add3A_102] : memref<1024xf32, #tpu.memory_space<vmem>>[vector<16xi32>], vector<16xf32>,
      %broadcast_in_dim3A_104 = arith.constant 0 : i32
      %broadcast_in_dim3A_105 = vector.broadcast %broadcast_in_dim3A_104 : i32 to vector<16xi32>
      %broadcast_in_dim3A_106 = arith.constant 4 : i32
      %broadcast_in_dim3A_107 = vector.broadcast %broadcast_in_dim3A_106 : i32 to vector<16xi32>
      tpu.vector_store_idx %arg6[%broadcast_in_dim3A_105, %broadcast_in_dim3A_107, %add3A_3], %gather3A_103 : memref<2x16x1025xf32, #tpu.memory_space<vmem>>[vector<16xi32>, vector<16xi32>, vector<16xi32>], vector<16xf32>,
      %add3A_108 = arith.constant 320 : i32
      %add3A_109 = vector.broadcast %add3A_108 : i32 to vector<16xi32>
      %add3A_110 = arith.addi %gather3A, %add3A_109 : vector<16xi32>
      %gather3A_111 = tpu.vector_load_idx %arg8[%add3A_110] : memref<1024xf32, #tpu.memory_space<vmem>>[vector<16xi32>], vector<16xf32>,
      %broadcast_in_dim3A_112 = arith.constant 0 : i32
      %broadcast_in_dim3A_113 = vector.broadcast %broadcast_in_dim3A_112 : i32 to vector<16xi32>
      %broadcast_in_dim3A_114 = arith.constant 5 : i32
      %broadcast_in_dim3A_115 = vector.broadcast %broadcast_in_dim3A_114 : i32 to vector<16xi32>
      tpu.vector_store_idx %arg6[%broadcast_in_dim3A_113, %broadcast_in_dim3A_115, %add3A_3], %gather3A_111 : memref<2x16x1025xf32, #tpu.memory_space<vmem>>[vector<16xi32>, vector<16xi32>, vector<16xi32>], vector<16xf32>,
      %add3A_116 = arith.constant 384 : i32
      %add3A_117 = vector.broadcast %add3A_116 : i32 to vector<16xi32>
      %add3A_118 = arith.addi %gather3A, %add3A_117 : vector<16xi32>
      %gather3A_119 = tpu.vector_load_idx %arg8[%add3A_118] : memref<1024xf32, #tpu.memory_space<vmem>>[vector<16xi32>], vector<16xf32>,
      %broadcast_in_dim3A_120 = arith.constant 0 : i32
      %broadcast_in_dim3A_121 = vector.broadcast %broadcast_in_dim3A_120 : i32 to vector<16xi32>
      %broadcast_in_dim3A_122 = arith.constant 6 : i32
      %broadcast_in_dim3A_123 = vector.broadcast %broadcast_in_dim3A_122 : i32 to vector<16xi32>
      tpu.vector_store_idx %arg6[%broadcast_in_dim3A_121, %broadcast_in_dim3A_123, %add3A_3], %gather3A_119 : memref<2x16x1025xf32, #tpu.memory_space<vmem>>[vector<16xi32>, vector<16xi32>, vector<16xi32>], vector<16xf32>,
      %add3A_124 = arith.constant 448 : i32
      %add3A_125 = vector.broadcast %add3A_124 : i32 to vector<16xi32>
      %add3A_126 = arith.addi %gather3A, %add3A_125 : vector<16xi32>
      %gather3A_127 = tpu.vector_load_idx %arg8[%add3A_126] : memref<1024xf32, #tpu.memory_space<vmem>>[vector<16xi32>], vector<16xf32>,
      %broadcast_in_dim3A_128 = arith.constant 0 : i32
      %broadcast_in_dim3A_129 = vector.broadcast %broadcast_in_dim3A_128 : i32 to vector<16xi32>
      %broadcast_in_dim3A_130 = arith.constant 7 : i32
      %broadcast_in_dim3A_131 = vector.broadcast %broadcast_in_dim3A_130 : i32 to vector<16xi32>
      tpu.vector_store_idx %arg6[%broadcast_in_dim3A_129, %broadcast_in_dim3A_131, %add3A_3], %gather3A_127 : memref<2x16x1025xf32, #tpu.memory_space<vmem>>[vector<16xi32>, vector<16xi32>, vector<16xi32>], vector<16xf32>,
      %add3A_132 = arith.constant 512 : i32
      %add3A_133 = vector.broadcast %add3A_132 : i32 to vector<16xi32>
      %add3A_134 = arith.addi %gather3A, %add3A_133 : vector<16xi32>
      %gather3A_135 = tpu.vector_load_idx %arg8[%add3A_134] : memref<1024xf32, #tpu.memory_space<vmem>>[vector<16xi32>], vector<16xf32>,
      %broadcast_in_dim3A_136 = arith.constant 0 : i32
      %broadcast_in_dim3A_137 = vector.broadcast %broadcast_in_dim3A_136 : i32 to vector<16xi32>
      %broadcast_in_dim3A_138 = arith.constant 8 : i32
      %broadcast_in_dim3A_139 = vector.broadcast %broadcast_in_dim3A_138 : i32 to vector<16xi32>
      tpu.vector_store_idx %arg6[%broadcast_in_dim3A_137, %broadcast_in_dim3A_139, %add3A_3], %gather3A_135 : memref<2x16x1025xf32, #tpu.memory_space<vmem>>[vector<16xi32>, vector<16xi32>, vector<16xi32>], vector<16xf32>,
      %add3A_140 = arith.constant 576 : i32
      %add3A_141 = vector.broadcast %add3A_140 : i32 to vector<16xi32>
      %add3A_142 = arith.addi %gather3A, %add3A_141 : vector<16xi32>
      %gather3A_143 = tpu.vector_load_idx %arg8[%add3A_142] : memref<1024xf32, #tpu.memory_space<vmem>>[vector<16xi32>], vector<16xf32>,
      %broadcast_in_dim3A_144 = arith.constant 0 : i32
      %broadcast_in_dim3A_145 = vector.broadcast %broadcast_in_dim3A_144 : i32 to vector<16xi32>
      %broadcast_in_dim3A_146 = arith.constant 9 : i32
      %broadcast_in_dim3A_147 = vector.broadcast %broadcast_in_dim3A_146 : i32 to vector<16xi32>
      tpu.vector_store_idx %arg6[%broadcast_in_dim3A_145, %broadcast_in_dim3A_147, %add3A_3], %gather3A_143 : memref<2x16x1025xf32, #tpu.memory_space<vmem>>[vector<16xi32>, vector<16xi32>, vector<16xi32>], vector<16xf32>,
      %add3A_148 = arith.constant 640 : i32
      %add3A_149 = vector.broadcast %add3A_148 : i32 to vector<16xi32>
      %add3A_150 = arith.addi %gather3A, %add3A_149 : vector<16xi32>
      %gather3A_151 = tpu.vector_load_idx %arg8[%add3A_150] : memref<1024xf32, #tpu.memory_space<vmem>>[vector<16xi32>], vector<16xf32>,
      %broadcast_in_dim3A_152 = arith.constant 0 : i32
      %broadcast_in_dim3A_153 = vector.broadcast %broadcast_in_dim3A_152 : i32 to vector<16xi32>
      %broadcast_in_dim3A_154 = arith.constant 10 : i32
      %broadcast_in_dim3A_155 = vector.broadcast %broadcast_in_dim3A_154 : i32 to vector<16xi32>
      tpu.vector_store_idx %arg6[%broadcast_in_dim3A_153, %broadcast_in_dim3A_155, %add3A_3], %gather3A_151 : memref<2x16x1025xf32, #tpu.memory_space<vmem>>[vector<16xi32>, vector<16xi32>, vector<16xi32>], vector<16xf32>,
      %add3A_156 = arith.constant 704 : i32
      %add3A_157 = vector.broadcast %add3A_156 : i32 to vector<16xi32>
      %add3A_158 = arith.addi %gather3A, %add3A_157 : vector<16xi32>
      %gather3A_159 = tpu.vector_load_idx %arg8[%add3A_158] : memref<1024xf32, #tpu.memory_space<vmem>>[vector<16xi32>], vector<16xf32>,
      %broadcast_in_dim3A_160 = arith.constant 0 : i32
      %broadcast_in_dim3A_161 = vector.broadcast %broadcast_in_dim3A_160 : i32 to vector<16xi32>
      %broadcast_in_dim3A_162 = arith.constant 11 : i32
      %broadcast_in_dim3A_163 = vector.broadcast %broadcast_in_dim3A_162 : i32 to vector<16xi32>
      tpu.vector_store_idx %arg6[%broadcast_in_dim3A_161, %broadcast_in_dim3A_163, %add3A_3], %gather3A_159 : memref<2x16x1025xf32, #tpu.memory_space<vmem>>[vector<16xi32>, vector<16xi32>, vector<16xi32>], vector<16xf32>,
      %add3A_164 = arith.constant 768 : i32
      %add3A_165 = vector.broadcast %add3A_164 : i32 to vector<16xi32>
      %add3A_166 = arith.addi %gather3A, %add3A_165 : vector<16xi32>
      %gather3A_167 = tpu.vector_load_idx %arg8[%add3A_166] : memref<1024xf32, #tpu.memory_space<vmem>>[vector<16xi32>], vector<16xf32>,
      %broadcast_in_dim3A_168 = arith.constant 0 : i32
      %broadcast_in_dim3A_169 = vector.broadcast %broadcast_in_dim3A_168 : i32 to vector<16xi32>
      %broadcast_in_dim3A_170 = arith.constant 12 : i32
      %broadcast_in_dim3A_171 = vector.broadcast %broadcast_in_dim3A_170 : i32 to vector<16xi32>
      tpu.vector_store_idx %arg6[%broadcast_in_dim3A_169, %broadcast_in_dim3A_171, %add3A_3], %gather3A_167 : memref<2x16x1025xf32, #tpu.memory_space<vmem>>[vector<16xi32>, vector<16xi32>, vector<16xi32>], vector<16xf32>,
      %add3A_172 = arith.constant 832 : i32
      %add3A_173 = vector.broadcast %add3A_172 : i32 to vector<16xi32>
      %add3A_174 = arith.addi %gather3A, %add3A_173 : vector<16xi32>
      %gather3A_175 = tpu.vector_load_idx %arg8[%add3A_174] : memref<1024xf32, #tpu.memory_space<vmem>>[vector<16xi32>], vector<16xf32>,
      %broadcast_in_dim3A_176 = arith.constant 0 : i32
      %broadcast_in_dim3A_177 = vector.broadcast %broadcast_in_dim3A_176 : i32 to vector<16xi32>
      %broadcast_in_dim3A_178 = arith.constant 13 : i32
      %broadcast_in_dim3A_179 = vector.broadcast %broadcast_in_dim3A_178 : i32 to vector<16xi32>
      tpu.vector_store_idx %arg6[%broadcast_in_dim3A_177, %broadcast_in_dim3A_179, %add3A_3], %gather3A_175 : memref<2x16x1025xf32, #tpu.memory_space<vmem>>[vector<16xi32>, vector<16xi32>, vector<16xi32>], vector<16xf32>,
      %add3A_180 = arith.constant 896 : i32
      %add3A_181 = vector.broadcast %add3A_180 : i32 to vector<16xi32>
      %add3A_182 = arith.addi %gather3A, %add3A_181 : vector<16xi32>
      %gather3A_183 = tpu.vector_load_idx %arg8[%add3A_182] : memref<1024xf32, #tpu.memory_space<vmem>>[vector<16xi32>], vector<16xf32>,
      %broadcast_in_dim3A_184 = arith.constant 0 : i32
      %broadcast_in_dim3A_185 = vector.broadcast %broadcast_in_dim3A_184 : i32 to vector<16xi32>
      %broadcast_in_dim3A_186 = arith.constant 14 : i32
      %broadcast_in_dim3A_187 = vector.broadcast %broadcast_in_dim3A_186 : i32 to vector<16xi32>
      tpu.vector_store_idx %arg6[%broadcast_in_dim3A_185, %broadcast_in_dim3A_187, %add3A_3], %gather3A_183 : memref<2x16x1025xf32, #tpu.memory_space<vmem>>[vector<16xi32>, vector<16xi32>, vector<16xi32>], vector<16xf32>,
      %add3A_188 = arith.constant 960 : i32
      %add3A_189 = vector.broadcast %add3A_188 : i32 to vector<16xi32>
      %add3A_190 = arith.addi %gather3A, %add3A_189 : vector<16xi32>
      %gather3A_191 = tpu.vector_load_idx %arg8[%add3A_190] : memref<1024xf32, #tpu.memory_space<vmem>>[vector<16xi32>], vector<16xf32>,
      %broadcast_in_dim3A_192 = arith.constant 0 : i32
      %broadcast_in_dim3A_193 = vector.broadcast %broadcast_in_dim3A_192 : i32 to vector<16xi32>
      %broadcast_in_dim3A_194 = arith.constant 15 : i32
      %broadcast_in_dim3A_195 = vector.broadcast %broadcast_in_dim3A_194 : i32 to vector<16xi32>
      tpu.vector_store_idx %arg6[%broadcast_in_dim3A_193, %broadcast_in_dim3A_195, %add3A_3], %gather3A_191 : memref<2x16x1025xf32, #tpu.memory_space<vmem>>[vector<16xi32>, vector<16xi32>, vector<16xi32>], vector<16xf32>,
      %broadcast_in_dim3A_196 = arith.constant 1 : i32
      %broadcast_in_dim3A_197 = vector.broadcast %broadcast_in_dim3A_196 : i32 to vector<16xi32>
      %gather3A_198 = tpu.vector_load_idx %arg5[%broadcast_in_dim3A_197, %add3A_3] : memref<8x1025xi32, #tpu.memory_space<vmem>>[vector<16xi32>, vector<16xi32>], vector<16xi32>,
      %add3A_199 = arith.constant 0 : i32
      %add3A_200 = vector.broadcast %add3A_199 : i32 to vector<16xi32>
      %add3A_201 = arith.addi %gather3A_198, %add3A_200 : vector<16xi32>
      %gather3A_202 = tpu.vector_load_idx %arg8[%add3A_201] : memref<1024xf32, #tpu.memory_space<vmem>>[vector<16xi32>], vector<16xf32>,
      %broadcast_in_dim3A_203 = arith.constant 1 : i32
      %broadcast_in_dim3A_204 = vector.broadcast %broadcast_in_dim3A_203 : i32 to vector<16xi32>
      %broadcast_in_dim3A_205 = arith.constant 0 : i32
      %broadcast_in_dim3A_206 = vector.broadcast %broadcast_in_dim3A_205 : i32 to vector<16xi32>
      tpu.vector_store_idx %arg6[%broadcast_in_dim3A_204, %broadcast_in_dim3A_206, %add3A_3], %gather3A_202 : memref<2x16x1025xf32, #tpu.memory_space<vmem>>[vector<16xi32>, vector<16xi32>, vector<16xi32>], vector<16xf32>,
      %add3A_207 = arith.constant 64 : i32
      %add3A_208 = vector.broadcast %add3A_207 : i32 to vector<16xi32>
      %add3A_209 = arith.addi %gather3A_198, %add3A_208 : vector<16xi32>
      %gather3A_210 = tpu.vector_load_idx %arg8[%add3A_209] : memref<1024xf32, #tpu.memory_space<vmem>>[vector<16xi32>], vector<16xf32>,
      %broadcast_in_dim3A_211 = arith.constant 1 : i32
      %broadcast_in_dim3A_212 = vector.broadcast %broadcast_in_dim3A_211 : i32 to vector<16xi32>
      %broadcast_in_dim3A_213 = arith.constant 1 : i32
      %broadcast_in_dim3A_214 = vector.broadcast %broadcast_in_dim3A_213 : i32 to vector<16xi32>
      tpu.vector_store_idx %arg6[%broadcast_in_dim3A_212, %broadcast_in_dim3A_214, %add3A_3], %gather3A_210 : memref<2x16x1025xf32, #tpu.memory_space<vmem>>[vector<16xi32>, vector<16xi32>, vector<16xi32>], vector<16xf32>,
      %add3A_215 = arith.constant 128 : i32
      %add3A_216 = vector.broadcast %add3A_215 : i32 to vector<16xi32>
      %add3A_217 = arith.addi %gather3A_198, %add3A_216 : vector<16xi32>
      %gather3A_218 = tpu.vector_load_idx %arg8[%add3A_217] : memref<1024xf32, #tpu.memory_space<vmem>>[vector<16xi32>], vector<16xf32>,
      %broadcast_in_dim3A_219 = arith.constant 1 : i32
      %broadcast_in_dim3A_220 = vector.broadcast %broadcast_in_dim3A_219 : i32 to vector<16xi32>
      %broadcast_in_dim3A_221 = arith.constant 2 : i32
      %broadcast_in_dim3A_222 = vector.broadcast %broadcast_in_dim3A_221 : i32 to vector<16xi32>
      tpu.vector_store_idx %arg6[%broadcast_in_dim3A_220, %broadcast_in_dim3A_222, %add3A_3], %gather3A_218 : memref<2x16x1025xf32, #tpu.memory_space<vmem>>[vector<16xi32>, vector<16xi32>, vector<16xi32>], vector<16xf32>,
      %add3A_223 = arith.constant 192 : i32
      %add3A_224 = vector.broadcast %add3A_223 : i32 to vector<16xi32>
      %add3A_225 = arith.addi %gather3A_198, %add3A_224 : vector<16xi32>
      %gather3A_226 = tpu.vector_load_idx %arg8[%add3A_225] : memref<1024xf32, #tpu.memory_space<vmem>>[vector<16xi32>], vector<16xf32>,
      %broadcast_in_dim3A_227 = arith.constant 1 : i32
      %broadcast_in_dim3A_228 = vector.broadcast %broadcast_in_dim3A_227 : i32 to vector<16xi32>
      %broadcast_in_dim3A_229 = arith.constant 3 : i32
      %broadcast_in_dim3A_230 = vector.broadcast %broadcast_in_dim3A_229 : i32 to vector<16xi32>
      tpu.vector_store_idx %arg6[%broadcast_in_dim3A_228, %broadcast_in_dim3A_230, %add3A_3], %gather3A_226 : memref<2x16x1025xf32, #tpu.memory_space<vmem>>[vector<16xi32>, vector<16xi32>, vector<16xi32>], vector<16xf32>,
      %add3A_231 = arith.constant 256 : i32
      %add3A_232 = vector.broadcast %add3A_231 : i32 to vector<16xi32>
      %add3A_233 = arith.addi %gather3A_198, %add3A_232 : vector<16xi32>
      %gather3A_234 = tpu.vector_load_idx %arg8[%add3A_233] : memref<1024xf32, #tpu.memory_space<vmem>>[vector<16xi32>], vector<16xf32>,
      %broadcast_in_dim3A_235 = arith.constant 1 : i32
      %broadcast_in_dim3A_236 = vector.broadcast %broadcast_in_dim3A_235 : i32 to vector<16xi32>
      %broadcast_in_dim3A_237 = arith.constant 4 : i32
      %broadcast_in_dim3A_238 = vector.broadcast %broadcast_in_dim3A_237 : i32 to vector<16xi32>
      tpu.vector_store_idx %arg6[%broadcast_in_dim3A_236, %broadcast_in_dim3A_238, %add3A_3], %gather3A_234 : memref<2x16x1025xf32, #tpu.memory_space<vmem>>[vector<16xi32>, vector<16xi32>, vector<16xi32>], vector<16xf32>,
      %add3A_239 = arith.constant 320 : i32
      %add3A_240 = vector.broadcast %add3A_239 : i32 to vector<16xi32>
      %add3A_241 = arith.addi %gather3A_198, %add3A_240 : vector<16xi32>
      %gather3A_242 = tpu.vector_load_idx %arg8[%add3A_241] : memref<1024xf32, #tpu.memory_space<vmem>>[vector<16xi32>], vector<16xf32>,
      %broadcast_in_dim3A_243 = arith.constant 1 : i32
      %broadcast_in_dim3A_244 = vector.broadcast %broadcast_in_dim3A_243 : i32 to vector<16xi32>
      %broadcast_in_dim3A_245 = arith.constant 5 : i32
      %broadcast_in_dim3A_246 = vector.broadcast %broadcast_in_dim3A_245 : i32 to vector<16xi32>
      tpu.vector_store_idx %arg6[%broadcast_in_dim3A_244, %broadcast_in_dim3A_246, %add3A_3], %gather3A_242 : memref<2x16x1025xf32, #tpu.memory_space<vmem>>[vector<16xi32>, vector<16xi32>, vector<16xi32>], vector<16xf32>,
      %add3A_247 = arith.constant 384 : i32
      %add3A_248 = vector.broadcast %add3A_247 : i32 to vector<16xi32>
      %add3A_249 = arith.addi %gather3A_198, %add3A_248 : vector<16xi32>
      %gather3A_250 = tpu.vector_load_idx %arg8[%add3A_249] : memref<1024xf32, #tpu.memory_space<vmem>>[vector<16xi32>], vector<16xf32>,
      %broadcast_in_dim3A_251 = arith.constant 1 : i32
      %broadcast_in_dim3A_252 = vector.broadcast %broadcast_in_dim3A_251 : i32 to vector<16xi32>
      %broadcast_in_dim3A_253 = arith.constant 6 : i32
      %broadcast_in_dim3A_254 = vector.broadcast %broadcast_in_dim3A_253 : i32 to vector<16xi32>
      tpu.vector_store_idx %arg6[%broadcast_in_dim3A_252, %broadcast_in_dim3A_254, %add3A_3], %gather3A_250 : memref<2x16x1025xf32, #tpu.memory_space<vmem>>[vector<16xi32>, vector<16xi32>, vector<16xi32>], vector<16xf32>,
      %add3A_255 = arith.constant 448 : i32
      %add3A_256 = vector.broadcast %add3A_255 : i32 to vector<16xi32>
      %add3A_257 = arith.addi %gather3A_198, %add3A_256 : vector<16xi32>
      %gather3A_258 = tpu.vector_load_idx %arg8[%add3A_257] : memref<1024xf32, #tpu.memory_space<vmem>>[vector<16xi32>], vector<16xf32>,
      %broadcast_in_dim3A_259 = arith.constant 1 : i32
      %broadcast_in_dim3A_260 = vector.broadcast %broadcast_in_dim3A_259 : i32 to vector<16xi32>
      %broadcast_in_dim3A_261 = arith.constant 7 : i32
      %broadcast_in_dim3A_262 = vector.broadcast %broadcast_in_dim3A_261 : i32 to vector<16xi32>
      tpu.vector_store_idx %arg6[%broadcast_in_dim3A_260, %broadcast_in_dim3A_262, %add3A_3], %gather3A_258 : memref<2x16x1025xf32, #tpu.memory_space<vmem>>[vector<16xi32>, vector<16xi32>, vector<16xi32>], vector<16xf32>,
      %add3A_263 = arith.constant 512 : i32
      %add3A_264 = vector.broadcast %add3A_263 : i32 to vector<16xi32>
      %add3A_265 = arith.addi %gather3A_198, %add3A_264 : vector<16xi32>
      %gather3A_266 = tpu.vector_load_idx %arg8[%add3A_265] : memref<1024xf32, #tpu.memory_space<vmem>>[vector<16xi32>], vector<16xf32>,
      %broadcast_in_dim3A_267 = arith.constant 1 : i32
      %broadcast_in_dim3A_268 = vector.broadcast %broadcast_in_dim3A_267 : i32 to vector<16xi32>
      %broadcast_in_dim3A_269 = arith.constant 8 : i32
      %broadcast_in_dim3A_270 = vector.broadcast %broadcast_in_dim3A_269 : i32 to vector<16xi32>
      tpu.vector_store_idx %arg6[%broadcast_in_dim3A_268, %broadcast_in_dim3A_270, %add3A_3], %gather3A_266 : memref<2x16x1025xf32, #tpu.memory_space<vmem>>[vector<16xi32>, vector<16xi32>, vector<16xi32>], vector<16xf32>,
      %add3A_271 = arith.constant 576 : i32
      %add3A_272 = vector.broadcast %add3A_271 : i32 to vector<16xi32>
      %add3A_273 = arith.addi %gather3A_198, %add3A_272 : vector<16xi32>
      %gather3A_274 = tpu.vector_load_idx %arg8[%add3A_273] : memref<1024xf32, #tpu.memory_space<vmem>>[vector<16xi32>], vector<16xf32>,
      %broadcast_in_dim3A_275 = arith.constant 1 : i32
      %broadcast_in_dim3A_276 = vector.broadcast %broadcast_in_dim3A_275 : i32 to vector<16xi32>
      %broadcast_in_dim3A_277 = arith.constant 9 : i32
      %broadcast_in_dim3A_278 = vector.broadcast %broadcast_in_dim3A_277 : i32 to vector<16xi32>
      tpu.vector_store_idx %arg6[%broadcast_in_dim3A_276, %broadcast_in_dim3A_278, %add3A_3], %gather3A_274 : memref<2x16x1025xf32, #tpu.memory_space<vmem>>[vector<16xi32>, vector<16xi32>, vector<16xi32>], vector<16xf32>,
      %add3A_279 = arith.constant 640 : i32
      %add3A_280 = vector.broadcast %add3A_279 : i32 to vector<16xi32>
      %add3A_281 = arith.addi %gather3A_198, %add3A_280 : vector<16xi32>
      %gather3A_282 = tpu.vector_load_idx %arg8[%add3A_281] : memref<1024xf32, #tpu.memory_space<vmem>>[vector<16xi32>], vector<16xf32>,
      %broadcast_in_dim3A_283 = arith.constant 1 : i32
      %broadcast_in_dim3A_284 = vector.broadcast %broadcast_in_dim3A_283 : i32 to vector<16xi32>
      %broadcast_in_dim3A_285 = arith.constant 10 : i32
      %broadcast_in_dim3A_286 = vector.broadcast %broadcast_in_dim3A_285 : i32 to vector<16xi32>
      tpu.vector_store_idx %arg6[%broadcast_in_dim3A_284, %broadcast_in_dim3A_286, %add3A_3], %gather3A_282 : memref<2x16x1025xf32, #tpu.memory_space<vmem>>[vector<16xi32>, vector<16xi32>, vector<16xi32>], vector<16xf32>,
      %add3A_287 = arith.constant 704 : i32
      %add3A_288 = vector.broadcast %add3A_287 : i32 to vector<16xi32>
      %add3A_289 = arith.addi %gather3A_198, %add3A_288 : vector<16xi32>
      %gather3A_290 = tpu.vector_load_idx %arg8[%add3A_289] : memref<1024xf32, #tpu.memory_space<vmem>>[vector<16xi32>], vector<16xf32>,
      %broadcast_in_dim3A_291 = arith.constant 1 : i32
      %broadcast_in_dim3A_292 = vector.broadcast %broadcast_in_dim3A_291 : i32 to vector<16xi32>
      %broadcast_in_dim3A_293 = arith.constant 11 : i32
      %broadcast_in_dim3A_294 = vector.broadcast %broadcast_in_dim3A_293 : i32 to vector<16xi32>
      tpu.vector_store_idx %arg6[%broadcast_in_dim3A_292, %broadcast_in_dim3A_294, %add3A_3], %gather3A_290 : memref<2x16x1025xf32, #tpu.memory_space<vmem>>[vector<16xi32>, vector<16xi32>, vector<16xi32>], vector<16xf32>,
      %add3A_295 = arith.constant 768 : i32
      %add3A_296 = vector.broadcast %add3A_295 : i32 to vector<16xi32>
      %add3A_297 = arith.addi %gather3A_198, %add3A_296 : vector<16xi32>
      %gather3A_298 = tpu.vector_load_idx %arg8[%add3A_297] : memref<1024xf32, #tpu.memory_space<vmem>>[vector<16xi32>], vector<16xf32>,
      %broadcast_in_dim3A_299 = arith.constant 1 : i32
      %broadcast_in_dim3A_300 = vector.broadcast %broadcast_in_dim3A_299 : i32 to vector<16xi32>
      %broadcast_in_dim3A_301 = arith.constant 12 : i32
      %broadcast_in_dim3A_302 = vector.broadcast %broadcast_in_dim3A_301 : i32 to vector<16xi32>
      tpu.vector_store_idx %arg6[%broadcast_in_dim3A_300, %broadcast_in_dim3A_302, %add3A_3], %gather3A_298 : memref<2x16x1025xf32, #tpu.memory_space<vmem>>[vector<16xi32>, vector<16xi32>, vector<16xi32>], vector<16xf32>,
      %add3A_303 = arith.constant 832 : i32
      %add3A_304 = vector.broadcast %add3A_303 : i32 to vector<16xi32>
      %add3A_305 = arith.addi %gather3A_198, %add3A_304 : vector<16xi32>
      %gather3A_306 = tpu.vector_load_idx %arg8[%add3A_305] : memref<1024xf32, #tpu.memory_space<vmem>>[vector<16xi32>], vector<16xf32>,
      %broadcast_in_dim3A_307 = arith.constant 1 : i32
      %broadcast_in_dim3A_308 = vector.broadcast %broadcast_in_dim3A_307 : i32 to vector<16xi32>
      %broadcast_in_dim3A_309 = arith.constant 13 : i32
      %broadcast_in_dim3A_310 = vector.broadcast %broadcast_in_dim3A_309 : i32 to vector<16xi32>
      tpu.vector_store_idx %arg6[%broadcast_in_dim3A_308, %broadcast_in_dim3A_310, %add3A_3], %gather3A_306 : memref<2x16x1025xf32, #tpu.memory_space<vmem>>[vector<16xi32>, vector<16xi32>, vector<16xi32>], vector<16xf32>,
      %add3A_311 = arith.constant 896 : i32
      %add3A_312 = vector.broadcast %add3A_311 : i32 to vector<16xi32>
      %add3A_313 = arith.addi %gather3A_198, %add3A_312 : vector<16xi32>
      %gather3A_314 = tpu.vector_load_idx %arg8[%add3A_313] : memref<1024xf32, #tpu.memory_space<vmem>>[vector<16xi32>], vector<16xf32>,
      %broadcast_in_dim3A_315 = arith.constant 1 : i32
      %broadcast_in_dim3A_316 = vector.broadcast %broadcast_in_dim3A_315 : i32 to vector<16xi32>
      %broadcast_in_dim3A_317 = arith.constant 14 : i32
      %broadcast_in_dim3A_318 = vector.broadcast %broadcast_in_dim3A_317 : i32 to vector<16xi32>
      tpu.vector_store_idx %arg6[%broadcast_in_dim3A_316, %broadcast_in_dim3A_318, %add3A_3], %gather3A_314 : memref<2x16x1025xf32, #tpu.memory_space<vmem>>[vector<16xi32>, vector<16xi32>, vector<16xi32>], vector<16xf32>,
      %add3A_319 = arith.constant 960 : i32
      %add3A_320 = vector.broadcast %add3A_319 : i32 to vector<16xi32>
      %add3A_321 = arith.addi %gather3A_198, %add3A_320 : vector<16xi32>
      %gather3A_322 = tpu.vector_load_idx %arg8[%add3A_321] : memref<1024xf32, #tpu.memory_space<vmem>>[vector<16xi32>], vector<16xf32>,
      %broadcast_in_dim3A_323 = arith.constant 1 : i32
      %broadcast_in_dim3A_324 = vector.broadcast %broadcast_in_dim3A_323 : i32 to vector<16xi32>
      %broadcast_in_dim3A_325 = arith.constant 15 : i32
      %broadcast_in_dim3A_326 = vector.broadcast %broadcast_in_dim3A_325 : i32 to vector<16xi32>
      tpu.vector_store_idx %arg6[%broadcast_in_dim3A_324, %broadcast_in_dim3A_326, %add3A_3], %gather3A_322 : memref<2x16x1025xf32, #tpu.memory_space<vmem>>[vector<16xi32>, vector<16xi32>, vector<16xi32>], vector<16xf32>,
      %dma_start3A = arith.constant 0 : i32
      %dma_start3A_327 = arith.constant 0 : i32
      %dma_start3A_328 = arith.constant 0 : i32
      %dma_start3A_329 = arith.constant 0 : i32
      %dma_start3A_330 = tpu.memref_slice %arg6[%dma_start3A_327, %dma_start3A_328, %dma_start3A_329] : memref<2x16x1025xf32, #tpu.memory_space<vmem>> -> memref<2x16x1025xf32, #tpu.memory_space<vmem>>
      %dma_start3A_331 = arith.constant 0 : i32
      %dma_start3A_332 = arith.constant 0 : i32
      %dma_start3A_333 = tpu.memref_slice %arg4[%dma_start3A, %add3A_60, %dma_start3A_331, %dma_start3A_332] : memref<1x1025x16x1025xf32, #tpu.memory_space<hbm>> -> memref<1x2x16x1025xf32, #tpu.memory_space<hbm>>
      %dma_start3A_334 = tpu.memref_squeeze %dma_start3A_333 : memref<1x2x16x1025xf32, #tpu.memory_space<hbm>> -> memref<2x16x1025xf32, #tpu.memory_space<hbm>>
      %dma_start3A_335 = arith.constant 0 : i32
      %dma_start3A_336 = arith.constant 0 : i32
      %dma_start3A_337 = tpu.memref_slice %arg4[%dma_start3A, %add3A_60, %dma_start3A_335, %dma_start3A_336] : memref<1x1025x16x1025xf32, #tpu.memory_space<hbm>> -> memref<1x2x16x1025xf32, #tpu.memory_space<hbm>>
      %dma_start3A_338 = tpu.memref_squeeze %dma_start3A_337 : memref<1x2x16x1025xf32, #tpu.memory_space<hbm>> -> memref<2x16x1025xf32, #tpu.memory_space<hbm>>
      %dma_start3A_339 = arith.constant 0 : i32
      %dma_start3A_340 = arith.constant 0 : i32
      %dma_start3A_341 = arith.constant 0 : i32
      %dma_start3A_342 = tpu.memref_slice %arg6[%dma_start3A_339, %dma_start3A_340, %dma_start3A_341] : memref<2x16x1025xf32, #tpu.memory_space<vmem>> -> memref<2x16x1025xf32, #tpu.memory_space<vmem>>
      tpu.enqueue_dma source(%dma_start3A_342 : memref<2x16x1025xf32, #tpu.memory_space<vmem>>) target(%dma_start3A_338 : memref<2x16x1025xf32, #tpu.memory_space<hbm>>) target_semaphore(%arg9 : memref<!tpu.dma_semaphore, #tpu.memory_space<semaphore_mem>>)
      %eq3A_343 = arith.constant 0 : i32
      %eq3A_344 = arith.cmpi eq, %scan3A_52, %eq3A_343 : i32
      %and3A_345 = arith.constant true
      %and3A_346 = arith.andi %eq3A_344, %and3A_345 : i1
      %add3A_347 = arith.constant 2 : i32
      %add3A_348 = arith.addi %add3A_55, %add3A_347 : i32
      %not3A_349 = arith.constant true
      %not3A_350 = arith.xori %and3A_346, %not3A_349 : i1
      %convert_element_type3A_351 = arith.extui %not3A_350 : i1 to i32
      %cond3A_352 = arith.constant 0 : i32
      %cond3A_353 = arith.cmpi ne, %convert_element_type3A_351, %cond3A_352 : i32
      scf.if %cond3A_353 {
        %dma_wait3A_1222 = arith.constant 0 : i32
        %dma_wait3A_1223 = arith.constant 0 : i32
        %dma_wait3A_1224 = arith.constant 0 : i32
        %dma_wait3A_1225 = arith.constant 0 : i32
        %dma_wait3A_1226 = tpu.memref_slice %arg7[%dma_wait3A_1223, %dma_wait3A_1224, %dma_wait3A_1225] : memref<2x16x1025xf32, #tpu.memory_space<vmem>> -> memref<2x16x1025xf32, #tpu.memory_space<vmem>>
        %dma_wait3A_1227 = arith.constant 0 : i32
        %dma_wait3A_1228 = arith.constant 0 : i32
        %dma_wait3A_1229 = arith.constant 0 : i32
        %dma_wait3A_1230 = tpu.memref_slice %arg4[%dma_wait3A_1222, %dma_wait3A_1227, %dma_wait3A_1228, %dma_wait3A_1229] : memref<1x1025x16x1025xf32, #tpu.memory_space<hbm>> -> memref<1x2x16x1025xf32, #tpu.memory_space<hbm>>
        %dma_wait3A_1231 = tpu.memref_squeeze %dma_wait3A_1230 : memref<1x2x16x1025xf32, #tpu.memory_space<hbm>> -> memref<2x16x1025xf32, #tpu.memory_space<hbm>>
        %dma_wait3A_1232 = arith.constant 0 : i32
        %dma_wait3A_1233 = arith.constant 0 : i32
        %dma_wait3A_1234 = arith.constant 0 : i32
        %dma_wait3A_1235 = tpu.memref_slice %arg4[%dma_wait3A_1222, %dma_wait3A_1232, %dma_wait3A_1233, %dma_wait3A_1234] : memref<1x1025x16x1025xf32, #tpu.memory_space<hbm>> -> memref<1x2x16x1025xf32, #tpu.memory_space<hbm>>
        %dma_wait3A_1236 = tpu.memref_squeeze %dma_wait3A_1235 : memref<1x2x16x1025xf32, #tpu.memory_space<hbm>> -> memref<2x16x1025xf32, #tpu.memory_space<hbm>>
        %dma_wait3A_1237 = arith.constant 0 : i32
        %dma_wait3A_1238 = arith.constant 0 : i32
        %dma_wait3A_1239 = arith.constant 0 : i32
        %dma_wait3A_1240 = tpu.memref_slice %arg7[%dma_wait3A_1237, %dma_wait3A_1238, %dma_wait3A_1239] : memref<2x16x1025xf32, #tpu.memory_space<vmem>> -> memref<2x16x1025xf32, #tpu.memory_space<vmem>>
        tpu.wait_dma2 semaphore(%arg10 : memref<!tpu.dma_semaphore, #tpu.memory_space<semaphore_mem>>) src(%dma_wait3A_1240 : memref<2x16x1025xf32, #tpu.memory_space<vmem>>) dst(%dma_wait3A_1236 : memref<2x16x1025xf32, #tpu.memory_space<hbm>>)
      } else {
      }
      %parallel_loop3A_354 = arith.constant 0 : i32
      %parallel_loop3A_355 = arith.constant 128 : i32
      %parallel_loop3A_356 = arith.constant 1 : i32
      scf.for %parallel_loop3A_1222 = %parallel_loop3A_354 to %parallel_loop3A_355 step %parallel_loop3A_356  : i32 {
        %parallel_loop3A_1223 = arith.constant 64 : i32
        %parallel_loop3A_1224 = arith.divsi %parallel_loop3A_1222, %parallel_loop3A_1223 : i32
        %parallel_loop3A_1225 = arith.constant 0 : i32
        %parallel_loop3A_1226 = arith.cmpi sgt, %parallel_loop3A_1222, %parallel_loop3A_1225 : i32
        %parallel_loop3A_1227 = arith.extui %parallel_loop3A_1226 : i1 to i32
        %parallel_loop3A_1228 = arith.constant 0 : i32
        %parallel_loop3A_1229 = arith.cmpi slt, %parallel_loop3A_1222, %parallel_loop3A_1228 : i32
        %parallel_loop3A_1230 = arith.extui %parallel_loop3A_1229 : i1 to i32
        %parallel_loop3A_1231 = arith.subi %parallel_loop3A_1227, %parallel_loop3A_1230 : i32
        %parallel_loop3A_1232 = arith.constant 0 : i32
        %parallel_loop3A_1233 = arith.cmpi sgt, %parallel_loop3A_1223, %parallel_loop3A_1232 : i32
        %parallel_loop3A_1234 = arith.extui %parallel_loop3A_1233 : i1 to i32
        %parallel_loop3A_1235 = arith.constant 0 : i32
        %parallel_loop3A_1236 = arith.cmpi slt, %parallel_loop3A_1223, %parallel_loop3A_1235 : i32
        %parallel_loop3A_1237 = arith.extui %parallel_loop3A_1236 : i1 to i32
        %parallel_loop3A_1238 = arith.subi %parallel_loop3A_1234, %parallel_loop3A_1237 : i32
        %parallel_loop3A_1239 = arith.cmpi ne, %parallel_loop3A_1231, %parallel_loop3A_1238 : i32
        %parallel_loop3A_1240 = arith.remsi %parallel_loop3A_1222, %parallel_loop3A_1223 : i32
        %parallel_loop3A_1241 = arith.constant 0 : i32
        %parallel_loop3A_1242 = arith.cmpi ne, %parallel_loop3A_1240, %parallel_loop3A_1241 : i32
        %parallel_loop3A_1243 = arith.andi %parallel_loop3A_1239, %parallel_loop3A_1242 : i1
        %parallel_loop3A_1244 = arith.constant 1 : i32
        %parallel_loop3A_1245 = arith.subi %parallel_loop3A_1224, %parallel_loop3A_1244 : i32
        %parallel_loop3A_1246 = arith.select %parallel_loop3A_1243, %parallel_loop3A_1245, %parallel_loop3A_1224 : i32
        %parallel_loop3A_1247 = arith.constant 64 : i32
        %parallel_loop3A_1248 = arith.constant 0 : i32
        %parallel_loop3A_1249 = arith.cmpi eq, %parallel_loop3A_1247, %parallel_loop3A_1248 : i32
        %parallel_loop3A_1250 = arith.constant 1 : i32
        %parallel_loop3A_1251 = arith.select %parallel_loop3A_1249, %parallel_loop3A_1250, %parallel_loop3A_1247 : i32
        %parallel_loop3A_1252 = arith.remsi %parallel_loop3A_1222, %parallel_loop3A_1251 : i32
        %parallel_loop3A_1253 = arith.constant 0 : i32
        %parallel_loop3A_1254 = arith.cmpi ne, %parallel_loop3A_1252, %parallel_loop3A_1253 : i32
        %parallel_loop3A_1255 = arith.constant 0 : i32
        %parallel_loop3A_1256 = arith.cmpi slt, %parallel_loop3A_1252, %parallel_loop3A_1255 : i32
        %parallel_loop3A_1257 = arith.constant 0 : i32
        %parallel_loop3A_1258 = arith.cmpi slt, %parallel_loop3A_1251, %parallel_loop3A_1257 : i32
        %parallel_loop3A_1259 = arith.xori %parallel_loop3A_1256, %parallel_loop3A_1258 : i1
        %parallel_loop3A_1260 = arith.andi %parallel_loop3A_1259, %parallel_loop3A_1254 : i1
        %parallel_loop3A_1261 = arith.addi %parallel_loop3A_1252, %parallel_loop3A_1251 : i32
        %parallel_loop3A_1262 = arith.select %parallel_loop3A_1260, %parallel_loop3A_1261, %parallel_loop3A_1252 : i32
        %parallel_loop3A_1263 = arith.constant 16 : i32
        %parallel_loop3A_1264 = arith.muli %parallel_loop3A_1262, %parallel_loop3A_1263 : i32
        %parallel_loop3A_1265 = tpu.assume_multiple %parallel_loop3A_1264, 16 : i32
        %parallel_loop3A_1266 = arith.constant 2 : i32
        %parallel_loop3A_1267 = arith.addi %parallel_loop3A_1266, %parallel_loop3A_1246 : i32
        %parallel_loop3A_1268 = arith.index_cast %parallel_loop3A_1267 : i32 to index
        %parallel_loop3A_1269 = arith.index_cast %parallel_loop3A_1265 : i32 to index
        %parallel_loop3A_1270 = tpu.vector_load %arg5[%parallel_loop3A_1268, %parallel_loop3A_1269] {strides = array<i32>} : memref<8x1025xi32, #tpu.memory_space<vmem>>, vector<16xi32>,
        %parallel_loop3A_1271 = arith.constant 0 : i32
        %parallel_loop3A_1272 = vector.broadcast %parallel_loop3A_1271 : i32 to vector<16xi32>
        %parallel_loop3A_1273 = arith.addi %parallel_loop3A_1270, %parallel_loop3A_1272 : vector<16xi32>
        %parallel_loop3A_1274 = tpu.vector_load_idx %arg8[%parallel_loop3A_1273] : memref<1024xf32, #tpu.memory_space<vmem>>[vector<16xi32>], vector<16xf32>,
        %parallel_loop3A_1275 = arith.constant 0 : i32
        %parallel_loop3A_1276 = arith.index_cast %parallel_loop3A_1246 : i32 to index
        %parallel_loop3A_1277 = arith.index_cast %parallel_loop3A_1275 : i32 to index
        %parallel_loop3A_1278 = arith.index_cast %parallel_loop3A_1265 : i32 to index
        %parallel_loop3A_1279 = tpu.vector_load %arg7[%parallel_loop3A_1276, %parallel_loop3A_1277, %parallel_loop3A_1278] {strides = array<i32>} : memref<2x16x1025xf32, #tpu.memory_space<vmem>>, vector<16xf32>,
        tpu.vector_store %arg7[%parallel_loop3A_1276, %parallel_loop3A_1277, %parallel_loop3A_1278], %parallel_loop3A_1274 {strides = array<i32>} : memref<2x16x1025xf32, #tpu.memory_space<vmem>>, vector<16xf32>,
        %parallel_loop3A_1280 = arith.constant 64 : i32
        %parallel_loop3A_1281 = vector.broadcast %parallel_loop3A_1280 : i32 to vector<16xi32>
        %parallel_loop3A_1282 = arith.addi %parallel_loop3A_1270, %parallel_loop3A_1281 : vector<16xi32>
        %parallel_loop3A_1283 = tpu.vector_load_idx %arg8[%parallel_loop3A_1282] : memref<1024xf32, #tpu.memory_space<vmem>>[vector<16xi32>], vector<16xf32>,
        %parallel_loop3A_1284 = arith.constant 1 : i32
        %parallel_loop3A_1285 = arith.index_cast %parallel_loop3A_1246 : i32 to index
        %parallel_loop3A_1286 = arith.index_cast %parallel_loop3A_1284 : i32 to index
        %parallel_loop3A_1287 = arith.index_cast %parallel_loop3A_1265 : i32 to index
        %parallel_loop3A_1288 = tpu.vector_load %arg7[%parallel_loop3A_1285, %parallel_loop3A_1286, %parallel_loop3A_1287] {strides = array<i32>} : memref<2x16x1025xf32, #tpu.memory_space<vmem>>, vector<16xf32>,
        tpu.vector_store %arg7[%parallel_loop3A_1285, %parallel_loop3A_1286, %parallel_loop3A_1287], %parallel_loop3A_1283 {strides = array<i32>} : memref<2x16x1025xf32, #tpu.memory_space<vmem>>, vector<16xf32>,
        %parallel_loop3A_1289 = arith.constant 128 : i32
        %parallel_loop3A_1290 = vector.broadcast %parallel_loop3A_1289 : i32 to vector<16xi32>
        %parallel_loop3A_1291 = arith.addi %parallel_loop3A_1270, %parallel_loop3A_1290 : vector<16xi32>
        %parallel_loop3A_1292 = tpu.vector_load_idx %arg8[%parallel_loop3A_1291] : memref<1024xf32, #tpu.memory_space<vmem>>[vector<16xi32>], vector<16xf32>,
        %parallel_loop3A_1293 = arith.constant 2 : i32
        %parallel_loop3A_1294 = arith.index_cast %parallel_loop3A_1246 : i32 to index
        %parallel_loop3A_1295 = arith.index_cast %parallel_loop3A_1293 : i32 to index
        %parallel_loop3A_1296 = arith.index_cast %parallel_loop3A_1265 : i32 to index
        %parallel_loop3A_1297 = tpu.vector_load %arg7[%parallel_loop3A_1294, %parallel_loop3A_1295, %parallel_loop3A_1296] {strides = array<i32>} : memref<2x16x1025xf32, #tpu.memory_space<vmem>>, vector<16xf32>,
        tpu.vector_store %arg7[%parallel_loop3A_1294, %parallel_loop3A_1295, %parallel_loop3A_1296], %parallel_loop3A_1292 {strides = array<i32>} : memref<2x16x1025xf32, #tpu.memory_space<vmem>>, vector<16xf32>,
        %parallel_loop3A_1298 = arith.constant 192 : i32
        %parallel_loop3A_1299 = vector.broadcast %parallel_loop3A_1298 : i32 to vector<16xi32>
        %parallel_loop3A_1300 = arith.addi %parallel_loop3A_1270, %parallel_loop3A_1299 : vector<16xi32>
        %parallel_loop3A_1301 = tpu.vector_load_idx %arg8[%parallel_loop3A_1300] : memref<1024xf32, #tpu.memory_space<vmem>>[vector<16xi32>], vector<16xf32>,
        %parallel_loop3A_1302 = arith.constant 3 : i32
        %parallel_loop3A_1303 = arith.index_cast %parallel_loop3A_1246 : i32 to index
        %parallel_loop3A_1304 = arith.index_cast %parallel_loop3A_1302 : i32 to index
        %parallel_loop3A_1305 = arith.index_cast %parallel_loop3A_1265 : i32 to index
        %parallel_loop3A_1306 = tpu.vector_load %arg7[%parallel_loop3A_1303, %parallel_loop3A_1304, %parallel_loop3A_1305] {strides = array<i32>} : memref<2x16x1025xf32, #tpu.memory_space<vmem>>, vector<16xf32>,
        tpu.vector_store %arg7[%parallel_loop3A_1303, %parallel_loop3A_1304, %parallel_loop3A_1305], %parallel_loop3A_1301 {strides = array<i32>} : memref<2x16x1025xf32, #tpu.memory_space<vmem>>, vector<16xf32>,
        %parallel_loop3A_1307 = arith.constant 256 : i32
        %parallel_loop3A_1308 = vector.broadcast %parallel_loop3A_1307 : i32 to vector<16xi32>
        %parallel_loop3A_1309 = arith.addi %parallel_loop3A_1270, %parallel_loop3A_1308 : vector<16xi32>
        %parallel_loop3A_1310 = tpu.vector_load_idx %arg8[%parallel_loop3A_1309] : memref<1024xf32, #tpu.memory_space<vmem>>[vector<16xi32>], vector<16xf32>,
        %parallel_loop3A_1311 = arith.constant 4 : i32
        %parallel_loop3A_1312 = arith.index_cast %parallel_loop3A_1246 : i32 to index
        %parallel_loop3A_1313 = arith.index_cast %parallel_loop3A_1311 : i32 to index
        %parallel_loop3A_1314 = arith.index_cast %parallel_loop3A_1265 : i32 to index
        %parallel_loop3A_1315 = tpu.vector_load %arg7[%parallel_loop3A_1312, %parallel_loop3A_1313, %parallel_loop3A_1314] {strides = array<i32>} : memref<2x16x1025xf32, #tpu.memory_space<vmem>>, vector<16xf32>,
        tpu.vector_store %arg7[%parallel_loop3A_1312, %parallel_loop3A_1313, %parallel_loop3A_1314], %parallel_loop3A_1310 {strides = array<i32>} : memref<2x16x1025xf32, #tpu.memory_space<vmem>>, vector<16xf32>,
        %parallel_loop3A_1316 = arith.constant 320 : i32
        %parallel_loop3A_1317 = vector.broadcast %parallel_loop3A_1316 : i32 to vector<16xi32>
        %parallel_loop3A_1318 = arith.addi %parallel_loop3A_1270, %parallel_loop3A_1317 : vector<16xi32>
        %parallel_loop3A_1319 = tpu.vector_load_idx %arg8[%parallel_loop3A_1318] : memref<1024xf32, #tpu.memory_space<vmem>>[vector<16xi32>], vector<16xf32>,
        %parallel_loop3A_1320 = arith.constant 5 : i32
        %parallel_loop3A_1321 = arith.index_cast %parallel_loop3A_1246 : i32 to index
        %parallel_loop3A_1322 = arith.index_cast %parallel_loop3A_1320 : i32 to index
        %parallel_loop3A_1323 = arith.index_cast %parallel_loop3A_1265 : i32 to index
        %parallel_loop3A_1324 = tpu.vector_load %arg7[%parallel_loop3A_1321, %parallel_loop3A_1322, %parallel_loop3A_1323] {strides = array<i32>} : memref<2x16x1025xf32, #tpu.memory_space<vmem>>, vector<16xf32>,
        tpu.vector_store %arg7[%parallel_loop3A_1321, %parallel_loop3A_1322, %parallel_loop3A_1323], %parallel_loop3A_1319 {strides = array<i32>} : memref<2x16x1025xf32, #tpu.memory_space<vmem>>, vector<16xf32>,
        %parallel_loop3A_1325 = arith.constant 384 : i32
        %parallel_loop3A_1326 = vector.broadcast %parallel_loop3A_1325 : i32 to vector<16xi32>
        %parallel_loop3A_1327 = arith.addi %parallel_loop3A_1270, %parallel_loop3A_1326 : vector<16xi32>
        %parallel_loop3A_1328 = tpu.vector_load_idx %arg8[%parallel_loop3A_1327] : memref<1024xf32, #tpu.memory_space<vmem>>[vector<16xi32>], vector<16xf32>,
        %parallel_loop3A_1329 = arith.constant 6 : i32
        %parallel_loop3A_1330 = arith.index_cast %parallel_loop3A_1246 : i32 to index
        %parallel_loop3A_1331 = arith.index_cast %parallel_loop3A_1329 : i32 to index
        %parallel_loop3A_1332 = arith.index_cast %parallel_loop3A_1265 : i32 to index
        %parallel_loop3A_1333 = tpu.vector_load %arg7[%parallel_loop3A_1330, %parallel_loop3A_1331, %parallel_loop3A_1332] {strides = array<i32>} : memref<2x16x1025xf32, #tpu.memory_space<vmem>>, vector<16xf32>,
        tpu.vector_store %arg7[%parallel_loop3A_1330, %parallel_loop3A_1331, %parallel_loop3A_1332], %parallel_loop3A_1328 {strides = array<i32>} : memref<2x16x1025xf32, #tpu.memory_space<vmem>>, vector<16xf32>,
        %parallel_loop3A_1334 = arith.constant 448 : i32
        %parallel_loop3A_1335 = vector.broadcast %parallel_loop3A_1334 : i32 to vector<16xi32>
        %parallel_loop3A_1336 = arith.addi %parallel_loop3A_1270, %parallel_loop3A_1335 : vector<16xi32>
        %parallel_loop3A_1337 = tpu.vector_load_idx %arg8[%parallel_loop3A_1336] : memref<1024xf32, #tpu.memory_space<vmem>>[vector<16xi32>], vector<16xf32>,
        %parallel_loop3A_1338 = arith.constant 7 : i32
        %parallel_loop3A_1339 = arith.index_cast %parallel_loop3A_1246 : i32 to index
        %parallel_loop3A_1340 = arith.index_cast %parallel_loop3A_1338 : i32 to index
        %parallel_loop3A_1341 = arith.index_cast %parallel_loop3A_1265 : i32 to index
        %parallel_loop3A_1342 = tpu.vector_load %arg7[%parallel_loop3A_1339, %parallel_loop3A_1340, %parallel_loop3A_1341] {strides = array<i32>} : memref<2x16x1025xf32, #tpu.memory_space<vmem>>, vector<16xf32>,
        tpu.vector_store %arg7[%parallel_loop3A_1339, %parallel_loop3A_1340, %parallel_loop3A_1341], %parallel_loop3A_1337 {strides = array<i32>} : memref<2x16x1025xf32, #tpu.memory_space<vmem>>, vector<16xf32>,
        %parallel_loop3A_1343 = arith.constant 512 : i32
        %parallel_loop3A_1344 = vector.broadcast %parallel_loop3A_1343 : i32 to vector<16xi32>
        %parallel_loop3A_1345 = arith.addi %parallel_loop3A_1270, %parallel_loop3A_1344 : vector<16xi32>
        %parallel_loop3A_1346 = tpu.vector_load_idx %arg8[%parallel_loop3A_1345] : memref<1024xf32, #tpu.memory_space<vmem>>[vector<16xi32>], vector<16xf32>,
        %parallel_loop3A_1347 = arith.constant 8 : i32
        %parallel_loop3A_1348 = arith.index_cast %parallel_loop3A_1246 : i32 to index
        %parallel_loop3A_1349 = arith.index_cast %parallel_loop3A_1347 : i32 to index
        %parallel_loop3A_1350 = arith.index_cast %parallel_loop3A_1265 : i32 to index
        %parallel_loop3A_1351 = tpu.vector_load %arg7[%parallel_loop3A_1348, %parallel_loop3A_1349, %parallel_loop3A_1350] {strides = array<i32>} : memref<2x16x1025xf32, #tpu.memory_space<vmem>>, vector<16xf32>,
        tpu.vector_store %arg7[%parallel_loop3A_1348, %parallel_loop3A_1349, %parallel_loop3A_1350], %parallel_loop3A_1346 {strides = array<i32>} : memref<2x16x1025xf32, #tpu.memory_space<vmem>>, vector<16xf32>,
        %parallel_loop3A_1352 = arith.constant 576 : i32
        %parallel_loop3A_1353 = vector.broadcast %parallel_loop3A_1352 : i32 to vector<16xi32>
        %parallel_loop3A_1354 = arith.addi %parallel_loop3A_1270, %parallel_loop3A_1353 : vector<16xi32>
        %parallel_loop3A_1355 = tpu.vector_load_idx %arg8[%parallel_loop3A_1354] : memref<1024xf32, #tpu.memory_space<vmem>>[vector<16xi32>], vector<16xf32>,
        %parallel_loop3A_1356 = arith.constant 9 : i32
        %parallel_loop3A_1357 = arith.index_cast %parallel_loop3A_1246 : i32 to index
        %parallel_loop3A_1358 = arith.index_cast %parallel_loop3A_1356 : i32 to index
        %parallel_loop3A_1359 = arith.index_cast %parallel_loop3A_1265 : i32 to index
        %parallel_loop3A_1360 = tpu.vector_load %arg7[%parallel_loop3A_1357, %parallel_loop3A_1358, %parallel_loop3A_1359] {strides = array<i32>} : memref<2x16x1025xf32, #tpu.memory_space<vmem>>, vector<16xf32>,
        tpu.vector_store %arg7[%parallel_loop3A_1357, %parallel_loop3A_1358, %parallel_loop3A_1359], %parallel_loop3A_1355 {strides = array<i32>} : memref<2x16x1025xf32, #tpu.memory_space<vmem>>, vector<16xf32>,
        %parallel_loop3A_1361 = arith.constant 640 : i32
        %parallel_loop3A_1362 = vector.broadcast %parallel_loop3A_1361 : i32 to vector<16xi32>
        %parallel_loop3A_1363 = arith.addi %parallel_loop3A_1270, %parallel_loop3A_1362 : vector<16xi32>
        %parallel_loop3A_1364 = tpu.vector_load_idx %arg8[%parallel_loop3A_1363] : memref<1024xf32, #tpu.memory_space<vmem>>[vector<16xi32>], vector<16xf32>,
        %parallel_loop3A_1365 = arith.constant 10 : i32
        %parallel_loop3A_1366 = arith.index_cast %parallel_loop3A_1246 : i32 to index
        %parallel_loop3A_1367 = arith.index_cast %parallel_loop3A_1365 : i32 to index
        %parallel_loop3A_1368 = arith.index_cast %parallel_loop3A_1265 : i32 to index
        %parallel_loop3A_1369 = tpu.vector_load %arg7[%parallel_loop3A_1366, %parallel_loop3A_1367, %parallel_loop3A_1368] {strides = array<i32>} : memref<2x16x1025xf32, #tpu.memory_space<vmem>>, vector<16xf32>,
        tpu.vector_store %arg7[%parallel_loop3A_1366, %parallel_loop3A_1367, %parallel_loop3A_1368], %parallel_loop3A_1364 {strides = array<i32>} : memref<2x16x1025xf32, #tpu.memory_space<vmem>>, vector<16xf32>,
        %parallel_loop3A_1370 = arith.constant 704 : i32
        %parallel_loop3A_1371 = vector.broadcast %parallel_loop3A_1370 : i32 to vector<16xi32>
        %parallel_loop3A_1372 = arith.addi %parallel_loop3A_1270, %parallel_loop3A_1371 : vector<16xi32>
        %parallel_loop3A_1373 = tpu.vector_load_idx %arg8[%parallel_loop3A_1372] : memref<1024xf32, #tpu.memory_space<vmem>>[vector<16xi32>], vector<16xf32>,
        %parallel_loop3A_1374 = arith.constant 11 : i32
        %parallel_loop3A_1375 = arith.index_cast %parallel_loop3A_1246 : i32 to index
        %parallel_loop3A_1376 = arith.index_cast %parallel_loop3A_1374 : i32 to index
        %parallel_loop3A_1377 = arith.index_cast %parallel_loop3A_1265 : i32 to index
        %parallel_loop3A_1378 = tpu.vector_load %arg7[%parallel_loop3A_1375, %parallel_loop3A_1376, %parallel_loop3A_1377] {strides = array<i32>} : memref<2x16x1025xf32, #tpu.memory_space<vmem>>, vector<16xf32>,
        tpu.vector_store %arg7[%parallel_loop3A_1375, %parallel_loop3A_1376, %parallel_loop3A_1377], %parallel_loop3A_1373 {strides = array<i32>} : memref<2x16x1025xf32, #tpu.memory_space<vmem>>, vector<16xf32>,
        %parallel_loop3A_1379 = arith.constant 768 : i32
        %parallel_loop3A_1380 = vector.broadcast %parallel_loop3A_1379 : i32 to vector<16xi32>
        %parallel_loop3A_1381 = arith.addi %parallel_loop3A_1270, %parallel_loop3A_1380 : vector<16xi32>
        %parallel_loop3A_1382 = tpu.vector_load_idx %arg8[%parallel_loop3A_1381] : memref<1024xf32, #tpu.memory_space<vmem>>[vector<16xi32>], vector<16xf32>,
        %parallel_loop3A_1383 = arith.constant 12 : i32
        %parallel_loop3A_1384 = arith.index_cast %parallel_loop3A_1246 : i32 to index
        %parallel_loop3A_1385 = arith.index_cast %parallel_loop3A_1383 : i32 to index
        %parallel_loop3A_1386 = arith.index_cast %parallel_loop3A_1265 : i32 to index
        %parallel_loop3A_1387 = tpu.vector_load %arg7[%parallel_loop3A_1384, %parallel_loop3A_1385, %parallel_loop3A_1386] {strides = array<i32>} : memref<2x16x1025xf32, #tpu.memory_space<vmem>>, vector<16xf32>,
        tpu.vector_store %arg7[%parallel_loop3A_1384, %parallel_loop3A_1385, %parallel_loop3A_1386], %parallel_loop3A_1382 {strides = array<i32>} : memref<2x16x1025xf32, #tpu.memory_space<vmem>>, vector<16xf32>,
        %parallel_loop3A_1388 = arith.constant 832 : i32
        %parallel_loop3A_1389 = vector.broadcast %parallel_loop3A_1388 : i32 to vector<16xi32>
        %parallel_loop3A_1390 = arith.addi %parallel_loop3A_1270, %parallel_loop3A_1389 : vector<16xi32>
        %parallel_loop3A_1391 = tpu.vector_load_idx %arg8[%parallel_loop3A_1390] : memref<1024xf32, #tpu.memory_space<vmem>>[vector<16xi32>], vector<16xf32>,
        %parallel_loop3A_1392 = arith.constant 13 : i32
        %parallel_loop3A_1393 = arith.index_cast %parallel_loop3A_1246 : i32 to index
        %parallel_loop3A_1394 = arith.index_cast %parallel_loop3A_1392 : i32 to index
        %parallel_loop3A_1395 = arith.index_cast %parallel_loop3A_1265 : i32 to index
        %parallel_loop3A_1396 = tpu.vector_load %arg7[%parallel_loop3A_1393, %parallel_loop3A_1394, %parallel_loop3A_1395] {strides = array<i32>} : memref<2x16x1025xf32, #tpu.memory_space<vmem>>, vector<16xf32>,
        tpu.vector_store %arg7[%parallel_loop3A_1393, %parallel_loop3A_1394, %parallel_loop3A_1395], %parallel_loop3A_1391 {strides = array<i32>} : memref<2x16x1025xf32, #tpu.memory_space<vmem>>, vector<16xf32>,
        %parallel_loop3A_1397 = arith.constant 896 : i32
        %parallel_loop3A_1398 = vector.broadcast %parallel_loop3A_1397 : i32 to vector<16xi32>
        %parallel_loop3A_1399 = arith.addi %parallel_loop3A_1270, %parallel_loop3A_1398 : vector<16xi32>
        %parallel_loop3A_1400 = tpu.vector_load_idx %arg8[%parallel_loop3A_1399] : memref<1024xf32, #tpu.memory_space<vmem>>[vector<16xi32>], vector<16xf32>,
        %parallel_loop3A_1401 = arith.constant 14 : i32
        %parallel_loop3A_1402 = arith.index_cast %parallel_loop3A_1246 : i32 to index
        %parallel_loop3A_1403 = arith.index_cast %parallel_loop3A_1401 : i32 to index
        %parallel_loop3A_1404 = arith.index_cast %parallel_loop3A_1265 : i32 to index
        %parallel_loop3A_1405 = tpu.vector_load %arg7[%parallel_loop3A_1402, %parallel_loop3A_1403, %parallel_loop3A_1404] {strides = array<i32>} : memref<2x16x1025xf32, #tpu.memory_space<vmem>>, vector<16xf32>,
        tpu.vector_store %arg7[%parallel_loop3A_1402, %parallel_loop3A_1403, %parallel_loop3A_1404], %parallel_loop3A_1400 {strides = array<i32>} : memref<2x16x1025xf32, #tpu.memory_space<vmem>>, vector<16xf32>,
        %parallel_loop3A_1406 = arith.constant 960 : i32
        %parallel_loop3A_1407 = vector.broadcast %parallel_loop3A_1406 : i32 to vector<16xi32>
        %parallel_loop3A_1408 = arith.addi %parallel_loop3A_1270, %parallel_loop3A_1407 : vector<16xi32>
        %parallel_loop3A_1409 = tpu.vector_load_idx %arg8[%parallel_loop3A_1408] : memref<1024xf32, #tpu.memory_space<vmem>>[vector<16xi32>], vector<16xf32>,
        %parallel_loop3A_1410 = arith.constant 15 : i32
        %parallel_loop3A_1411 = arith.index_cast %parallel_loop3A_1246 : i32 to index
        %parallel_loop3A_1412 = arith.index_cast %parallel_loop3A_1410 : i32 to index
        %parallel_loop3A_1413 = arith.index_cast %parallel_loop3A_1265 : i32 to index
        %parallel_loop3A_1414 = tpu.vector_load %arg7[%parallel_loop3A_1411, %parallel_loop3A_1412, %parallel_loop3A_1413] {strides = array<i32>} : memref<2x16x1025xf32, #tpu.memory_space<vmem>>, vector<16xf32>,
        tpu.vector_store %arg7[%parallel_loop3A_1411, %parallel_loop3A_1412, %parallel_loop3A_1413], %parallel_loop3A_1409 {strides = array<i32>} : memref<2x16x1025xf32, #tpu.memory_space<vmem>>, vector<16xf32>,
      } {sc.loop_unroll_factor = 4 : i64, sc.parallel_access}
      %broadcast_in_dim3A_357 = arith.constant 2 : i32
      %broadcast_in_dim3A_358 = vector.broadcast %broadcast_in_dim3A_357 : i32 to vector<16xi32>
      %gather3A_359 = tpu.vector_load_idx %arg5[%broadcast_in_dim3A_358, %add3A_3] : memref<8x1025xi32, #tpu.memory_space<vmem>>[vector<16xi32>, vector<16xi32>], vector<16xi32>,
      %add3A_360 = arith.constant 0 : i32
      %add3A_361 = vector.broadcast %add3A_360 : i32 to vector<16xi32>
      %add3A_362 = arith.addi %gather3A_359, %add3A_361 : vector<16xi32>
      %gather3A_363 = tpu.vector_load_idx %arg8[%add3A_362] : memref<1024xf32, #tpu.memory_space<vmem>>[vector<16xi32>], vector<16xf32>,
      %broadcast_in_dim3A_364 = arith.constant 0 : i32
      %broadcast_in_dim3A_365 = vector.broadcast %broadcast_in_dim3A_364 : i32 to vector<16xi32>
      %broadcast_in_dim3A_366 = arith.constant 0 : i32
      %broadcast_in_dim3A_367 = vector.broadcast %broadcast_in_dim3A_366 : i32 to vector<16xi32>
      tpu.vector_store_idx %arg7[%broadcast_in_dim3A_365, %broadcast_in_dim3A_367, %add3A_3], %gather3A_363 : memref<2x16x1025xf32, #tpu.memory_space<vmem>>[vector<16xi32>, vector<16xi32>, vector<16xi32>], vector<16xf32>,
      %add3A_368 = arith.constant 64 : i32
      %add3A_369 = vector.broadcast %add3A_368 : i32 to vector<16xi32>
      %add3A_370 = arith.addi %gather3A_359, %add3A_369 : vector<16xi32>
      %gather3A_371 = tpu.vector_load_idx %arg8[%add3A_370] : memref<1024xf32, #tpu.memory_space<vmem>>[vector<16xi32>], vector<16xf32>,
      %broadcast_in_dim3A_372 = arith.constant 0 : i32
      %broadcast_in_dim3A_373 = vector.broadcast %broadcast_in_dim3A_372 : i32 to vector<16xi32>
      %broadcast_in_dim3A_374 = arith.constant 1 : i32
      %broadcast_in_dim3A_375 = vector.broadcast %broadcast_in_dim3A_374 : i32 to vector<16xi32>
      tpu.vector_store_idx %arg7[%broadcast_in_dim3A_373, %broadcast_in_dim3A_375, %add3A_3], %gather3A_371 : memref<2x16x1025xf32, #tpu.memory_space<vmem>>[vector<16xi32>, vector<16xi32>, vector<16xi32>], vector<16xf32>,
      %add3A_376 = arith.constant 128 : i32
      %add3A_377 = vector.broadcast %add3A_376 : i32 to vector<16xi32>
      %add3A_378 = arith.addi %gather3A_359, %add3A_377 : vector<16xi32>
      %gather3A_379 = tpu.vector_load_idx %arg8[%add3A_378] : memref<1024xf32, #tpu.memory_space<vmem>>[vector<16xi32>], vector<16xf32>,
      %broadcast_in_dim3A_380 = arith.constant 0 : i32
      %broadcast_in_dim3A_381 = vector.broadcast %broadcast_in_dim3A_380 : i32 to vector<16xi32>
      %broadcast_in_dim3A_382 = arith.constant 2 : i32
      %broadcast_in_dim3A_383 = vector.broadcast %broadcast_in_dim3A_382 : i32 to vector<16xi32>
      tpu.vector_store_idx %arg7[%broadcast_in_dim3A_381, %broadcast_in_dim3A_383, %add3A_3], %gather3A_379 : memref<2x16x1025xf32, #tpu.memory_space<vmem>>[vector<16xi32>, vector<16xi32>, vector<16xi32>], vector<16xf32>,
      %add3A_384 = arith.constant 192 : i32
      %add3A_385 = vector.broadcast %add3A_384 : i32 to vector<16xi32>
      %add3A_386 = arith.addi %gather3A_359, %add3A_385 : vector<16xi32>
      %gather3A_387 = tpu.vector_load_idx %arg8[%add3A_386] : memref<1024xf32, #tpu.memory_space<vmem>>[vector<16xi32>], vector<16xf32>,
      %broadcast_in_dim3A_388 = arith.constant 0 : i32
      %broadcast_in_dim3A_389 = vector.broadcast %broadcast_in_dim3A_388 : i32 to vector<16xi32>
      %broadcast_in_dim3A_390 = arith.constant 3 : i32
      %broadcast_in_dim3A_391 = vector.broadcast %broadcast_in_dim3A_390 : i32 to vector<16xi32>
      tpu.vector_store_idx %arg7[%broadcast_in_dim3A_389, %broadcast_in_dim3A_391, %add3A_3], %gather3A_387 : memref<2x16x1025xf32, #tpu.memory_space<vmem>>[vector<16xi32>, vector<16xi32>, vector<16xi32>], vector<16xf32>,
      %add3A_392 = arith.constant 256 : i32
      %add3A_393 = vector.broadcast %add3A_392 : i32 to vector<16xi32>
      %add3A_394 = arith.addi %gather3A_359, %add3A_393 : vector<16xi32>
      %gather3A_395 = tpu.vector_load_idx %arg8[%add3A_394] : memref<1024xf32, #tpu.memory_space<vmem>>[vector<16xi32>], vector<16xf32>,
      %broadcast_in_dim3A_396 = arith.constant 0 : i32
      %broadcast_in_dim3A_397 = vector.broadcast %broadcast_in_dim3A_396 : i32 to vector<16xi32>
      %broadcast_in_dim3A_398 = arith.constant 4 : i32
      %broadcast_in_dim3A_399 = vector.broadcast %broadcast_in_dim3A_398 : i32 to vector<16xi32>
      tpu.vector_store_idx %arg7[%broadcast_in_dim3A_397, %broadcast_in_dim3A_399, %add3A_3], %gather3A_395 : memref<2x16x1025xf32, #tpu.memory_space<vmem>>[vector<16xi32>, vector<16xi32>, vector<16xi32>], vector<16xf32>,
      %add3A_400 = arith.constant 320 : i32
      %add3A_401 = vector.broadcast %add3A_400 : i32 to vector<16xi32>
      %add3A_402 = arith.addi %gather3A_359, %add3A_401 : vector<16xi32>
      %gather3A_403 = tpu.vector_load_idx %arg8[%add3A_402] : memref<1024xf32, #tpu.memory_space<vmem>>[vector<16xi32>], vector<16xf32>,
      %broadcast_in_dim3A_404 = arith.constant 0 : i32
      %broadcast_in_dim3A_405 = vector.broadcast %broadcast_in_dim3A_404 : i32 to vector<16xi32>
      %broadcast_in_dim3A_406 = arith.constant 5 : i32
      %broadcast_in_dim3A_407 = vector.broadcast %broadcast_in_dim3A_406 : i32 to vector<16xi32>
      tpu.vector_store_idx %arg7[%broadcast_in_dim3A_405, %broadcast_in_dim3A_407, %add3A_3], %gather3A_403 : memref<2x16x1025xf32, #tpu.memory_space<vmem>>[vector<16xi32>, vector<16xi32>, vector<16xi32>], vector<16xf32>,
      %add3A_408 = arith.constant 384 : i32
      %add3A_409 = vector.broadcast %add3A_408 : i32 to vector<16xi32>
      %add3A_410 = arith.addi %gather3A_359, %add3A_409 : vector<16xi32>
      %gather3A_411 = tpu.vector_load_idx %arg8[%add3A_410] : memref<1024xf32, #tpu.memory_space<vmem>>[vector<16xi32>], vector<16xf32>,
      %broadcast_in_dim3A_412 = arith.constant 0 : i32
      %broadcast_in_dim3A_413 = vector.broadcast %broadcast_in_dim3A_412 : i32 to vector<16xi32>
      %broadcast_in_dim3A_414 = arith.constant 6 : i32
      %broadcast_in_dim3A_415 = vector.broadcast %broadcast_in_dim3A_414 : i32 to vector<16xi32>
      tpu.vector_store_idx %arg7[%broadcast_in_dim3A_413, %broadcast_in_dim3A_415, %add3A_3], %gather3A_411 : memref<2x16x1025xf32, #tpu.memory_space<vmem>>[vector<16xi32>, vector<16xi32>, vector<16xi32>], vector<16xf32>,
      %add3A_416 = arith.constant 448 : i32
      %add3A_417 = vector.broadcast %add3A_416 : i32 to vector<16xi32>
      %add3A_418 = arith.addi %gather3A_359, %add3A_417 : vector<16xi32>
      %gather3A_419 = tpu.vector_load_idx %arg8[%add3A_418] : memref<1024xf32, #tpu.memory_space<vmem>>[vector<16xi32>], vector<16xf32>,
      %broadcast_in_dim3A_420 = arith.constant 0 : i32
      %broadcast_in_dim3A_421 = vector.broadcast %broadcast_in_dim3A_420 : i32 to vector<16xi32>
      %broadcast_in_dim3A_422 = arith.constant 7 : i32
      %broadcast_in_dim3A_423 = vector.broadcast %broadcast_in_dim3A_422 : i32 to vector<16xi32>
      tpu.vector_store_idx %arg7[%broadcast_in_dim3A_421, %broadcast_in_dim3A_423, %add3A_3], %gather3A_419 : memref<2x16x1025xf32, #tpu.memory_space<vmem>>[vector<16xi32>, vector<16xi32>, vector<16xi32>], vector<16xf32>,
      %add3A_424 = arith.constant 512 : i32
      %add3A_425 = vector.broadcast %add3A_424 : i32 to vector<16xi32>
      %add3A_426 = arith.addi %gather3A_359, %add3A_425 : vector<16xi32>
      %gather3A_427 = tpu.vector_load_idx %arg8[%add3A_426] : memref<1024xf32, #tpu.memory_space<vmem>>[vector<16xi32>], vector<16xf32>,
      %broadcast_in_dim3A_428 = arith.constant 0 : i32
      %broadcast_in_dim3A_429 = vector.broadcast %broadcast_in_dim3A_428 : i32 to vector<16xi32>
      %broadcast_in_dim3A_430 = arith.constant 8 : i32
      %broadcast_in_dim3A_431 = vector.broadcast %broadcast_in_dim3A_430 : i32 to vector<16xi32>
      tpu.vector_store_idx %arg7[%broadcast_in_dim3A_429, %broadcast_in_dim3A_431, %add3A_3], %gather3A_427 : memref<2x16x1025xf32, #tpu.memory_space<vmem>>[vector<16xi32>, vector<16xi32>, vector<16xi32>], vector<16xf32>,
      %add3A_432 = arith.constant 576 : i32
      %add3A_433 = vector.broadcast %add3A_432 : i32 to vector<16xi32>
      %add3A_434 = arith.addi %gather3A_359, %add3A_433 : vector<16xi32>
      %gather3A_435 = tpu.vector_load_idx %arg8[%add3A_434] : memref<1024xf32, #tpu.memory_space<vmem>>[vector<16xi32>], vector<16xf32>,
      %broadcast_in_dim3A_436 = arith.constant 0 : i32
      %broadcast_in_dim3A_437 = vector.broadcast %broadcast_in_dim3A_436 : i32 to vector<16xi32>
      %broadcast_in_dim3A_438 = arith.constant 9 : i32
      %broadcast_in_dim3A_439 = vector.broadcast %broadcast_in_dim3A_438 : i32 to vector<16xi32>
      tpu.vector_store_idx %arg7[%broadcast_in_dim3A_437, %broadcast_in_dim3A_439, %add3A_3], %gather3A_435 : memref<2x16x1025xf32, #tpu.memory_space<vmem>>[vector<16xi32>, vector<16xi32>, vector<16xi32>], vector<16xf32>,
      %add3A_440 = arith.constant 640 : i32
      %add3A_441 = vector.broadcast %add3A_440 : i32 to vector<16xi32>
      %add3A_442 = arith.addi %gather3A_359, %add3A_441 : vector<16xi32>
      %gather3A_443 = tpu.vector_load_idx %arg8[%add3A_442] : memref<1024xf32, #tpu.memory_space<vmem>>[vector<16xi32>], vector<16xf32>,
      %broadcast_in_dim3A_444 = arith.constant 0 : i32
      %broadcast_in_dim3A_445 = vector.broadcast %broadcast_in_dim3A_444 : i32 to vector<16xi32>
      %broadcast_in_dim3A_446 = arith.constant 10 : i32
      %broadcast_in_dim3A_447 = vector.broadcast %broadcast_in_dim3A_446 : i32 to vector<16xi32>
      tpu.vector_store_idx %arg7[%broadcast_in_dim3A_445, %broadcast_in_dim3A_447, %add3A_3], %gather3A_443 : memref<2x16x1025xf32, #tpu.memory_space<vmem>>[vector<16xi32>, vector<16xi32>, vector<16xi32>], vector<16xf32>,
      %add3A_448 = arith.constant 704 : i32
      %add3A_449 = vector.broadcast %add3A_448 : i32 to vector<16xi32>
      %add3A_450 = arith.addi %gather3A_359, %add3A_449 : vector<16xi32>
      %gather3A_451 = tpu.vector_load_idx %arg8[%add3A_450] : memref<1024xf32, #tpu.memory_space<vmem>>[vector<16xi32>], vector<16xf32>,
      %broadcast_in_dim3A_452 = arith.constant 0 : i32
      %broadcast_in_dim3A_453 = vector.broadcast %broadcast_in_dim3A_452 : i32 to vector<16xi32>
      %broadcast_in_dim3A_454 = arith.constant 11 : i32
      %broadcast_in_dim3A_455 = vector.broadcast %broadcast_in_dim3A_454 : i32 to vector<16xi32>
      tpu.vector_store_idx %arg7[%broadcast_in_dim3A_453, %broadcast_in_dim3A_455, %add3A_3], %gather3A_451 : memref<2x16x1025xf32, #tpu.memory_space<vmem>>[vector<16xi32>, vector<16xi32>, vector<16xi32>], vector<16xf32>,
      %add3A_456 = arith.constant 768 : i32
      %add3A_457 = vector.broadcast %add3A_456 : i32 to vector<16xi32>
      %add3A_458 = arith.addi %gather3A_359, %add3A_457 : vector<16xi32>
      %gather3A_459 = tpu.vector_load_idx %arg8[%add3A_458] : memref<1024xf32, #tpu.memory_space<vmem>>[vector<16xi32>], vector<16xf32>,
      %broadcast_in_dim3A_460 = arith.constant 0 : i32
      %broadcast_in_dim3A_461 = vector.broadcast %broadcast_in_dim3A_460 : i32 to vector<16xi32>
      %broadcast_in_dim3A_462 = arith.constant 12 : i32
      %broadcast_in_dim3A_463 = vector.broadcast %broadcast_in_dim3A_462 : i32 to vector<16xi32>
      tpu.vector_store_idx %arg7[%broadcast_in_dim3A_461, %broadcast_in_dim3A_463, %add3A_3], %gather3A_459 : memref<2x16x1025xf32, #tpu.memory_space<vmem>>[vector<16xi32>, vector<16xi32>, vector<16xi32>], vector<16xf32>,
      %add3A_464 = arith.constant 832 : i32
      %add3A_465 = vector.broadcast %add3A_464 : i32 to vector<16xi32>
      %add3A_466 = arith.addi %gather3A_359, %add3A_465 : vector<16xi32>
      %gather3A_467 = tpu.vector_load_idx %arg8[%add3A_466] : memref<1024xf32, #tpu.memory_space<vmem>>[vector<16xi32>], vector<16xf32>,
      %broadcast_in_dim3A_468 = arith.constant 0 : i32
      %broadcast_in_dim3A_469 = vector.broadcast %broadcast_in_dim3A_468 : i32 to vector<16xi32>
      %broadcast_in_dim3A_470 = arith.constant 13 : i32
      %broadcast_in_dim3A_471 = vector.broadcast %broadcast_in_dim3A_470 : i32 to vector<16xi32>
      tpu.vector_store_idx %arg7[%broadcast_in_dim3A_469, %broadcast_in_dim3A_471, %add3A_3], %gather3A_467 : memref<2x16x1025xf32, #tpu.memory_space<vmem>>[vector<16xi32>, vector<16xi32>, vector<16xi32>], vector<16xf32>,
      %add3A_472 = arith.constant 896 : i32
      %add3A_473 = vector.broadcast %add3A_472 : i32 to vector<16xi32>
      %add3A_474 = arith.addi %gather3A_359, %add3A_473 : vector<16xi32>
      %gather3A_475 = tpu.vector_load_idx %arg8[%add3A_474] : memref<1024xf32, #tpu.memory_space<vmem>>[vector<16xi32>], vector<16xf32>,
      %broadcast_in_dim3A_476 = arith.constant 0 : i32
      %broadcast_in_dim3A_477 = vector.broadcast %broadcast_in_dim3A_476 : i32 to vector<16xi32>
      %broadcast_in_dim3A_478 = arith.constant 14 : i32
      %broadcast_in_dim3A_479 = vector.broadcast %broadcast_in_dim3A_478 : i32 to vector<16xi32>
      tpu.vector_store_idx %arg7[%broadcast_in_dim3A_477, %broadcast_in_dim3A_479, %add3A_3], %gather3A_475 : memref<2x16x1025xf32, #tpu.memory_space<vmem>>[vector<16xi32>, vector<16xi32>, vector<16xi32>], vector<16xf32>,
      %add3A_480 = arith.constant 960 : i32
      %add3A_481 = vector.broadcast %add3A_480 : i32 to vector<16xi32>
      %add3A_482 = arith.addi %gather3A_359, %add3A_481 : vector<16xi32>
      %gather3A_483 = tpu.vector_load_idx %arg8[%add3A_482] : memref<1024xf32, #tpu.memory_space<vmem>>[vector<16xi32>], vector<16xf32>,
      %broadcast_in_dim3A_484 = arith.constant 0 : i32
      %broadcast_in_dim3A_485 = vector.broadcast %broadcast_in_dim3A_484 : i32 to vector<16xi32>
      %broadcast_in_dim3A_486 = arith.constant 15 : i32
      %broadcast_in_dim3A_487 = vector.broadcast %broadcast_in_dim3A_486 : i32 to vector<16xi32>
      tpu.vector_store_idx %arg7[%broadcast_in_dim3A_485, %broadcast_in_dim3A_487, %add3A_3], %gather3A_483 : memref<2x16x1025xf32, #tpu.memory_space<vmem>>[vector<16xi32>, vector<16xi32>, vector<16xi32>], vector<16xf32>,
      %broadcast_in_dim3A_488 = arith.constant 3 : i32
      %broadcast_in_dim3A_489 = vector.broadcast %broadcast_in_dim3A_488 : i32 to vector<16xi32>
      %gather3A_490 = tpu.vector_load_idx %arg5[%broadcast_in_dim3A_489, %add3A_3] : memref<8x1025xi32, #tpu.memory_space<vmem>>[vector<16xi32>, vector<16xi32>], vector<16xi32>,
      %add3A_491 = arith.constant 0 : i32
      %add3A_492 = vector.broadcast %add3A_491 : i32 to vector<16xi32>
      %add3A_493 = arith.addi %gather3A_490, %add3A_492 : vector<16xi32>
      %gather3A_494 = tpu.vector_load_idx %arg8[%add3A_493] : memref<1024xf32, #tpu.memory_space<vmem>>[vector<16xi32>], vector<16xf32>,
      %broadcast_in_dim3A_495 = arith.constant 1 : i32
      %broadcast_in_dim3A_496 = vector.broadcast %broadcast_in_dim3A_495 : i32 to vector<16xi32>
      %broadcast_in_dim3A_497 = arith.constant 0 : i32
      %broadcast_in_dim3A_498 = vector.broadcast %broadcast_in_dim3A_497 : i32 to vector<16xi32>
      tpu.vector_store_idx %arg7[%broadcast_in_dim3A_496, %broadcast_in_dim3A_498, %add3A_3], %gather3A_494 : memref<2x16x1025xf32, #tpu.memory_space<vmem>>[vector<16xi32>, vector<16xi32>, vector<16xi32>], vector<16xf32>,
      %add3A_499 = arith.constant 64 : i32
      %add3A_500 = vector.broadcast %add3A_499 : i32 to vector<16xi32>
      %add3A_501 = arith.addi %gather3A_490, %add3A_500 : vector<16xi32>
      %gather3A_502 = tpu.vector_load_idx %arg8[%add3A_501] : memref<1024xf32, #tpu.memory_space<vmem>>[vector<16xi32>], vector<16xf32>,
      %broadcast_in_dim3A_503 = arith.constant 1 : i32
      %broadcast_in_dim3A_504 = vector.broadcast %broadcast_in_dim3A_503 : i32 to vector<16xi32>
      %broadcast_in_dim3A_505 = arith.constant 1 : i32
      %broadcast_in_dim3A_506 = vector.broadcast %broadcast_in_dim3A_505 : i32 to vector<16xi32>
      tpu.vector_store_idx %arg7[%broadcast_in_dim3A_504, %broadcast_in_dim3A_506, %add3A_3], %gather3A_502 : memref<2x16x1025xf32, #tpu.memory_space<vmem>>[vector<16xi32>, vector<16xi32>, vector<16xi32>], vector<16xf32>,
      %add3A_507 = arith.constant 128 : i32
      %add3A_508 = vector.broadcast %add3A_507 : i32 to vector<16xi32>
      %add3A_509 = arith.addi %gather3A_490, %add3A_508 : vector<16xi32>
      %gather3A_510 = tpu.vector_load_idx %arg8[%add3A_509] : memref<1024xf32, #tpu.memory_space<vmem>>[vector<16xi32>], vector<16xf32>,
      %broadcast_in_dim3A_511 = arith.constant 1 : i32
      %broadcast_in_dim3A_512 = vector.broadcast %broadcast_in_dim3A_511 : i32 to vector<16xi32>
      %broadcast_in_dim3A_513 = arith.constant 2 : i32
      %broadcast_in_dim3A_514 = vector.broadcast %broadcast_in_dim3A_513 : i32 to vector<16xi32>
      tpu.vector_store_idx %arg7[%broadcast_in_dim3A_512, %broadcast_in_dim3A_514, %add3A_3], %gather3A_510 : memref<2x16x1025xf32, #tpu.memory_space<vmem>>[vector<16xi32>, vector<16xi32>, vector<16xi32>], vector<16xf32>,
      %add3A_515 = arith.constant 192 : i32
      %add3A_516 = vector.broadcast %add3A_515 : i32 to vector<16xi32>
      %add3A_517 = arith.addi %gather3A_490, %add3A_516 : vector<16xi32>
      %gather3A_518 = tpu.vector_load_idx %arg8[%add3A_517] : memref<1024xf32, #tpu.memory_space<vmem>>[vector<16xi32>], vector<16xf32>,
      %broadcast_in_dim3A_519 = arith.constant 1 : i32
      %broadcast_in_dim3A_520 = vector.broadcast %broadcast_in_dim3A_519 : i32 to vector<16xi32>
      %broadcast_in_dim3A_521 = arith.constant 3 : i32
      %broadcast_in_dim3A_522 = vector.broadcast %broadcast_in_dim3A_521 : i32 to vector<16xi32>
      tpu.vector_store_idx %arg7[%broadcast_in_dim3A_520, %broadcast_in_dim3A_522, %add3A_3], %gather3A_518 : memref<2x16x1025xf32, #tpu.memory_space<vmem>>[vector<16xi32>, vector<16xi32>, vector<16xi32>], vector<16xf32>,
      %add3A_523 = arith.constant 256 : i32
      %add3A_524 = vector.broadcast %add3A_523 : i32 to vector<16xi32>
      %add3A_525 = arith.addi %gather3A_490, %add3A_524 : vector<16xi32>
      %gather3A_526 = tpu.vector_load_idx %arg8[%add3A_525] : memref<1024xf32, #tpu.memory_space<vmem>>[vector<16xi32>], vector<16xf32>,
      %broadcast_in_dim3A_527 = arith.constant 1 : i32
      %broadcast_in_dim3A_528 = vector.broadcast %broadcast_in_dim3A_527 : i32 to vector<16xi32>
      %broadcast_in_dim3A_529 = arith.constant 4 : i32
      %broadcast_in_dim3A_530 = vector.broadcast %broadcast_in_dim3A_529 : i32 to vector<16xi32>
      tpu.vector_store_idx %arg7[%broadcast_in_dim3A_528, %broadcast_in_dim3A_530, %add3A_3], %gather3A_526 : memref<2x16x1025xf32, #tpu.memory_space<vmem>>[vector<16xi32>, vector<16xi32>, vector<16xi32>], vector<16xf32>,
      %add3A_531 = arith.constant 320 : i32
      %add3A_532 = vector.broadcast %add3A_531 : i32 to vector<16xi32>
      %add3A_533 = arith.addi %gather3A_490, %add3A_532 : vector<16xi32>
      %gather3A_534 = tpu.vector_load_idx %arg8[%add3A_533] : memref<1024xf32, #tpu.memory_space<vmem>>[vector<16xi32>], vector<16xf32>,
      %broadcast_in_dim3A_535 = arith.constant 1 : i32
      %broadcast_in_dim3A_536 = vector.broadcast %broadcast_in_dim3A_535 : i32 to vector<16xi32>
      %broadcast_in_dim3A_537 = arith.constant 5 : i32
      %broadcast_in_dim3A_538 = vector.broadcast %broadcast_in_dim3A_537 : i32 to vector<16xi32>
      tpu.vector_store_idx %arg7[%broadcast_in_dim3A_536, %broadcast_in_dim3A_538, %add3A_3], %gather3A_534 : memref<2x16x1025xf32, #tpu.memory_space<vmem>>[vector<16xi32>, vector<16xi32>, vector<16xi32>], vector<16xf32>,
      %add3A_539 = arith.constant 384 : i32
      %add3A_540 = vector.broadcast %add3A_539 : i32 to vector<16xi32>
      %add3A_541 = arith.addi %gather3A_490, %add3A_540 : vector<16xi32>
      %gather3A_542 = tpu.vector_load_idx %arg8[%add3A_541] : memref<1024xf32, #tpu.memory_space<vmem>>[vector<16xi32>], vector<16xf32>,
      %broadcast_in_dim3A_543 = arith.constant 1 : i32
      %broadcast_in_dim3A_544 = vector.broadcast %broadcast_in_dim3A_543 : i32 to vector<16xi32>
      %broadcast_in_dim3A_545 = arith.constant 6 : i32
      %broadcast_in_dim3A_546 = vector.broadcast %broadcast_in_dim3A_545 : i32 to vector<16xi32>
      tpu.vector_store_idx %arg7[%broadcast_in_dim3A_544, %broadcast_in_dim3A_546, %add3A_3], %gather3A_542 : memref<2x16x1025xf32, #tpu.memory_space<vmem>>[vector<16xi32>, vector<16xi32>, vector<16xi32>], vector<16xf32>,
      %add3A_547 = arith.constant 448 : i32
      %add3A_548 = vector.broadcast %add3A_547 : i32 to vector<16xi32>
      %add3A_549 = arith.addi %gather3A_490, %add3A_548 : vector<16xi32>
      %gather3A_550 = tpu.vector_load_idx %arg8[%add3A_549] : memref<1024xf32, #tpu.memory_space<vmem>>[vector<16xi32>], vector<16xf32>,
      %broadcast_in_dim3A_551 = arith.constant 1 : i32
      %broadcast_in_dim3A_552 = vector.broadcast %broadcast_in_dim3A_551 : i32 to vector<16xi32>
      %broadcast_in_dim3A_553 = arith.constant 7 : i32
      %broadcast_in_dim3A_554 = vector.broadcast %broadcast_in_dim3A_553 : i32 to vector<16xi32>
      tpu.vector_store_idx %arg7[%broadcast_in_dim3A_552, %broadcast_in_dim3A_554, %add3A_3], %gather3A_550 : memref<2x16x1025xf32, #tpu.memory_space<vmem>>[vector<16xi32>, vector<16xi32>, vector<16xi32>], vector<16xf32>,
      %add3A_555 = arith.constant 512 : i32
      %add3A_556 = vector.broadcast %add3A_555 : i32 to vector<16xi32>
      %add3A_557 = arith.addi %gather3A_490, %add3A_556 : vector<16xi32>
      %gather3A_558 = tpu.vector_load_idx %arg8[%add3A_557] : memref<1024xf32, #tpu.memory_space<vmem>>[vector<16xi32>], vector<16xf32>,
      %broadcast_in_dim3A_559 = arith.constant 1 : i32
      %broadcast_in_dim3A_560 = vector.broadcast %broadcast_in_dim3A_559 : i32 to vector<16xi32>
      %broadcast_in_dim3A_561 = arith.constant 8 : i32
      %broadcast_in_dim3A_562 = vector.broadcast %broadcast_in_dim3A_561 : i32 to vector<16xi32>
      tpu.vector_store_idx %arg7[%broadcast_in_dim3A_560, %broadcast_in_dim3A_562, %add3A_3], %gather3A_558 : memref<2x16x1025xf32, #tpu.memory_space<vmem>>[vector<16xi32>, vector<16xi32>, vector<16xi32>], vector<16xf32>,
      %add3A_563 = arith.constant 576 : i32
      %add3A_564 = vector.broadcast %add3A_563 : i32 to vector<16xi32>
      %add3A_565 = arith.addi %gather3A_490, %add3A_564 : vector<16xi32>
      %gather3A_566 = tpu.vector_load_idx %arg8[%add3A_565] : memref<1024xf32, #tpu.memory_space<vmem>>[vector<16xi32>], vector<16xf32>,
      %broadcast_in_dim3A_567 = arith.constant 1 : i32
      %broadcast_in_dim3A_568 = vector.broadcast %broadcast_in_dim3A_567 : i32 to vector<16xi32>
      %broadcast_in_dim3A_569 = arith.constant 9 : i32
      %broadcast_in_dim3A_570 = vector.broadcast %broadcast_in_dim3A_569 : i32 to vector<16xi32>
      tpu.vector_store_idx %arg7[%broadcast_in_dim3A_568, %broadcast_in_dim3A_570, %add3A_3], %gather3A_566 : memref<2x16x1025xf32, #tpu.memory_space<vmem>>[vector<16xi32>, vector<16xi32>, vector<16xi32>], vector<16xf32>,
      %add3A_571 = arith.constant 640 : i32
      %add3A_572 = vector.broadcast %add3A_571 : i32 to vector<16xi32>
      %add3A_573 = arith.addi %gather3A_490, %add3A_572 : vector<16xi32>
      %gather3A_574 = tpu.vector_load_idx %arg8[%add3A_573] : memref<1024xf32, #tpu.memory_space<vmem>>[vector<16xi32>], vector<16xf32>,
      %broadcast_in_dim3A_575 = arith.constant 1 : i32
      %broadcast_in_dim3A_576 = vector.broadcast %broadcast_in_dim3A_575 : i32 to vector<16xi32>
      %broadcast_in_dim3A_577 = arith.constant 10 : i32
      %broadcast_in_dim3A_578 = vector.broadcast %broadcast_in_dim3A_577 : i32 to vector<16xi32>
      tpu.vector_store_idx %arg7[%broadcast_in_dim3A_576, %broadcast_in_dim3A_578, %add3A_3], %gather3A_574 : memref<2x16x1025xf32, #tpu.memory_space<vmem>>[vector<16xi32>, vector<16xi32>, vector<16xi32>], vector<16xf32>,
      %add3A_579 = arith.constant 704 : i32
      %add3A_580 = vector.broadcast %add3A_579 : i32 to vector<16xi32>
      %add3A_581 = arith.addi %gather3A_490, %add3A_580 : vector<16xi32>
      %gather3A_582 = tpu.vector_load_idx %arg8[%add3A_581] : memref<1024xf32, #tpu.memory_space<vmem>>[vector<16xi32>], vector<16xf32>,
      %broadcast_in_dim3A_583 = arith.constant 1 : i32
      %broadcast_in_dim3A_584 = vector.broadcast %broadcast_in_dim3A_583 : i32 to vector<16xi32>
      %broadcast_in_dim3A_585 = arith.constant 11 : i32
      %broadcast_in_dim3A_586 = vector.broadcast %broadcast_in_dim3A_585 : i32 to vector<16xi32>
      tpu.vector_store_idx %arg7[%broadcast_in_dim3A_584, %broadcast_in_dim3A_586, %add3A_3], %gather3A_582 : memref<2x16x1025xf32, #tpu.memory_space<vmem>>[vector<16xi32>, vector<16xi32>, vector<16xi32>], vector<16xf32>,
      %add3A_587 = arith.constant 768 : i32
      %add3A_588 = vector.broadcast %add3A_587 : i32 to vector<16xi32>
      %add3A_589 = arith.addi %gather3A_490, %add3A_588 : vector<16xi32>
      %gather3A_590 = tpu.vector_load_idx %arg8[%add3A_589] : memref<1024xf32, #tpu.memory_space<vmem>>[vector<16xi32>], vector<16xf32>,
      %broadcast_in_dim3A_591 = arith.constant 1 : i32
      %broadcast_in_dim3A_592 = vector.broadcast %broadcast_in_dim3A_591 : i32 to vector<16xi32>
      %broadcast_in_dim3A_593 = arith.constant 12 : i32
      %broadcast_in_dim3A_594 = vector.broadcast %broadcast_in_dim3A_593 : i32 to vector<16xi32>
      tpu.vector_store_idx %arg7[%broadcast_in_dim3A_592, %broadcast_in_dim3A_594, %add3A_3], %gather3A_590 : memref<2x16x1025xf32, #tpu.memory_space<vmem>>[vector<16xi32>, vector<16xi32>, vector<16xi32>], vector<16xf32>,
      %add3A_595 = arith.constant 832 : i32
      %add3A_596 = vector.broadcast %add3A_595 : i32 to vector<16xi32>
      %add3A_597 = arith.addi %gather3A_490, %add3A_596 : vector<16xi32>
      %gather3A_598 = tpu.vector_load_idx %arg8[%add3A_597] : memref<1024xf32, #tpu.memory_space<vmem>>[vector<16xi32>], vector<16xf32>,
      %broadcast_in_dim3A_599 = arith.constant 1 : i32
      %broadcast_in_dim3A_600 = vector.broadcast %broadcast_in_dim3A_599 : i32 to vector<16xi32>
      %broadcast_in_dim3A_601 = arith.constant 13 : i32
      %broadcast_in_dim3A_602 = vector.broadcast %broadcast_in_dim3A_601 : i32 to vector<16xi32>
      tpu.vector_store_idx %arg7[%broadcast_in_dim3A_600, %broadcast_in_dim3A_602, %add3A_3], %gather3A_598 : memref<2x16x1025xf32, #tpu.memory_space<vmem>>[vector<16xi32>, vector<16xi32>, vector<16xi32>], vector<16xf32>,
      %add3A_603 = arith.constant 896 : i32
      %add3A_604 = vector.broadcast %add3A_603 : i32 to vector<16xi32>
      %add3A_605 = arith.addi %gather3A_490, %add3A_604 : vector<16xi32>
      %gather3A_606 = tpu.vector_load_idx %arg8[%add3A_605] : memref<1024xf32, #tpu.memory_space<vmem>>[vector<16xi32>], vector<16xf32>,
      %broadcast_in_dim3A_607 = arith.constant 1 : i32
      %broadcast_in_dim3A_608 = vector.broadcast %broadcast_in_dim3A_607 : i32 to vector<16xi32>
      %broadcast_in_dim3A_609 = arith.constant 14 : i32
      %broadcast_in_dim3A_610 = vector.broadcast %broadcast_in_dim3A_609 : i32 to vector<16xi32>
      tpu.vector_store_idx %arg7[%broadcast_in_dim3A_608, %broadcast_in_dim3A_610, %add3A_3], %gather3A_606 : memref<2x16x1025xf32, #tpu.memory_space<vmem>>[vector<16xi32>, vector<16xi32>, vector<16xi32>], vector<16xf32>,
      %add3A_611 = arith.constant 960 : i32
      %add3A_612 = vector.broadcast %add3A_611 : i32 to vector<16xi32>
      %add3A_613 = arith.addi %gather3A_490, %add3A_612 : vector<16xi32>
      %gather3A_614 = tpu.vector_load_idx %arg8[%add3A_613] : memref<1024xf32, #tpu.memory_space<vmem>>[vector<16xi32>], vector<16xf32>,
      %broadcast_in_dim3A_615 = arith.constant 1 : i32
      %broadcast_in_dim3A_616 = vector.broadcast %broadcast_in_dim3A_615 : i32 to vector<16xi32>
      %broadcast_in_dim3A_617 = arith.constant 15 : i32
      %broadcast_in_dim3A_618 = vector.broadcast %broadcast_in_dim3A_617 : i32 to vector<16xi32>
      tpu.vector_store_idx %arg7[%broadcast_in_dim3A_616, %broadcast_in_dim3A_618, %add3A_3], %gather3A_614 : memref<2x16x1025xf32, #tpu.memory_space<vmem>>[vector<16xi32>, vector<16xi32>, vector<16xi32>], vector<16xf32>,
      %dma_start3A_619 = arith.constant 0 : i32
      %dma_start3A_620 = arith.constant 0 : i32
      %dma_start3A_621 = arith.constant 0 : i32
      %dma_start3A_622 = arith.constant 0 : i32
      %dma_start3A_623 = tpu.memref_slice %arg7[%dma_start3A_620, %dma_start3A_621, %dma_start3A_622] : memref<2x16x1025xf32, #tpu.memory_space<vmem>> -> memref<2x16x1025xf32, #tpu.memory_space<vmem>>
      %dma_start3A_624 = arith.constant 0 : i32
      %dma_start3A_625 = arith.constant 0 : i32
      %dma_start3A_626 = tpu.memref_slice %arg4[%dma_start3A_619, %add3A_348, %dma_start3A_624, %dma_start3A_625] : memref<1x1025x16x1025xf32, #tpu.memory_space<hbm>> -> memref<1x2x16x1025xf32, #tpu.memory_space<hbm>>
      %dma_start3A_627 = tpu.memref_squeeze %dma_start3A_626 : memref<1x2x16x1025xf32, #tpu.memory_space<hbm>> -> memref<2x16x1025xf32, #tpu.memory_space<hbm>>
      %dma_start3A_628 = arith.constant 0 : i32
      %dma_start3A_629 = arith.constant 0 : i32
      %dma_start3A_630 = tpu.memref_slice %arg4[%dma_start3A_619, %add3A_348, %dma_start3A_628, %dma_start3A_629] : memref<1x1025x16x1025xf32, #tpu.memory_space<hbm>> -> memref<1x2x16x1025xf32, #tpu.memory_space<hbm>>
      %dma_start3A_631 = tpu.memref_squeeze %dma_start3A_630 : memref<1x2x16x1025xf32, #tpu.memory_space<hbm>> -> memref<2x16x1025xf32, #tpu.memory_space<hbm>>
      %dma_start3A_632 = arith.constant 0 : i32
      %dma_start3A_633 = arith.constant 0 : i32
      %dma_start3A_634 = arith.constant 0 : i32
      %dma_start3A_635 = tpu.memref_slice %arg7[%dma_start3A_632, %dma_start3A_633, %dma_start3A_634] : memref<2x16x1025xf32, #tpu.memory_space<vmem>> -> memref<2x16x1025xf32, #tpu.memory_space<vmem>>
      tpu.enqueue_dma source(%dma_start3A_635 : memref<2x16x1025xf32, #tpu.memory_space<vmem>>) target(%dma_start3A_631 : memref<2x16x1025xf32, #tpu.memory_space<hbm>>) target_semaphore(%arg10 : memref<!tpu.dma_semaphore, #tpu.memory_space<semaphore_mem>>)
      %eq3A_636 = arith.constant 0 : i32
      %eq3A_637 = arith.cmpi eq, %scan3A_52, %eq3A_636 : i32
      %and3A_638 = arith.constant false
      %and3A_639 = arith.andi %eq3A_637, %and3A_638 : i1
      %add3A_640 = arith.constant 4 : i32
      %add3A_641 = arith.addi %add3A_55, %add3A_640 : i32
      %not3A_642 = arith.constant true
      %not3A_643 = arith.xori %and3A_639, %not3A_642 : i1
      %convert_element_type3A_644 = arith.extui %not3A_643 : i1 to i32
      %cond3A_645 = arith.constant 0 : i32
      %cond3A_646 = arith.cmpi ne, %convert_element_type3A_644, %cond3A_645 : i32
      scf.if %cond3A_646 {
        %dma_wait3A_1222 = arith.constant 0 : i32
        %dma_wait3A_1223 = arith.constant 0 : i32
        %dma_wait3A_1224 = arith.constant 0 : i32
        %dma_wait3A_1225 = arith.constant 0 : i32
        %dma_wait3A_1226 = tpu.memref_slice %arg6[%dma_wait3A_1223, %dma_wait3A_1224, %dma_wait3A_1225] : memref<2x16x1025xf32, #tpu.memory_space<vmem>> -> memref<2x16x1025xf32, #tpu.memory_space<vmem>>
        %dma_wait3A_1227 = arith.constant 0 : i32
        %dma_wait3A_1228 = arith.constant 0 : i32
        %dma_wait3A_1229 = arith.constant 0 : i32
        %dma_wait3A_1230 = tpu.memref_slice %arg4[%dma_wait3A_1222, %dma_wait3A_1227, %dma_wait3A_1228, %dma_wait3A_1229] : memref<1x1025x16x1025xf32, #tpu.memory_space<hbm>> -> memref<1x2x16x1025xf32, #tpu.memory_space<hbm>>
        %dma_wait3A_1231 = tpu.memref_squeeze %dma_wait3A_1230 : memref<1x2x16x1025xf32, #tpu.memory_space<hbm>> -> memref<2x16x1025xf32, #tpu.memory_space<hbm>>
        %dma_wait3A_1232 = arith.constant 0 : i32
        %dma_wait3A_1233 = arith.constant 0 : i32
        %dma_wait3A_1234 = arith.constant 0 : i32
        %dma_wait3A_1235 = tpu.memref_slice %arg4[%dma_wait3A_1222, %dma_wait3A_1232, %dma_wait3A_1233, %dma_wait3A_1234] : memref<1x1025x16x1025xf32, #tpu.memory_space<hbm>> -> memref<1x2x16x1025xf32, #tpu.memory_space<hbm>>
        %dma_wait3A_1236 = tpu.memref_squeeze %dma_wait3A_1235 : memref<1x2x16x1025xf32, #tpu.memory_space<hbm>> -> memref<2x16x1025xf32, #tpu.memory_space<hbm>>
        %dma_wait3A_1237 = arith.constant 0 : i32
        %dma_wait3A_1238 = arith.constant 0 : i32
        %dma_wait3A_1239 = arith.constant 0 : i32
        %dma_wait3A_1240 = tpu.memref_slice %arg6[%dma_wait3A_1237, %dma_wait3A_1238, %dma_wait3A_1239] : memref<2x16x1025xf32, #tpu.memory_space<vmem>> -> memref<2x16x1025xf32, #tpu.memory_space<vmem>>
        tpu.wait_dma2 semaphore(%arg9 : memref<!tpu.dma_semaphore, #tpu.memory_space<semaphore_mem>>) src(%dma_wait3A_1240 : memref<2x16x1025xf32, #tpu.memory_space<vmem>>) dst(%dma_wait3A_1236 : memref<2x16x1025xf32, #tpu.memory_space<hbm>>)
      } else {
      }
      %parallel_loop3A_647 = arith.constant 0 : i32
      %parallel_loop3A_648 = arith.constant 128 : i32
      %parallel_loop3A_649 = arith.constant 1 : i32
      scf.for %parallel_loop3A_1222 = %parallel_loop3A_647 to %parallel_loop3A_648 step %parallel_loop3A_649  : i32 {
        %parallel_loop3A_1223 = arith.constant 64 : i32
        %parallel_loop3A_1224 = arith.divsi %parallel_loop3A_1222, %parallel_loop3A_1223 : i32
        %parallel_loop3A_1225 = arith.constant 0 : i32
        %parallel_loop3A_1226 = arith.cmpi sgt, %parallel_loop3A_1222, %parallel_loop3A_1225 : i32
        %parallel_loop3A_1227 = arith.extui %parallel_loop3A_1226 : i1 to i32
        %parallel_loop3A_1228 = arith.constant 0 : i32
        %parallel_loop3A_1229 = arith.cmpi slt, %parallel_loop3A_1222, %parallel_loop3A_1228 : i32
        %parallel_loop3A_1230 = arith.extui %parallel_loop3A_1229 : i1 to i32
        %parallel_loop3A_1231 = arith.subi %parallel_loop3A_1227, %parallel_loop3A_1230 : i32
        %parallel_loop3A_1232 = arith.constant 0 : i32
        %parallel_loop3A_1233 = arith.cmpi sgt, %parallel_loop3A_1223, %parallel_loop3A_1232 : i32
        %parallel_loop3A_1234 = arith.extui %parallel_loop3A_1233 : i1 to i32
        %parallel_loop3A_1235 = arith.constant 0 : i32
        %parallel_loop3A_1236 = arith.cmpi slt, %parallel_loop3A_1223, %parallel_loop3A_1235 : i32
        %parallel_loop3A_1237 = arith.extui %parallel_loop3A_1236 : i1 to i32
        %parallel_loop3A_1238 = arith.subi %parallel_loop3A_1234, %parallel_loop3A_1237 : i32
        %parallel_loop3A_1239 = arith.cmpi ne, %parallel_loop3A_1231, %parallel_loop3A_1238 : i32
        %parallel_loop3A_1240 = arith.remsi %parallel_loop3A_1222, %parallel_loop3A_1223 : i32
        %parallel_loop3A_1241 = arith.constant 0 : i32
        %parallel_loop3A_1242 = arith.cmpi ne, %parallel_loop3A_1240, %parallel_loop3A_1241 : i32
        %parallel_loop3A_1243 = arith.andi %parallel_loop3A_1239, %parallel_loop3A_1242 : i1
        %parallel_loop3A_1244 = arith.constant 1 : i32
        %parallel_loop3A_1245 = arith.subi %parallel_loop3A_1224, %parallel_loop3A_1244 : i32
        %parallel_loop3A_1246 = arith.select %parallel_loop3A_1243, %parallel_loop3A_1245, %parallel_loop3A_1224 : i32
        %parallel_loop3A_1247 = arith.constant 64 : i32
        %parallel_loop3A_1248 = arith.constant 0 : i32
        %parallel_loop3A_1249 = arith.cmpi eq, %parallel_loop3A_1247, %parallel_loop3A_1248 : i32
        %parallel_loop3A_1250 = arith.constant 1 : i32
        %parallel_loop3A_1251 = arith.select %parallel_loop3A_1249, %parallel_loop3A_1250, %parallel_loop3A_1247 : i32
        %parallel_loop3A_1252 = arith.remsi %parallel_loop3A_1222, %parallel_loop3A_1251 : i32
        %parallel_loop3A_1253 = arith.constant 0 : i32
        %parallel_loop3A_1254 = arith.cmpi ne, %parallel_loop3A_1252, %parallel_loop3A_1253 : i32
        %parallel_loop3A_1255 = arith.constant 0 : i32
        %parallel_loop3A_1256 = arith.cmpi slt, %parallel_loop3A_1252, %parallel_loop3A_1255 : i32
        %parallel_loop3A_1257 = arith.constant 0 : i32
        %parallel_loop3A_1258 = arith.cmpi slt, %parallel_loop3A_1251, %parallel_loop3A_1257 : i32
        %parallel_loop3A_1259 = arith.xori %parallel_loop3A_1256, %parallel_loop3A_1258 : i1
        %parallel_loop3A_1260 = arith.andi %parallel_loop3A_1259, %parallel_loop3A_1254 : i1
        %parallel_loop3A_1261 = arith.addi %parallel_loop3A_1252, %parallel_loop3A_1251 : i32
        %parallel_loop3A_1262 = arith.select %parallel_loop3A_1260, %parallel_loop3A_1261, %parallel_loop3A_1252 : i32
        %parallel_loop3A_1263 = arith.constant 16 : i32
        %parallel_loop3A_1264 = arith.muli %parallel_loop3A_1262, %parallel_loop3A_1263 : i32
        %parallel_loop3A_1265 = tpu.assume_multiple %parallel_loop3A_1264, 16 : i32
        %parallel_loop3A_1266 = arith.constant 4 : i32
        %parallel_loop3A_1267 = arith.addi %parallel_loop3A_1266, %parallel_loop3A_1246 : i32
        %parallel_loop3A_1268 = arith.index_cast %parallel_loop3A_1267 : i32 to index
        %parallel_loop3A_1269 = arith.index_cast %parallel_loop3A_1265 : i32 to index
        %parallel_loop3A_1270 = tpu.vector_load %arg5[%parallel_loop3A_1268, %parallel_loop3A_1269] {strides = array<i32>} : memref<8x1025xi32, #tpu.memory_space<vmem>>, vector<16xi32>,
        %parallel_loop3A_1271 = arith.constant 0 : i32
        %parallel_loop3A_1272 = vector.broadcast %parallel_loop3A_1271 : i32 to vector<16xi32>
        %parallel_loop3A_1273 = arith.addi %parallel_loop3A_1270, %parallel_loop3A_1272 : vector<16xi32>
        %parallel_loop3A_1274 = tpu.vector_load_idx %arg8[%parallel_loop3A_1273] : memref<1024xf32, #tpu.memory_space<vmem>>[vector<16xi32>], vector<16xf32>,
        %parallel_loop3A_1275 = arith.constant 0 : i32
        %parallel_loop3A_1276 = arith.index_cast %parallel_loop3A_1246 : i32 to index
        %parallel_loop3A_1277 = arith.index_cast %parallel_loop3A_1275 : i32 to index
        %parallel_loop3A_1278 = arith.index_cast %parallel_loop3A_1265 : i32 to index
        %parallel_loop3A_1279 = tpu.vector_load %arg6[%parallel_loop3A_1276, %parallel_loop3A_1277, %parallel_loop3A_1278] {strides = array<i32>} : memref<2x16x1025xf32, #tpu.memory_space<vmem>>, vector<16xf32>,
        tpu.vector_store %arg6[%parallel_loop3A_1276, %parallel_loop3A_1277, %parallel_loop3A_1278], %parallel_loop3A_1274 {strides = array<i32>} : memref<2x16x1025xf32, #tpu.memory_space<vmem>>, vector<16xf32>,
        %parallel_loop3A_1280 = arith.constant 64 : i32
        %parallel_loop3A_1281 = vector.broadcast %parallel_loop3A_1280 : i32 to vector<16xi32>
        %parallel_loop3A_1282 = arith.addi %parallel_loop3A_1270, %parallel_loop3A_1281 : vector<16xi32>
        %parallel_loop3A_1283 = tpu.vector_load_idx %arg8[%parallel_loop3A_1282] : memref<1024xf32, #tpu.memory_space<vmem>>[vector<16xi32>], vector<16xf32>,
        %parallel_loop3A_1284 = arith.constant 1 : i32
        %parallel_loop3A_1285 = arith.index_cast %parallel_loop3A_1246 : i32 to index
        %parallel_loop3A_1286 = arith.index_cast %parallel_loop3A_1284 : i32 to index
        %parallel_loop3A_1287 = arith.index_cast %parallel_loop3A_1265 : i32 to index
        %parallel_loop3A_1288 = tpu.vector_load %arg6[%parallel_loop3A_1285, %parallel_loop3A_1286, %parallel_loop3A_1287] {strides = array<i32>} : memref<2x16x1025xf32, #tpu.memory_space<vmem>>, vector<16xf32>,
        tpu.vector_store %arg6[%parallel_loop3A_1285, %parallel_loop3A_1286, %parallel_loop3A_1287], %parallel_loop3A_1283 {strides = array<i32>} : memref<2x16x1025xf32, #tpu.memory_space<vmem>>, vector<16xf32>,
        %parallel_loop3A_1289 = arith.constant 128 : i32
        %parallel_loop3A_1290 = vector.broadcast %parallel_loop3A_1289 : i32 to vector<16xi32>
        %parallel_loop3A_1291 = arith.addi %parallel_loop3A_1270, %parallel_loop3A_1290 : vector<16xi32>
        %parallel_loop3A_1292 = tpu.vector_load_idx %arg8[%parallel_loop3A_1291] : memref<1024xf32, #tpu.memory_space<vmem>>[vector<16xi32>], vector<16xf32>,
        %parallel_loop3A_1293 = arith.constant 2 : i32
        %parallel_loop3A_1294 = arith.index_cast %parallel_loop3A_1246 : i32 to index
        %parallel_loop3A_1295 = arith.index_cast %parallel_loop3A_1293 : i32 to index
        %parallel_loop3A_1296 = arith.index_cast %parallel_loop3A_1265 : i32 to index
        %parallel_loop3A_1297 = tpu.vector_load %arg6[%parallel_loop3A_1294, %parallel_loop3A_1295, %parallel_loop3A_1296] {strides = array<i32>} : memref<2x16x1025xf32, #tpu.memory_space<vmem>>, vector<16xf32>,
        tpu.vector_store %arg6[%parallel_loop3A_1294, %parallel_loop3A_1295, %parallel_loop3A_1296], %parallel_loop3A_1292 {strides = array<i32>} : memref<2x16x1025xf32, #tpu.memory_space<vmem>>, vector<16xf32>,
        %parallel_loop3A_1298 = arith.constant 192 : i32
        %parallel_loop3A_1299 = vector.broadcast %parallel_loop3A_1298 : i32 to vector<16xi32>
        %parallel_loop3A_1300 = arith.addi %parallel_loop3A_1270, %parallel_loop3A_1299 : vector<16xi32>
        %parallel_loop3A_1301 = tpu.vector_load_idx %arg8[%parallel_loop3A_1300] : memref<1024xf32, #tpu.memory_space<vmem>>[vector<16xi32>], vector<16xf32>,
        %parallel_loop3A_1302 = arith.constant 3 : i32
        %parallel_loop3A_1303 = arith.index_cast %parallel_loop3A_1246 : i32 to index
        %parallel_loop3A_1304 = arith.index_cast %parallel_loop3A_1302 : i32 to index
        %parallel_loop3A_1305 = arith.index_cast %parallel_loop3A_1265 : i32 to index
        %parallel_loop3A_1306 = tpu.vector_load %arg6[%parallel_loop3A_1303, %parallel_loop3A_1304, %parallel_loop3A_1305] {strides = array<i32>} : memref<2x16x1025xf32, #tpu.memory_space<vmem>>, vector<16xf32>,
        tpu.vector_store %arg6[%parallel_loop3A_1303, %parallel_loop3A_1304, %parallel_loop3A_1305], %parallel_loop3A_1301 {strides = array<i32>} : memref<2x16x1025xf32, #tpu.memory_space<vmem>>, vector<16xf32>,
        %parallel_loop3A_1307 = arith.constant 256 : i32
        %parallel_loop3A_1308 = vector.broadcast %parallel_loop3A_1307 : i32 to vector<16xi32>
        %parallel_loop3A_1309 = arith.addi %parallel_loop3A_1270, %parallel_loop3A_1308 : vector<16xi32>
        %parallel_loop3A_1310 = tpu.vector_load_idx %arg8[%parallel_loop3A_1309] : memref<1024xf32, #tpu.memory_space<vmem>>[vector<16xi32>], vector<16xf32>,
        %parallel_loop3A_1311 = arith.constant 4 : i32
        %parallel_loop3A_1312 = arith.index_cast %parallel_loop3A_1246 : i32 to index
        %parallel_loop3A_1313 = arith.index_cast %parallel_loop3A_1311 : i32 to index
        %parallel_loop3A_1314 = arith.index_cast %parallel_loop3A_1265 : i32 to index
        %parallel_loop3A_1315 = tpu.vector_load %arg6[%parallel_loop3A_1312, %parallel_loop3A_1313, %parallel_loop3A_1314] {strides = array<i32>} : memref<2x16x1025xf32, #tpu.memory_space<vmem>>, vector<16xf32>,
        tpu.vector_store %arg6[%parallel_loop3A_1312, %parallel_loop3A_1313, %parallel_loop3A_1314], %parallel_loop3A_1310 {strides = array<i32>} : memref<2x16x1025xf32, #tpu.memory_space<vmem>>, vector<16xf32>,
        %parallel_loop3A_1316 = arith.constant 320 : i32
        %parallel_loop3A_1317 = vector.broadcast %parallel_loop3A_1316 : i32 to vector<16xi32>
        %parallel_loop3A_1318 = arith.addi %parallel_loop3A_1270, %parallel_loop3A_1317 : vector<16xi32>
        %parallel_loop3A_1319 = tpu.vector_load_idx %arg8[%parallel_loop3A_1318] : memref<1024xf32, #tpu.memory_space<vmem>>[vector<16xi32>], vector<16xf32>,
        %parallel_loop3A_1320 = arith.constant 5 : i32
        %parallel_loop3A_1321 = arith.index_cast %parallel_loop3A_1246 : i32 to index
        %parallel_loop3A_1322 = arith.index_cast %parallel_loop3A_1320 : i32 to index
        %parallel_loop3A_1323 = arith.index_cast %parallel_loop3A_1265 : i32 to index
        %parallel_loop3A_1324 = tpu.vector_load %arg6[%parallel_loop3A_1321, %parallel_loop3A_1322, %parallel_loop3A_1323] {strides = array<i32>} : memref<2x16x1025xf32, #tpu.memory_space<vmem>>, vector<16xf32>,
        tpu.vector_store %arg6[%parallel_loop3A_1321, %parallel_loop3A_1322, %parallel_loop3A_1323], %parallel_loop3A_1319 {strides = array<i32>} : memref<2x16x1025xf32, #tpu.memory_space<vmem>>, vector<16xf32>,
        %parallel_loop3A_1325 = arith.constant 384 : i32
        %parallel_loop3A_1326 = vector.broadcast %parallel_loop3A_1325 : i32 to vector<16xi32>
        %parallel_loop3A_1327 = arith.addi %parallel_loop3A_1270, %parallel_loop3A_1326 : vector<16xi32>
        %parallel_loop3A_1328 = tpu.vector_load_idx %arg8[%parallel_loop3A_1327] : memref<1024xf32, #tpu.memory_space<vmem>>[vector<16xi32>], vector<16xf32>,
        %parallel_loop3A_1329 = arith.constant 6 : i32
        %parallel_loop3A_1330 = arith.index_cast %parallel_loop3A_1246 : i32 to index
        %parallel_loop3A_1331 = arith.index_cast %parallel_loop3A_1329 : i32 to index
        %parallel_loop3A_1332 = arith.index_cast %parallel_loop3A_1265 : i32 to index
        %parallel_loop3A_1333 = tpu.vector_load %arg6[%parallel_loop3A_1330, %parallel_loop3A_1331, %parallel_loop3A_1332] {strides = array<i32>} : memref<2x16x1025xf32, #tpu.memory_space<vmem>>, vector<16xf32>,
        tpu.vector_store %arg6[%parallel_loop3A_1330, %parallel_loop3A_1331, %parallel_loop3A_1332], %parallel_loop3A_1328 {strides = array<i32>} : memref<2x16x1025xf32, #tpu.memory_space<vmem>>, vector<16xf32>,
        %parallel_loop3A_1334 = arith.constant 448 : i32
        %parallel_loop3A_1335 = vector.broadcast %parallel_loop3A_1334 : i32 to vector<16xi32>
        %parallel_loop3A_1336 = arith.addi %parallel_loop3A_1270, %parallel_loop3A_1335 : vector<16xi32>
        %parallel_loop3A_1337 = tpu.vector_load_idx %arg8[%parallel_loop3A_1336] : memref<1024xf32, #tpu.memory_space<vmem>>[vector<16xi32>], vector<16xf32>,
        %parallel_loop3A_1338 = arith.constant 7 : i32
        %parallel_loop3A_1339 = arith.index_cast %parallel_loop3A_1246 : i32 to index
        %parallel_loop3A_1340 = arith.index_cast %parallel_loop3A_1338 : i32 to index
        %parallel_loop3A_1341 = arith.index_cast %parallel_loop3A_1265 : i32 to index
        %parallel_loop3A_1342 = tpu.vector_load %arg6[%parallel_loop3A_1339, %parallel_loop3A_1340, %parallel_loop3A_1341] {strides = array<i32>} : memref<2x16x1025xf32, #tpu.memory_space<vmem>>, vector<16xf32>,
        tpu.vector_store %arg6[%parallel_loop3A_1339, %parallel_loop3A_1340, %parallel_loop3A_1341], %parallel_loop3A_1337 {strides = array<i32>} : memref<2x16x1025xf32, #tpu.memory_space<vmem>>, vector<16xf32>,
        %parallel_loop3A_1343 = arith.constant 512 : i32
        %parallel_loop3A_1344 = vector.broadcast %parallel_loop3A_1343 : i32 to vector<16xi32>
        %parallel_loop3A_1345 = arith.addi %parallel_loop3A_1270, %parallel_loop3A_1344 : vector<16xi32>
        %parallel_loop3A_1346 = tpu.vector_load_idx %arg8[%parallel_loop3A_1345] : memref<1024xf32, #tpu.memory_space<vmem>>[vector<16xi32>], vector<16xf32>,
        %parallel_loop3A_1347 = arith.constant 8 : i32
        %parallel_loop3A_1348 = arith.index_cast %parallel_loop3A_1246 : i32 to index
        %parallel_loop3A_1349 = arith.index_cast %parallel_loop3A_1347 : i32 to index
        %parallel_loop3A_1350 = arith.index_cast %parallel_loop3A_1265 : i32 to index
        %parallel_loop3A_1351 = tpu.vector_load %arg6[%parallel_loop3A_1348, %parallel_loop3A_1349, %parallel_loop3A_1350] {strides = array<i32>} : memref<2x16x1025xf32, #tpu.memory_space<vmem>>, vector<16xf32>,
        tpu.vector_store %arg6[%parallel_loop3A_1348, %parallel_loop3A_1349, %parallel_loop3A_1350], %parallel_loop3A_1346 {strides = array<i32>} : memref<2x16x1025xf32, #tpu.memory_space<vmem>>, vector<16xf32>,
        %parallel_loop3A_1352 = arith.constant 576 : i32
        %parallel_loop3A_1353 = vector.broadcast %parallel_loop3A_1352 : i32 to vector<16xi32>
        %parallel_loop3A_1354 = arith.addi %parallel_loop3A_1270, %parallel_loop3A_1353 : vector<16xi32>
        %parallel_loop3A_1355 = tpu.vector_load_idx %arg8[%parallel_loop3A_1354] : memref<1024xf32, #tpu.memory_space<vmem>>[vector<16xi32>], vector<16xf32>,
        %parallel_loop3A_1356 = arith.constant 9 : i32
        %parallel_loop3A_1357 = arith.index_cast %parallel_loop3A_1246 : i32 to index
        %parallel_loop3A_1358 = arith.index_cast %parallel_loop3A_1356 : i32 to index
        %parallel_loop3A_1359 = arith.index_cast %parallel_loop3A_1265 : i32 to index
        %parallel_loop3A_1360 = tpu.vector_load %arg6[%parallel_loop3A_1357, %parallel_loop3A_1358, %parallel_loop3A_1359] {strides = array<i32>} : memref<2x16x1025xf32, #tpu.memory_space<vmem>>, vector<16xf32>,
        tpu.vector_store %arg6[%parallel_loop3A_1357, %parallel_loop3A_1358, %parallel_loop3A_1359], %parallel_loop3A_1355 {strides = array<i32>} : memref<2x16x1025xf32, #tpu.memory_space<vmem>>, vector<16xf32>,
        %parallel_loop3A_1361 = arith.constant 640 : i32
        %parallel_loop3A_1362 = vector.broadcast %parallel_loop3A_1361 : i32 to vector<16xi32>
        %parallel_loop3A_1363 = arith.addi %parallel_loop3A_1270, %parallel_loop3A_1362 : vector<16xi32>
        %parallel_loop3A_1364 = tpu.vector_load_idx %arg8[%parallel_loop3A_1363] : memref<1024xf32, #tpu.memory_space<vmem>>[vector<16xi32>], vector<16xf32>,
        %parallel_loop3A_1365 = arith.constant 10 : i32
        %parallel_loop3A_1366 = arith.index_cast %parallel_loop3A_1246 : i32 to index
        %parallel_loop3A_1367 = arith.index_cast %parallel_loop3A_1365 : i32 to index
        %parallel_loop3A_1368 = arith.index_cast %parallel_loop3A_1265 : i32 to index
        %parallel_loop3A_1369 = tpu.vector_load %arg6[%parallel_loop3A_1366, %parallel_loop3A_1367, %parallel_loop3A_1368] {strides = array<i32>} : memref<2x16x1025xf32, #tpu.memory_space<vmem>>, vector<16xf32>,
        tpu.vector_store %arg6[%parallel_loop3A_1366, %parallel_loop3A_1367, %parallel_loop3A_1368], %parallel_loop3A_1364 {strides = array<i32>} : memref<2x16x1025xf32, #tpu.memory_space<vmem>>, vector<16xf32>,
        %parallel_loop3A_1370 = arith.constant 704 : i32
        %parallel_loop3A_1371 = vector.broadcast %parallel_loop3A_1370 : i32 to vector<16xi32>
        %parallel_loop3A_1372 = arith.addi %parallel_loop3A_1270, %parallel_loop3A_1371 : vector<16xi32>
        %parallel_loop3A_1373 = tpu.vector_load_idx %arg8[%parallel_loop3A_1372] : memref<1024xf32, #tpu.memory_space<vmem>>[vector<16xi32>], vector<16xf32>,
        %parallel_loop3A_1374 = arith.constant 11 : i32
        %parallel_loop3A_1375 = arith.index_cast %parallel_loop3A_1246 : i32 to index
        %parallel_loop3A_1376 = arith.index_cast %parallel_loop3A_1374 : i32 to index
        %parallel_loop3A_1377 = arith.index_cast %parallel_loop3A_1265 : i32 to index
        %parallel_loop3A_1378 = tpu.vector_load %arg6[%parallel_loop3A_1375, %parallel_loop3A_1376, %parallel_loop3A_1377] {strides = array<i32>} : memref<2x16x1025xf32, #tpu.memory_space<vmem>>, vector<16xf32>,
        tpu.vector_store %arg6[%parallel_loop3A_1375, %parallel_loop3A_1376, %parallel_loop3A_1377], %parallel_loop3A_1373 {strides = array<i32>} : memref<2x16x1025xf32, #tpu.memory_space<vmem>>, vector<16xf32>,
        %parallel_loop3A_1379 = arith.constant 768 : i32
        %parallel_loop3A_1380 = vector.broadcast %parallel_loop3A_1379 : i32 to vector<16xi32>
        %parallel_loop3A_1381 = arith.addi %parallel_loop3A_1270, %parallel_loop3A_1380 : vector<16xi32>
        %parallel_loop3A_1382 = tpu.vector_load_idx %arg8[%parallel_loop3A_1381] : memref<1024xf32, #tpu.memory_space<vmem>>[vector<16xi32>], vector<16xf32>,
        %parallel_loop3A_1383 = arith.constant 12 : i32
        %parallel_loop3A_1384 = arith.index_cast %parallel_loop3A_1246 : i32 to index
        %parallel_loop3A_1385 = arith.index_cast %parallel_loop3A_1383 : i32 to index
        %parallel_loop3A_1386 = arith.index_cast %parallel_loop3A_1265 : i32 to index
        %parallel_loop3A_1387 = tpu.vector_load %arg6[%parallel_loop3A_1384, %parallel_loop3A_1385, %parallel_loop3A_1386] {strides = array<i32>} : memref<2x16x1025xf32, #tpu.memory_space<vmem>>, vector<16xf32>,
        tpu.vector_store %arg6[%parallel_loop3A_1384, %parallel_loop3A_1385, %parallel_loop3A_1386], %parallel_loop3A_1382 {strides = array<i32>} : memref<2x16x1025xf32, #tpu.memory_space<vmem>>, vector<16xf32>,
        %parallel_loop3A_1388 = arith.constant 832 : i32
        %parallel_loop3A_1389 = vector.broadcast %parallel_loop3A_1388 : i32 to vector<16xi32>
        %parallel_loop3A_1390 = arith.addi %parallel_loop3A_1270, %parallel_loop3A_1389 : vector<16xi32>
        %parallel_loop3A_1391 = tpu.vector_load_idx %arg8[%parallel_loop3A_1390] : memref<1024xf32, #tpu.memory_space<vmem>>[vector<16xi32>], vector<16xf32>,
        %parallel_loop3A_1392 = arith.constant 13 : i32
        %parallel_loop3A_1393 = arith.index_cast %parallel_loop3A_1246 : i32 to index
        %parallel_loop3A_1394 = arith.index_cast %parallel_loop3A_1392 : i32 to index
        %parallel_loop3A_1395 = arith.index_cast %parallel_loop3A_1265 : i32 to index
        %parallel_loop3A_1396 = tpu.vector_load %arg6[%parallel_loop3A_1393, %parallel_loop3A_1394, %parallel_loop3A_1395] {strides = array<i32>} : memref<2x16x1025xf32, #tpu.memory_space<vmem>>, vector<16xf32>,
        tpu.vector_store %arg6[%parallel_loop3A_1393, %parallel_loop3A_1394, %parallel_loop3A_1395], %parallel_loop3A_1391 {strides = array<i32>} : memref<2x16x1025xf32, #tpu.memory_space<vmem>>, vector<16xf32>,
        %parallel_loop3A_1397 = arith.constant 896 : i32
        %parallel_loop3A_1398 = vector.broadcast %parallel_loop3A_1397 : i32 to vector<16xi32>
        %parallel_loop3A_1399 = arith.addi %parallel_loop3A_1270, %parallel_loop3A_1398 : vector<16xi32>
        %parallel_loop3A_1400 = tpu.vector_load_idx %arg8[%parallel_loop3A_1399] : memref<1024xf32, #tpu.memory_space<vmem>>[vector<16xi32>], vector<16xf32>,
        %parallel_loop3A_1401 = arith.constant 14 : i32
        %parallel_loop3A_1402 = arith.index_cast %parallel_loop3A_1246 : i32 to index
        %parallel_loop3A_1403 = arith.index_cast %parallel_loop3A_1401 : i32 to index
        %parallel_loop3A_1404 = arith.index_cast %parallel_loop3A_1265 : i32 to index
        %parallel_loop3A_1405 = tpu.vector_load %arg6[%parallel_loop3A_1402, %parallel_loop3A_1403, %parallel_loop3A_1404] {strides = array<i32>} : memref<2x16x1025xf32, #tpu.memory_space<vmem>>, vector<16xf32>,
        tpu.vector_store %arg6[%parallel_loop3A_1402, %parallel_loop3A_1403, %parallel_loop3A_1404], %parallel_loop3A_1400 {strides = array<i32>} : memref<2x16x1025xf32, #tpu.memory_space<vmem>>, vector<16xf32>,
        %parallel_loop3A_1406 = arith.constant 960 : i32
        %parallel_loop3A_1407 = vector.broadcast %parallel_loop3A_1406 : i32 to vector<16xi32>
        %parallel_loop3A_1408 = arith.addi %parallel_loop3A_1270, %parallel_loop3A_1407 : vector<16xi32>
        %parallel_loop3A_1409 = tpu.vector_load_idx %arg8[%parallel_loop3A_1408] : memref<1024xf32, #tpu.memory_space<vmem>>[vector<16xi32>], vector<16xf32>,
        %parallel_loop3A_1410 = arith.constant 15 : i32
        %parallel_loop3A_1411 = arith.index_cast %parallel_loop3A_1246 : i32 to index
        %parallel_loop3A_1412 = arith.index_cast %parallel_loop3A_1410 : i32 to index
        %parallel_loop3A_1413 = arith.index_cast %parallel_loop3A_1265 : i32 to index
        %parallel_loop3A_1414 = tpu.vector_load %arg6[%parallel_loop3A_1411, %parallel_loop3A_1412, %parallel_loop3A_1413] {strides = array<i32>} : memref<2x16x1025xf32, #tpu.memory_space<vmem>>, vector<16xf32>,
        tpu.vector_store %arg6[%parallel_loop3A_1411, %parallel_loop3A_1412, %parallel_loop3A_1413], %parallel_loop3A_1409 {strides = array<i32>} : memref<2x16x1025xf32, #tpu.memory_space<vmem>>, vector<16xf32>,
      } {sc.loop_unroll_factor = 4 : i64, sc.parallel_access}
      %broadcast_in_dim3A_650 = arith.constant 4 : i32
      %broadcast_in_dim3A_651 = vector.broadcast %broadcast_in_dim3A_650 : i32 to vector<16xi32>
      %gather3A_652 = tpu.vector_load_idx %arg5[%broadcast_in_dim3A_651, %add3A_3] : memref<8x1025xi32, #tpu.memory_space<vmem>>[vector<16xi32>, vector<16xi32>], vector<16xi32>,
      %add3A_653 = arith.constant 0 : i32
      %add3A_654 = vector.broadcast %add3A_653 : i32 to vector<16xi32>
      %add3A_655 = arith.addi %gather3A_652, %add3A_654 : vector<16xi32>
      %gather3A_656 = tpu.vector_load_idx %arg8[%add3A_655] : memref<1024xf32, #tpu.memory_space<vmem>>[vector<16xi32>], vector<16xf32>,
      %broadcast_in_dim3A_657 = arith.constant 0 : i32
      %broadcast_in_dim3A_658 = vector.broadcast %broadcast_in_dim3A_657 : i32 to vector<16xi32>
      %broadcast_in_dim3A_659 = arith.constant 0 : i32
      %broadcast_in_dim3A_660 = vector.broadcast %broadcast_in_dim3A_659 : i32 to vector<16xi32>
      tpu.vector_store_idx %arg6[%broadcast_in_dim3A_658, %broadcast_in_dim3A_660, %add3A_3], %gather3A_656 : memref<2x16x1025xf32, #tpu.memory_space<vmem>>[vector<16xi32>, vector<16xi32>, vector<16xi32>], vector<16xf32>,
      %add3A_661 = arith.constant 64 : i32
      %add3A_662 = vector.broadcast %add3A_661 : i32 to vector<16xi32>
      %add3A_663 = arith.addi %gather3A_652, %add3A_662 : vector<16xi32>
      %gather3A_664 = tpu.vector_load_idx %arg8[%add3A_663] : memref<1024xf32, #tpu.memory_space<vmem>>[vector<16xi32>], vector<16xf32>,
      %broadcast_in_dim3A_665 = arith.constant 0 : i32
      %broadcast_in_dim3A_666 = vector.broadcast %broadcast_in_dim3A_665 : i32 to vector<16xi32>
      %broadcast_in_dim3A_667 = arith.constant 1 : i32
      %broadcast_in_dim3A_668 = vector.broadcast %broadcast_in_dim3A_667 : i32 to vector<16xi32>
      tpu.vector_store_idx %arg6[%broadcast_in_dim3A_666, %broadcast_in_dim3A_668, %add3A_3], %gather3A_664 : memref<2x16x1025xf32, #tpu.memory_space<vmem>>[vector<16xi32>, vector<16xi32>, vector<16xi32>], vector<16xf32>,
      %add3A_669 = arith.constant 128 : i32
      %add3A_670 = vector.broadcast %add3A_669 : i32 to vector<16xi32>
      %add3A_671 = arith.addi %gather3A_652, %add3A_670 : vector<16xi32>
      %gather3A_672 = tpu.vector_load_idx %arg8[%add3A_671] : memref<1024xf32, #tpu.memory_space<vmem>>[vector<16xi32>], vector<16xf32>,
      %broadcast_in_dim3A_673 = arith.constant 0 : i32
      %broadcast_in_dim3A_674 = vector.broadcast %broadcast_in_dim3A_673 : i32 to vector<16xi32>
      %broadcast_in_dim3A_675 = arith.constant 2 : i32
      %broadcast_in_dim3A_676 = vector.broadcast %broadcast_in_dim3A_675 : i32 to vector<16xi32>
      tpu.vector_store_idx %arg6[%broadcast_in_dim3A_674, %broadcast_in_dim3A_676, %add3A_3], %gather3A_672 : memref<2x16x1025xf32, #tpu.memory_space<vmem>>[vector<16xi32>, vector<16xi32>, vector<16xi32>], vector<16xf32>,
      %add3A_677 = arith.constant 192 : i32
      %add3A_678 = vector.broadcast %add3A_677 : i32 to vector<16xi32>
      %add3A_679 = arith.addi %gather3A_652, %add3A_678 : vector<16xi32>
      %gather3A_680 = tpu.vector_load_idx %arg8[%add3A_679] : memref<1024xf32, #tpu.memory_space<vmem>>[vector<16xi32>], vector<16xf32>,
      %broadcast_in_dim3A_681 = arith.constant 0 : i32
      %broadcast_in_dim3A_682 = vector.broadcast %broadcast_in_dim3A_681 : i32 to vector<16xi32>
      %broadcast_in_dim3A_683 = arith.constant 3 : i32
      %broadcast_in_dim3A_684 = vector.broadcast %broadcast_in_dim3A_683 : i32 to vector<16xi32>
      tpu.vector_store_idx %arg6[%broadcast_in_dim3A_682, %broadcast_in_dim3A_684, %add3A_3], %gather3A_680 : memref<2x16x1025xf32, #tpu.memory_space<vmem>>[vector<16xi32>, vector<16xi32>, vector<16xi32>], vector<16xf32>,
      %add3A_685 = arith.constant 256 : i32
      %add3A_686 = vector.broadcast %add3A_685 : i32 to vector<16xi32>
      %add3A_687 = arith.addi %gather3A_652, %add3A_686 : vector<16xi32>
      %gather3A_688 = tpu.vector_load_idx %arg8[%add3A_687] : memref<1024xf32, #tpu.memory_space<vmem>>[vector<16xi32>], vector<16xf32>,
      %broadcast_in_dim3A_689 = arith.constant 0 : i32
      %broadcast_in_dim3A_690 = vector.broadcast %broadcast_in_dim3A_689 : i32 to vector<16xi32>
      %broadcast_in_dim3A_691 = arith.constant 4 : i32
      %broadcast_in_dim3A_692 = vector.broadcast %broadcast_in_dim3A_691 : i32 to vector<16xi32>
      tpu.vector_store_idx %arg6[%broadcast_in_dim3A_690, %broadcast_in_dim3A_692, %add3A_3], %gather3A_688 : memref<2x16x1025xf32, #tpu.memory_space<vmem>>[vector<16xi32>, vector<16xi32>, vector<16xi32>], vector<16xf32>,
      %add3A_693 = arith.constant 320 : i32
      %add3A_694 = vector.broadcast %add3A_693 : i32 to vector<16xi32>
      %add3A_695 = arith.addi %gather3A_652, %add3A_694 : vector<16xi32>
      %gather3A_696 = tpu.vector_load_idx %arg8[%add3A_695] : memref<1024xf32, #tpu.memory_space<vmem>>[vector<16xi32>], vector<16xf32>,
      %broadcast_in_dim3A_697 = arith.constant 0 : i32
      %broadcast_in_dim3A_698 = vector.broadcast %broadcast_in_dim3A_697 : i32 to vector<16xi32>
      %broadcast_in_dim3A_699 = arith.constant 5 : i32
      %broadcast_in_dim3A_700 = vector.broadcast %broadcast_in_dim3A_699 : i32 to vector<16xi32>
      tpu.vector_store_idx %arg6[%broadcast_in_dim3A_698, %broadcast_in_dim3A_700, %add3A_3], %gather3A_696 : memref<2x16x1025xf32, #tpu.memory_space<vmem>>[vector<16xi32>, vector<16xi32>, vector<16xi32>], vector<16xf32>,
      %add3A_701 = arith.constant 384 : i32
      %add3A_702 = vector.broadcast %add3A_701 : i32 to vector<16xi32>
      %add3A_703 = arith.addi %gather3A_652, %add3A_702 : vector<16xi32>
      %gather3A_704 = tpu.vector_load_idx %arg8[%add3A_703] : memref<1024xf32, #tpu.memory_space<vmem>>[vector<16xi32>], vector<16xf32>,
      %broadcast_in_dim3A_705 = arith.constant 0 : i32
      %broadcast_in_dim3A_706 = vector.broadcast %broadcast_in_dim3A_705 : i32 to vector<16xi32>
      %broadcast_in_dim3A_707 = arith.constant 6 : i32
      %broadcast_in_dim3A_708 = vector.broadcast %broadcast_in_dim3A_707 : i32 to vector<16xi32>
      tpu.vector_store_idx %arg6[%broadcast_in_dim3A_706, %broadcast_in_dim3A_708, %add3A_3], %gather3A_704 : memref<2x16x1025xf32, #tpu.memory_space<vmem>>[vector<16xi32>, vector<16xi32>, vector<16xi32>], vector<16xf32>,
      %add3A_709 = arith.constant 448 : i32
      %add3A_710 = vector.broadcast %add3A_709 : i32 to vector<16xi32>
      %add3A_711 = arith.addi %gather3A_652, %add3A_710 : vector<16xi32>
      %gather3A_712 = tpu.vector_load_idx %arg8[%add3A_711] : memref<1024xf32, #tpu.memory_space<vmem>>[vector<16xi32>], vector<16xf32>,
      %broadcast_in_dim3A_713 = arith.constant 0 : i32
      %broadcast_in_dim3A_714 = vector.broadcast %broadcast_in_dim3A_713 : i32 to vector<16xi32>
      %broadcast_in_dim3A_715 = arith.constant 7 : i32
      %broadcast_in_dim3A_716 = vector.broadcast %broadcast_in_dim3A_715 : i32 to vector<16xi32>
      tpu.vector_store_idx %arg6[%broadcast_in_dim3A_714, %broadcast_in_dim3A_716, %add3A_3], %gather3A_712 : memref<2x16x1025xf32, #tpu.memory_space<vmem>>[vector<16xi32>, vector<16xi32>, vector<16xi32>], vector<16xf32>,
      %add3A_717 = arith.constant 512 : i32
      %add3A_718 = vector.broadcast %add3A_717 : i32 to vector<16xi32>
      %add3A_719 = arith.addi %gather3A_652, %add3A_718 : vector<16xi32>
      %gather3A_720 = tpu.vector_load_idx %arg8[%add3A_719] : memref<1024xf32, #tpu.memory_space<vmem>>[vector<16xi32>], vector<16xf32>,
      %broadcast_in_dim3A_721 = arith.constant 0 : i32
      %broadcast_in_dim3A_722 = vector.broadcast %broadcast_in_dim3A_721 : i32 to vector<16xi32>
      %broadcast_in_dim3A_723 = arith.constant 8 : i32
      %broadcast_in_dim3A_724 = vector.broadcast %broadcast_in_dim3A_723 : i32 to vector<16xi32>
      tpu.vector_store_idx %arg6[%broadcast_in_dim3A_722, %broadcast_in_dim3A_724, %add3A_3], %gather3A_720 : memref<2x16x1025xf32, #tpu.memory_space<vmem>>[vector<16xi32>, vector<16xi32>, vector<16xi32>], vector<16xf32>,
      %add3A_725 = arith.constant 576 : i32
      %add3A_726 = vector.broadcast %add3A_725 : i32 to vector<16xi32>
      %add3A_727 = arith.addi %gather3A_652, %add3A_726 : vector<16xi32>
      %gather3A_728 = tpu.vector_load_idx %arg8[%add3A_727] : memref<1024xf32, #tpu.memory_space<vmem>>[vector<16xi32>], vector<16xf32>,
      %broadcast_in_dim3A_729 = arith.constant 0 : i32
      %broadcast_in_dim3A_730 = vector.broadcast %broadcast_in_dim3A_729 : i32 to vector<16xi32>
      %broadcast_in_dim3A_731 = arith.constant 9 : i32
      %broadcast_in_dim3A_732 = vector.broadcast %broadcast_in_dim3A_731 : i32 to vector<16xi32>
      tpu.vector_store_idx %arg6[%broadcast_in_dim3A_730, %broadcast_in_dim3A_732, %add3A_3], %gather3A_728 : memref<2x16x1025xf32, #tpu.memory_space<vmem>>[vector<16xi32>, vector<16xi32>, vector<16xi32>], vector<16xf32>,
      %add3A_733 = arith.constant 640 : i32
      %add3A_734 = vector.broadcast %add3A_733 : i32 to vector<16xi32>
      %add3A_735 = arith.addi %gather3A_652, %add3A_734 : vector<16xi32>
      %gather3A_736 = tpu.vector_load_idx %arg8[%add3A_735] : memref<1024xf32, #tpu.memory_space<vmem>>[vector<16xi32>], vector<16xf32>,
      %broadcast_in_dim3A_737 = arith.constant 0 : i32
      %broadcast_in_dim3A_738 = vector.broadcast %broadcast_in_dim3A_737 : i32 to vector<16xi32>
      %broadcast_in_dim3A_739 = arith.constant 10 : i32
      %broadcast_in_dim3A_740 = vector.broadcast %broadcast_in_dim3A_739 : i32 to vector<16xi32>
      tpu.vector_store_idx %arg6[%broadcast_in_dim3A_738, %broadcast_in_dim3A_740, %add3A_3], %gather3A_736 : memref<2x16x1025xf32, #tpu.memory_space<vmem>>[vector<16xi32>, vector<16xi32>, vector<16xi32>], vector<16xf32>,
      %add3A_741 = arith.constant 704 : i32
      %add3A_742 = vector.broadcast %add3A_741 : i32 to vector<16xi32>
      %add3A_743 = arith.addi %gather3A_652, %add3A_742 : vector<16xi32>
      %gather3A_744 = tpu.vector_load_idx %arg8[%add3A_743] : memref<1024xf32, #tpu.memory_space<vmem>>[vector<16xi32>], vector<16xf32>,
      %broadcast_in_dim3A_745 = arith.constant 0 : i32
      %broadcast_in_dim3A_746 = vector.broadcast %broadcast_in_dim3A_745 : i32 to vector<16xi32>
      %broadcast_in_dim3A_747 = arith.constant 11 : i32
      %broadcast_in_dim3A_748 = vector.broadcast %broadcast_in_dim3A_747 : i32 to vector<16xi32>
      tpu.vector_store_idx %arg6[%broadcast_in_dim3A_746, %broadcast_in_dim3A_748, %add3A_3], %gather3A_744 : memref<2x16x1025xf32, #tpu.memory_space<vmem>>[vector<16xi32>, vector<16xi32>, vector<16xi32>], vector<16xf32>,
      %add3A_749 = arith.constant 768 : i32
      %add3A_750 = vector.broadcast %add3A_749 : i32 to vector<16xi32>
      %add3A_751 = arith.addi %gather3A_652, %add3A_750 : vector<16xi32>
      %gather3A_752 = tpu.vector_load_idx %arg8[%add3A_751] : memref<1024xf32, #tpu.memory_space<vmem>>[vector<16xi32>], vector<16xf32>,
      %broadcast_in_dim3A_753 = arith.constant 0 : i32
      %broadcast_in_dim3A_754 = vector.broadcast %broadcast_in_dim3A_753 : i32 to vector<16xi32>
      %broadcast_in_dim3A_755 = arith.constant 12 : i32
      %broadcast_in_dim3A_756 = vector.broadcast %broadcast_in_dim3A_755 : i32 to vector<16xi32>
      tpu.vector_store_idx %arg6[%broadcast_in_dim3A_754, %broadcast_in_dim3A_756, %add3A_3], %gather3A_752 : memref<2x16x1025xf32, #tpu.memory_space<vmem>>[vector<16xi32>, vector<16xi32>, vector<16xi32>], vector<16xf32>,
      %add3A_757 = arith.constant 832 : i32
      %add3A_758 = vector.broadcast %add3A_757 : i32 to vector<16xi32>
      %add3A_759 = arith.addi %gather3A_652, %add3A_758 : vector<16xi32>
      %gather3A_760 = tpu.vector_load_idx %arg8[%add3A_759] : memref<1024xf32, #tpu.memory_space<vmem>>[vector<16xi32>], vector<16xf32>,
      %broadcast_in_dim3A_761 = arith.constant 0 : i32
      %broadcast_in_dim3A_762 = vector.broadcast %broadcast_in_dim3A_761 : i32 to vector<16xi32>
      %broadcast_in_dim3A_763 = arith.constant 13 : i32
      %broadcast_in_dim3A_764 = vector.broadcast %broadcast_in_dim3A_763 : i32 to vector<16xi32>
      tpu.vector_store_idx %arg6[%broadcast_in_dim3A_762, %broadcast_in_dim3A_764, %add3A_3], %gather3A_760 : memref<2x16x1025xf32, #tpu.memory_space<vmem>>[vector<16xi32>, vector<16xi32>, vector<16xi32>], vector<16xf32>,
      %add3A_765 = arith.constant 896 : i32
      %add3A_766 = vector.broadcast %add3A_765 : i32 to vector<16xi32>
      %add3A_767 = arith.addi %gather3A_652, %add3A_766 : vector<16xi32>
      %gather3A_768 = tpu.vector_load_idx %arg8[%add3A_767] : memref<1024xf32, #tpu.memory_space<vmem>>[vector<16xi32>], vector<16xf32>,
      %broadcast_in_dim3A_769 = arith.constant 0 : i32
      %broadcast_in_dim3A_770 = vector.broadcast %broadcast_in_dim3A_769 : i32 to vector<16xi32>
      %broadcast_in_dim3A_771 = arith.constant 14 : i32
      %broadcast_in_dim3A_772 = vector.broadcast %broadcast_in_dim3A_771 : i32 to vector<16xi32>
      tpu.vector_store_idx %arg6[%broadcast_in_dim3A_770, %broadcast_in_dim3A_772, %add3A_3], %gather3A_768 : memref<2x16x1025xf32, #tpu.memory_space<vmem>>[vector<16xi32>, vector<16xi32>, vector<16xi32>], vector<16xf32>,
      %add3A_773 = arith.constant 960 : i32
      %add3A_774 = vector.broadcast %add3A_773 : i32 to vector<16xi32>
      %add3A_775 = arith.addi %gather3A_652, %add3A_774 : vector<16xi32>
      %gather3A_776 = tpu.vector_load_idx %arg8[%add3A_775] : memref<1024xf32, #tpu.memory_space<vmem>>[vector<16xi32>], vector<16xf32>,
      %broadcast_in_dim3A_777 = arith.constant 0 : i32
      %broadcast_in_dim3A_778 = vector.broadcast %broadcast_in_dim3A_777 : i32 to vector<16xi32>
      %broadcast_in_dim3A_779 = arith.constant 15 : i32
      %broadcast_in_dim3A_780 = vector.broadcast %broadcast_in_dim3A_779 : i32 to vector<16xi32>
      tpu.vector_store_idx %arg6[%broadcast_in_dim3A_778, %broadcast_in_dim3A_780, %add3A_3], %gather3A_776 : memref<2x16x1025xf32, #tpu.memory_space<vmem>>[vector<16xi32>, vector<16xi32>, vector<16xi32>], vector<16xf32>,
      %broadcast_in_dim3A_781 = arith.constant 5 : i32
      %broadcast_in_dim3A_782 = vector.broadcast %broadcast_in_dim3A_781 : i32 to vector<16xi32>
      %gather3A_783 = tpu.vector_load_idx %arg5[%broadcast_in_dim3A_782, %add3A_3] : memref<8x1025xi32, #tpu.memory_space<vmem>>[vector<16xi32>, vector<16xi32>], vector<16xi32>,
      %add3A_784 = arith.constant 0 : i32
      %add3A_785 = vector.broadcast %add3A_784 : i32 to vector<16xi32>
      %add3A_786 = arith.addi %gather3A_783, %add3A_785 : vector<16xi32>
      %gather3A_787 = tpu.vector_load_idx %arg8[%add3A_786] : memref<1024xf32, #tpu.memory_space<vmem>>[vector<16xi32>], vector<16xf32>,
      %broadcast_in_dim3A_788 = arith.constant 1 : i32
      %broadcast_in_dim3A_789 = vector.broadcast %broadcast_in_dim3A_788 : i32 to vector<16xi32>
      %broadcast_in_dim3A_790 = arith.constant 0 : i32
      %broadcast_in_dim3A_791 = vector.broadcast %broadcast_in_dim3A_790 : i32 to vector<16xi32>
      tpu.vector_store_idx %arg6[%broadcast_in_dim3A_789, %broadcast_in_dim3A_791, %add3A_3], %gather3A_787 : memref<2x16x1025xf32, #tpu.memory_space<vmem>>[vector<16xi32>, vector<16xi32>, vector<16xi32>], vector<16xf32>,
      %add3A_792 = arith.constant 64 : i32
      %add3A_793 = vector.broadcast %add3A_792 : i32 to vector<16xi32>
      %add3A_794 = arith.addi %gather3A_783, %add3A_793 : vector<16xi32>
      %gather3A_795 = tpu.vector_load_idx %arg8[%add3A_794] : memref<1024xf32, #tpu.memory_space<vmem>>[vector<16xi32>], vector<16xf32>,
      %broadcast_in_dim3A_796 = arith.constant 1 : i32
      %broadcast_in_dim3A_797 = vector.broadcast %broadcast_in_dim3A_796 : i32 to vector<16xi32>
      %broadcast_in_dim3A_798 = arith.constant 1 : i32
      %broadcast_in_dim3A_799 = vector.broadcast %broadcast_in_dim3A_798 : i32 to vector<16xi32>
      tpu.vector_store_idx %arg6[%broadcast_in_dim3A_797, %broadcast_in_dim3A_799, %add3A_3], %gather3A_795 : memref<2x16x1025xf32, #tpu.memory_space<vmem>>[vector<16xi32>, vector<16xi32>, vector<16xi32>], vector<16xf32>,
      %add3A_800 = arith.constant 128 : i32
      %add3A_801 = vector.broadcast %add3A_800 : i32 to vector<16xi32>
      %add3A_802 = arith.addi %gather3A_783, %add3A_801 : vector<16xi32>
      %gather3A_803 = tpu.vector_load_idx %arg8[%add3A_802] : memref<1024xf32, #tpu.memory_space<vmem>>[vector<16xi32>], vector<16xf32>,
      %broadcast_in_dim3A_804 = arith.constant 1 : i32
      %broadcast_in_dim3A_805 = vector.broadcast %broadcast_in_dim3A_804 : i32 to vector<16xi32>
      %broadcast_in_dim3A_806 = arith.constant 2 : i32
      %broadcast_in_dim3A_807 = vector.broadcast %broadcast_in_dim3A_806 : i32 to vector<16xi32>
      tpu.vector_store_idx %arg6[%broadcast_in_dim3A_805, %broadcast_in_dim3A_807, %add3A_3], %gather3A_803 : memref<2x16x1025xf32, #tpu.memory_space<vmem>>[vector<16xi32>, vector<16xi32>, vector<16xi32>], vector<16xf32>,
      %add3A_808 = arith.constant 192 : i32
      %add3A_809 = vector.broadcast %add3A_808 : i32 to vector<16xi32>
      %add3A_810 = arith.addi %gather3A_783, %add3A_809 : vector<16xi32>
      %gather3A_811 = tpu.vector_load_idx %arg8[%add3A_810] : memref<1024xf32, #tpu.memory_space<vmem>>[vector<16xi32>], vector<16xf32>,
      %broadcast_in_dim3A_812 = arith.constant 1 : i32
      %broadcast_in_dim3A_813 = vector.broadcast %broadcast_in_dim3A_812 : i32 to vector<16xi32>
      %broadcast_in_dim3A_814 = arith.constant 3 : i32
      %broadcast_in_dim3A_815 = vector.broadcast %broadcast_in_dim3A_814 : i32 to vector<16xi32>
      tpu.vector_store_idx %arg6[%broadcast_in_dim3A_813, %broadcast_in_dim3A_815, %add3A_3], %gather3A_811 : memref<2x16x1025xf32, #tpu.memory_space<vmem>>[vector<16xi32>, vector<16xi32>, vector<16xi32>], vector<16xf32>,
      %add3A_816 = arith.constant 256 : i32
      %add3A_817 = vector.broadcast %add3A_816 : i32 to vector<16xi32>
      %add3A_818 = arith.addi %gather3A_783, %add3A_817 : vector<16xi32>
      %gather3A_819 = tpu.vector_load_idx %arg8[%add3A_818] : memref<1024xf32, #tpu.memory_space<vmem>>[vector<16xi32>], vector<16xf32>,
      %broadcast_in_dim3A_820 = arith.constant 1 : i32
      %broadcast_in_dim3A_821 = vector.broadcast %broadcast_in_dim3A_820 : i32 to vector<16xi32>
      %broadcast_in_dim3A_822 = arith.constant 4 : i32
      %broadcast_in_dim3A_823 = vector.broadcast %broadcast_in_dim3A_822 : i32 to vector<16xi32>
      tpu.vector_store_idx %arg6[%broadcast_in_dim3A_821, %broadcast_in_dim3A_823, %add3A_3], %gather3A_819 : memref<2x16x1025xf32, #tpu.memory_space<vmem>>[vector<16xi32>, vector<16xi32>, vector<16xi32>], vector<16xf32>,
      %add3A_824 = arith.constant 320 : i32
      %add3A_825 = vector.broadcast %add3A_824 : i32 to vector<16xi32>
      %add3A_826 = arith.addi %gather3A_783, %add3A_825 : vector<16xi32>
      %gather3A_827 = tpu.vector_load_idx %arg8[%add3A_826] : memref<1024xf32, #tpu.memory_space<vmem>>[vector<16xi32>], vector<16xf32>,
      %broadcast_in_dim3A_828 = arith.constant 1 : i32
      %broadcast_in_dim3A_829 = vector.broadcast %broadcast_in_dim3A_828 : i32 to vector<16xi32>
      %broadcast_in_dim3A_830 = arith.constant 5 : i32
      %broadcast_in_dim3A_831 = vector.broadcast %broadcast_in_dim3A_830 : i32 to vector<16xi32>
      tpu.vector_store_idx %arg6[%broadcast_in_dim3A_829, %broadcast_in_dim3A_831, %add3A_3], %gather3A_827 : memref<2x16x1025xf32, #tpu.memory_space<vmem>>[vector<16xi32>, vector<16xi32>, vector<16xi32>], vector<16xf32>,
      %add3A_832 = arith.constant 384 : i32
      %add3A_833 = vector.broadcast %add3A_832 : i32 to vector<16xi32>
      %add3A_834 = arith.addi %gather3A_783, %add3A_833 : vector<16xi32>
      %gather3A_835 = tpu.vector_load_idx %arg8[%add3A_834] : memref<1024xf32, #tpu.memory_space<vmem>>[vector<16xi32>], vector<16xf32>,
      %broadcast_in_dim3A_836 = arith.constant 1 : i32
      %broadcast_in_dim3A_837 = vector.broadcast %broadcast_in_dim3A_836 : i32 to vector<16xi32>
      %broadcast_in_dim3A_838 = arith.constant 6 : i32
      %broadcast_in_dim3A_839 = vector.broadcast %broadcast_in_dim3A_838 : i32 to vector<16xi32>
      tpu.vector_store_idx %arg6[%broadcast_in_dim3A_837, %broadcast_in_dim3A_839, %add3A_3], %gather3A_835 : memref<2x16x1025xf32, #tpu.memory_space<vmem>>[vector<16xi32>, vector<16xi32>, vector<16xi32>], vector<16xf32>,
      %add3A_840 = arith.constant 448 : i32
      %add3A_841 = vector.broadcast %add3A_840 : i32 to vector<16xi32>
      %add3A_842 = arith.addi %gather3A_783, %add3A_841 : vector<16xi32>
      %gather3A_843 = tpu.vector_load_idx %arg8[%add3A_842] : memref<1024xf32, #tpu.memory_space<vmem>>[vector<16xi32>], vector<16xf32>,
      %broadcast_in_dim3A_844 = arith.constant 1 : i32
      %broadcast_in_dim3A_845 = vector.broadcast %broadcast_in_dim3A_844 : i32 to vector<16xi32>
      %broadcast_in_dim3A_846 = arith.constant 7 : i32
      %broadcast_in_dim3A_847 = vector.broadcast %broadcast_in_dim3A_846 : i32 to vector<16xi32>
      tpu.vector_store_idx %arg6[%broadcast_in_dim3A_845, %broadcast_in_dim3A_847, %add3A_3], %gather3A_843 : memref<2x16x1025xf32, #tpu.memory_space<vmem>>[vector<16xi32>, vector<16xi32>, vector<16xi32>], vector<16xf32>,
      %add3A_848 = arith.constant 512 : i32
      %add3A_849 = vector.broadcast %add3A_848 : i32 to vector<16xi32>
      %add3A_850 = arith.addi %gather3A_783, %add3A_849 : vector<16xi32>
      %gather3A_851 = tpu.vector_load_idx %arg8[%add3A_850] : memref<1024xf32, #tpu.memory_space<vmem>>[vector<16xi32>], vector<16xf32>,
      %broadcast_in_dim3A_852 = arith.constant 1 : i32
      %broadcast_in_dim3A_853 = vector.broadcast %broadcast_in_dim3A_852 : i32 to vector<16xi32>
      %broadcast_in_dim3A_854 = arith.constant 8 : i32
      %broadcast_in_dim3A_855 = vector.broadcast %broadcast_in_dim3A_854 : i32 to vector<16xi32>
      tpu.vector_store_idx %arg6[%broadcast_in_dim3A_853, %broadcast_in_dim3A_855, %add3A_3], %gather3A_851 : memref<2x16x1025xf32, #tpu.memory_space<vmem>>[vector<16xi32>, vector<16xi32>, vector<16xi32>], vector<16xf32>,
      %add3A_856 = arith.constant 576 : i32
      %add3A_857 = vector.broadcast %add3A_856 : i32 to vector<16xi32>
      %add3A_858 = arith.addi %gather3A_783, %add3A_857 : vector<16xi32>
      %gather3A_859 = tpu.vector_load_idx %arg8[%add3A_858] : memref<1024xf32, #tpu.memory_space<vmem>>[vector<16xi32>], vector<16xf32>,
      %broadcast_in_dim3A_860 = arith.constant 1 : i32
      %broadcast_in_dim3A_861 = vector.broadcast %broadcast_in_dim3A_860 : i32 to vector<16xi32>
      %broadcast_in_dim3A_862 = arith.constant 9 : i32
      %broadcast_in_dim3A_863 = vector.broadcast %broadcast_in_dim3A_862 : i32 to vector<16xi32>
      tpu.vector_store_idx %arg6[%broadcast_in_dim3A_861, %broadcast_in_dim3A_863, %add3A_3], %gather3A_859 : memref<2x16x1025xf32, #tpu.memory_space<vmem>>[vector<16xi32>, vector<16xi32>, vector<16xi32>], vector<16xf32>,
      %add3A_864 = arith.constant 640 : i32
      %add3A_865 = vector.broadcast %add3A_864 : i32 to vector<16xi32>
      %add3A_866 = arith.addi %gather3A_783, %add3A_865 : vector<16xi32>
      %gather3A_867 = tpu.vector_load_idx %arg8[%add3A_866] : memref<1024xf32, #tpu.memory_space<vmem>>[vector<16xi32>], vector<16xf32>,
      %broadcast_in_dim3A_868 = arith.constant 1 : i32
      %broadcast_in_dim3A_869 = vector.broadcast %broadcast_in_dim3A_868 : i32 to vector<16xi32>
      %broadcast_in_dim3A_870 = arith.constant 10 : i32
      %broadcast_in_dim3A_871 = vector.broadcast %broadcast_in_dim3A_870 : i32 to vector<16xi32>
      tpu.vector_store_idx %arg6[%broadcast_in_dim3A_869, %broadcast_in_dim3A_871, %add3A_3], %gather3A_867 : memref<2x16x1025xf32, #tpu.memory_space<vmem>>[vector<16xi32>, vector<16xi32>, vector<16xi32>], vector<16xf32>,
      %add3A_872 = arith.constant 704 : i32
      %add3A_873 = vector.broadcast %add3A_872 : i32 to vector<16xi32>
      %add3A_874 = arith.addi %gather3A_783, %add3A_873 : vector<16xi32>
      %gather3A_875 = tpu.vector_load_idx %arg8[%add3A_874] : memref<1024xf32, #tpu.memory_space<vmem>>[vector<16xi32>], vector<16xf32>,
      %broadcast_in_dim3A_876 = arith.constant 1 : i32
      %broadcast_in_dim3A_877 = vector.broadcast %broadcast_in_dim3A_876 : i32 to vector<16xi32>
      %broadcast_in_dim3A_878 = arith.constant 11 : i32
      %broadcast_in_dim3A_879 = vector.broadcast %broadcast_in_dim3A_878 : i32 to vector<16xi32>
      tpu.vector_store_idx %arg6[%broadcast_in_dim3A_877, %broadcast_in_dim3A_879, %add3A_3], %gather3A_875 : memref<2x16x1025xf32, #tpu.memory_space<vmem>>[vector<16xi32>, vector<16xi32>, vector<16xi32>], vector<16xf32>,
      %add3A_880 = arith.constant 768 : i32
      %add3A_881 = vector.broadcast %add3A_880 : i32 to vector<16xi32>
      %add3A_882 = arith.addi %gather3A_783, %add3A_881 : vector<16xi32>
      %gather3A_883 = tpu.vector_load_idx %arg8[%add3A_882] : memref<1024xf32, #tpu.memory_space<vmem>>[vector<16xi32>], vector<16xf32>,
      %broadcast_in_dim3A_884 = arith.constant 1 : i32
      %broadcast_in_dim3A_885 = vector.broadcast %broadcast_in_dim3A_884 : i32 to vector<16xi32>
      %broadcast_in_dim3A_886 = arith.constant 12 : i32
      %broadcast_in_dim3A_887 = vector.broadcast %broadcast_in_dim3A_886 : i32 to vector<16xi32>
      tpu.vector_store_idx %arg6[%broadcast_in_dim3A_885, %broadcast_in_dim3A_887, %add3A_3], %gather3A_883 : memref<2x16x1025xf32, #tpu.memory_space<vmem>>[vector<16xi32>, vector<16xi32>, vector<16xi32>], vector<16xf32>,
      %add3A_888 = arith.constant 832 : i32
      %add3A_889 = vector.broadcast %add3A_888 : i32 to vector<16xi32>
      %add3A_890 = arith.addi %gather3A_783, %add3A_889 : vector<16xi32>
      %gather3A_891 = tpu.vector_load_idx %arg8[%add3A_890] : memref<1024xf32, #tpu.memory_space<vmem>>[vector<16xi32>], vector<16xf32>,
      %broadcast_in_dim3A_892 = arith.constant 1 : i32
      %broadcast_in_dim3A_893 = vector.broadcast %broadcast_in_dim3A_892 : i32 to vector<16xi32>
      %broadcast_in_dim3A_894 = arith.constant 13 : i32
      %broadcast_in_dim3A_895 = vector.broadcast %broadcast_in_dim3A_894 : i32 to vector<16xi32>
      tpu.vector_store_idx %arg6[%broadcast_in_dim3A_893, %broadcast_in_dim3A_895, %add3A_3], %gather3A_891 : memref<2x16x1025xf32, #tpu.memory_space<vmem>>[vector<16xi32>, vector<16xi32>, vector<16xi32>], vector<16xf32>,
      %add3A_896 = arith.constant 896 : i32
      %add3A_897 = vector.broadcast %add3A_896 : i32 to vector<16xi32>
      %add3A_898 = arith.addi %gather3A_783, %add3A_897 : vector<16xi32>
      %gather3A_899 = tpu.vector_load_idx %arg8[%add3A_898] : memref<1024xf32, #tpu.memory_space<vmem>>[vector<16xi32>], vector<16xf32>,
      %broadcast_in_dim3A_900 = arith.constant 1 : i32
      %broadcast_in_dim3A_901 = vector.broadcast %broadcast_in_dim3A_900 : i32 to vector<16xi32>
      %broadcast_in_dim3A_902 = arith.constant 14 : i32
      %broadcast_in_dim3A_903 = vector.broadcast %broadcast_in_dim3A_902 : i32 to vector<16xi32>
      tpu.vector_store_idx %arg6[%broadcast_in_dim3A_901, %broadcast_in_dim3A_903, %add3A_3], %gather3A_899 : memref<2x16x1025xf32, #tpu.memory_space<vmem>>[vector<16xi32>, vector<16xi32>, vector<16xi32>], vector<16xf32>,
      %add3A_904 = arith.constant 960 : i32
      %add3A_905 = vector.broadcast %add3A_904 : i32 to vector<16xi32>
      %add3A_906 = arith.addi %gather3A_783, %add3A_905 : vector<16xi32>
      %gather3A_907 = tpu.vector_load_idx %arg8[%add3A_906] : memref<1024xf32, #tpu.memory_space<vmem>>[vector<16xi32>], vector<16xf32>,
      %broadcast_in_dim3A_908 = arith.constant 1 : i32
      %broadcast_in_dim3A_909 = vector.broadcast %broadcast_in_dim3A_908 : i32 to vector<16xi32>
      %broadcast_in_dim3A_910 = arith.constant 15 : i32
      %broadcast_in_dim3A_911 = vector.broadcast %broadcast_in_dim3A_910 : i32 to vector<16xi32>
      tpu.vector_store_idx %arg6[%broadcast_in_dim3A_909, %broadcast_in_dim3A_911, %add3A_3], %gather3A_907 : memref<2x16x1025xf32, #tpu.memory_space<vmem>>[vector<16xi32>, vector<16xi32>, vector<16xi32>], vector<16xf32>,
      %dma_start3A_912 = arith.constant 0 : i32
      %dma_start3A_913 = arith.constant 0 : i32
      %dma_start3A_914 = arith.constant 0 : i32
      %dma_start3A_915 = arith.constant 0 : i32
      %dma_start3A_916 = tpu.memref_slice %arg6[%dma_start3A_913, %dma_start3A_914, %dma_start3A_915] : memref<2x16x1025xf32, #tpu.memory_space<vmem>> -> memref<2x16x1025xf32, #tpu.memory_space<vmem>>
      %dma_start3A_917 = arith.constant 0 : i32
      %dma_start3A_918 = arith.constant 0 : i32
      %dma_start3A_919 = tpu.memref_slice %arg4[%dma_start3A_912, %add3A_641, %dma_start3A_917, %dma_start3A_918] : memref<1x1025x16x1025xf32, #tpu.memory_space<hbm>> -> memref<1x2x16x1025xf32, #tpu.memory_space<hbm>>
      %dma_start3A_920 = tpu.memref_squeeze %dma_start3A_919 : memref<1x2x16x1025xf32, #tpu.memory_space<hbm>> -> memref<2x16x1025xf32, #tpu.memory_space<hbm>>
      %dma_start3A_921 = arith.constant 0 : i32
      %dma_start3A_922 = arith.constant 0 : i32
      %dma_start3A_923 = tpu.memref_slice %arg4[%dma_start3A_912, %add3A_641, %dma_start3A_921, %dma_start3A_922] : memref<1x1025x16x1025xf32, #tpu.memory_space<hbm>> -> memref<1x2x16x1025xf32, #tpu.memory_space<hbm>>
      %dma_start3A_924 = tpu.memref_squeeze %dma_start3A_923 : memref<1x2x16x1025xf32, #tpu.memory_space<hbm>> -> memref<2x16x1025xf32, #tpu.memory_space<hbm>>
      %dma_start3A_925 = arith.constant 0 : i32
      %dma_start3A_926 = arith.constant 0 : i32
      %dma_start3A_927 = arith.constant 0 : i32
      %dma_start3A_928 = tpu.memref_slice %arg6[%dma_start3A_925, %dma_start3A_926, %dma_start3A_927] : memref<2x16x1025xf32, #tpu.memory_space<vmem>> -> memref<2x16x1025xf32, #tpu.memory_space<vmem>>
      tpu.enqueue_dma source(%dma_start3A_928 : memref<2x16x1025xf32, #tpu.memory_space<vmem>>) target(%dma_start3A_924 : memref<2x16x1025xf32, #tpu.memory_space<hbm>>) target_semaphore(%arg9 : memref<!tpu.dma_semaphore, #tpu.memory_space<semaphore_mem>>)
      %eq3A_929 = arith.constant 0 : i32
      %eq3A_930 = arith.cmpi eq, %scan3A_52, %eq3A_929 : i32
      %and3A_931 = arith.constant false
      %and3A_932 = arith.andi %eq3A_930, %and3A_931 : i1
      %add3A_933 = arith.constant 6 : i32
      %add3A_934 = arith.addi %add3A_55, %add3A_933 : i32
      %not3A_935 = arith.constant true
      %not3A_936 = arith.xori %and3A_932, %not3A_935 : i1
      %convert_element_type3A_937 = arith.extui %not3A_936 : i1 to i32
      %cond3A_938 = arith.constant 0 : i32
      %cond3A_939 = arith.cmpi ne, %convert_element_type3A_937, %cond3A_938 : i32
      scf.if %cond3A_939 {
        %dma_wait3A_1222 = arith.constant 0 : i32
        %dma_wait3A_1223 = arith.constant 0 : i32
        %dma_wait3A_1224 = arith.constant 0 : i32
        %dma_wait3A_1225 = arith.constant 0 : i32
        %dma_wait3A_1226 = tpu.memref_slice %arg7[%dma_wait3A_1223, %dma_wait3A_1224, %dma_wait3A_1225] : memref<2x16x1025xf32, #tpu.memory_space<vmem>> -> memref<2x16x1025xf32, #tpu.memory_space<vmem>>
        %dma_wait3A_1227 = arith.constant 0 : i32
        %dma_wait3A_1228 = arith.constant 0 : i32
        %dma_wait3A_1229 = arith.constant 0 : i32
        %dma_wait3A_1230 = tpu.memref_slice %arg4[%dma_wait3A_1222, %dma_wait3A_1227, %dma_wait3A_1228, %dma_wait3A_1229] : memref<1x1025x16x1025xf32, #tpu.memory_space<hbm>> -> memref<1x2x16x1025xf32, #tpu.memory_space<hbm>>
        %dma_wait3A_1231 = tpu.memref_squeeze %dma_wait3A_1230 : memref<1x2x16x1025xf32, #tpu.memory_space<hbm>> -> memref<2x16x1025xf32, #tpu.memory_space<hbm>>
        %dma_wait3A_1232 = arith.constant 0 : i32
        %dma_wait3A_1233 = arith.constant 0 : i32
        %dma_wait3A_1234 = arith.constant 0 : i32
        %dma_wait3A_1235 = tpu.memref_slice %arg4[%dma_wait3A_1222, %dma_wait3A_1232, %dma_wait3A_1233, %dma_wait3A_1234] : memref<1x1025x16x1025xf32, #tpu.memory_space<hbm>> -> memref<1x2x16x1025xf32, #tpu.memory_space<hbm>>
        %dma_wait3A_1236 = tpu.memref_squeeze %dma_wait3A_1235 : memref<1x2x16x1025xf32, #tpu.memory_space<hbm>> -> memref<2x16x1025xf32, #tpu.memory_space<hbm>>
        %dma_wait3A_1237 = arith.constant 0 : i32
        %dma_wait3A_1238 = arith.constant 0 : i32
        %dma_wait3A_1239 = arith.constant 0 : i32
        %dma_wait3A_1240 = tpu.memref_slice %arg7[%dma_wait3A_1237, %dma_wait3A_1238, %dma_wait3A_1239] : memref<2x16x1025xf32, #tpu.memory_space<vmem>> -> memref<2x16x1025xf32, #tpu.memory_space<vmem>>
        tpu.wait_dma2 semaphore(%arg10 : memref<!tpu.dma_semaphore, #tpu.memory_space<semaphore_mem>>) src(%dma_wait3A_1240 : memref<2x16x1025xf32, #tpu.memory_space<vmem>>) dst(%dma_wait3A_1236 : memref<2x16x1025xf32, #tpu.memory_space<hbm>>)
      } else {
      }
      %parallel_loop3A_940 = arith.constant 0 : i32
      %parallel_loop3A_941 = arith.constant 128 : i32
      %parallel_loop3A_942 = arith.constant 1 : i32
      scf.for %parallel_loop3A_1222 = %parallel_loop3A_940 to %parallel_loop3A_941 step %parallel_loop3A_942  : i32 {
        %parallel_loop3A_1223 = arith.constant 64 : i32
        %parallel_loop3A_1224 = arith.divsi %parallel_loop3A_1222, %parallel_loop3A_1223 : i32
        %parallel_loop3A_1225 = arith.constant 0 : i32
        %parallel_loop3A_1226 = arith.cmpi sgt, %parallel_loop3A_1222, %parallel_loop3A_1225 : i32
        %parallel_loop3A_1227 = arith.extui %parallel_loop3A_1226 : i1 to i32
        %parallel_loop3A_1228 = arith.constant 0 : i32
        %parallel_loop3A_1229 = arith.cmpi slt, %parallel_loop3A_1222, %parallel_loop3A_1228 : i32
        %parallel_loop3A_1230 = arith.extui %parallel_loop3A_1229 : i1 to i32
        %parallel_loop3A_1231 = arith.subi %parallel_loop3A_1227, %parallel_loop3A_1230 : i32
        %parallel_loop3A_1232 = arith.constant 0 : i32
        %parallel_loop3A_1233 = arith.cmpi sgt, %parallel_loop3A_1223, %parallel_loop3A_1232 : i32
        %parallel_loop3A_1234 = arith.extui %parallel_loop3A_1233 : i1 to i32
        %parallel_loop3A_1235 = arith.constant 0 : i32
        %parallel_loop3A_1236 = arith.cmpi slt, %parallel_loop3A_1223, %parallel_loop3A_1235 : i32
        %parallel_loop3A_1237 = arith.extui %parallel_loop3A_1236 : i1 to i32
        %parallel_loop3A_1238 = arith.subi %parallel_loop3A_1234, %parallel_loop3A_1237 : i32
        %parallel_loop3A_1239 = arith.cmpi ne, %parallel_loop3A_1231, %parallel_loop3A_1238 : i32
        %parallel_loop3A_1240 = arith.remsi %parallel_loop3A_1222, %parallel_loop3A_1223 : i32
        %parallel_loop3A_1241 = arith.constant 0 : i32
        %parallel_loop3A_1242 = arith.cmpi ne, %parallel_loop3A_1240, %parallel_loop3A_1241 : i32
        %parallel_loop3A_1243 = arith.andi %parallel_loop3A_1239, %parallel_loop3A_1242 : i1
        %parallel_loop3A_1244 = arith.constant 1 : i32
        %parallel_loop3A_1245 = arith.subi %parallel_loop3A_1224, %parallel_loop3A_1244 : i32
        %parallel_loop3A_1246 = arith.select %parallel_loop3A_1243, %parallel_loop3A_1245, %parallel_loop3A_1224 : i32
        %parallel_loop3A_1247 = arith.constant 64 : i32
        %parallel_loop3A_1248 = arith.constant 0 : i32
        %parallel_loop3A_1249 = arith.cmpi eq, %parallel_loop3A_1247, %parallel_loop3A_1248 : i32
        %parallel_loop3A_1250 = arith.constant 1 : i32
        %parallel_loop3A_1251 = arith.select %parallel_loop3A_1249, %parallel_loop3A_1250, %parallel_loop3A_1247 : i32
        %parallel_loop3A_1252 = arith.remsi %parallel_loop3A_1222, %parallel_loop3A_1251 : i32
        %parallel_loop3A_1253 = arith.constant 0 : i32
        %parallel_loop3A_1254 = arith.cmpi ne, %parallel_loop3A_1252, %parallel_loop3A_1253 : i32
        %parallel_loop3A_1255 = arith.constant 0 : i32
        %parallel_loop3A_1256 = arith.cmpi slt, %parallel_loop3A_1252, %parallel_loop3A_1255 : i32
        %parallel_loop3A_1257 = arith.constant 0 : i32
        %parallel_loop3A_1258 = arith.cmpi slt, %parallel_loop3A_1251, %parallel_loop3A_1257 : i32
        %parallel_loop3A_1259 = arith.xori %parallel_loop3A_1256, %parallel_loop3A_1258 : i1
        %parallel_loop3A_1260 = arith.andi %parallel_loop3A_1259, %parallel_loop3A_1254 : i1
        %parallel_loop3A_1261 = arith.addi %parallel_loop3A_1252, %parallel_loop3A_1251 : i32
        %parallel_loop3A_1262 = arith.select %parallel_loop3A_1260, %parallel_loop3A_1261, %parallel_loop3A_1252 : i32
        %parallel_loop3A_1263 = arith.constant 16 : i32
        %parallel_loop3A_1264 = arith.muli %parallel_loop3A_1262, %parallel_loop3A_1263 : i32
        %parallel_loop3A_1265 = tpu.assume_multiple %parallel_loop3A_1264, 16 : i32
        %parallel_loop3A_1266 = arith.constant 6 : i32
        %parallel_loop3A_1267 = arith.addi %parallel_loop3A_1266, %parallel_loop3A_1246 : i32
        %parallel_loop3A_1268 = arith.index_cast %parallel_loop3A_1267 : i32 to index
        %parallel_loop3A_1269 = arith.index_cast %parallel_loop3A_1265 : i32 to index
        %parallel_loop3A_1270 = tpu.vector_load %arg5[%parallel_loop3A_1268, %parallel_loop3A_1269] {strides = array<i32>} : memref<8x1025xi32, #tpu.memory_space<vmem>>, vector<16xi32>,
        %parallel_loop3A_1271 = arith.constant 0 : i32
        %parallel_loop3A_1272 = vector.broadcast %parallel_loop3A_1271 : i32 to vector<16xi32>
        %parallel_loop3A_1273 = arith.addi %parallel_loop3A_1270, %parallel_loop3A_1272 : vector<16xi32>
        %parallel_loop3A_1274 = tpu.vector_load_idx %arg8[%parallel_loop3A_1273] : memref<1024xf32, #tpu.memory_space<vmem>>[vector<16xi32>], vector<16xf32>,
        %parallel_loop3A_1275 = arith.constant 0 : i32
        %parallel_loop3A_1276 = arith.index_cast %parallel_loop3A_1246 : i32 to index
        %parallel_loop3A_1277 = arith.index_cast %parallel_loop3A_1275 : i32 to index
        %parallel_loop3A_1278 = arith.index_cast %parallel_loop3A_1265 : i32 to index
        %parallel_loop3A_1279 = tpu.vector_load %arg7[%parallel_loop3A_1276, %parallel_loop3A_1277, %parallel_loop3A_1278] {strides = array<i32>} : memref<2x16x1025xf32, #tpu.memory_space<vmem>>, vector<16xf32>,
        tpu.vector_store %arg7[%parallel_loop3A_1276, %parallel_loop3A_1277, %parallel_loop3A_1278], %parallel_loop3A_1274 {strides = array<i32>} : memref<2x16x1025xf32, #tpu.memory_space<vmem>>, vector<16xf32>,
        %parallel_loop3A_1280 = arith.constant 64 : i32
        %parallel_loop3A_1281 = vector.broadcast %parallel_loop3A_1280 : i32 to vector<16xi32>
        %parallel_loop3A_1282 = arith.addi %parallel_loop3A_1270, %parallel_loop3A_1281 : vector<16xi32>
        %parallel_loop3A_1283 = tpu.vector_load_idx %arg8[%parallel_loop3A_1282] : memref<1024xf32, #tpu.memory_space<vmem>>[vector<16xi32>], vector<16xf32>,
        %parallel_loop3A_1284 = arith.constant 1 : i32
        %parallel_loop3A_1285 = arith.index_cast %parallel_loop3A_1246 : i32 to index
        %parallel_loop3A_1286 = arith.index_cast %parallel_loop3A_1284 : i32 to index
        %parallel_loop3A_1287 = arith.index_cast %parallel_loop3A_1265 : i32 to index
        %parallel_loop3A_1288 = tpu.vector_load %arg7[%parallel_loop3A_1285, %parallel_loop3A_1286, %parallel_loop3A_1287] {strides = array<i32>} : memref<2x16x1025xf32, #tpu.memory_space<vmem>>, vector<16xf32>,
        tpu.vector_store %arg7[%parallel_loop3A_1285, %parallel_loop3A_1286, %parallel_loop3A_1287], %parallel_loop3A_1283 {strides = array<i32>} : memref<2x16x1025xf32, #tpu.memory_space<vmem>>, vector<16xf32>,
        %parallel_loop3A_1289 = arith.constant 128 : i32
        %parallel_loop3A_1290 = vector.broadcast %parallel_loop3A_1289 : i32 to vector<16xi32>
        %parallel_loop3A_1291 = arith.addi %parallel_loop3A_1270, %parallel_loop3A_1290 : vector<16xi32>
        %parallel_loop3A_1292 = tpu.vector_load_idx %arg8[%parallel_loop3A_1291] : memref<1024xf32, #tpu.memory_space<vmem>>[vector<16xi32>], vector<16xf32>,
        %parallel_loop3A_1293 = arith.constant 2 : i32
        %parallel_loop3A_1294 = arith.index_cast %parallel_loop3A_1246 : i32 to index
        %parallel_loop3A_1295 = arith.index_cast %parallel_loop3A_1293 : i32 to index
        %parallel_loop3A_1296 = arith.index_cast %parallel_loop3A_1265 : i32 to index
        %parallel_loop3A_1297 = tpu.vector_load %arg7[%parallel_loop3A_1294, %parallel_loop3A_1295, %parallel_loop3A_1296] {strides = array<i32>} : memref<2x16x1025xf32, #tpu.memory_space<vmem>>, vector<16xf32>,
        tpu.vector_store %arg7[%parallel_loop3A_1294, %parallel_loop3A_1295, %parallel_loop3A_1296], %parallel_loop3A_1292 {strides = array<i32>} : memref<2x16x1025xf32, #tpu.memory_space<vmem>>, vector<16xf32>,
        %parallel_loop3A_1298 = arith.constant 192 : i32
        %parallel_loop3A_1299 = vector.broadcast %parallel_loop3A_1298 : i32 to vector<16xi32>
        %parallel_loop3A_1300 = arith.addi %parallel_loop3A_1270, %parallel_loop3A_1299 : vector<16xi32>
        %parallel_loop3A_1301 = tpu.vector_load_idx %arg8[%parallel_loop3A_1300] : memref<1024xf32, #tpu.memory_space<vmem>>[vector<16xi32>], vector<16xf32>,
        %parallel_loop3A_1302 = arith.constant 3 : i32
        %parallel_loop3A_1303 = arith.index_cast %parallel_loop3A_1246 : i32 to index
        %parallel_loop3A_1304 = arith.index_cast %parallel_loop3A_1302 : i32 to index
        %parallel_loop3A_1305 = arith.index_cast %parallel_loop3A_1265 : i32 to index
        %parallel_loop3A_1306 = tpu.vector_load %arg7[%parallel_loop3A_1303, %parallel_loop3A_1304, %parallel_loop3A_1305] {strides = array<i32>} : memref<2x16x1025xf32, #tpu.memory_space<vmem>>, vector<16xf32>,
        tpu.vector_store %arg7[%parallel_loop3A_1303, %parallel_loop3A_1304, %parallel_loop3A_1305], %parallel_loop3A_1301 {strides = array<i32>} : memref<2x16x1025xf32, #tpu.memory_space<vmem>>, vector<16xf32>,
        %parallel_loop3A_1307 = arith.constant 256 : i32
        %parallel_loop3A_1308 = vector.broadcast %parallel_loop3A_1307 : i32 to vector<16xi32>
        %parallel_loop3A_1309 = arith.addi %parallel_loop3A_1270, %parallel_loop3A_1308 : vector<16xi32>
        %parallel_loop3A_1310 = tpu.vector_load_idx %arg8[%parallel_loop3A_1309] : memref<1024xf32, #tpu.memory_space<vmem>>[vector<16xi32>], vector<16xf32>,
        %parallel_loop3A_1311 = arith.constant 4 : i32
        %parallel_loop3A_1312 = arith.index_cast %parallel_loop3A_1246 : i32 to index
        %parallel_loop3A_1313 = arith.index_cast %parallel_loop3A_1311 : i32 to index
        %parallel_loop3A_1314 = arith.index_cast %parallel_loop3A_1265 : i32 to index
        %parallel_loop3A_1315 = tpu.vector_load %arg7[%parallel_loop3A_1312, %parallel_loop3A_1313, %parallel_loop3A_1314] {strides = array<i32>} : memref<2x16x1025xf32, #tpu.memory_space<vmem>>, vector<16xf32>,
        tpu.vector_store %arg7[%parallel_loop3A_1312, %parallel_loop3A_1313, %parallel_loop3A_1314], %parallel_loop3A_1310 {strides = array<i32>} : memref<2x16x1025xf32, #tpu.memory_space<vmem>>, vector<16xf32>,
        %parallel_loop3A_1316 = arith.constant 320 : i32
        %parallel_loop3A_1317 = vector.broadcast %parallel_loop3A_1316 : i32 to vector<16xi32>
        %parallel_loop3A_1318 = arith.addi %parallel_loop3A_1270, %parallel_loop3A_1317 : vector<16xi32>
        %parallel_loop3A_1319 = tpu.vector_load_idx %arg8[%parallel_loop3A_1318] : memref<1024xf32, #tpu.memory_space<vmem>>[vector<16xi32>], vector<16xf32>,
        %parallel_loop3A_1320 = arith.constant 5 : i32
        %parallel_loop3A_1321 = arith.index_cast %parallel_loop3A_1246 : i32 to index
        %parallel_loop3A_1322 = arith.index_cast %parallel_loop3A_1320 : i32 to index
        %parallel_loop3A_1323 = arith.index_cast %parallel_loop3A_1265 : i32 to index
        %parallel_loop3A_1324 = tpu.vector_load %arg7[%parallel_loop3A_1321, %parallel_loop3A_1322, %parallel_loop3A_1323] {strides = array<i32>} : memref<2x16x1025xf32, #tpu.memory_space<vmem>>, vector<16xf32>,
        tpu.vector_store %arg7[%parallel_loop3A_1321, %parallel_loop3A_1322, %parallel_loop3A_1323], %parallel_loop3A_1319 {strides = array<i32>} : memref<2x16x1025xf32, #tpu.memory_space<vmem>>, vector<16xf32>,
        %parallel_loop3A_1325 = arith.constant 384 : i32
        %parallel_loop3A_1326 = vector.broadcast %parallel_loop3A_1325 : i32 to vector<16xi32>
        %parallel_loop3A_1327 = arith.addi %parallel_loop3A_1270, %parallel_loop3A_1326 : vector<16xi32>
        %parallel_loop3A_1328 = tpu.vector_load_idx %arg8[%parallel_loop3A_1327] : memref<1024xf32, #tpu.memory_space<vmem>>[vector<16xi32>], vector<16xf32>,
        %parallel_loop3A_1329 = arith.constant 6 : i32
        %parallel_loop3A_1330 = arith.index_cast %parallel_loop3A_1246 : i32 to index
        %parallel_loop3A_1331 = arith.index_cast %parallel_loop3A_1329 : i32 to index
        %parallel_loop3A_1332 = arith.index_cast %parallel_loop3A_1265 : i32 to index
        %parallel_loop3A_1333 = tpu.vector_load %arg7[%parallel_loop3A_1330, %parallel_loop3A_1331, %parallel_loop3A_1332] {strides = array<i32>} : memref<2x16x1025xf32, #tpu.memory_space<vmem>>, vector<16xf32>,
        tpu.vector_store %arg7[%parallel_loop3A_1330, %parallel_loop3A_1331, %parallel_loop3A_1332], %parallel_loop3A_1328 {strides = array<i32>} : memref<2x16x1025xf32, #tpu.memory_space<vmem>>, vector<16xf32>,
        %parallel_loop3A_1334 = arith.constant 448 : i32
        %parallel_loop3A_1335 = vector.broadcast %parallel_loop3A_1334 : i32 to vector<16xi32>
        %parallel_loop3A_1336 = arith.addi %parallel_loop3A_1270, %parallel_loop3A_1335 : vector<16xi32>
        %parallel_loop3A_1337 = tpu.vector_load_idx %arg8[%parallel_loop3A_1336] : memref<1024xf32, #tpu.memory_space<vmem>>[vector<16xi32>], vector<16xf32>,
        %parallel_loop3A_1338 = arith.constant 7 : i32
        %parallel_loop3A_1339 = arith.index_cast %parallel_loop3A_1246 : i32 to index
        %parallel_loop3A_1340 = arith.index_cast %parallel_loop3A_1338 : i32 to index
        %parallel_loop3A_1341 = arith.index_cast %parallel_loop3A_1265 : i32 to index
        %parallel_loop3A_1342 = tpu.vector_load %arg7[%parallel_loop3A_1339, %parallel_loop3A_1340, %parallel_loop3A_1341] {strides = array<i32>} : memref<2x16x1025xf32, #tpu.memory_space<vmem>>, vector<16xf32>,
        tpu.vector_store %arg7[%parallel_loop3A_1339, %parallel_loop3A_1340, %parallel_loop3A_1341], %parallel_loop3A_1337 {strides = array<i32>} : memref<2x16x1025xf32, #tpu.memory_space<vmem>>, vector<16xf32>,
        %parallel_loop3A_1343 = arith.constant 512 : i32
        %parallel_loop3A_1344 = vector.broadcast %parallel_loop3A_1343 : i32 to vector<16xi32>
        %parallel_loop3A_1345 = arith.addi %parallel_loop3A_1270, %parallel_loop3A_1344 : vector<16xi32>
        %parallel_loop3A_1346 = tpu.vector_load_idx %arg8[%parallel_loop3A_1345] : memref<1024xf32, #tpu.memory_space<vmem>>[vector<16xi32>], vector<16xf32>,
        %parallel_loop3A_1347 = arith.constant 8 : i32
        %parallel_loop3A_1348 = arith.index_cast %parallel_loop3A_1246 : i32 to index
        %parallel_loop3A_1349 = arith.index_cast %parallel_loop3A_1347 : i32 to index
        %parallel_loop3A_1350 = arith.index_cast %parallel_loop3A_1265 : i32 to index
        %parallel_loop3A_1351 = tpu.vector_load %arg7[%parallel_loop3A_1348, %parallel_loop3A_1349, %parallel_loop3A_1350] {strides = array<i32>} : memref<2x16x1025xf32, #tpu.memory_space<vmem>>, vector<16xf32>,
        tpu.vector_store %arg7[%parallel_loop3A_1348, %parallel_loop3A_1349, %parallel_loop3A_1350], %parallel_loop3A_1346 {strides = array<i32>} : memref<2x16x1025xf32, #tpu.memory_space<vmem>>, vector<16xf32>,
        %parallel_loop3A_1352 = arith.constant 576 : i32
        %parallel_loop3A_1353 = vector.broadcast %parallel_loop3A_1352 : i32 to vector<16xi32>
        %parallel_loop3A_1354 = arith.addi %parallel_loop3A_1270, %parallel_loop3A_1353 : vector<16xi32>
        %parallel_loop3A_1355 = tpu.vector_load_idx %arg8[%parallel_loop3A_1354] : memref<1024xf32, #tpu.memory_space<vmem>>[vector<16xi32>], vector<16xf32>,
        %parallel_loop3A_1356 = arith.constant 9 : i32
        %parallel_loop3A_1357 = arith.index_cast %parallel_loop3A_1246 : i32 to index
        %parallel_loop3A_1358 = arith.index_cast %parallel_loop3A_1356 : i32 to index
        %parallel_loop3A_1359 = arith.index_cast %parallel_loop3A_1265 : i32 to index
        %parallel_loop3A_1360 = tpu.vector_load %arg7[%parallel_loop3A_1357, %parallel_loop3A_1358, %parallel_loop3A_1359] {strides = array<i32>} : memref<2x16x1025xf32, #tpu.memory_space<vmem>>, vector<16xf32>,
        tpu.vector_store %arg7[%parallel_loop3A_1357, %parallel_loop3A_1358, %parallel_loop3A_1359], %parallel_loop3A_1355 {strides = array<i32>} : memref<2x16x1025xf32, #tpu.memory_space<vmem>>, vector<16xf32>,
        %parallel_loop3A_1361 = arith.constant 640 : i32
        %parallel_loop3A_1362 = vector.broadcast %parallel_loop3A_1361 : i32 to vector<16xi32>
        %parallel_loop3A_1363 = arith.addi %parallel_loop3A_1270, %parallel_loop3A_1362 : vector<16xi32>
        %parallel_loop3A_1364 = tpu.vector_load_idx %arg8[%parallel_loop3A_1363] : memref<1024xf32, #tpu.memory_space<vmem>>[vector<16xi32>], vector<16xf32>,
        %parallel_loop3A_1365 = arith.constant 10 : i32
        %parallel_loop3A_1366 = arith.index_cast %parallel_loop3A_1246 : i32 to index
        %parallel_loop3A_1367 = arith.index_cast %parallel_loop3A_1365 : i32 to index
        %parallel_loop3A_1368 = arith.index_cast %parallel_loop3A_1265 : i32 to index
        %parallel_loop3A_1369 = tpu.vector_load %arg7[%parallel_loop3A_1366, %parallel_loop3A_1367, %parallel_loop3A_1368] {strides = array<i32>} : memref<2x16x1025xf32, #tpu.memory_space<vmem>>, vector<16xf32>,
        tpu.vector_store %arg7[%parallel_loop3A_1366, %parallel_loop3A_1367, %parallel_loop3A_1368], %parallel_loop3A_1364 {strides = array<i32>} : memref<2x16x1025xf32, #tpu.memory_space<vmem>>, vector<16xf32>,
        %parallel_loop3A_1370 = arith.constant 704 : i32
        %parallel_loop3A_1371 = vector.broadcast %parallel_loop3A_1370 : i32 to vector<16xi32>
        %parallel_loop3A_1372 = arith.addi %parallel_loop3A_1270, %parallel_loop3A_1371 : vector<16xi32>
        %parallel_loop3A_1373 = tpu.vector_load_idx %arg8[%parallel_loop3A_1372] : memref<1024xf32, #tpu.memory_space<vmem>>[vector<16xi32>], vector<16xf32>,
        %parallel_loop3A_1374 = arith.constant 11 : i32
        %parallel_loop3A_1375 = arith.index_cast %parallel_loop3A_1246 : i32 to index
        %parallel_loop3A_1376 = arith.index_cast %parallel_loop3A_1374 : i32 to index
        %parallel_loop3A_1377 = arith.index_cast %parallel_loop3A_1265 : i32 to index
        %parallel_loop3A_1378 = tpu.vector_load %arg7[%parallel_loop3A_1375, %parallel_loop3A_1376, %parallel_loop3A_1377] {strides = array<i32>} : memref<2x16x1025xf32, #tpu.memory_space<vmem>>, vector<16xf32>,
        tpu.vector_store %arg7[%parallel_loop3A_1375, %parallel_loop3A_1376, %parallel_loop3A_1377], %parallel_loop3A_1373 {strides = array<i32>} : memref<2x16x1025xf32, #tpu.memory_space<vmem>>, vector<16xf32>,
        %parallel_loop3A_1379 = arith.constant 768 : i32
        %parallel_loop3A_1380 = vector.broadcast %parallel_loop3A_1379 : i32 to vector<16xi32>
        %parallel_loop3A_1381 = arith.addi %parallel_loop3A_1270, %parallel_loop3A_1380 : vector<16xi32>
        %parallel_loop3A_1382 = tpu.vector_load_idx %arg8[%parallel_loop3A_1381] : memref<1024xf32, #tpu.memory_space<vmem>>[vector<16xi32>], vector<16xf32>,
        %parallel_loop3A_1383 = arith.constant 12 : i32
        %parallel_loop3A_1384 = arith.index_cast %parallel_loop3A_1246 : i32 to index
        %parallel_loop3A_1385 = arith.index_cast %parallel_loop3A_1383 : i32 to index
        %parallel_loop3A_1386 = arith.index_cast %parallel_loop3A_1265 : i32 to index
        %parallel_loop3A_1387 = tpu.vector_load %arg7[%parallel_loop3A_1384, %parallel_loop3A_1385, %parallel_loop3A_1386] {strides = array<i32>} : memref<2x16x1025xf32, #tpu.memory_space<vmem>>, vector<16xf32>,
        tpu.vector_store %arg7[%parallel_loop3A_1384, %parallel_loop3A_1385, %parallel_loop3A_1386], %parallel_loop3A_1382 {strides = array<i32>} : memref<2x16x1025xf32, #tpu.memory_space<vmem>>, vector<16xf32>,
        %parallel_loop3A_1388 = arith.constant 832 : i32
        %parallel_loop3A_1389 = vector.broadcast %parallel_loop3A_1388 : i32 to vector<16xi32>
        %parallel_loop3A_1390 = arith.addi %parallel_loop3A_1270, %parallel_loop3A_1389 : vector<16xi32>
        %parallel_loop3A_1391 = tpu.vector_load_idx %arg8[%parallel_loop3A_1390] : memref<1024xf32, #tpu.memory_space<vmem>>[vector<16xi32>], vector<16xf32>,
        %parallel_loop3A_1392 = arith.constant 13 : i32
        %parallel_loop3A_1393 = arith.index_cast %parallel_loop3A_1246 : i32 to index
        %parallel_loop3A_1394 = arith.index_cast %parallel_loop3A_1392 : i32 to index
        %parallel_loop3A_1395 = arith.index_cast %parallel_loop3A_1265 : i32 to index
        %parallel_loop3A_1396 = tpu.vector_load %arg7[%parallel_loop3A_1393, %parallel_loop3A_1394, %parallel_loop3A_1395] {strides = array<i32>} : memref<2x16x1025xf32, #tpu.memory_space<vmem>>, vector<16xf32>,
        tpu.vector_store %arg7[%parallel_loop3A_1393, %parallel_loop3A_1394, %parallel_loop3A_1395], %parallel_loop3A_1391 {strides = array<i32>} : memref<2x16x1025xf32, #tpu.memory_space<vmem>>, vector<16xf32>,
        %parallel_loop3A_1397 = arith.constant 896 : i32
        %parallel_loop3A_1398 = vector.broadcast %parallel_loop3A_1397 : i32 to vector<16xi32>
        %parallel_loop3A_1399 = arith.addi %parallel_loop3A_1270, %parallel_loop3A_1398 : vector<16xi32>
        %parallel_loop3A_1400 = tpu.vector_load_idx %arg8[%parallel_loop3A_1399] : memref<1024xf32, #tpu.memory_space<vmem>>[vector<16xi32>], vector<16xf32>,
        %parallel_loop3A_1401 = arith.constant 14 : i32
        %parallel_loop3A_1402 = arith.index_cast %parallel_loop3A_1246 : i32 to index
        %parallel_loop3A_1403 = arith.index_cast %parallel_loop3A_1401 : i32 to index
        %parallel_loop3A_1404 = arith.index_cast %parallel_loop3A_1265 : i32 to index
        %parallel_loop3A_1405 = tpu.vector_load %arg7[%parallel_loop3A_1402, %parallel_loop3A_1403, %parallel_loop3A_1404] {strides = array<i32>} : memref<2x16x1025xf32, #tpu.memory_space<vmem>>, vector<16xf32>,
        tpu.vector_store %arg7[%parallel_loop3A_1402, %parallel_loop3A_1403, %parallel_loop3A_1404], %parallel_loop3A_1400 {strides = array<i32>} : memref<2x16x1025xf32, #tpu.memory_space<vmem>>, vector<16xf32>,
        %parallel_loop3A_1406 = arith.constant 960 : i32
        %parallel_loop3A_1407 = vector.broadcast %parallel_loop3A_1406 : i32 to vector<16xi32>
        %parallel_loop3A_1408 = arith.addi %parallel_loop3A_1270, %parallel_loop3A_1407 : vector<16xi32>
        %parallel_loop3A_1409 = tpu.vector_load_idx %arg8[%parallel_loop3A_1408] : memref<1024xf32, #tpu.memory_space<vmem>>[vector<16xi32>], vector<16xf32>,
        %parallel_loop3A_1410 = arith.constant 15 : i32
        %parallel_loop3A_1411 = arith.index_cast %parallel_loop3A_1246 : i32 to index
        %parallel_loop3A_1412 = arith.index_cast %parallel_loop3A_1410 : i32 to index
        %parallel_loop3A_1413 = arith.index_cast %parallel_loop3A_1265 : i32 to index
        %parallel_loop3A_1414 = tpu.vector_load %arg7[%parallel_loop3A_1411, %parallel_loop3A_1412, %parallel_loop3A_1413] {strides = array<i32>} : memref<2x16x1025xf32, #tpu.memory_space<vmem>>, vector<16xf32>,
        tpu.vector_store %arg7[%parallel_loop3A_1411, %parallel_loop3A_1412, %parallel_loop3A_1413], %parallel_loop3A_1409 {strides = array<i32>} : memref<2x16x1025xf32, #tpu.memory_space<vmem>>, vector<16xf32>,
      } {sc.loop_unroll_factor = 4 : i64, sc.parallel_access}
      %broadcast_in_dim3A_943 = arith.constant 6 : i32
      %broadcast_in_dim3A_944 = vector.broadcast %broadcast_in_dim3A_943 : i32 to vector<16xi32>
      %gather3A_945 = tpu.vector_load_idx %arg5[%broadcast_in_dim3A_944, %add3A_3] : memref<8x1025xi32, #tpu.memory_space<vmem>>[vector<16xi32>, vector<16xi32>], vector<16xi32>,
      %add3A_946 = arith.constant 0 : i32
      %add3A_947 = vector.broadcast %add3A_946 : i32 to vector<16xi32>
      %add3A_948 = arith.addi %gather3A_945, %add3A_947 : vector<16xi32>
      %gather3A_949 = tpu.vector_load_idx %arg8[%add3A_948] : memref<1024xf32, #tpu.memory_space<vmem>>[vector<16xi32>], vector<16xf32>,
      %broadcast_in_dim3A_950 = arith.constant 0 : i32
      %broadcast_in_dim3A_951 = vector.broadcast %broadcast_in_dim3A_950 : i32 to vector<16xi32>
      %broadcast_in_dim3A_952 = arith.constant 0 : i32
      %broadcast_in_dim3A_953 = vector.broadcast %broadcast_in_dim3A_952 : i32 to vector<16xi32>
      tpu.vector_store_idx %arg7[%broadcast_in_dim3A_951, %broadcast_in_dim3A_953, %add3A_3], %gather3A_949 : memref<2x16x1025xf32, #tpu.memory_space<vmem>>[vector<16xi32>, vector<16xi32>, vector<16xi32>], vector<16xf32>,
      %add3A_954 = arith.constant 64 : i32
      %add3A_955 = vector.broadcast %add3A_954 : i32 to vector<16xi32>
      %add3A_956 = arith.addi %gather3A_945, %add3A_955 : vector<16xi32>
      %gather3A_957 = tpu.vector_load_idx %arg8[%add3A_956] : memref<1024xf32, #tpu.memory_space<vmem>>[vector<16xi32>], vector<16xf32>,
      %broadcast_in_dim3A_958 = arith.constant 0 : i32
      %broadcast_in_dim3A_959 = vector.broadcast %broadcast_in_dim3A_958 : i32 to vector<16xi32>
      %broadcast_in_dim3A_960 = arith.constant 1 : i32
      %broadcast_in_dim3A_961 = vector.broadcast %broadcast_in_dim3A_960 : i32 to vector<16xi32>
      tpu.vector_store_idx %arg7[%broadcast_in_dim3A_959, %broadcast_in_dim3A_961, %add3A_3], %gather3A_957 : memref<2x16x1025xf32, #tpu.memory_space<vmem>>[vector<16xi32>, vector<16xi32>, vector<16xi32>], vector<16xf32>,
      %add3A_962 = arith.constant 128 : i32
      %add3A_963 = vector.broadcast %add3A_962 : i32 to vector<16xi32>
      %add3A_964 = arith.addi %gather3A_945, %add3A_963 : vector<16xi32>
      %gather3A_965 = tpu.vector_load_idx %arg8[%add3A_964] : memref<1024xf32, #tpu.memory_space<vmem>>[vector<16xi32>], vector<16xf32>,
      %broadcast_in_dim3A_966 = arith.constant 0 : i32
      %broadcast_in_dim3A_967 = vector.broadcast %broadcast_in_dim3A_966 : i32 to vector<16xi32>
      %broadcast_in_dim3A_968 = arith.constant 2 : i32
      %broadcast_in_dim3A_969 = vector.broadcast %broadcast_in_dim3A_968 : i32 to vector<16xi32>
      tpu.vector_store_idx %arg7[%broadcast_in_dim3A_967, %broadcast_in_dim3A_969, %add3A_3], %gather3A_965 : memref<2x16x1025xf32, #tpu.memory_space<vmem>>[vector<16xi32>, vector<16xi32>, vector<16xi32>], vector<16xf32>,
      %add3A_970 = arith.constant 192 : i32
      %add3A_971 = vector.broadcast %add3A_970 : i32 to vector<16xi32>
      %add3A_972 = arith.addi %gather3A_945, %add3A_971 : vector<16xi32>
      %gather3A_973 = tpu.vector_load_idx %arg8[%add3A_972] : memref<1024xf32, #tpu.memory_space<vmem>>[vector<16xi32>], vector<16xf32>,
      %broadcast_in_dim3A_974 = arith.constant 0 : i32
      %broadcast_in_dim3A_975 = vector.broadcast %broadcast_in_dim3A_974 : i32 to vector<16xi32>
      %broadcast_in_dim3A_976 = arith.constant 3 : i32
      %broadcast_in_dim3A_977 = vector.broadcast %broadcast_in_dim3A_976 : i32 to vector<16xi32>
      tpu.vector_store_idx %arg7[%broadcast_in_dim3A_975, %broadcast_in_dim3A_977, %add3A_3], %gather3A_973 : memref<2x16x1025xf32, #tpu.memory_space<vmem>>[vector<16xi32>, vector<16xi32>, vector<16xi32>], vector<16xf32>,
      %add3A_978 = arith.constant 256 : i32
      %add3A_979 = vector.broadcast %add3A_978 : i32 to vector<16xi32>
      %add3A_980 = arith.addi %gather3A_945, %add3A_979 : vector<16xi32>
      %gather3A_981 = tpu.vector_load_idx %arg8[%add3A_980] : memref<1024xf32, #tpu.memory_space<vmem>>[vector<16xi32>], vector<16xf32>,
      %broadcast_in_dim3A_982 = arith.constant 0 : i32
      %broadcast_in_dim3A_983 = vector.broadcast %broadcast_in_dim3A_982 : i32 to vector<16xi32>
      %broadcast_in_dim3A_984 = arith.constant 4 : i32
      %broadcast_in_dim3A_985 = vector.broadcast %broadcast_in_dim3A_984 : i32 to vector<16xi32>
      tpu.vector_store_idx %arg7[%broadcast_in_dim3A_983, %broadcast_in_dim3A_985, %add3A_3], %gather3A_981 : memref<2x16x1025xf32, #tpu.memory_space<vmem>>[vector<16xi32>, vector<16xi32>, vector<16xi32>], vector<16xf32>,
      %add3A_986 = arith.constant 320 : i32
      %add3A_987 = vector.broadcast %add3A_986 : i32 to vector<16xi32>
      %add3A_988 = arith.addi %gather3A_945, %add3A_987 : vector<16xi32>
      %gather3A_989 = tpu.vector_load_idx %arg8[%add3A_988] : memref<1024xf32, #tpu.memory_space<vmem>>[vector<16xi32>], vector<16xf32>,
      %broadcast_in_dim3A_990 = arith.constant 0 : i32
      %broadcast_in_dim3A_991 = vector.broadcast %broadcast_in_dim3A_990 : i32 to vector<16xi32>
      %broadcast_in_dim3A_992 = arith.constant 5 : i32
      %broadcast_in_dim3A_993 = vector.broadcast %broadcast_in_dim3A_992 : i32 to vector<16xi32>
      tpu.vector_store_idx %arg7[%broadcast_in_dim3A_991, %broadcast_in_dim3A_993, %add3A_3], %gather3A_989 : memref<2x16x1025xf32, #tpu.memory_space<vmem>>[vector<16xi32>, vector<16xi32>, vector<16xi32>], vector<16xf32>,
      %add3A_994 = arith.constant 384 : i32
      %add3A_995 = vector.broadcast %add3A_994 : i32 to vector<16xi32>
      %add3A_996 = arith.addi %gather3A_945, %add3A_995 : vector<16xi32>
      %gather3A_997 = tpu.vector_load_idx %arg8[%add3A_996] : memref<1024xf32, #tpu.memory_space<vmem>>[vector<16xi32>], vector<16xf32>,
      %broadcast_in_dim3A_998 = arith.constant 0 : i32
      %broadcast_in_dim3A_999 = vector.broadcast %broadcast_in_dim3A_998 : i32 to vector<16xi32>
      %broadcast_in_dim3A_1000 = arith.constant 6 : i32
      %broadcast_in_dim3A_1001 = vector.broadcast %broadcast_in_dim3A_1000 : i32 to vector<16xi32>
      tpu.vector_store_idx %arg7[%broadcast_in_dim3A_999, %broadcast_in_dim3A_1001, %add3A_3], %gather3A_997 : memref<2x16x1025xf32, #tpu.memory_space<vmem>>[vector<16xi32>, vector<16xi32>, vector<16xi32>], vector<16xf32>,
      %add3A_1002 = arith.constant 448 : i32
      %add3A_1003 = vector.broadcast %add3A_1002 : i32 to vector<16xi32>
      %add3A_1004 = arith.addi %gather3A_945, %add3A_1003 : vector<16xi32>
      %gather3A_1005 = tpu.vector_load_idx %arg8[%add3A_1004] : memref<1024xf32, #tpu.memory_space<vmem>>[vector<16xi32>], vector<16xf32>,
      %broadcast_in_dim3A_1006 = arith.constant 0 : i32
      %broadcast_in_dim3A_1007 = vector.broadcast %broadcast_in_dim3A_1006 : i32 to vector<16xi32>
      %broadcast_in_dim3A_1008 = arith.constant 7 : i32
      %broadcast_in_dim3A_1009 = vector.broadcast %broadcast_in_dim3A_1008 : i32 to vector<16xi32>
      tpu.vector_store_idx %arg7[%broadcast_in_dim3A_1007, %broadcast_in_dim3A_1009, %add3A_3], %gather3A_1005 : memref<2x16x1025xf32, #tpu.memory_space<vmem>>[vector<16xi32>, vector<16xi32>, vector<16xi32>], vector<16xf32>,
      %add3A_1010 = arith.constant 512 : i32
      %add3A_1011 = vector.broadcast %add3A_1010 : i32 to vector<16xi32>
      %add3A_1012 = arith.addi %gather3A_945, %add3A_1011 : vector<16xi32>
      %gather3A_1013 = tpu.vector_load_idx %arg8[%add3A_1012] : memref<1024xf32, #tpu.memory_space<vmem>>[vector<16xi32>], vector<16xf32>,
      %broadcast_in_dim3A_1014 = arith.constant 0 : i32
      %broadcast_in_dim3A_1015 = vector.broadcast %broadcast_in_dim3A_1014 : i32 to vector<16xi32>
      %broadcast_in_dim3A_1016 = arith.constant 8 : i32
      %broadcast_in_dim3A_1017 = vector.broadcast %broadcast_in_dim3A_1016 : i32 to vector<16xi32>
      tpu.vector_store_idx %arg7[%broadcast_in_dim3A_1015, %broadcast_in_dim3A_1017, %add3A_3], %gather3A_1013 : memref<2x16x1025xf32, #tpu.memory_space<vmem>>[vector<16xi32>, vector<16xi32>, vector<16xi32>], vector<16xf32>,
      %add3A_1018 = arith.constant 576 : i32
      %add3A_1019 = vector.broadcast %add3A_1018 : i32 to vector<16xi32>
      %add3A_1020 = arith.addi %gather3A_945, %add3A_1019 : vector<16xi32>
      %gather3A_1021 = tpu.vector_load_idx %arg8[%add3A_1020] : memref<1024xf32, #tpu.memory_space<vmem>>[vector<16xi32>], vector<16xf32>,
      %broadcast_in_dim3A_1022 = arith.constant 0 : i32
      %broadcast_in_dim3A_1023 = vector.broadcast %broadcast_in_dim3A_1022 : i32 to vector<16xi32>
      %broadcast_in_dim3A_1024 = arith.constant 9 : i32
      %broadcast_in_dim3A_1025 = vector.broadcast %broadcast_in_dim3A_1024 : i32 to vector<16xi32>
      tpu.vector_store_idx %arg7[%broadcast_in_dim3A_1023, %broadcast_in_dim3A_1025, %add3A_3], %gather3A_1021 : memref<2x16x1025xf32, #tpu.memory_space<vmem>>[vector<16xi32>, vector<16xi32>, vector<16xi32>], vector<16xf32>,
      %add3A_1026 = arith.constant 640 : i32
      %add3A_1027 = vector.broadcast %add3A_1026 : i32 to vector<16xi32>
      %add3A_1028 = arith.addi %gather3A_945, %add3A_1027 : vector<16xi32>
      %gather3A_1029 = tpu.vector_load_idx %arg8[%add3A_1028] : memref<1024xf32, #tpu.memory_space<vmem>>[vector<16xi32>], vector<16xf32>,
      %broadcast_in_dim3A_1030 = arith.constant 0 : i32
      %broadcast_in_dim3A_1031 = vector.broadcast %broadcast_in_dim3A_1030 : i32 to vector<16xi32>
      %broadcast_in_dim3A_1032 = arith.constant 10 : i32
      %broadcast_in_dim3A_1033 = vector.broadcast %broadcast_in_dim3A_1032 : i32 to vector<16xi32>
      tpu.vector_store_idx %arg7[%broadcast_in_dim3A_1031, %broadcast_in_dim3A_1033, %add3A_3], %gather3A_1029 : memref<2x16x1025xf32, #tpu.memory_space<vmem>>[vector<16xi32>, vector<16xi32>, vector<16xi32>], vector<16xf32>,
      %add3A_1034 = arith.constant 704 : i32
      %add3A_1035 = vector.broadcast %add3A_1034 : i32 to vector<16xi32>
      %add3A_1036 = arith.addi %gather3A_945, %add3A_1035 : vector<16xi32>
      %gather3A_1037 = tpu.vector_load_idx %arg8[%add3A_1036] : memref<1024xf32, #tpu.memory_space<vmem>>[vector<16xi32>], vector<16xf32>,
      %broadcast_in_dim3A_1038 = arith.constant 0 : i32
      %broadcast_in_dim3A_1039 = vector.broadcast %broadcast_in_dim3A_1038 : i32 to vector<16xi32>
      %broadcast_in_dim3A_1040 = arith.constant 11 : i32
      %broadcast_in_dim3A_1041 = vector.broadcast %broadcast_in_dim3A_1040 : i32 to vector<16xi32>
      tpu.vector_store_idx %arg7[%broadcast_in_dim3A_1039, %broadcast_in_dim3A_1041, %add3A_3], %gather3A_1037 : memref<2x16x1025xf32, #tpu.memory_space<vmem>>[vector<16xi32>, vector<16xi32>, vector<16xi32>], vector<16xf32>,
      %add3A_1042 = arith.constant 768 : i32
      %add3A_1043 = vector.broadcast %add3A_1042 : i32 to vector<16xi32>
      %add3A_1044 = arith.addi %gather3A_945, %add3A_1043 : vector<16xi32>
      %gather3A_1045 = tpu.vector_load_idx %arg8[%add3A_1044] : memref<1024xf32, #tpu.memory_space<vmem>>[vector<16xi32>], vector<16xf32>,
      %broadcast_in_dim3A_1046 = arith.constant 0 : i32
      %broadcast_in_dim3A_1047 = vector.broadcast %broadcast_in_dim3A_1046 : i32 to vector<16xi32>
      %broadcast_in_dim3A_1048 = arith.constant 12 : i32
      %broadcast_in_dim3A_1049 = vector.broadcast %broadcast_in_dim3A_1048 : i32 to vector<16xi32>
      tpu.vector_store_idx %arg7[%broadcast_in_dim3A_1047, %broadcast_in_dim3A_1049, %add3A_3], %gather3A_1045 : memref<2x16x1025xf32, #tpu.memory_space<vmem>>[vector<16xi32>, vector<16xi32>, vector<16xi32>], vector<16xf32>,
      %add3A_1050 = arith.constant 832 : i32
      %add3A_1051 = vector.broadcast %add3A_1050 : i32 to vector<16xi32>
      %add3A_1052 = arith.addi %gather3A_945, %add3A_1051 : vector<16xi32>
      %gather3A_1053 = tpu.vector_load_idx %arg8[%add3A_1052] : memref<1024xf32, #tpu.memory_space<vmem>>[vector<16xi32>], vector<16xf32>,
      %broadcast_in_dim3A_1054 = arith.constant 0 : i32
      %broadcast_in_dim3A_1055 = vector.broadcast %broadcast_in_dim3A_1054 : i32 to vector<16xi32>
      %broadcast_in_dim3A_1056 = arith.constant 13 : i32
      %broadcast_in_dim3A_1057 = vector.broadcast %broadcast_in_dim3A_1056 : i32 to vector<16xi32>
      tpu.vector_store_idx %arg7[%broadcast_in_dim3A_1055, %broadcast_in_dim3A_1057, %add3A_3], %gather3A_1053 : memref<2x16x1025xf32, #tpu.memory_space<vmem>>[vector<16xi32>, vector<16xi32>, vector<16xi32>], vector<16xf32>,
      %add3A_1058 = arith.constant 896 : i32
      %add3A_1059 = vector.broadcast %add3A_1058 : i32 to vector<16xi32>
      %add3A_1060 = arith.addi %gather3A_945, %add3A_1059 : vector<16xi32>
      %gather3A_1061 = tpu.vector_load_idx %arg8[%add3A_1060] : memref<1024xf32, #tpu.memory_space<vmem>>[vector<16xi32>], vector<16xf32>,
      %broadcast_in_dim3A_1062 = arith.constant 0 : i32
      %broadcast_in_dim3A_1063 = vector.broadcast %broadcast_in_dim3A_1062 : i32 to vector<16xi32>
      %broadcast_in_dim3A_1064 = arith.constant 14 : i32
      %broadcast_in_dim3A_1065 = vector.broadcast %broadcast_in_dim3A_1064 : i32 to vector<16xi32>
      tpu.vector_store_idx %arg7[%broadcast_in_dim3A_1063, %broadcast_in_dim3A_1065, %add3A_3], %gather3A_1061 : memref<2x16x1025xf32, #tpu.memory_space<vmem>>[vector<16xi32>, vector<16xi32>, vector<16xi32>], vector<16xf32>,
      %add3A_1066 = arith.constant 960 : i32
      %add3A_1067 = vector.broadcast %add3A_1066 : i32 to vector<16xi32>
      %add3A_1068 = arith.addi %gather3A_945, %add3A_1067 : vector<16xi32>
      %gather3A_1069 = tpu.vector_load_idx %arg8[%add3A_1068] : memref<1024xf32, #tpu.memory_space<vmem>>[vector<16xi32>], vector<16xf32>,
      %broadcast_in_dim3A_1070 = arith.constant 0 : i32
      %broadcast_in_dim3A_1071 = vector.broadcast %broadcast_in_dim3A_1070 : i32 to vector<16xi32>
      %broadcast_in_dim3A_1072 = arith.constant 15 : i32
      %broadcast_in_dim3A_1073 = vector.broadcast %broadcast_in_dim3A_1072 : i32 to vector<16xi32>
      tpu.vector_store_idx %arg7[%broadcast_in_dim3A_1071, %broadcast_in_dim3A_1073, %add3A_3], %gather3A_1069 : memref<2x16x1025xf32, #tpu.memory_space<vmem>>[vector<16xi32>, vector<16xi32>, vector<16xi32>], vector<16xf32>,
      %broadcast_in_dim3A_1074 = arith.constant 7 : i32
      %broadcast_in_dim3A_1075 = vector.broadcast %broadcast_in_dim3A_1074 : i32 to vector<16xi32>
      %gather3A_1076 = tpu.vector_load_idx %arg5[%broadcast_in_dim3A_1075, %add3A_3] : memref<8x1025xi32, #tpu.memory_space<vmem>>[vector<16xi32>, vector<16xi32>], vector<16xi32>,
      %add3A_1077 = arith.constant 0 : i32
      %add3A_1078 = vector.broadcast %add3A_1077 : i32 to vector<16xi32>
      %add3A_1079 = arith.addi %gather3A_1076, %add3A_1078 : vector<16xi32>
      %gather3A_1080 = tpu.vector_load_idx %arg8[%add3A_1079] : memref<1024xf32, #tpu.memory_space<vmem>>[vector<16xi32>], vector<16xf32>,
      %broadcast_in_dim3A_1081 = arith.constant 1 : i32
      %broadcast_in_dim3A_1082 = vector.broadcast %broadcast_in_dim3A_1081 : i32 to vector<16xi32>
      %broadcast_in_dim3A_1083 = arith.constant 0 : i32
      %broadcast_in_dim3A_1084 = vector.broadcast %broadcast_in_dim3A_1083 : i32 to vector<16xi32>
      tpu.vector_store_idx %arg7[%broadcast_in_dim3A_1082, %broadcast_in_dim3A_1084, %add3A_3], %gather3A_1080 : memref<2x16x1025xf32, #tpu.memory_space<vmem>>[vector<16xi32>, vector<16xi32>, vector<16xi32>], vector<16xf32>,
      %add3A_1085 = arith.constant 64 : i32
      %add3A_1086 = vector.broadcast %add3A_1085 : i32 to vector<16xi32>
      %add3A_1087 = arith.addi %gather3A_1076, %add3A_1086 : vector<16xi32>
      %gather3A_1088 = tpu.vector_load_idx %arg8[%add3A_1087] : memref<1024xf32, #tpu.memory_space<vmem>>[vector<16xi32>], vector<16xf32>,
      %broadcast_in_dim3A_1089 = arith.constant 1 : i32
      %broadcast_in_dim3A_1090 = vector.broadcast %broadcast_in_dim3A_1089 : i32 to vector<16xi32>
      %broadcast_in_dim3A_1091 = arith.constant 1 : i32
      %broadcast_in_dim3A_1092 = vector.broadcast %broadcast_in_dim3A_1091 : i32 to vector<16xi32>
      tpu.vector_store_idx %arg7[%broadcast_in_dim3A_1090, %broadcast_in_dim3A_1092, %add3A_3], %gather3A_1088 : memref<2x16x1025xf32, #tpu.memory_space<vmem>>[vector<16xi32>, vector<16xi32>, vector<16xi32>], vector<16xf32>,
      %add3A_1093 = arith.constant 128 : i32
      %add3A_1094 = vector.broadcast %add3A_1093 : i32 to vector<16xi32>
      %add3A_1095 = arith.addi %gather3A_1076, %add3A_1094 : vector<16xi32>
      %gather3A_1096 = tpu.vector_load_idx %arg8[%add3A_1095] : memref<1024xf32, #tpu.memory_space<vmem>>[vector<16xi32>], vector<16xf32>,
      %broadcast_in_dim3A_1097 = arith.constant 1 : i32
      %broadcast_in_dim3A_1098 = vector.broadcast %broadcast_in_dim3A_1097 : i32 to vector<16xi32>
      %broadcast_in_dim3A_1099 = arith.constant 2 : i32
      %broadcast_in_dim3A_1100 = vector.broadcast %broadcast_in_dim3A_1099 : i32 to vector<16xi32>
      tpu.vector_store_idx %arg7[%broadcast_in_dim3A_1098, %broadcast_in_dim3A_1100, %add3A_3], %gather3A_1096 : memref<2x16x1025xf32, #tpu.memory_space<vmem>>[vector<16xi32>, vector<16xi32>, vector<16xi32>], vector<16xf32>,
      %add3A_1101 = arith.constant 192 : i32
      %add3A_1102 = vector.broadcast %add3A_1101 : i32 to vector<16xi32>
      %add3A_1103 = arith.addi %gather3A_1076, %add3A_1102 : vector<16xi32>
      %gather3A_1104 = tpu.vector_load_idx %arg8[%add3A_1103] : memref<1024xf32, #tpu.memory_space<vmem>>[vector<16xi32>], vector<16xf32>,
      %broadcast_in_dim3A_1105 = arith.constant 1 : i32
      %broadcast_in_dim3A_1106 = vector.broadcast %broadcast_in_dim3A_1105 : i32 to vector<16xi32>
      %broadcast_in_dim3A_1107 = arith.constant 3 : i32
      %broadcast_in_dim3A_1108 = vector.broadcast %broadcast_in_dim3A_1107 : i32 to vector<16xi32>
      tpu.vector_store_idx %arg7[%broadcast_in_dim3A_1106, %broadcast_in_dim3A_1108, %add3A_3], %gather3A_1104 : memref<2x16x1025xf32, #tpu.memory_space<vmem>>[vector<16xi32>, vector<16xi32>, vector<16xi32>], vector<16xf32>,
      %add3A_1109 = arith.constant 256 : i32
      %add3A_1110 = vector.broadcast %add3A_1109 : i32 to vector<16xi32>
      %add3A_1111 = arith.addi %gather3A_1076, %add3A_1110 : vector<16xi32>
      %gather3A_1112 = tpu.vector_load_idx %arg8[%add3A_1111] : memref<1024xf32, #tpu.memory_space<vmem>>[vector<16xi32>], vector<16xf32>,
      %broadcast_in_dim3A_1113 = arith.constant 1 : i32
      %broadcast_in_dim3A_1114 = vector.broadcast %broadcast_in_dim3A_1113 : i32 to vector<16xi32>
      %broadcast_in_dim3A_1115 = arith.constant 4 : i32
      %broadcast_in_dim3A_1116 = vector.broadcast %broadcast_in_dim3A_1115 : i32 to vector<16xi32>
      tpu.vector_store_idx %arg7[%broadcast_in_dim3A_1114, %broadcast_in_dim3A_1116, %add3A_3], %gather3A_1112 : memref<2x16x1025xf32, #tpu.memory_space<vmem>>[vector<16xi32>, vector<16xi32>, vector<16xi32>], vector<16xf32>,
      %add3A_1117 = arith.constant 320 : i32
      %add3A_1118 = vector.broadcast %add3A_1117 : i32 to vector<16xi32>
      %add3A_1119 = arith.addi %gather3A_1076, %add3A_1118 : vector<16xi32>
      %gather3A_1120 = tpu.vector_load_idx %arg8[%add3A_1119] : memref<1024xf32, #tpu.memory_space<vmem>>[vector<16xi32>], vector<16xf32>,
      %broadcast_in_dim3A_1121 = arith.constant 1 : i32
      %broadcast_in_dim3A_1122 = vector.broadcast %broadcast_in_dim3A_1121 : i32 to vector<16xi32>
      %broadcast_in_dim3A_1123 = arith.constant 5 : i32
      %broadcast_in_dim3A_1124 = vector.broadcast %broadcast_in_dim3A_1123 : i32 to vector<16xi32>
      tpu.vector_store_idx %arg7[%broadcast_in_dim3A_1122, %broadcast_in_dim3A_1124, %add3A_3], %gather3A_1120 : memref<2x16x1025xf32, #tpu.memory_space<vmem>>[vector<16xi32>, vector<16xi32>, vector<16xi32>], vector<16xf32>,
      %add3A_1125 = arith.constant 384 : i32
      %add3A_1126 = vector.broadcast %add3A_1125 : i32 to vector<16xi32>
      %add3A_1127 = arith.addi %gather3A_1076, %add3A_1126 : vector<16xi32>
      %gather3A_1128 = tpu.vector_load_idx %arg8[%add3A_1127] : memref<1024xf32, #tpu.memory_space<vmem>>[vector<16xi32>], vector<16xf32>,
      %broadcast_in_dim3A_1129 = arith.constant 1 : i32
      %broadcast_in_dim3A_1130 = vector.broadcast %broadcast_in_dim3A_1129 : i32 to vector<16xi32>
      %broadcast_in_dim3A_1131 = arith.constant 6 : i32
      %broadcast_in_dim3A_1132 = vector.broadcast %broadcast_in_dim3A_1131 : i32 to vector<16xi32>
      tpu.vector_store_idx %arg7[%broadcast_in_dim3A_1130, %broadcast_in_dim3A_1132, %add3A_3], %gather3A_1128 : memref<2x16x1025xf32, #tpu.memory_space<vmem>>[vector<16xi32>, vector<16xi32>, vector<16xi32>], vector<16xf32>,
      %add3A_1133 = arith.constant 448 : i32
      %add3A_1134 = vector.broadcast %add3A_1133 : i32 to vector<16xi32>
      %add3A_1135 = arith.addi %gather3A_1076, %add3A_1134 : vector<16xi32>
      %gather3A_1136 = tpu.vector_load_idx %arg8[%add3A_1135] : memref<1024xf32, #tpu.memory_space<vmem>>[vector<16xi32>], vector<16xf32>,
      %broadcast_in_dim3A_1137 = arith.constant 1 : i32
      %broadcast_in_dim3A_1138 = vector.broadcast %broadcast_in_dim3A_1137 : i32 to vector<16xi32>
      %broadcast_in_dim3A_1139 = arith.constant 7 : i32
      %broadcast_in_dim3A_1140 = vector.broadcast %broadcast_in_dim3A_1139 : i32 to vector<16xi32>
      tpu.vector_store_idx %arg7[%broadcast_in_dim3A_1138, %broadcast_in_dim3A_1140, %add3A_3], %gather3A_1136 : memref<2x16x1025xf32, #tpu.memory_space<vmem>>[vector<16xi32>, vector<16xi32>, vector<16xi32>], vector<16xf32>,
      %add3A_1141 = arith.constant 512 : i32
      %add3A_1142 = vector.broadcast %add3A_1141 : i32 to vector<16xi32>
      %add3A_1143 = arith.addi %gather3A_1076, %add3A_1142 : vector<16xi32>
      %gather3A_1144 = tpu.vector_load_idx %arg8[%add3A_1143] : memref<1024xf32, #tpu.memory_space<vmem>>[vector<16xi32>], vector<16xf32>,
      %broadcast_in_dim3A_1145 = arith.constant 1 : i32
      %broadcast_in_dim3A_1146 = vector.broadcast %broadcast_in_dim3A_1145 : i32 to vector<16xi32>
      %broadcast_in_dim3A_1147 = arith.constant 8 : i32
      %broadcast_in_dim3A_1148 = vector.broadcast %broadcast_in_dim3A_1147 : i32 to vector<16xi32>
      tpu.vector_store_idx %arg7[%broadcast_in_dim3A_1146, %broadcast_in_dim3A_1148, %add3A_3], %gather3A_1144 : memref<2x16x1025xf32, #tpu.memory_space<vmem>>[vector<16xi32>, vector<16xi32>, vector<16xi32>], vector<16xf32>,
      %add3A_1149 = arith.constant 576 : i32
      %add3A_1150 = vector.broadcast %add3A_1149 : i32 to vector<16xi32>
      %add3A_1151 = arith.addi %gather3A_1076, %add3A_1150 : vector<16xi32>
      %gather3A_1152 = tpu.vector_load_idx %arg8[%add3A_1151] : memref<1024xf32, #tpu.memory_space<vmem>>[vector<16xi32>], vector<16xf32>,
      %broadcast_in_dim3A_1153 = arith.constant 1 : i32
      %broadcast_in_dim3A_1154 = vector.broadcast %broadcast_in_dim3A_1153 : i32 to vector<16xi32>
      %broadcast_in_dim3A_1155 = arith.constant 9 : i32
      %broadcast_in_dim3A_1156 = vector.broadcast %broadcast_in_dim3A_1155 : i32 to vector<16xi32>
      tpu.vector_store_idx %arg7[%broadcast_in_dim3A_1154, %broadcast_in_dim3A_1156, %add3A_3], %gather3A_1152 : memref<2x16x1025xf32, #tpu.memory_space<vmem>>[vector<16xi32>, vector<16xi32>, vector<16xi32>], vector<16xf32>,
      %add3A_1157 = arith.constant 640 : i32
      %add3A_1158 = vector.broadcast %add3A_1157 : i32 to vector<16xi32>
      %add3A_1159 = arith.addi %gather3A_1076, %add3A_1158 : vector<16xi32>
      %gather3A_1160 = tpu.vector_load_idx %arg8[%add3A_1159] : memref<1024xf32, #tpu.memory_space<vmem>>[vector<16xi32>], vector<16xf32>,
      %broadcast_in_dim3A_1161 = arith.constant 1 : i32
      %broadcast_in_dim3A_1162 = vector.broadcast %broadcast_in_dim3A_1161 : i32 to vector<16xi32>
      %broadcast_in_dim3A_1163 = arith.constant 10 : i32
      %broadcast_in_dim3A_1164 = vector.broadcast %broadcast_in_dim3A_1163 : i32 to vector<16xi32>
      tpu.vector_store_idx %arg7[%broadcast_in_dim3A_1162, %broadcast_in_dim3A_1164, %add3A_3], %gather3A_1160 : memref<2x16x1025xf32, #tpu.memory_space<vmem>>[vector<16xi32>, vector<16xi32>, vector<16xi32>], vector<16xf32>,
      %add3A_1165 = arith.constant 704 : i32
      %add3A_1166 = vector.broadcast %add3A_1165 : i32 to vector<16xi32>
      %add3A_1167 = arith.addi %gather3A_1076, %add3A_1166 : vector<16xi32>
      %gather3A_1168 = tpu.vector_load_idx %arg8[%add3A_1167] : memref<1024xf32, #tpu.memory_space<vmem>>[vector<16xi32>], vector<16xf32>,
      %broadcast_in_dim3A_1169 = arith.constant 1 : i32
      %broadcast_in_dim3A_1170 = vector.broadcast %broadcast_in_dim3A_1169 : i32 to vector<16xi32>
      %broadcast_in_dim3A_1171 = arith.constant 11 : i32
      %broadcast_in_dim3A_1172 = vector.broadcast %broadcast_in_dim3A_1171 : i32 to vector<16xi32>
      tpu.vector_store_idx %arg7[%broadcast_in_dim3A_1170, %broadcast_in_dim3A_1172, %add3A_3], %gather3A_1168 : memref<2x16x1025xf32, #tpu.memory_space<vmem>>[vector<16xi32>, vector<16xi32>, vector<16xi32>], vector<16xf32>,
      %add3A_1173 = arith.constant 768 : i32
      %add3A_1174 = vector.broadcast %add3A_1173 : i32 to vector<16xi32>
      %add3A_1175 = arith.addi %gather3A_1076, %add3A_1174 : vector<16xi32>
      %gather3A_1176 = tpu.vector_load_idx %arg8[%add3A_1175] : memref<1024xf32, #tpu.memory_space<vmem>>[vector<16xi32>], vector<16xf32>,
      %broadcast_in_dim3A_1177 = arith.constant 1 : i32
      %broadcast_in_dim3A_1178 = vector.broadcast %broadcast_in_dim3A_1177 : i32 to vector<16xi32>
      %broadcast_in_dim3A_1179 = arith.constant 12 : i32
      %broadcast_in_dim3A_1180 = vector.broadcast %broadcast_in_dim3A_1179 : i32 to vector<16xi32>
      tpu.vector_store_idx %arg7[%broadcast_in_dim3A_1178, %broadcast_in_dim3A_1180, %add3A_3], %gather3A_1176 : memref<2x16x1025xf32, #tpu.memory_space<vmem>>[vector<16xi32>, vector<16xi32>, vector<16xi32>], vector<16xf32>,
      %add3A_1181 = arith.constant 832 : i32
      %add3A_1182 = vector.broadcast %add3A_1181 : i32 to vector<16xi32>
      %add3A_1183 = arith.addi %gather3A_1076, %add3A_1182 : vector<16xi32>
      %gather3A_1184 = tpu.vector_load_idx %arg8[%add3A_1183] : memref<1024xf32, #tpu.memory_space<vmem>>[vector<16xi32>], vector<16xf32>,
      %broadcast_in_dim3A_1185 = arith.constant 1 : i32
      %broadcast_in_dim3A_1186 = vector.broadcast %broadcast_in_dim3A_1185 : i32 to vector<16xi32>
      %broadcast_in_dim3A_1187 = arith.constant 13 : i32
      %broadcast_in_dim3A_1188 = vector.broadcast %broadcast_in_dim3A_1187 : i32 to vector<16xi32>
      tpu.vector_store_idx %arg7[%broadcast_in_dim3A_1186, %broadcast_in_dim3A_1188, %add3A_3], %gather3A_1184 : memref<2x16x1025xf32, #tpu.memory_space<vmem>>[vector<16xi32>, vector<16xi32>, vector<16xi32>], vector<16xf32>,
      %add3A_1189 = arith.constant 896 : i32
      %add3A_1190 = vector.broadcast %add3A_1189 : i32 to vector<16xi32>
      %add3A_1191 = arith.addi %gather3A_1076, %add3A_1190 : vector<16xi32>
      %gather3A_1192 = tpu.vector_load_idx %arg8[%add3A_1191] : memref<1024xf32, #tpu.memory_space<vmem>>[vector<16xi32>], vector<16xf32>,
      %broadcast_in_dim3A_1193 = arith.constant 1 : i32
      %broadcast_in_dim3A_1194 = vector.broadcast %broadcast_in_dim3A_1193 : i32 to vector<16xi32>
      %broadcast_in_dim3A_1195 = arith.constant 14 : i32
      %broadcast_in_dim3A_1196 = vector.broadcast %broadcast_in_dim3A_1195 : i32 to vector<16xi32>
      tpu.vector_store_idx %arg7[%broadcast_in_dim3A_1194, %broadcast_in_dim3A_1196, %add3A_3], %gather3A_1192 : memref<2x16x1025xf32, #tpu.memory_space<vmem>>[vector<16xi32>, vector<16xi32>, vector<16xi32>], vector<16xf32>,
      %add3A_1197 = arith.constant 960 : i32
      %add3A_1198 = vector.broadcast %add3A_1197 : i32 to vector<16xi32>
      %add3A_1199 = arith.addi %gather3A_1076, %add3A_1198 : vector<16xi32>
      %gather3A_1200 = tpu.vector_load_idx %arg8[%add3A_1199] : memref<1024xf32, #tpu.memory_space<vmem>>[vector<16xi32>], vector<16xf32>,
      %broadcast_in_dim3A_1201 = arith.constant 1 : i32
      %broadcast_in_dim3A_1202 = vector.broadcast %broadcast_in_dim3A_1201 : i32 to vector<16xi32>
      %broadcast_in_dim3A_1203 = arith.constant 15 : i32
      %broadcast_in_dim3A_1204 = vector.broadcast %broadcast_in_dim3A_1203 : i32 to vector<16xi32>
      tpu.vector_store_idx %arg7[%broadcast_in_dim3A_1202, %broadcast_in_dim3A_1204, %add3A_3], %gather3A_1200 : memref<2x16x1025xf32, #tpu.memory_space<vmem>>[vector<16xi32>, vector<16xi32>, vector<16xi32>], vector<16xf32>,
      %dma_start3A_1205 = arith.constant 0 : i32
      %dma_start3A_1206 = arith.constant 0 : i32
      %dma_start3A_1207 = arith.constant 0 : i32
      %dma_start3A_1208 = arith.constant 0 : i32
      %dma_start3A_1209 = tpu.memref_slice %arg7[%dma_start3A_1206, %dma_start3A_1207, %dma_start3A_1208] : memref<2x16x1025xf32, #tpu.memory_space<vmem>> -> memref<2x16x1025xf32, #tpu.memory_space<vmem>>
      %dma_start3A_1210 = arith.constant 0 : i32
      %dma_start3A_1211 = arith.constant 0 : i32
      %dma_start3A_1212 = tpu.memref_slice %arg4[%dma_start3A_1205, %add3A_934, %dma_start3A_1210, %dma_start3A_1211] : memref<1x1025x16x1025xf32, #tpu.memory_space<hbm>> -> memref<1x2x16x1025xf32, #tpu.memory_space<hbm>>
      %dma_start3A_1213 = tpu.memref_squeeze %dma_start3A_1212 : memref<1x2x16x1025xf32, #tpu.memory_space<hbm>> -> memref<2x16x1025xf32, #tpu.memory_space<hbm>>
      %dma_start3A_1214 = arith.constant 0 : i32
      %dma_start3A_1215 = arith.constant 0 : i32
      %dma_start3A_1216 = tpu.memref_slice %arg4[%dma_start3A_1205, %add3A_934, %dma_start3A_1214, %dma_start3A_1215] : memref<1x1025x16x1025xf32, #tpu.memory_space<hbm>> -> memref<1x2x16x1025xf32, #tpu.memory_space<hbm>>
      %dma_start3A_1217 = tpu.memref_squeeze %dma_start3A_1216 : memref<1x2x16x1025xf32, #tpu.memory_space<hbm>> -> memref<2x16x1025xf32, #tpu.memory_space<hbm>>
      %dma_start3A_1218 = arith.constant 0 : i32
      %dma_start3A_1219 = arith.constant 0 : i32
      %dma_start3A_1220 = arith.constant 0 : i32
      %dma_start3A_1221 = tpu.memref_slice %arg7[%dma_start3A_1218, %dma_start3A_1219, %dma_start3A_1220] : memref<2x16x1025xf32, #tpu.memory_space<vmem>> -> memref<2x16x1025xf32, #tpu.memory_space<vmem>>
      tpu.enqueue_dma source(%dma_start3A_1221 : memref<2x16x1025xf32, #tpu.memory_space<vmem>>) target(%dma_start3A_1217 : memref<2x16x1025xf32, #tpu.memory_space<hbm>>) target_semaphore(%arg10 : memref<!tpu.dma_semaphore, #tpu.memory_space<semaphore_mem>>)
    }
    %scan3A_12 = arith.constant 4 : i32
    %dma_wait3A = arith.constant 0 : i32
    %dma_wait3A_13 = arith.constant 0 : i32
    %dma_wait3A_14 = arith.constant 0 : i32
    %dma_wait3A_15 = arith.constant 0 : i32
    %dma_wait3A_16 = tpu.memref_slice %arg6[%dma_wait3A_13, %dma_wait3A_14, %dma_wait3A_15] : memref<2x16x1025xf32, #tpu.memory_space<vmem>> -> memref<2x16x1025xf32, #tpu.memory_space<vmem>>
    %dma_wait3A_17 = arith.constant 0 : i32
    %dma_wait3A_18 = arith.constant 0 : i32
    %dma_wait3A_19 = arith.constant 0 : i32
    %dma_wait3A_20 = tpu.memref_slice %arg4[%dma_wait3A, %dma_wait3A_17, %dma_wait3A_18, %dma_wait3A_19] : memref<1x1025x16x1025xf32, #tpu.memory_space<hbm>> -> memref<1x2x16x1025xf32, #tpu.memory_space<hbm>>
    %dma_wait3A_21 = tpu.memref_squeeze %dma_wait3A_20 : memref<1x2x16x1025xf32, #tpu.memory_space<hbm>> -> memref<2x16x1025xf32, #tpu.memory_space<hbm>>
    %dma_wait3A_22 = arith.constant 0 : i32
    %dma_wait3A_23 = arith.constant 0 : i32
    %dma_wait3A_24 = arith.constant 0 : i32
    %dma_wait3A_25 = tpu.memref_slice %arg4[%dma_wait3A, %dma_wait3A_22, %dma_wait3A_23, %dma_wait3A_24] : memref<1x1025x16x1025xf32, #tpu.memory_space<hbm>> -> memref<1x2x16x1025xf32, #tpu.memory_space<hbm>>
    %dma_wait3A_26 = tpu.memref_squeeze %dma_wait3A_25 : memref<1x2x16x1025xf32, #tpu.memory_space<hbm>> -> memref<2x16x1025xf32, #tpu.memory_space<hbm>>
    %dma_wait3A_27 = arith.constant 0 : i32
    %dma_wait3A_28 = arith.constant 0 : i32
    %dma_wait3A_29 = arith.constant 0 : i32
    %dma_wait3A_30 = tpu.memref_slice %arg6[%dma_wait3A_27, %dma_wait3A_28, %dma_wait3A_29] : memref<2x16x1025xf32, #tpu.memory_space<vmem>> -> memref<2x16x1025xf32, #tpu.memory_space<vmem>>
    tpu.wait_dma2 semaphore(%arg9 : memref<!tpu.dma_semaphore, #tpu.memory_space<semaphore_mem>>) src(%dma_wait3A_30 : memref<2x16x1025xf32, #tpu.memory_space<vmem>>) dst(%dma_wait3A_26 : memref<2x16x1025xf32, #tpu.memory_space<hbm>>)
    %dma_wait3A_31 = arith.constant 0 : i32
    %dma_wait3A_32 = arith.constant 0 : i32
    %dma_wait3A_33 = arith.constant 0 : i32
    %dma_wait3A_34 = arith.constant 0 : i32
    %dma_wait3A_35 = tpu.memref_slice %arg7[%dma_wait3A_32, %dma_wait3A_33, %dma_wait3A_34] : memref<2x16x1025xf32, #tpu.memory_space<vmem>> -> memref<2x16x1025xf32, #tpu.memory_space<vmem>>
    %dma_wait3A_36 = arith.constant 0 : i32
    %dma_wait3A_37 = arith.constant 0 : i32
    %dma_wait3A_38 = arith.constant 0 : i32
    %dma_wait3A_39 = tpu.memref_slice %arg4[%dma_wait3A_31, %dma_wait3A_36, %dma_wait3A_37, %dma_wait3A_38] : memref<1x1025x16x1025xf32, #tpu.memory_space<hbm>> -> memref<1x2x16x1025xf32, #tpu.memory_space<hbm>>
    %dma_wait3A_40 = tpu.memref_squeeze %dma_wait3A_39 : memref<1x2x16x1025xf32, #tpu.memory_space<hbm>> -> memref<2x16x1025xf32, #tpu.memory_space<hbm>>
    %dma_wait3A_41 = arith.constant 0 : i32
    %dma_wait3A_42 = arith.constant 0 : i32
    %dma_wait3A_43 = arith.constant 0 : i32
    %dma_wait3A_44 = tpu.memref_slice %arg4[%dma_wait3A_31, %dma_wait3A_41, %dma_wait3A_42, %dma_wait3A_43] : memref<1x1025x16x1025xf32, #tpu.memory_space<hbm>> -> memref<1x2x16x1025xf32, #tpu.memory_space<hbm>>
    %dma_wait3A_45 = tpu.memref_squeeze %dma_wait3A_44 : memref<1x2x16x1025xf32, #tpu.memory_space<hbm>> -> memref<2x16x1025xf32, #tpu.memory_space<hbm>>
    %dma_wait3A_46 = arith.constant 0 : i32
    %dma_wait3A_47 = arith.constant 0 : i32
    %dma_wait3A_48 = arith.constant 0 : i32
    %dma_wait3A_49 = tpu.memref_slice %arg7[%dma_wait3A_46, %dma_wait3A_47, %dma_wait3A_48] : memref<2x16x1025xf32, #tpu.memory_space<vmem>> -> memref<2x16x1025xf32, #tpu.memory_space<vmem>>
    tpu.wait_dma2 semaphore(%arg10 : memref<!tpu.dma_semaphore, #tpu.memory_space<semaphore_mem>>) src(%dma_wait3A_49 : memref<2x16x1025xf32, #tpu.memory_space<vmem>>) dst(%dma_wait3A_45 : memref<2x16x1025xf32, #tpu.memory_space<hbm>>)
    %eq3A = arith.constant 31 : i32
    %eq3A_50 = arith.cmpi eq, %add3A, %eq3A : i32
    %convert_element_type3A = arith.extui %eq3A_50 : i1 to i32
    %cond3A = arith.constant 0 : i32
    %cond3A_51 = arith.cmpi ne, %convert_element_type3A, %cond3A : i32
    scf.if %cond3A_51 {
      "tpu.region"() ({
        %run_scoped3A = tpu.sem_alloc : memref<!tpu.dma_semaphore, #tpu.memory_space<semaphore_mem>>
        %dma_start3A_225 = arith.constant 0 : i32
        %dma_start3A_226 = arith.constant 0 : i32
        %dma_start3A_227 = tpu.memref_slice %arg5[%dma_start3A_225, %dma_start3A_226] : memref<8x1025xi32, #tpu.memory_space<vmem>> -> memref<1x1025xi32, #tpu.memory_space<vmem>>
        %dma_start3A_228 = arith.constant 1024 : i32
        %dma_start3A_229 = arith.constant 0 : i32
        %dma_start3A_230 = tpu.memref_slice %arg2[%dma_start3A_228, %dma_start3A_229] : memref<1025x1025xi32, #tpu.memory_space<hbm>> -> memref<1x1025xi32, #tpu.memory_space<hbm>>
        %dma_start3A_231 = arith.constant 0 : i32
        %dma_start3A_232 = arith.constant 0 : i32
        %dma_start3A_233 = tpu.memref_slice %arg5[%dma_start3A_231, %dma_start3A_232] : memref<8x1025xi32, #tpu.memory_space<vmem>> -> memref<1x1025xi32, #tpu.memory_space<vmem>>
        %dma_start3A_234 = arith.constant 1024 : i32
        %dma_start3A_235 = arith.constant 0 : i32
        %dma_start3A_236 = tpu.memref_slice %arg2[%dma_start3A_234, %dma_start3A_235] : memref<1025x1025xi32, #tpu.memory_space<hbm>> -> memref<1x1025xi32, #tpu.memory_space<hbm>>
        tpu.enqueue_dma source(%dma_start3A_236 : memref<1x1025xi32, #tpu.memory_space<hbm>>) target(%dma_start3A_233 : memref<1x1025xi32, #tpu.memory_space<vmem>>) target_semaphore(%run_scoped3A : memref<!tpu.dma_semaphore, #tpu.memory_space<semaphore_mem>>)
        %dma_wait3A_237 = arith.constant 0 : i32
        %dma_wait3A_238 = arith.constant 0 : i32
        %dma_wait3A_239 = tpu.memref_slice %arg5[%dma_wait3A_237, %dma_wait3A_238] : memref<8x1025xi32, #tpu.memory_space<vmem>> -> memref<1x1025xi32, #tpu.memory_space<vmem>>
        %dma_wait3A_240 = arith.constant 1024 : i32
        %dma_wait3A_241 = arith.constant 0 : i32
        %dma_wait3A_242 = tpu.memref_slice %arg2[%dma_wait3A_240, %dma_wait3A_241] : memref<1025x1025xi32, #tpu.memory_space<hbm>> -> memref<1x1025xi32, #tpu.memory_space<hbm>>
        %dma_wait3A_243 = arith.constant 0 : i32
        %dma_wait3A_244 = arith.constant 0 : i32
        %dma_wait3A_245 = tpu.memref_slice %arg5[%dma_wait3A_243, %dma_wait3A_244] : memref<8x1025xi32, #tpu.memory_space<vmem>> -> memref<1x1025xi32, #tpu.memory_space<vmem>>
        %dma_wait3A_246 = arith.constant 1024 : i32
        %dma_wait3A_247 = arith.constant 0 : i32
        %dma_wait3A_248 = tpu.memref_slice %arg2[%dma_wait3A_246, %dma_wait3A_247] : memref<1025x1025xi32, #tpu.memory_space<hbm>> -> memref<1x1025xi32, #tpu.memory_space<hbm>>
        tpu.wait_dma2 semaphore(%run_scoped3A : memref<!tpu.dma_semaphore, #tpu.memory_space<semaphore_mem>>) src(%dma_wait3A_248 : memref<1x1025xi32, #tpu.memory_space<hbm>>) dst(%dma_wait3A_245 : memref<1x1025xi32, #tpu.memory_space<vmem>>)
        tpu.yield
      }) : () -> ()
      %not3A = arith.constant true
      %not3A_52 = arith.constant true
      %not3A_53 = arith.xori %not3A, %not3A_52 : i1
      %convert_element_type3A_54 = arith.extui %not3A_53 : i1 to i32
      %cond3A_55 = arith.constant 0 : i32
      %cond3A_56 = arith.cmpi ne, %convert_element_type3A_54, %cond3A_55 : i32
      scf.if %cond3A_56 {
        %dma_wait3A_225 = arith.constant 0 : i32
        %dma_wait3A_226 = arith.constant 0 : i32
        %dma_wait3A_227 = arith.constant 0 : i32
        %dma_wait3A_228 = arith.constant 0 : i32
        %dma_wait3A_229 = tpu.memref_slice %arg6[%dma_wait3A_226, %dma_wait3A_227, %dma_wait3A_228] : memref<2x16x1025xf32, #tpu.memory_space<vmem>> -> memref<1x16x1025xf32, #tpu.memory_space<vmem>>
        %dma_wait3A_230 = arith.constant 0 : i32
        %dma_wait3A_231 = arith.constant 0 : i32
        %dma_wait3A_232 = arith.constant 0 : i32
        %dma_wait3A_233 = tpu.memref_slice %arg4[%dma_wait3A_225, %dma_wait3A_230, %dma_wait3A_231, %dma_wait3A_232] : memref<1x1025x16x1025xf32, #tpu.memory_space<hbm>> -> memref<1x1x16x1025xf32, #tpu.memory_space<hbm>>
        %dma_wait3A_234 = tpu.memref_squeeze %dma_wait3A_233 : memref<1x1x16x1025xf32, #tpu.memory_space<hbm>> -> memref<1x16x1025xf32, #tpu.memory_space<hbm>>
        %dma_wait3A_235 = arith.constant 0 : i32
        %dma_wait3A_236 = arith.constant 0 : i32
        %dma_wait3A_237 = arith.constant 0 : i32
        %dma_wait3A_238 = tpu.memref_slice %arg4[%dma_wait3A_225, %dma_wait3A_235, %dma_wait3A_236, %dma_wait3A_237] : memref<1x1025x16x1025xf32, #tpu.memory_space<hbm>> -> memref<1x1x16x1025xf32, #tpu.memory_space<hbm>>
        %dma_wait3A_239 = tpu.memref_squeeze %dma_wait3A_238 : memref<1x1x16x1025xf32, #tpu.memory_space<hbm>> -> memref<1x16x1025xf32, #tpu.memory_space<hbm>>
        %dma_wait3A_240 = arith.constant 0 : i32
        %dma_wait3A_241 = arith.constant 0 : i32
        %dma_wait3A_242 = arith.constant 0 : i32
        %dma_wait3A_243 = tpu.memref_slice %arg6[%dma_wait3A_240, %dma_wait3A_241, %dma_wait3A_242] : memref<2x16x1025xf32, #tpu.memory_space<vmem>> -> memref<1x16x1025xf32, #tpu.memory_space<vmem>>
        tpu.wait_dma2 semaphore(%arg9 : memref<!tpu.dma_semaphore, #tpu.memory_space<semaphore_mem>>) src(%dma_wait3A_243 : memref<1x16x1025xf32, #tpu.memory_space<vmem>>) dst(%dma_wait3A_239 : memref<1x16x1025xf32, #tpu.memory_space<hbm>>)
      } else {
      }
      %parallel_loop3A = arith.constant 0 : i32
      %parallel_loop3A_57 = arith.constant 64 : i32
      %parallel_loop3A_58 = arith.constant 1 : i32
      scf.for %parallel_loop3A_225 = %parallel_loop3A to %parallel_loop3A_57 step %parallel_loop3A_58  : i32 {
        %parallel_loop3A_226 = arith.constant 64 : i32
        %parallel_loop3A_227 = arith.divsi %parallel_loop3A_225, %parallel_loop3A_226 : i32
        %parallel_loop3A_228 = arith.constant 0 : i32
        %parallel_loop3A_229 = arith.cmpi sgt, %parallel_loop3A_225, %parallel_loop3A_228 : i32
        %parallel_loop3A_230 = arith.extui %parallel_loop3A_229 : i1 to i32
        %parallel_loop3A_231 = arith.constant 0 : i32
        %parallel_loop3A_232 = arith.cmpi slt, %parallel_loop3A_225, %parallel_loop3A_231 : i32
        %parallel_loop3A_233 = arith.extui %parallel_loop3A_232 : i1 to i32
        %parallel_loop3A_234 = arith.subi %parallel_loop3A_230, %parallel_loop3A_233 : i32
        %parallel_loop3A_235 = arith.constant 0 : i32
        %parallel_loop3A_236 = arith.cmpi sgt, %parallel_loop3A_226, %parallel_loop3A_235 : i32
        %parallel_loop3A_237 = arith.extui %parallel_loop3A_236 : i1 to i32
        %parallel_loop3A_238 = arith.constant 0 : i32
        %parallel_loop3A_239 = arith.cmpi slt, %parallel_loop3A_226, %parallel_loop3A_238 : i32
        %parallel_loop3A_240 = arith.extui %parallel_loop3A_239 : i1 to i32
        %parallel_loop3A_241 = arith.subi %parallel_loop3A_237, %parallel_loop3A_240 : i32
        %parallel_loop3A_242 = arith.cmpi ne, %parallel_loop3A_234, %parallel_loop3A_241 : i32
        %parallel_loop3A_243 = arith.remsi %parallel_loop3A_225, %parallel_loop3A_226 : i32
        %parallel_loop3A_244 = arith.constant 0 : i32
        %parallel_loop3A_245 = arith.cmpi ne, %parallel_loop3A_243, %parallel_loop3A_244 : i32
        %parallel_loop3A_246 = arith.andi %parallel_loop3A_242, %parallel_loop3A_245 : i1
        %parallel_loop3A_247 = arith.constant 1 : i32
        %parallel_loop3A_248 = arith.subi %parallel_loop3A_227, %parallel_loop3A_247 : i32
        %parallel_loop3A_249 = arith.select %parallel_loop3A_246, %parallel_loop3A_248, %parallel_loop3A_227 : i32
        %parallel_loop3A_250 = arith.constant 64 : i32
        %parallel_loop3A_251 = arith.constant 0 : i32
        %parallel_loop3A_252 = arith.cmpi eq, %parallel_loop3A_250, %parallel_loop3A_251 : i32
        %parallel_loop3A_253 = arith.constant 1 : i32
        %parallel_loop3A_254 = arith.select %parallel_loop3A_252, %parallel_loop3A_253, %parallel_loop3A_250 : i32
        %parallel_loop3A_255 = arith.remsi %parallel_loop3A_225, %parallel_loop3A_254 : i32
        %parallel_loop3A_256 = arith.constant 0 : i32
        %parallel_loop3A_257 = arith.cmpi ne, %parallel_loop3A_255, %parallel_loop3A_256 : i32
        %parallel_loop3A_258 = arith.constant 0 : i32
        %parallel_loop3A_259 = arith.cmpi slt, %parallel_loop3A_255, %parallel_loop3A_258 : i32
        %parallel_loop3A_260 = arith.constant 0 : i32
        %parallel_loop3A_261 = arith.cmpi slt, %parallel_loop3A_254, %parallel_loop3A_260 : i32
        %parallel_loop3A_262 = arith.xori %parallel_loop3A_259, %parallel_loop3A_261 : i1
        %parallel_loop3A_263 = arith.andi %parallel_loop3A_262, %parallel_loop3A_257 : i1
        %parallel_loop3A_264 = arith.addi %parallel_loop3A_255, %parallel_loop3A_254 : i32
        %parallel_loop3A_265 = arith.select %parallel_loop3A_263, %parallel_loop3A_264, %parallel_loop3A_255 : i32
        %parallel_loop3A_266 = arith.constant 16 : i32
        %parallel_loop3A_267 = arith.muli %parallel_loop3A_265, %parallel_loop3A_266 : i32
        %parallel_loop3A_268 = tpu.assume_multiple %parallel_loop3A_267, 16 : i32
        %parallel_loop3A_269 = arith.constant 0 : i32
        %parallel_loop3A_270 = arith.addi %parallel_loop3A_269, %parallel_loop3A_249 : i32
        %parallel_loop3A_271 = arith.index_cast %parallel_loop3A_270 : i32 to index
        %parallel_loop3A_272 = arith.index_cast %parallel_loop3A_268 : i32 to index
        %parallel_loop3A_273 = tpu.vector_load %arg5[%parallel_loop3A_271, %parallel_loop3A_272] {strides = array<i32>} : memref<8x1025xi32, #tpu.memory_space<vmem>>, vector<16xi32>,
        %parallel_loop3A_274 = arith.constant 0 : i32
        %parallel_loop3A_275 = vector.broadcast %parallel_loop3A_274 : i32 to vector<16xi32>
        %parallel_loop3A_276 = arith.addi %parallel_loop3A_273, %parallel_loop3A_275 : vector<16xi32>
        %parallel_loop3A_277 = tpu.vector_load_idx %arg8[%parallel_loop3A_276] : memref<1024xf32, #tpu.memory_space<vmem>>[vector<16xi32>], vector<16xf32>,
        %parallel_loop3A_278 = arith.constant 0 : i32
        %parallel_loop3A_279 = arith.index_cast %parallel_loop3A_249 : i32 to index
        %parallel_loop3A_280 = arith.index_cast %parallel_loop3A_278 : i32 to index
        %parallel_loop3A_281 = arith.index_cast %parallel_loop3A_268 : i32 to index
        %parallel_loop3A_282 = tpu.vector_load %arg6[%parallel_loop3A_279, %parallel_loop3A_280, %parallel_loop3A_281] {strides = array<i32>} : memref<2x16x1025xf32, #tpu.memory_space<vmem>>, vector<16xf32>,
        tpu.vector_store %arg6[%parallel_loop3A_279, %parallel_loop3A_280, %parallel_loop3A_281], %parallel_loop3A_277 {strides = array<i32>} : memref<2x16x1025xf32, #tpu.memory_space<vmem>>, vector<16xf32>,
        %parallel_loop3A_283 = arith.constant 64 : i32
        %parallel_loop3A_284 = vector.broadcast %parallel_loop3A_283 : i32 to vector<16xi32>
        %parallel_loop3A_285 = arith.addi %parallel_loop3A_273, %parallel_loop3A_284 : vector<16xi32>
        %parallel_loop3A_286 = tpu.vector_load_idx %arg8[%parallel_loop3A_285] : memref<1024xf32, #tpu.memory_space<vmem>>[vector<16xi32>], vector<16xf32>,
        %parallel_loop3A_287 = arith.constant 1 : i32
        %parallel_loop3A_288 = arith.index_cast %parallel_loop3A_249 : i32 to index
        %parallel_loop3A_289 = arith.index_cast %parallel_loop3A_287 : i32 to index
        %parallel_loop3A_290 = arith.index_cast %parallel_loop3A_268 : i32 to index
        %parallel_loop3A_291 = tpu.vector_load %arg6[%parallel_loop3A_288, %parallel_loop3A_289, %parallel_loop3A_290] {strides = array<i32>} : memref<2x16x1025xf32, #tpu.memory_space<vmem>>, vector<16xf32>,
        tpu.vector_store %arg6[%parallel_loop3A_288, %parallel_loop3A_289, %parallel_loop3A_290], %parallel_loop3A_286 {strides = array<i32>} : memref<2x16x1025xf32, #tpu.memory_space<vmem>>, vector<16xf32>,
        %parallel_loop3A_292 = arith.constant 128 : i32
        %parallel_loop3A_293 = vector.broadcast %parallel_loop3A_292 : i32 to vector<16xi32>
        %parallel_loop3A_294 = arith.addi %parallel_loop3A_273, %parallel_loop3A_293 : vector<16xi32>
        %parallel_loop3A_295 = tpu.vector_load_idx %arg8[%parallel_loop3A_294] : memref<1024xf32, #tpu.memory_space<vmem>>[vector<16xi32>], vector<16xf32>,
        %parallel_loop3A_296 = arith.constant 2 : i32
        %parallel_loop3A_297 = arith.index_cast %parallel_loop3A_249 : i32 to index
        %parallel_loop3A_298 = arith.index_cast %parallel_loop3A_296 : i32 to index
        %parallel_loop3A_299 = arith.index_cast %parallel_loop3A_268 : i32 to index
        %parallel_loop3A_300 = tpu.vector_load %arg6[%parallel_loop3A_297, %parallel_loop3A_298, %parallel_loop3A_299] {strides = array<i32>} : memref<2x16x1025xf32, #tpu.memory_space<vmem>>, vector<16xf32>,
        tpu.vector_store %arg6[%parallel_loop3A_297, %parallel_loop3A_298, %parallel_loop3A_299], %parallel_loop3A_295 {strides = array<i32>} : memref<2x16x1025xf32, #tpu.memory_space<vmem>>, vector<16xf32>,
        %parallel_loop3A_301 = arith.constant 192 : i32
        %parallel_loop3A_302 = vector.broadcast %parallel_loop3A_301 : i32 to vector<16xi32>
        %parallel_loop3A_303 = arith.addi %parallel_loop3A_273, %parallel_loop3A_302 : vector<16xi32>
        %parallel_loop3A_304 = tpu.vector_load_idx %arg8[%parallel_loop3A_303] : memref<1024xf32, #tpu.memory_space<vmem>>[vector<16xi32>], vector<16xf32>,
        %parallel_loop3A_305 = arith.constant 3 : i32
        %parallel_loop3A_306 = arith.index_cast %parallel_loop3A_249 : i32 to index
        %parallel_loop3A_307 = arith.index_cast %parallel_loop3A_305 : i32 to index
        %parallel_loop3A_308 = arith.index_cast %parallel_loop3A_268 : i32 to index
        %parallel_loop3A_309 = tpu.vector_load %arg6[%parallel_loop3A_306, %parallel_loop3A_307, %parallel_loop3A_308] {strides = array<i32>} : memref<2x16x1025xf32, #tpu.memory_space<vmem>>, vector<16xf32>,
        tpu.vector_store %arg6[%parallel_loop3A_306, %parallel_loop3A_307, %parallel_loop3A_308], %parallel_loop3A_304 {strides = array<i32>} : memref<2x16x1025xf32, #tpu.memory_space<vmem>>, vector<16xf32>,
        %parallel_loop3A_310 = arith.constant 256 : i32
        %parallel_loop3A_311 = vector.broadcast %parallel_loop3A_310 : i32 to vector<16xi32>
        %parallel_loop3A_312 = arith.addi %parallel_loop3A_273, %parallel_loop3A_311 : vector<16xi32>
        %parallel_loop3A_313 = tpu.vector_load_idx %arg8[%parallel_loop3A_312] : memref<1024xf32, #tpu.memory_space<vmem>>[vector<16xi32>], vector<16xf32>,
        %parallel_loop3A_314 = arith.constant 4 : i32
        %parallel_loop3A_315 = arith.index_cast %parallel_loop3A_249 : i32 to index
        %parallel_loop3A_316 = arith.index_cast %parallel_loop3A_314 : i32 to index
        %parallel_loop3A_317 = arith.index_cast %parallel_loop3A_268 : i32 to index
        %parallel_loop3A_318 = tpu.vector_load %arg6[%parallel_loop3A_315, %parallel_loop3A_316, %parallel_loop3A_317] {strides = array<i32>} : memref<2x16x1025xf32, #tpu.memory_space<vmem>>, vector<16xf32>,
        tpu.vector_store %arg6[%parallel_loop3A_315, %parallel_loop3A_316, %parallel_loop3A_317], %parallel_loop3A_313 {strides = array<i32>} : memref<2x16x1025xf32, #tpu.memory_space<vmem>>, vector<16xf32>,
        %parallel_loop3A_319 = arith.constant 320 : i32
        %parallel_loop3A_320 = vector.broadcast %parallel_loop3A_319 : i32 to vector<16xi32>
        %parallel_loop3A_321 = arith.addi %parallel_loop3A_273, %parallel_loop3A_320 : vector<16xi32>
        %parallel_loop3A_322 = tpu.vector_load_idx %arg8[%parallel_loop3A_321] : memref<1024xf32, #tpu.memory_space<vmem>>[vector<16xi32>], vector<16xf32>,
        %parallel_loop3A_323 = arith.constant 5 : i32
        %parallel_loop3A_324 = arith.index_cast %parallel_loop3A_249 : i32 to index
        %parallel_loop3A_325 = arith.index_cast %parallel_loop3A_323 : i32 to index
        %parallel_loop3A_326 = arith.index_cast %parallel_loop3A_268 : i32 to index
        %parallel_loop3A_327 = tpu.vector_load %arg6[%parallel_loop3A_324, %parallel_loop3A_325, %parallel_loop3A_326] {strides = array<i32>} : memref<2x16x1025xf32, #tpu.memory_space<vmem>>, vector<16xf32>,
        tpu.vector_store %arg6[%parallel_loop3A_324, %parallel_loop3A_325, %parallel_loop3A_326], %parallel_loop3A_322 {strides = array<i32>} : memref<2x16x1025xf32, #tpu.memory_space<vmem>>, vector<16xf32>,
        %parallel_loop3A_328 = arith.constant 384 : i32
        %parallel_loop3A_329 = vector.broadcast %parallel_loop3A_328 : i32 to vector<16xi32>
        %parallel_loop3A_330 = arith.addi %parallel_loop3A_273, %parallel_loop3A_329 : vector<16xi32>
        %parallel_loop3A_331 = tpu.vector_load_idx %arg8[%parallel_loop3A_330] : memref<1024xf32, #tpu.memory_space<vmem>>[vector<16xi32>], vector<16xf32>,
        %parallel_loop3A_332 = arith.constant 6 : i32
        %parallel_loop3A_333 = arith.index_cast %parallel_loop3A_249 : i32 to index
        %parallel_loop3A_334 = arith.index_cast %parallel_loop3A_332 : i32 to index
        %parallel_loop3A_335 = arith.index_cast %parallel_loop3A_268 : i32 to index
        %parallel_loop3A_336 = tpu.vector_load %arg6[%parallel_loop3A_333, %parallel_loop3A_334, %parallel_loop3A_335] {strides = array<i32>} : memref<2x16x1025xf32, #tpu.memory_space<vmem>>, vector<16xf32>,
        tpu.vector_store %arg6[%parallel_loop3A_333, %parallel_loop3A_334, %parallel_loop3A_335], %parallel_loop3A_331 {strides = array<i32>} : memref<2x16x1025xf32, #tpu.memory_space<vmem>>, vector<16xf32>,
        %parallel_loop3A_337 = arith.constant 448 : i32
        %parallel_loop3A_338 = vector.broadcast %parallel_loop3A_337 : i32 to vector<16xi32>
        %parallel_loop3A_339 = arith.addi %parallel_loop3A_273, %parallel_loop3A_338 : vector<16xi32>
        %parallel_loop3A_340 = tpu.vector_load_idx %arg8[%parallel_loop3A_339] : memref<1024xf32, #tpu.memory_space<vmem>>[vector<16xi32>], vector<16xf32>,
        %parallel_loop3A_341 = arith.constant 7 : i32
        %parallel_loop3A_342 = arith.index_cast %parallel_loop3A_249 : i32 to index
        %parallel_loop3A_343 = arith.index_cast %parallel_loop3A_341 : i32 to index
        %parallel_loop3A_344 = arith.index_cast %parallel_loop3A_268 : i32 to index
        %parallel_loop3A_345 = tpu.vector_load %arg6[%parallel_loop3A_342, %parallel_loop3A_343, %parallel_loop3A_344] {strides = array<i32>} : memref<2x16x1025xf32, #tpu.memory_space<vmem>>, vector<16xf32>,
        tpu.vector_store %arg6[%parallel_loop3A_342, %parallel_loop3A_343, %parallel_loop3A_344], %parallel_loop3A_340 {strides = array<i32>} : memref<2x16x1025xf32, #tpu.memory_space<vmem>>, vector<16xf32>,
        %parallel_loop3A_346 = arith.constant 512 : i32
        %parallel_loop3A_347 = vector.broadcast %parallel_loop3A_346 : i32 to vector<16xi32>
        %parallel_loop3A_348 = arith.addi %parallel_loop3A_273, %parallel_loop3A_347 : vector<16xi32>
        %parallel_loop3A_349 = tpu.vector_load_idx %arg8[%parallel_loop3A_348] : memref<1024xf32, #tpu.memory_space<vmem>>[vector<16xi32>], vector<16xf32>,
        %parallel_loop3A_350 = arith.constant 8 : i32
        %parallel_loop3A_351 = arith.index_cast %parallel_loop3A_249 : i32 to index
        %parallel_loop3A_352 = arith.index_cast %parallel_loop3A_350 : i32 to index
        %parallel_loop3A_353 = arith.index_cast %parallel_loop3A_268 : i32 to index
        %parallel_loop3A_354 = tpu.vector_load %arg6[%parallel_loop3A_351, %parallel_loop3A_352, %parallel_loop3A_353] {strides = array<i32>} : memref<2x16x1025xf32, #tpu.memory_space<vmem>>, vector<16xf32>,
        tpu.vector_store %arg6[%parallel_loop3A_351, %parallel_loop3A_352, %parallel_loop3A_353], %parallel_loop3A_349 {strides = array<i32>} : memref<2x16x1025xf32, #tpu.memory_space<vmem>>, vector<16xf32>,
        %parallel_loop3A_355 = arith.constant 576 : i32
        %parallel_loop3A_356 = vector.broadcast %parallel_loop3A_355 : i32 to vector<16xi32>
        %parallel_loop3A_357 = arith.addi %parallel_loop3A_273, %parallel_loop3A_356 : vector<16xi32>
        %parallel_loop3A_358 = tpu.vector_load_idx %arg8[%parallel_loop3A_357] : memref<1024xf32, #tpu.memory_space<vmem>>[vector<16xi32>], vector<16xf32>,
        %parallel_loop3A_359 = arith.constant 9 : i32
        %parallel_loop3A_360 = arith.index_cast %parallel_loop3A_249 : i32 to index
        %parallel_loop3A_361 = arith.index_cast %parallel_loop3A_359 : i32 to index
        %parallel_loop3A_362 = arith.index_cast %parallel_loop3A_268 : i32 to index
        %parallel_loop3A_363 = tpu.vector_load %arg6[%parallel_loop3A_360, %parallel_loop3A_361, %parallel_loop3A_362] {strides = array<i32>} : memref<2x16x1025xf32, #tpu.memory_space<vmem>>, vector<16xf32>,
        tpu.vector_store %arg6[%parallel_loop3A_360, %parallel_loop3A_361, %parallel_loop3A_362], %parallel_loop3A_358 {strides = array<i32>} : memref<2x16x1025xf32, #tpu.memory_space<vmem>>, vector<16xf32>,
        %parallel_loop3A_364 = arith.constant 640 : i32
        %parallel_loop3A_365 = vector.broadcast %parallel_loop3A_364 : i32 to vector<16xi32>
        %parallel_loop3A_366 = arith.addi %parallel_loop3A_273, %parallel_loop3A_365 : vector<16xi32>
        %parallel_loop3A_367 = tpu.vector_load_idx %arg8[%parallel_loop3A_366] : memref<1024xf32, #tpu.memory_space<vmem>>[vector<16xi32>], vector<16xf32>,
        %parallel_loop3A_368 = arith.constant 10 : i32
        %parallel_loop3A_369 = arith.index_cast %parallel_loop3A_249 : i32 to index
        %parallel_loop3A_370 = arith.index_cast %parallel_loop3A_368 : i32 to index
        %parallel_loop3A_371 = arith.index_cast %parallel_loop3A_268 : i32 to index
        %parallel_loop3A_372 = tpu.vector_load %arg6[%parallel_loop3A_369, %parallel_loop3A_370, %parallel_loop3A_371] {strides = array<i32>} : memref<2x16x1025xf32, #tpu.memory_space<vmem>>, vector<16xf32>,
        tpu.vector_store %arg6[%parallel_loop3A_369, %parallel_loop3A_370, %parallel_loop3A_371], %parallel_loop3A_367 {strides = array<i32>} : memref<2x16x1025xf32, #tpu.memory_space<vmem>>, vector<16xf32>,
        %parallel_loop3A_373 = arith.constant 704 : i32
        %parallel_loop3A_374 = vector.broadcast %parallel_loop3A_373 : i32 to vector<16xi32>
        %parallel_loop3A_375 = arith.addi %parallel_loop3A_273, %parallel_loop3A_374 : vector<16xi32>
        %parallel_loop3A_376 = tpu.vector_load_idx %arg8[%parallel_loop3A_375] : memref<1024xf32, #tpu.memory_space<vmem>>[vector<16xi32>], vector<16xf32>,
        %parallel_loop3A_377 = arith.constant 11 : i32
        %parallel_loop3A_378 = arith.index_cast %parallel_loop3A_249 : i32 to index
        %parallel_loop3A_379 = arith.index_cast %parallel_loop3A_377 : i32 to index
        %parallel_loop3A_380 = arith.index_cast %parallel_loop3A_268 : i32 to index
        %parallel_loop3A_381 = tpu.vector_load %arg6[%parallel_loop3A_378, %parallel_loop3A_379, %parallel_loop3A_380] {strides = array<i32>} : memref<2x16x1025xf32, #tpu.memory_space<vmem>>, vector<16xf32>,
        tpu.vector_store %arg6[%parallel_loop3A_378, %parallel_loop3A_379, %parallel_loop3A_380], %parallel_loop3A_376 {strides = array<i32>} : memref<2x16x1025xf32, #tpu.memory_space<vmem>>, vector<16xf32>,
        %parallel_loop3A_382 = arith.constant 768 : i32
        %parallel_loop3A_383 = vector.broadcast %parallel_loop3A_382 : i32 to vector<16xi32>
        %parallel_loop3A_384 = arith.addi %parallel_loop3A_273, %parallel_loop3A_383 : vector<16xi32>
        %parallel_loop3A_385 = tpu.vector_load_idx %arg8[%parallel_loop3A_384] : memref<1024xf32, #tpu.memory_space<vmem>>[vector<16xi32>], vector<16xf32>,
        %parallel_loop3A_386 = arith.constant 12 : i32
        %parallel_loop3A_387 = arith.index_cast %parallel_loop3A_249 : i32 to index
        %parallel_loop3A_388 = arith.index_cast %parallel_loop3A_386 : i32 to index
        %parallel_loop3A_389 = arith.index_cast %parallel_loop3A_268 : i32 to index
        %parallel_loop3A_390 = tpu.vector_load %arg6[%parallel_loop3A_387, %parallel_loop3A_388, %parallel_loop3A_389] {strides = array<i32>} : memref<2x16x1025xf32, #tpu.memory_space<vmem>>, vector<16xf32>,
        tpu.vector_store %arg6[%parallel_loop3A_387, %parallel_loop3A_388, %parallel_loop3A_389], %parallel_loop3A_385 {strides = array<i32>} : memref<2x16x1025xf32, #tpu.memory_space<vmem>>, vector<16xf32>,
        %parallel_loop3A_391 = arith.constant 832 : i32
        %parallel_loop3A_392 = vector.broadcast %parallel_loop3A_391 : i32 to vector<16xi32>
        %parallel_loop3A_393 = arith.addi %parallel_loop3A_273, %parallel_loop3A_392 : vector<16xi32>
        %parallel_loop3A_394 = tpu.vector_load_idx %arg8[%parallel_loop3A_393] : memref<1024xf32, #tpu.memory_space<vmem>>[vector<16xi32>], vector<16xf32>,
        %parallel_loop3A_395 = arith.constant 13 : i32
        %parallel_loop3A_396 = arith.index_cast %parallel_loop3A_249 : i32 to index
        %parallel_loop3A_397 = arith.index_cast %parallel_loop3A_395 : i32 to index
        %parallel_loop3A_398 = arith.index_cast %parallel_loop3A_268 : i32 to index
        %parallel_loop3A_399 = tpu.vector_load %arg6[%parallel_loop3A_396, %parallel_loop3A_397, %parallel_loop3A_398] {strides = array<i32>} : memref<2x16x1025xf32, #tpu.memory_space<vmem>>, vector<16xf32>,
        tpu.vector_store %arg6[%parallel_loop3A_396, %parallel_loop3A_397, %parallel_loop3A_398], %parallel_loop3A_394 {strides = array<i32>} : memref<2x16x1025xf32, #tpu.memory_space<vmem>>, vector<16xf32>,
        %parallel_loop3A_400 = arith.constant 896 : i32
        %parallel_loop3A_401 = vector.broadcast %parallel_loop3A_400 : i32 to vector<16xi32>
        %parallel_loop3A_402 = arith.addi %parallel_loop3A_273, %parallel_loop3A_401 : vector<16xi32>
        %parallel_loop3A_403 = tpu.vector_load_idx %arg8[%parallel_loop3A_402] : memref<1024xf32, #tpu.memory_space<vmem>>[vector<16xi32>], vector<16xf32>,
        %parallel_loop3A_404 = arith.constant 14 : i32
        %parallel_loop3A_405 = arith.index_cast %parallel_loop3A_249 : i32 to index
        %parallel_loop3A_406 = arith.index_cast %parallel_loop3A_404 : i32 to index
        %parallel_loop3A_407 = arith.index_cast %parallel_loop3A_268 : i32 to index
        %parallel_loop3A_408 = tpu.vector_load %arg6[%parallel_loop3A_405, %parallel_loop3A_406, %parallel_loop3A_407] {strides = array<i32>} : memref<2x16x1025xf32, #tpu.memory_space<vmem>>, vector<16xf32>,
        tpu.vector_store %arg6[%parallel_loop3A_405, %parallel_loop3A_406, %parallel_loop3A_407], %parallel_loop3A_403 {strides = array<i32>} : memref<2x16x1025xf32, #tpu.memory_space<vmem>>, vector<16xf32>,
        %parallel_loop3A_409 = arith.constant 960 : i32
        %parallel_loop3A_410 = vector.broadcast %parallel_loop3A_409 : i32 to vector<16xi32>
        %parallel_loop3A_411 = arith.addi %parallel_loop3A_273, %parallel_loop3A_410 : vector<16xi32>
        %parallel_loop3A_412 = tpu.vector_load_idx %arg8[%parallel_loop3A_411] : memref<1024xf32, #tpu.memory_space<vmem>>[vector<16xi32>], vector<16xf32>,
        %parallel_loop3A_413 = arith.constant 15 : i32
        %parallel_loop3A_414 = arith.index_cast %parallel_loop3A_249 : i32 to index
        %parallel_loop3A_415 = arith.index_cast %parallel_loop3A_413 : i32 to index
        %parallel_loop3A_416 = arith.index_cast %parallel_loop3A_268 : i32 to index
        %parallel_loop3A_417 = tpu.vector_load %arg6[%parallel_loop3A_414, %parallel_loop3A_415, %parallel_loop3A_416] {strides = array<i32>} : memref<2x16x1025xf32, #tpu.memory_space<vmem>>, vector<16xf32>,
        tpu.vector_store %arg6[%parallel_loop3A_414, %parallel_loop3A_415, %parallel_loop3A_416], %parallel_loop3A_412 {strides = array<i32>} : memref<2x16x1025xf32, #tpu.memory_space<vmem>>, vector<16xf32>,
      } {sc.loop_unroll_factor = 4 : i64, sc.parallel_access}
      %broadcast_in_dim3A = arith.constant 0 : i32
      %broadcast_in_dim3A_59 = vector.broadcast %broadcast_in_dim3A : i32 to vector<16xi32>
      %gather3A = tpu.vector_load_idx %arg5[%broadcast_in_dim3A_59, %add3A_3] : memref<8x1025xi32, #tpu.memory_space<vmem>>[vector<16xi32>, vector<16xi32>], vector<16xi32>,
      %add3A_60 = arith.constant 0 : i32
      %add3A_61 = vector.broadcast %add3A_60 : i32 to vector<16xi32>
      %add3A_62 = arith.addi %gather3A, %add3A_61 : vector<16xi32>
      %gather3A_63 = tpu.vector_load_idx %arg8[%add3A_62] : memref<1024xf32, #tpu.memory_space<vmem>>[vector<16xi32>], vector<16xf32>,
      %broadcast_in_dim3A_64 = arith.constant 0 : i32
      %broadcast_in_dim3A_65 = vector.broadcast %broadcast_in_dim3A_64 : i32 to vector<16xi32>
      %broadcast_in_dim3A_66 = arith.constant 0 : i32
      %broadcast_in_dim3A_67 = vector.broadcast %broadcast_in_dim3A_66 : i32 to vector<16xi32>
      tpu.vector_store_idx %arg6[%broadcast_in_dim3A_65, %broadcast_in_dim3A_67, %add3A_3], %gather3A_63 : memref<2x16x1025xf32, #tpu.memory_space<vmem>>[vector<16xi32>, vector<16xi32>, vector<16xi32>], vector<16xf32>,
      %add3A_68 = arith.constant 64 : i32
      %add3A_69 = vector.broadcast %add3A_68 : i32 to vector<16xi32>
      %add3A_70 = arith.addi %gather3A, %add3A_69 : vector<16xi32>
      %gather3A_71 = tpu.vector_load_idx %arg8[%add3A_70] : memref<1024xf32, #tpu.memory_space<vmem>>[vector<16xi32>], vector<16xf32>,
      %broadcast_in_dim3A_72 = arith.constant 0 : i32
      %broadcast_in_dim3A_73 = vector.broadcast %broadcast_in_dim3A_72 : i32 to vector<16xi32>
      %broadcast_in_dim3A_74 = arith.constant 1 : i32
      %broadcast_in_dim3A_75 = vector.broadcast %broadcast_in_dim3A_74 : i32 to vector<16xi32>
      tpu.vector_store_idx %arg6[%broadcast_in_dim3A_73, %broadcast_in_dim3A_75, %add3A_3], %gather3A_71 : memref<2x16x1025xf32, #tpu.memory_space<vmem>>[vector<16xi32>, vector<16xi32>, vector<16xi32>], vector<16xf32>,
      %add3A_76 = arith.constant 128 : i32
      %add3A_77 = vector.broadcast %add3A_76 : i32 to vector<16xi32>
      %add3A_78 = arith.addi %gather3A, %add3A_77 : vector<16xi32>
      %gather3A_79 = tpu.vector_load_idx %arg8[%add3A_78] : memref<1024xf32, #tpu.memory_space<vmem>>[vector<16xi32>], vector<16xf32>,
      %broadcast_in_dim3A_80 = arith.constant 0 : i32
      %broadcast_in_dim3A_81 = vector.broadcast %broadcast_in_dim3A_80 : i32 to vector<16xi32>
      %broadcast_in_dim3A_82 = arith.constant 2 : i32
      %broadcast_in_dim3A_83 = vector.broadcast %broadcast_in_dim3A_82 : i32 to vector<16xi32>
      tpu.vector_store_idx %arg6[%broadcast_in_dim3A_81, %broadcast_in_dim3A_83, %add3A_3], %gather3A_79 : memref<2x16x1025xf32, #tpu.memory_space<vmem>>[vector<16xi32>, vector<16xi32>, vector<16xi32>], vector<16xf32>,
      %add3A_84 = arith.constant 192 : i32
      %add3A_85 = vector.broadcast %add3A_84 : i32 to vector<16xi32>
      %add3A_86 = arith.addi %gather3A, %add3A_85 : vector<16xi32>
      %gather3A_87 = tpu.vector_load_idx %arg8[%add3A_86] : memref<1024xf32, #tpu.memory_space<vmem>>[vector<16xi32>], vector<16xf32>,
      %broadcast_in_dim3A_88 = arith.constant 0 : i32
      %broadcast_in_dim3A_89 = vector.broadcast %broadcast_in_dim3A_88 : i32 to vector<16xi32>
      %broadcast_in_dim3A_90 = arith.constant 3 : i32
      %broadcast_in_dim3A_91 = vector.broadcast %broadcast_in_dim3A_90 : i32 to vector<16xi32>
      tpu.vector_store_idx %arg6[%broadcast_in_dim3A_89, %broadcast_in_dim3A_91, %add3A_3], %gather3A_87 : memref<2x16x1025xf32, #tpu.memory_space<vmem>>[vector<16xi32>, vector<16xi32>, vector<16xi32>], vector<16xf32>,
      %add3A_92 = arith.constant 256 : i32
      %add3A_93 = vector.broadcast %add3A_92 : i32 to vector<16xi32>
      %add3A_94 = arith.addi %gather3A, %add3A_93 : vector<16xi32>
      %gather3A_95 = tpu.vector_load_idx %arg8[%add3A_94] : memref<1024xf32, #tpu.memory_space<vmem>>[vector<16xi32>], vector<16xf32>,
      %broadcast_in_dim3A_96 = arith.constant 0 : i32
      %broadcast_in_dim3A_97 = vector.broadcast %broadcast_in_dim3A_96 : i32 to vector<16xi32>
      %broadcast_in_dim3A_98 = arith.constant 4 : i32
      %broadcast_in_dim3A_99 = vector.broadcast %broadcast_in_dim3A_98 : i32 to vector<16xi32>
      tpu.vector_store_idx %arg6[%broadcast_in_dim3A_97, %broadcast_in_dim3A_99, %add3A_3], %gather3A_95 : memref<2x16x1025xf32, #tpu.memory_space<vmem>>[vector<16xi32>, vector<16xi32>, vector<16xi32>], vector<16xf32>,
      %add3A_100 = arith.constant 320 : i32
      %add3A_101 = vector.broadcast %add3A_100 : i32 to vector<16xi32>
      %add3A_102 = arith.addi %gather3A, %add3A_101 : vector<16xi32>
      %gather3A_103 = tpu.vector_load_idx %arg8[%add3A_102] : memref<1024xf32, #tpu.memory_space<vmem>>[vector<16xi32>], vector<16xf32>,
      %broadcast_in_dim3A_104 = arith.constant 0 : i32
      %broadcast_in_dim3A_105 = vector.broadcast %broadcast_in_dim3A_104 : i32 to vector<16xi32>
      %broadcast_in_dim3A_106 = arith.constant 5 : i32
      %broadcast_in_dim3A_107 = vector.broadcast %broadcast_in_dim3A_106 : i32 to vector<16xi32>
      tpu.vector_store_idx %arg6[%broadcast_in_dim3A_105, %broadcast_in_dim3A_107, %add3A_3], %gather3A_103 : memref<2x16x1025xf32, #tpu.memory_space<vmem>>[vector<16xi32>, vector<16xi32>, vector<16xi32>], vector<16xf32>,
      %add3A_108 = arith.constant 384 : i32
      %add3A_109 = vector.broadcast %add3A_108 : i32 to vector<16xi32>
      %add3A_110 = arith.addi %gather3A, %add3A_109 : vector<16xi32>
      %gather3A_111 = tpu.vector_load_idx %arg8[%add3A_110] : memref<1024xf32, #tpu.memory_space<vmem>>[vector<16xi32>], vector<16xf32>,
      %broadcast_in_dim3A_112 = arith.constant 0 : i32
      %broadcast_in_dim3A_113 = vector.broadcast %broadcast_in_dim3A_112 : i32 to vector<16xi32>
      %broadcast_in_dim3A_114 = arith.constant 6 : i32
      %broadcast_in_dim3A_115 = vector.broadcast %broadcast_in_dim3A_114 : i32 to vector<16xi32>
      tpu.vector_store_idx %arg6[%broadcast_in_dim3A_113, %broadcast_in_dim3A_115, %add3A_3], %gather3A_111 : memref<2x16x1025xf32, #tpu.memory_space<vmem>>[vector<16xi32>, vector<16xi32>, vector<16xi32>], vector<16xf32>,
      %add3A_116 = arith.constant 448 : i32
      %add3A_117 = vector.broadcast %add3A_116 : i32 to vector<16xi32>
      %add3A_118 = arith.addi %gather3A, %add3A_117 : vector<16xi32>
      %gather3A_119 = tpu.vector_load_idx %arg8[%add3A_118] : memref<1024xf32, #tpu.memory_space<vmem>>[vector<16xi32>], vector<16xf32>,
      %broadcast_in_dim3A_120 = arith.constant 0 : i32
      %broadcast_in_dim3A_121 = vector.broadcast %broadcast_in_dim3A_120 : i32 to vector<16xi32>
      %broadcast_in_dim3A_122 = arith.constant 7 : i32
      %broadcast_in_dim3A_123 = vector.broadcast %broadcast_in_dim3A_122 : i32 to vector<16xi32>
      tpu.vector_store_idx %arg6[%broadcast_in_dim3A_121, %broadcast_in_dim3A_123, %add3A_3], %gather3A_119 : memref<2x16x1025xf32, #tpu.memory_space<vmem>>[vector<16xi32>, vector<16xi32>, vector<16xi32>], vector<16xf32>,
      %add3A_124 = arith.constant 512 : i32
      %add3A_125 = vector.broadcast %add3A_124 : i32 to vector<16xi32>
      %add3A_126 = arith.addi %gather3A, %add3A_125 : vector<16xi32>
      %gather3A_127 = tpu.vector_load_idx %arg8[%add3A_126] : memref<1024xf32, #tpu.memory_space<vmem>>[vector<16xi32>], vector<16xf32>,
      %broadcast_in_dim3A_128 = arith.constant 0 : i32
      %broadcast_in_dim3A_129 = vector.broadcast %broadcast_in_dim3A_128 : i32 to vector<16xi32>
      %broadcast_in_dim3A_130 = arith.constant 8 : i32
      %broadcast_in_dim3A_131 = vector.broadcast %broadcast_in_dim3A_130 : i32 to vector<16xi32>
      tpu.vector_store_idx %arg6[%broadcast_in_dim3A_129, %broadcast_in_dim3A_131, %add3A_3], %gather3A_127 : memref<2x16x1025xf32, #tpu.memory_space<vmem>>[vector<16xi32>, vector<16xi32>, vector<16xi32>], vector<16xf32>,
      %add3A_132 = arith.constant 576 : i32
      %add3A_133 = vector.broadcast %add3A_132 : i32 to vector<16xi32>
      %add3A_134 = arith.addi %gather3A, %add3A_133 : vector<16xi32>
      %gather3A_135 = tpu.vector_load_idx %arg8[%add3A_134] : memref<1024xf32, #tpu.memory_space<vmem>>[vector<16xi32>], vector<16xf32>,
      %broadcast_in_dim3A_136 = arith.constant 0 : i32
      %broadcast_in_dim3A_137 = vector.broadcast %broadcast_in_dim3A_136 : i32 to vector<16xi32>
      %broadcast_in_dim3A_138 = arith.constant 9 : i32
      %broadcast_in_dim3A_139 = vector.broadcast %broadcast_in_dim3A_138 : i32 to vector<16xi32>
      tpu.vector_store_idx %arg6[%broadcast_in_dim3A_137, %broadcast_in_dim3A_139, %add3A_3], %gather3A_135 : memref<2x16x1025xf32, #tpu.memory_space<vmem>>[vector<16xi32>, vector<16xi32>, vector<16xi32>], vector<16xf32>,
      %add3A_140 = arith.constant 640 : i32
      %add3A_141 = vector.broadcast %add3A_140 : i32 to vector<16xi32>
      %add3A_142 = arith.addi %gather3A, %add3A_141 : vector<16xi32>
      %gather3A_143 = tpu.vector_load_idx %arg8[%add3A_142] : memref<1024xf32, #tpu.memory_space<vmem>>[vector<16xi32>], vector<16xf32>,
      %broadcast_in_dim3A_144 = arith.constant 0 : i32
      %broadcast_in_dim3A_145 = vector.broadcast %broadcast_in_dim3A_144 : i32 to vector<16xi32>
      %broadcast_in_dim3A_146 = arith.constant 10 : i32
      %broadcast_in_dim3A_147 = vector.broadcast %broadcast_in_dim3A_146 : i32 to vector<16xi32>
      tpu.vector_store_idx %arg6[%broadcast_in_dim3A_145, %broadcast_in_dim3A_147, %add3A_3], %gather3A_143 : memref<2x16x1025xf32, #tpu.memory_space<vmem>>[vector<16xi32>, vector<16xi32>, vector<16xi32>], vector<16xf32>,
      %add3A_148 = arith.constant 704 : i32
      %add3A_149 = vector.broadcast %add3A_148 : i32 to vector<16xi32>
      %add3A_150 = arith.addi %gather3A, %add3A_149 : vector<16xi32>
      %gather3A_151 = tpu.vector_load_idx %arg8[%add3A_150] : memref<1024xf32, #tpu.memory_space<vmem>>[vector<16xi32>], vector<16xf32>,
      %broadcast_in_dim3A_152 = arith.constant 0 : i32
      %broadcast_in_dim3A_153 = vector.broadcast %broadcast_in_dim3A_152 : i32 to vector<16xi32>
      %broadcast_in_dim3A_154 = arith.constant 11 : i32
      %broadcast_in_dim3A_155 = vector.broadcast %broadcast_in_dim3A_154 : i32 to vector<16xi32>
      tpu.vector_store_idx %arg6[%broadcast_in_dim3A_153, %broadcast_in_dim3A_155, %add3A_3], %gather3A_151 : memref<2x16x1025xf32, #tpu.memory_space<vmem>>[vector<16xi32>, vector<16xi32>, vector<16xi32>], vector<16xf32>,
      %add3A_156 = arith.constant 768 : i32
      %add3A_157 = vector.broadcast %add3A_156 : i32 to vector<16xi32>
      %add3A_158 = arith.addi %gather3A, %add3A_157 : vector<16xi32>
      %gather3A_159 = tpu.vector_load_idx %arg8[%add3A_158] : memref<1024xf32, #tpu.memory_space<vmem>>[vector<16xi32>], vector<16xf32>,
      %broadcast_in_dim3A_160 = arith.constant 0 : i32
      %broadcast_in_dim3A_161 = vector.broadcast %broadcast_in_dim3A_160 : i32 to vector<16xi32>
      %broadcast_in_dim3A_162 = arith.constant 12 : i32
      %broadcast_in_dim3A_163 = vector.broadcast %broadcast_in_dim3A_162 : i32 to vector<16xi32>
      tpu.vector_store_idx %arg6[%broadcast_in_dim3A_161, %broadcast_in_dim3A_163, %add3A_3], %gather3A_159 : memref<2x16x1025xf32, #tpu.memory_space<vmem>>[vector<16xi32>, vector<16xi32>, vector<16xi32>], vector<16xf32>,
      %add3A_164 = arith.constant 832 : i32
      %add3A_165 = vector.broadcast %add3A_164 : i32 to vector<16xi32>
      %add3A_166 = arith.addi %gather3A, %add3A_165 : vector<16xi32>
      %gather3A_167 = tpu.vector_load_idx %arg8[%add3A_166] : memref<1024xf32, #tpu.memory_space<vmem>>[vector<16xi32>], vector<16xf32>,
      %broadcast_in_dim3A_168 = arith.constant 0 : i32
      %broadcast_in_dim3A_169 = vector.broadcast %broadcast_in_dim3A_168 : i32 to vector<16xi32>
      %broadcast_in_dim3A_170 = arith.constant 13 : i32
      %broadcast_in_dim3A_171 = vector.broadcast %broadcast_in_dim3A_170 : i32 to vector<16xi32>
      tpu.vector_store_idx %arg6[%broadcast_in_dim3A_169, %broadcast_in_dim3A_171, %add3A_3], %gather3A_167 : memref<2x16x1025xf32, #tpu.memory_space<vmem>>[vector<16xi32>, vector<16xi32>, vector<16xi32>], vector<16xf32>,
      %add3A_172 = arith.constant 896 : i32
      %add3A_173 = vector.broadcast %add3A_172 : i32 to vector<16xi32>
      %add3A_174 = arith.addi %gather3A, %add3A_173 : vector<16xi32>
      %gather3A_175 = tpu.vector_load_idx %arg8[%add3A_174] : memref<1024xf32, #tpu.memory_space<vmem>>[vector<16xi32>], vector<16xf32>,
      %broadcast_in_dim3A_176 = arith.constant 0 : i32
      %broadcast_in_dim3A_177 = vector.broadcast %broadcast_in_dim3A_176 : i32 to vector<16xi32>
      %broadcast_in_dim3A_178 = arith.constant 14 : i32
      %broadcast_in_dim3A_179 = vector.broadcast %broadcast_in_dim3A_178 : i32 to vector<16xi32>
      tpu.vector_store_idx %arg6[%broadcast_in_dim3A_177, %broadcast_in_dim3A_179, %add3A_3], %gather3A_175 : memref<2x16x1025xf32, #tpu.memory_space<vmem>>[vector<16xi32>, vector<16xi32>, vector<16xi32>], vector<16xf32>,
      %add3A_180 = arith.constant 960 : i32
      %add3A_181 = vector.broadcast %add3A_180 : i32 to vector<16xi32>
      %add3A_182 = arith.addi %gather3A, %add3A_181 : vector<16xi32>
      %gather3A_183 = tpu.vector_load_idx %arg8[%add3A_182] : memref<1024xf32, #tpu.memory_space<vmem>>[vector<16xi32>], vector<16xf32>,
      %broadcast_in_dim3A_184 = arith.constant 0 : i32
      %broadcast_in_dim3A_185 = vector.broadcast %broadcast_in_dim3A_184 : i32 to vector<16xi32>
      %broadcast_in_dim3A_186 = arith.constant 15 : i32
      %broadcast_in_dim3A_187 = vector.broadcast %broadcast_in_dim3A_186 : i32 to vector<16xi32>
      tpu.vector_store_idx %arg6[%broadcast_in_dim3A_185, %broadcast_in_dim3A_187, %add3A_3], %gather3A_183 : memref<2x16x1025xf32, #tpu.memory_space<vmem>>[vector<16xi32>, vector<16xi32>, vector<16xi32>], vector<16xf32>,
      %dma_start3A = arith.constant 0 : i32
      %dma_start3A_188 = arith.constant 0 : i32
      %dma_start3A_189 = arith.constant 0 : i32
      %dma_start3A_190 = arith.constant 0 : i32
      %dma_start3A_191 = tpu.memref_slice %arg6[%dma_start3A_188, %dma_start3A_189, %dma_start3A_190] : memref<2x16x1025xf32, #tpu.memory_space<vmem>> -> memref<1x16x1025xf32, #tpu.memory_space<vmem>>
      %dma_start3A_192 = arith.constant 1024 : i32
      %dma_start3A_193 = arith.constant 0 : i32
      %dma_start3A_194 = arith.constant 0 : i32
      %dma_start3A_195 = tpu.memref_slice %arg4[%dma_start3A, %dma_start3A_192, %dma_start3A_193, %dma_start3A_194] : memref<1x1025x16x1025xf32, #tpu.memory_space<hbm>> -> memref<1x1x16x1025xf32, #tpu.memory_space<hbm>>
      %dma_start3A_196 = tpu.memref_squeeze %dma_start3A_195 : memref<1x1x16x1025xf32, #tpu.memory_space<hbm>> -> memref<1x16x1025xf32, #tpu.memory_space<hbm>>
      %dma_start3A_197 = arith.constant 1024 : i32
      %dma_start3A_198 = arith.constant 0 : i32
      %dma_start3A_199 = arith.constant 0 : i32
      %dma_start3A_200 = tpu.memref_slice %arg4[%dma_start3A, %dma_start3A_197, %dma_start3A_198, %dma_start3A_199] : memref<1x1025x16x1025xf32, #tpu.memory_space<hbm>> -> memref<1x1x16x1025xf32, #tpu.memory_space<hbm>>
      %dma_start3A_201 = tpu.memref_squeeze %dma_start3A_200 : memref<1x1x16x1025xf32, #tpu.memory_space<hbm>> -> memref<1x16x1025xf32, #tpu.memory_space<hbm>>
      %dma_start3A_202 = arith.constant 0 : i32
      %dma_start3A_203 = arith.constant 0 : i32
      %dma_start3A_204 = arith.constant 0 : i32
      %dma_start3A_205 = tpu.memref_slice %arg6[%dma_start3A_202, %dma_start3A_203, %dma_start3A_204] : memref<2x16x1025xf32, #tpu.memory_space<vmem>> -> memref<1x16x1025xf32, #tpu.memory_space<vmem>>
      tpu.enqueue_dma source(%dma_start3A_205 : memref<1x16x1025xf32, #tpu.memory_space<vmem>>) target(%dma_start3A_201 : memref<1x16x1025xf32, #tpu.memory_space<hbm>>) target_semaphore(%arg9 : memref<!tpu.dma_semaphore, #tpu.memory_space<semaphore_mem>>)
      %dma_wait3A_206 = arith.constant 0 : i32
      %dma_wait3A_207 = arith.constant 0 : i32
      %dma_wait3A_208 = arith.constant 0 : i32
      %dma_wait3A_209 = arith.constant 0 : i32
      %dma_wait3A_210 = tpu.memref_slice %arg6[%dma_wait3A_207, %dma_wait3A_208, %dma_wait3A_209] : memref<2x16x1025xf32, #tpu.memory_space<vmem>> -> memref<1x16x1025xf32, #tpu.memory_space<vmem>>
      %dma_wait3A_211 = arith.constant 0 : i32
      %dma_wait3A_212 = arith.constant 0 : i32
      %dma_wait3A_213 = arith.constant 0 : i32
      %dma_wait3A_214 = tpu.memref_slice %arg4[%dma_wait3A_206, %dma_wait3A_211, %dma_wait3A_212, %dma_wait3A_213] : memref<1x1025x16x1025xf32, #tpu.memory_space<hbm>> -> memref<1x1x16x1025xf32, #tpu.memory_space<hbm>>
      %dma_wait3A_215 = tpu.memref_squeeze %dma_wait3A_214 : memref<1x1x16x1025xf32, #tpu.memory_space<hbm>> -> memref<1x16x1025xf32, #tpu.memory_space<hbm>>
      %dma_wait3A_216 = arith.constant 0 : i32
      %dma_wait3A_217 = arith.constant 0 : i32
      %dma_wait3A_218 = arith.constant 0 : i32
      %dma_wait3A_219 = tpu.memref_slice %arg4[%dma_wait3A_206, %dma_wait3A_216, %dma_wait3A_217, %dma_wait3A_218] : memref<1x1025x16x1025xf32, #tpu.memory_space<hbm>> -> memref<1x1x16x1025xf32, #tpu.memory_space<hbm>>
      %dma_wait3A_220 = tpu.memref_squeeze %dma_wait3A_219 : memref<1x1x16x1025xf32, #tpu.memory_space<hbm>> -> memref<1x16x1025xf32, #tpu.memory_space<hbm>>
      %dma_wait3A_221 = arith.constant 0 : i32
      %dma_wait3A_222 = arith.constant 0 : i32
      %dma_wait3A_223 = arith.constant 0 : i32
      %dma_wait3A_224 = tpu.memref_slice %arg6[%dma_wait3A_221, %dma_wait3A_222, %dma_wait3A_223] : memref<2x16x1025xf32, #tpu.memory_space<vmem>> -> memref<1x16x1025xf32, #tpu.memory_space<vmem>>
      tpu.wait_dma2 semaphore(%arg9 : memref<!tpu.dma_semaphore, #tpu.memory_space<semaphore_mem>>) src(%dma_wait3A_224 : memref<1x16x1025xf32, #tpu.memory_space<vmem>>) dst(%dma_wait3A_220 : memref<1x16x1025xf32, #tpu.memory_space<hbm>>)
    } else {
    }
    return
  }
}

</mosaic_0001>

<sc_bundles>
// kernel: kernel.3.cloned.1.call-start
scs
__scs_entry_jumppad:
0x0: {  	(pc) =	sbr.rel $0x88, $3  }
0x1: {  	(tag) =	ssettag $0x0;
	lr =	simm.s32 $0x1  }
0x2: {  	[smem:$0x3F9F] =	sst lr;
	_ =	strace $0xD0000000  }
0x3: {  	_ = 	snop  }
0x4: {  	_ = 	snop  }
0x5: {  	_ = 	snop  }
0x6: {  	_ = 	snop  }
0x7: {  	_ = 	snop  }
__scs_overlays_trampoline_lowered:
0x8: {  	[smem:$0x3FAE] =	sst s0  }
0x9: {  	[smem:$0x3FAF] =	sst s1  }
0xa: {  	[smem:$0x3FB0] =	sst s2  }
0xb: {  	[smem:$0x3FB1] =	sst s3  }
0xc: {  	[smem:$0x3FB2] =	sst s4  }
0xd: {  	[smem:$0x3FB3] =	sst s5  }
0xe: {  	[smem:$0x3FB4] =	sst s6  }
0xf: {  	[smem:$0x3FB5] =	sst s7  }
0x10: {  	[smem:$0x3FB6] =	sst s8  }
0x11: {  	[smem:$0x3FB7] =	sst s9;
	s0 =	simm.s32 @!p0 $0x0  }
0x12: {  	s1 =	sld [smem:$0x3F9D];
	s0 =	simm.s32 @p0 $0x1  }
0x13: {  	[smem:$0x3FB8] =	sst s0;
	s0 =	simm.s32 @!p1 $0x0  }
0x14: {  	s2 =	sld [smem:$0x3F9C];
	s0 =	simm.s32 @p1 $0x1  }
0x15: {  	[smem:$0x3FB9] =	sst s0;
	s0 =	simm.s32 @!p2 $0x0  }
0x16: {  	s3 =	sld [smem:$0x3FDB];
	s0 =	simm.s32 @p2 $0x1  }
0x17: {  	s4 =	simm.s32 $0x1BF5;
	[smem:$0x3FBB] =	sst s0  }
0x18: {  	s0 =	sld [smem:$0x3F9E];
	_ =	swait.ge [sflag:s4], $0x0  }
0x19: {  	s7 =	sld [smem:$0x3F9F]  }
0x1a: {  	s8 =	sadd.s32 $0xFFFFE003, lr  }
0x1b: {  	s9 =	sadd.s32 $0xFFFFFEF7, lr;
	s5 =	simm.s32 $0xFFFFFFFF;
	p2 =	slt.u32 s8, $0xFFFFF086  }
0x1c: {  	p1 =	slt.u32 s9, $0xF7A;
	s5 =	simm.s32 @!p2 $0x0  }
0x1d: {  	s5 =	simm.s32 @p1 $0x1;
	p0 =	seq.s32 s7, s2  }
0x1e: {  	s7 =	smul.u32 @!p0 $0xF7A, s2;
	p2 =	seq.s32 @!p0 s5, $0x0  }
0x1f: {  	s9 =	smul.u32 $0xF7A, s1;
	s8 =	simm.s32 @!p0 $0x1BF5;
	p2 =	por !p2, p0  }
0x20: {  	[sflag:s8] =	ssyncset.s32 @!p0 $0xFFFFF086;
	s6 =	sadd.s32 @!p0 s3, s7;
	s7 =	simm.s32 @!p0 $0x108  }
0x21: {  	s3 =	sadd.s32 s3, s9;
	s6 =	sadd.s32 @!p0 $0x88, s6;
	s7 =	simm.s32 @p2 $0x1082  }
0x22: {  	[simem:s7], [sflag:s8] =	dma.local @!p0 [hbm:s6], $0xF7A  }
0x23: {  	s9 =	sor.u32 $0xD0000000, s2;
	s6 =	simm.s32 $0x108;
	_ =	swait.ge @!p0 [sflag:s8], $0x0  }
0x24: {  	s3 =	sadd.s32 $0x88, s3;
	s6 =	simm.s32 @!p1 $0x1082;
	[sflag:s4] =	ssyncset.s32 $0xFFFFF086  }
0x25: {  	[simem:s6], [sflag:s4] =	dma.local [hbm:s3], $0xF7A  }
0x26: {  	[smem:$0x3F9F] =	sst s1;
	(tag) =	ssettag s2;
	_ =	strace s9  }
0x27: {  	s1 =	sld [smem:$0x3FAF]  }
0x28: {  	s2 =	sld [smem:$0x3FB0]  }
0x29: {  	s4 =	sld [smem:$0x3FB2]  }
0x2a: {  	p0 =	seq.s32 s5, $0x0;
	s5 =	sld [smem:$0x3FB3]  }
0x2b: {  	s6 =	sld [smem:$0x3FB4]  }
0x2c: {  	s7 =	sld [smem:$0x3FB5]  }
0x2d: {  	s3 =	simm.s32 $0x108;
	s8 =	sld [smem:$0x3FB6]  }
0x2e: {  	s3 =	simm.s32 @!p0 $0x1082;
	s9 =	sld [smem:$0x3FB7]  }
0x2f: {  	lr =	sadd.s32 s0, s3;
	s0 =	sld [smem:$0x3FAE]  }
0x30: {  	s3 =	sld [smem:$0x3FB1]  }
0x31: {  	[smem:$0x3FBA] =	sst s10  }
0x32: {  	s10 =	sld [smem:$0x3FB8];
	_ =	sdelay $0x3  }
0x33: {  	p0 =	seq.s32 s10, $0x1;
	s10 =	sld [smem:$0x3FBA];
	_ =	sdelay $0x3  }
0x34: {  	[smem:$0x3FBA] =	sst s10  }
0x35: {  	s10 =	sld [smem:$0x3FB9];
	_ =	sdelay $0x3  }
0x36: {  	p1 =	seq.s32 s10, $0x1;
	s10 =	sld [smem:$0x3FBA];
	_ =	sdelay $0x3  }
0x37: {  	[smem:$0x3FBA] =	sst s10  }
0x38: {  	s10 =	sld [smem:$0x3FBB]  }
0x39: {  	_ = 	snop;
	(pc) =	sbr.ind lr, $3  }
0x3a: {  	_ = 	snop  }
0x3b: {  	_ = 	snop  }
0x3c: {  	p2 =	seq.s32 s10, $0x1;
	s10 =	sld [smem:$0x3FBA]  }
0x3d: {  	_ =	shalt  }
0x3e: {  	_ =	shalt  }
0x3f: {  	_ =	shalt  }
0x40: {  	_ =	shalt  }
0x41: {  	_ =	shalt  }
0x42: {  	_ =	shalt  }
0x43: {  	_ =	shalt  }
0x44: {  	_ =	shalt  }
0x45: {  	_ =	shalt  }
0x46: {  	_ =	shalt  }
0x47: {  	_ =	shalt  }
0x48: {  	_ =	shalt  }
0x49: {  	_ =	shalt  }
0x4a: {  	_ =	shalt  }
0x4b: {  	_ =	shalt  }
0x4c: {  	_ =	shalt  }
0x4d: {  	_ =	shalt  }
0x4e: {  	_ =	shalt  }
0x4f: {  	_ =	shalt  }
0x50: {  	_ =	shalt  }
0x51: {  	_ =	shalt  }
0x52: {  	_ =	shalt  }
0x53: {  	_ =	shalt  }
0x54: {  	_ =	shalt  }
0x55: {  	_ =	shalt  }
0x56: {  	_ =	shalt  }
0x57: {  	_ =	shalt  }
0x58: {  	_ =	shalt  }
0x59: {  	_ =	shalt  }
0x5a: {  	_ =	shalt  }
0x5b: {  	_ =	shalt  }
0x5c: {  	_ =	shalt  }
0x5d: {  	_ =	shalt  }
0x5e: {  	_ =	shalt  }
0x5f: {  	_ =	shalt  }
0x60: {  	_ =	shalt  }
0x61: {  	_ =	shalt  }
0x62: {  	_ =	shalt  }
0x63: {  	_ =	shalt  }
0x64: {  	_ =	shalt  }
0x65: {  	_ =	shalt  }
0x66: {  	_ =	shalt  }
0x67: {  	_ =	shalt  }
0x68: {  	_ =	shalt  }
0x69: {  	_ =	shalt  }
0x6a: {  	_ =	shalt  }
0x6b: {  	_ =	shalt  }
0x6c: {  	_ =	shalt  }
0x6d: {  	_ =	shalt  }
0x6e: {  	_ =	shalt  }
0x6f: {  	_ =	shalt  }
0x70: {  	_ =	shalt  }
0x71: {  	_ =	shalt  }
0x72: {  	_ =	shalt  }
0x73: {  	_ =	shalt  }
0x74: {  	_ =	shalt  }
0x75: {  	_ =	shalt  }
0x76: {  	_ =	shalt  }
0x77: {  	_ =	shalt  }
0x78: {  	_ =	shalt  }
0x79: {  	_ =	shalt  }
0x7a: {  	_ =	shalt  }
0x7b: {  	_ =	shalt  }
0x7c: {  	_ =	shalt  }
0x7d: {  	_ =	shalt  }
0x7e: {  	_ =	shalt  }
0x7f: {  	_ =	shalt  }
0x80: {  	_ =	shalt  }
0x81: {  	_ =	shalt  }
0x82: {  	_ =	shalt  }
0x83: {  	_ =	shalt  }
0x84: {  	_ =	shalt  }
0x85: {  	_ =	shalt  }
0x86: {  	_ =	shalt  }
0x87: {  	_ =	shalt  }
.Lfunc_end0:
.L_simem_size_0:
called_computation_lowered:
.L_overlay_start_0:
0x88: {  	s2 =	sld [smem:$0x3FD9]  }
0x89: {  	s3 =	sld [smem:$0x3FFE];
	_ =	sdelay $0x1  }
0x8a: {  	s1 =	srdreg.scid  }
0x8b: {  	s0 =	sand.u32 $0x1, s1  }
0x8c: {  	s17 =	sshll.u32 s0, $0xA;
	s2 =	sadd.s32 s3, s2  }
0x8d: {  	s2 =	sadd.s32 s2, s17  }
0x8e: {  	[smem:$0x3FC6] =	sst s2  }
0x8f: {  	_ = 	snop  }
0x90: {  	s2 =	sld [smem:$0x3FC9]  }
0x91: {  	s18 =	sld [smem:$0x3FD0];
	(tm) =	ssettm $0x1  }
0x92: {  	s4 =	sld [smem:$0x3FFB];
	_ =	sdelay $0x3  }
0x93: {  	_ =	strace s4  }
0x94: {  	s4 =	sld [smem:$0x3FFC];
	_ =	sdelay $0x3  }
0x95: {  	_ =	strace s4  }
0x96: {  	s4 =	sld [smem:$0x3FFD];
	_ =	sdelay $0x3  }
0x97: {  	_ =	strace s4  }
0x98: {  	_ =	strace $0x8FFFFFFF  }
0x99: {  	s19 =	sld [smem:$0x3FDB];
	_ =	sdelay $0x1  }
0x9a: {  	s5 =	simm.s32 $_scs_section_size  }
0x9b: {  	s6 =	simm.s32 $_size__tile_overlayer_lowered;
	s7 =	simm.s32 $_tile_overlayer_lowered  }
0x9c: {  	s22 =	simm.s32 $0x1BFF;
	s21 =	sshll.u32 s7, $0x1;
	s4 =	sadd.s32 s5, s19  }
0x9d: {  	s8 =	simm.s32 $0x0;
	s20 =	sshll.u32 s6, $0x1;
	s6 =	sadd.s32 s21, s4  }
0x9e: {  	[timem:s8], [sflag:s22] =	dma.local [hbm:s6], s20  }
0x9f: {  	_ =	swait.ge [sflag:s22], s20  }
0xa0: {  	s5 =	ssub.s32 $0x0, s20;
	[sflag:s22] =	ssyncset.done $0x0  }
0xa1: {  	[sflag:s22] =	ssyncadd.s32 s5;
	_ =	sdelay $0x1  }
0xa2: {  	s23 =	simm.s32 $0x1B8B  }
0xa3: {  	_ =	swait.ge [sflag:s23], $0x1  }
0xa4: {  	[sflag:s23] =	ssyncset.done $0x0  }
0xa5: {  	s25 =	simm.s32 $0x1B8E;
	s24 =	sld [smem:$0x3FFE];
	[sflag:s23] =	ssyncadd.s32 $0xFFFFFFFF  }
0xa6: {  	s26 =	simm.s32 $execute0_lowered;
	[smem:$0x3FD2] =	sst s25  }
0xa7: {  	s6 =	sshll.u32 s26, $0x1;
	_ =	strace $0x80000046;
	[dreg:$0x1] =	wrdreg $0xFFFFFFFF  }
0xa8: {  	s28 =	simm.s32 $_size_execute0_lowered;
	s4 =	sadd.s32 s4, s6;
	[dreg:$0x0] =	wrdreg $0x0  }
0xa9: {  	s6 =	sshll.u32 s28, $0x1;
	[dreg:$0x2] =	wrdreg s4  }
0xaa: {  	[dreg:$0x3] =	wrdreg s6  }
0xab: {  	[dreg:$0x4] =	wrdreg $0xC0  }
0xac: {  	_ =	task [dreg:s8], $0x5FFFF  }
0xad: {  	[dreg:$0x1] =	wrdreg $0xFFFFFFFF  }
0xae: {  	[dreg:$0x0] =	wrdreg $0x60  }
0xaf: {  	[dreg:$0x2] =	wrdreg s2  }
0xb0: {  	[dreg:$0x3] =	wrdreg s24  }
0xb1: {  	[dreg:$0x4] =	wrdreg s18  }
0xb2: {  	[dreg:$0x5] =	wrdreg $0x9  }
0xb3: {  	_ =	task.clear_ibuf [dreg:s8], $0x6FFFF;
	_ =	strace $0x90000046  }
0xb4: {  	s29 =	simm.s32 $0x9;
	_ =	strace $0x80000048  }
0xb5: {  	_ =	swait.ge [sflag:s29], $0x1  }
0xb6: {  	[sflag:s29] =	ssyncadd.s32 $0xFFFFFFFF  }
0xb7: {  	_ =	strace $0x90000048  }
0xb8: {  	_ =	sfence  }
0xb9: {  	s30 =	sld [smem:$0x0];
	_ =	sdelay $0x2  }
0xba: {  	s31 =	sshll.u32 s1, $0xD;
	s1 =	sshrl.u32 s1, $0x2  }
0xbb: {  	s3 =	sand.u32 $0x4000, s31;
	s1 =	sadd.s32 s1, s30  }
0xbc: {  	s0 =	sor.u32 s3, s0;
	s1 =	sshll.u32 s1, $0x11  }
0xbd: {  	s0 =	sor.u32 s1, s0  }
0xbe: {  	s0 =	sadd.s32 $0x8F2B, s0  }
0xbf: {  	[sflag:s0] =	ssyncadd.remote.s32 $0x1  }
0xc0: {  	_ =	sfence.sel $0xFFFF  }
0xc1: {  	[dreg:$0x0] =	wrdreg $0xFFFFFFFF;
	(pc) =	sbr.abs _section_cstart, $3  }
0xc2: {  	[dreg:$0x1] =	wrdreg $0xFFFFFFFF  }
0xc3: {  	_ =	task.clear_ibuf [dreg:s8], $0x2FFFF;
	_ =	strace $0x9FFFFFFF  }
0xc4: {  	(tm) =	ssettm $0x7FFFFFFF  }
0xc5: {  	_ =	shalt  }
tec
execute0_lowered:
.L_overlay_start_1:
0x0: {  	(tag) =	ssettag $0x1  }
0x1: {  	v0 =	vimm.s32 $0x2000;
	vm14 =	vcmask $0x300  }
0x2: {  	v1 =	vimm.s32 $0x2080;
	vm13 =	vcmask $0x704;
	vm12 =	vcmask $0xB08  }
0x3: {  	vm11 =	vcmask $0xF0C;
	vm10 =	vcmask $0x1310;
	vm9 =	vcmask $0x1714  }
0x4: {  	vm8 =	vcmask $0x1B18;
	vm7 =	vcmask $0x1F1C;
	vm6 =	vcmask $0x2320  }
0x5: {  	vm5 =	vcmask $0x2724;
	vm4 =	vcmask $0x2B28;
	vm3 =	vcmask $0x2F2C  }
0x6: {  	vm2 =	vcmask $0x3330;
	vm1 =	vcmask $0x3734;
	vm0 =	vcmask $0x3B38  }
0x7: {  	v2 =	vimm.s32 $0x2100;
	v3 =	vimm.s32 $0x2180;
	v4 =	vimm.s32 $0x2200  }
0x8: {  	v5 =	vimm.s32 $0x2280;
	v6 =	vimm.s32 $0x2300;
	v7 =	vimm.s32 $0x2380  }
0x9: {  	v8 =	vimm.s32 $0x4400;
	v9 =	vimm.s32 $0x4480;
	v10 =	vimm.s32 $0x4500  }
0xa: {  	v22 =	vimm.s32 $0x4580;
	v23 =	vimm.s32 $0x4600;
	v24 =	vimm.s32 $0x4680  }
0xb: {  	v28 =	vimm.s32 $0x4700;
	v29 =	vimm.s32 $0x4780;
	v30 =	vimm.s32 $0x6800  }
0xc: {  	v34 =	vimm.s32 $0x6880;
	v35 =	vimm.s32 $0x6900;
	v36 =	vimm.s32 $0x6980  }
0xd: {  	v40 =	vimm.s32 $0x6A00;
	v41 =	vimm.s32 $0x6A80;
	v42 =	vimm.s32 $0x6B00  }
0xe: {  	v46 =	vimm.s32 $0x6B80;
	v47 =	vimm.s32 $0x8C00;
	v48 =	vimm.s32 $0x8C80  }
0xf: {  	v52 =	vimm.s32 $0x8D00;
	v53 =	vimm.s32 $0x8D80;
	v54 =	vimm.s32 $0x8E00  }
0x10: {  	v58 =	vimm.s32 $0x8E80;
	v59 =	vimm.s32 $0x8F00;
	v60 =	vimm.s32 $0x8F80  }
0x11: {  	v0 =	vsel vm14, $0x1C71, v0;
	v1 =	vsel vm14, $0x1CF1, v1;
	v2 =	vsel vm14, $0x1D71, v2  }
0x12: {  	v3 =	vsel vm14, $0x1DF1, v3;
	v4 =	vsel vm14, $0x1E71, v4;
	v5 =	vsel vm14, $0x1EF1, v5  }
0x13: {  	v6 =	vsel vm14, $0x1F71, v6;
	v7 =	vsel vm14, $0x1FF1, v7;
	v8 =	vsel vm14, $0x4071, v8  }
0x14: {  	v9 =	vsel vm14, $0x40F1, v9;
	v10 =	vsel vm14, $0x4171, v10;
	v0 =	vsel vm13, $0x1C72, v0  }
0x15: {  	v1 =	vsel vm13, $0x1CF2, v1;
	v2 =	vsel vm13, $0x1D72, v2;
	v3 =	vsel vm13, $0x1DF2, v3  }
0x16: {  	v4 =	vsel vm13, $0x1E72, v4;
	v5 =	vsel vm13, $0x1EF2, v5;
	v6 =	vsel vm13, $0x1F72, v6  }
0x17: {  	v7 =	vsel vm13, $0x1FF2, v7;
	v8 =	vsel vm13, $0x4072, v8;
	v9 =	vsel vm13, $0x40F2, v9  }
0x18: {  	v10 =	vsel vm13, $0x4172, v10;
	v0 =	vsel vm12, $0x1C73, v0;
	v1 =	vsel vm12, $0x1CF3, v1  }
0x19: {  	v2 =	vsel vm12, $0x1D73, v2;
	v3 =	vsel vm12, $0x1DF3, v3;
	v4 =	vsel vm12, $0x1E73, v4  }
0x1a: {  	v5 =	vsel vm12, $0x1EF3, v5;
	v6 =	vsel vm12, $0x1F73, v6;
	v7 =	vsel vm12, $0x1FF3, v7  }
0x1b: {  	v8 =	vsel vm12, $0x4073, v8;
	v9 =	vsel vm12, $0x40F3, v9;
	v10 =	vsel vm12, $0x4173, v10  }
0x1c: {  	v0 =	vsel vm11, $0x1C74, v0;
	v1 =	vsel vm11, $0x1CF4, v1;
	v2 =	vsel vm11, $0x1D74, v2  }
0x1d: {  	v3 =	vsel vm11, $0x1DF4, v3;
	v4 =	vsel vm11, $0x1E74, v4;
	v5 =	vsel vm11, $0x1EF4, v5  }
0x1e: {  	v6 =	vsel vm11, $0x1F74, v6;
	v7 =	vsel vm11, $0x1FF4, v7;
	v8 =	vsel vm11, $0x4074, v8  }
0x1f: {  	v9 =	vsel vm11, $0x40F4, v9;
	v10 =	vsel vm11, $0x4174, v10;
	v0 =	vsel vm10, $0x1C75, v0  }
0x20: {  	v1 =	vsel vm10, $0x1CF5, v1;
	v2 =	vsel vm10, $0x1D75, v2;
	v3 =	vsel vm10, $0x1DF5, v3  }
0x21: {  	v4 =	vsel vm10, $0x1E75, v4;
	v5 =	vsel vm10, $0x1EF5, v5;
	v6 =	vsel vm10, $0x1F75, v6  }
0x22: {  	v7 =	vsel vm10, $0x1FF5, v7;
	v8 =	vsel vm10, $0x4075, v8;
	v9 =	vsel vm10, $0x40F5, v9  }
0x23: {  	v10 =	vsel vm10, $0x4175, v10;
	v0 =	vsel vm9, $0x1C76, v0;
	v1 =	vsel vm9, $0x1CF6, v1  }
0x24: {  	v2 =	vsel vm9, $0x1D76, v2;
	v3 =	vsel vm9, $0x1DF6, v3;
	v4 =	vsel vm9, $0x1E76, v4  }
0x25: {  	v5 =	vsel vm9, $0x1EF6, v5;
	v6 =	vsel vm9, $0x1F76, v6;
	v7 =	vsel vm9, $0x1FF6, v7  }
0x26: {  	v8 =	vsel vm9, $0x4076, v8;
	v9 =	vsel vm9, $0x40F6, v9;
	v10 =	vsel vm9, $0x4176, v10  }
0x27: {  	v0 =	vsel vm8, $0x1C77, v0;
	v1 =	vsel vm8, $0x1CF7, v1;
	v2 =	vsel vm8, $0x1D77, v2  }
0x28: {  	v3 =	vsel vm8, $0x1DF7, v3;
	v4 =	vsel vm8, $0x1E77, v4;
	v5 =	vsel vm8, $0x1EF7, v5  }
0x29: {  	v6 =	vsel vm8, $0x1F77, v6;
	v7 =	vsel vm8, $0x1FF7, v7;
	v8 =	vsel vm8, $0x4077, v8  }
0x2a: {  	v9 =	vsel vm8, $0x40F7, v9;
	v10 =	vsel vm8, $0x4177, v10;
	v0 =	vsel vm7, $0x1C78, v0  }
0x2b: {  	v1 =	vsel vm7, $0x1CF8, v1;
	v2 =	vsel vm7, $0x1D78, v2;
	v3 =	vsel vm7, $0x1DF8, v3  }
0x2c: {  	v4 =	vsel vm7, $0x1E78, v4;
	v5 =	vsel vm7, $0x1EF8, v5;
	v6 =	vsel vm7, $0x1F78, v6  }
0x2d: {  	v7 =	vsel vm7, $0x1FF8, v7;
	v8 =	vsel vm7, $0x4078, v8;
	v9 =	vsel vm7, $0x40F8, v9  }
0x2e: {  	v10 =	vsel vm7, $0x4178, v10;
	v0 =	vsel vm6, $0x1C79, v0;
	v1 =	vsel vm6, $0x1CF9, v1  }
0x2f: {  	v2 =	vsel vm6, $0x1D79, v2;
	v3 =	vsel vm6, $0x1DF9, v3;
	v4 =	vsel vm6, $0x1E79, v4  }
0x30: {  	v5 =	vsel vm6, $0x1EF9, v5;
	v6 =	vsel vm6, $0x1F79, v6;
	v7 =	vsel vm6, $0x1FF9, v7  }
0x31: {  	v8 =	vsel vm6, $0x4079, v8;
	v9 =	vsel vm6, $0x40F9, v9;
	v10 =	vsel vm6, $0x4179, v10  }
0x32: {  	v0 =	vsel vm5, $0x1C7A, v0;
	v1 =	vsel vm5, $0x1CFA, v1;
	v2 =	vsel vm5, $0x1D7A, v2  }
0x33: {  	v3 =	vsel vm5, $0x1DFA, v3;
	v4 =	vsel vm5, $0x1E7A, v4;
	v5 =	vsel vm5, $0x1EFA, v5  }
0x34: {  	v6 =	vsel vm5, $0x1F7A, v6;
	v7 =	vsel vm5, $0x1FFA, v7;
	v8 =	vsel vm5, $0x407A, v8  }
0x35: {  	v9 =	vsel vm5, $0x40FA, v9;
	v10 =	vsel vm5, $0x417A, v10;
	v0 =	vsel vm4, $0x1C7B, v0  }
0x36: {  	v1 =	vsel vm4, $0x1CFB, v1;
	v2 =	vsel vm4, $0x1D7B, v2;
	v3 =	vsel vm4, $0x1DFB, v3  }
0x37: {  	v4 =	vsel vm4, $0x1E7B, v4;
	v5 =	vsel vm4, $0x1EFB, v5;
	v6 =	vsel vm4, $0x1F7B, v6  }
0x38: {  	v7 =	vsel vm4, $0x1FFB, v7;
	v8 =	vsel vm4, $0x407B, v8;
	v9 =	vsel vm4, $0x40FB, v9  }
0x39: {  	v10 =	vsel vm4, $0x417B, v10;
	v0 =	vsel vm3, $0x1C7C, v0;
	v1 =	vsel vm3, $0x1CFC, v1  }
0x3a: {  	v2 =	vsel vm3, $0x1D7C, v2;
	v3 =	vsel vm3, $0x1DFC, v3;
	v4 =	vsel vm3, $0x1E7C, v4  }
0x3b: {  	v5 =	vsel vm3, $0x1EFC, v5;
	v6 =	vsel vm3, $0x1F7C, v6;
	v7 =	vsel vm3, $0x1FFC, v7  }
0x3c: {  	v8 =	vsel vm3, $0x407C, v8;
	v9 =	vsel vm3, $0x40FC, v9;
	v10 =	vsel vm3, $0x417C, v10  }
0x3d: {  	v0 =	vsel vm2, $0x1C7D, v0;
	v1 =	vsel vm2, $0x1CFD, v1;
	v2 =	vsel vm2, $0x1D7D, v2  }
0x3e: {  	v3 =	vsel vm2, $0x1DFD, v3;
	v4 =	vsel vm2, $0x1E7D, v4;
	v5 =	vsel vm2, $0x1EFD, v5  }
0x3f: {  	v6 =	vsel vm2, $0x1F7D, v6;
	v7 =	vsel vm2, $0x1FFD, v7;
	v8 =	vsel vm2, $0x407D, v8  }
0x40: {  	v9 =	vsel vm2, $0x40FD, v9;
	v10 =	vsel vm2, $0x417D, v10;
	v0 =	vsel vm1, $0x1C7E, v0  }
0x41: {  	v1 =	vsel vm1, $0x1CFE, v1;
	v2 =	vsel vm1, $0x1D7E, v2;
	v3 =	vsel vm1, $0x1DFE, v3  }
0x42: {  	v4 =	vsel vm1, $0x1E7E, v4;
	v5 =	vsel vm1, $0x1EFE, v5;
	v6 =	vsel vm1, $0x1F7E, v6  }
0x43: {  	v7 =	vsel vm1, $0x1FFE, v7;
	v8 =	vsel vm1, $0x407E, v8;
	v9 =	vsel vm1, $0x40FE, v9  }
0x44: {  	v10 =	vsel vm1, $0x417E, v10;
	v0 =	vsel vm0, $0x1C7F, v0;
	v12 =	vsel vm0, $0x1CFF, v1  }
0x45: {  	v13 =	vsel vm0, $0x1D7F, v2;
	v14 =	vsel vm0, $0x1DFF, v3;
	v15 =	vsel vm0, $0x1E7F, v4  }
0x46: {  	v16 =	vsel vm0, $0x1EFF, v5;
	v17 =	vsel vm0, $0x1F7F, v6;
	v18 =	vsel vm0, $0x1FFF, v7  }
0x47: {  	v19 =	vsel vm0, $0x407F, v8;
	v20 =	vsel vm0, $0x40FF, v9;
	v21 =	vsel vm0, $0x417F, v10  }
0x48: {  	v8 =	vsel vm14, $0x41F1, v22;
	v9 =	vsel vm14, $0x4271, v23;
	v10 =	vsel vm14, $0x42F1, v24  }
0x49: {  	v8 =	vsel vm13, $0x41F2, v8;
	v9 =	vsel vm13, $0x4272, v9;
	v10 =	vsel vm13, $0x42F2, v10  }
0x4a: {  	v8 =	vsel vm12, $0x41F3, v8;
	v9 =	vsel vm12, $0x4273, v9;
	v10 =	vsel vm12, $0x42F3, v10  }
0x4b: {  	v8 =	vsel vm11, $0x41F4, v8;
	v9 =	vsel vm11, $0x4274, v9;
	v10 =	vsel vm11, $0x42F4, v10  }
0x4c: {  	v8 =	vsel vm10, $0x41F5, v8;
	v9 =	vsel vm10, $0x4275, v9;
	v10 =	vsel vm10, $0x42F5, v10  }
0x4d: {  	v8 =	vsel vm9, $0x41F6, v8;
	v9 =	vsel vm9, $0x4276, v9;
	v10 =	vsel vm9, $0x42F6, v10  }
0x4e: {  	v8 =	vsel vm8, $0x41F7, v8;
	v9 =	vsel vm8, $0x4277, v9;
	v10 =	vsel vm8, $0x42F7, v10  }
0x4f: {  	v8 =	vsel vm7, $0x41F8, v8;
	v9 =	vsel vm7, $0x4278, v9;
	v10 =	vsel vm7, $0x42F8, v10  }
0x50: {  	v8 =	vsel vm6, $0x41F9, v8;
	v9 =	vsel vm6, $0x4279, v9;
	v10 =	vsel vm6, $0x42F9, v10  }
0x51: {  	v8 =	vsel vm5, $0x41FA, v8;
	v9 =	vsel vm5, $0x427A, v9;
	v10 =	vsel vm5, $0x42FA, v10  }
0x52: {  	v8 =	vsel vm4, $0x41FB, v8;
	v9 =	vsel vm4, $0x427B, v9;
	v10 =	vsel vm4, $0x42FB, v10  }
0x53: {  	v8 =	vsel vm3, $0x41FC, v8;
	v9 =	vsel vm3, $0x427C, v9;
	v10 =	vsel vm3, $0x42FC, v10  }
0x54: {  	v8 =	vsel vm2, $0x41FD, v8;
	v9 =	vsel vm2, $0x427D, v9;
	v10 =	vsel vm2, $0x42FD, v10  }
0x55: {  	v8 =	vsel vm1, $0x41FE, v8;
	v9 =	vsel vm1, $0x427E, v9;
	v10 =	vsel vm1, $0x42FE, v10  }
0x56: {  	v25 =	vsel vm0, $0x41FF, v8;
	v26 =	vsel vm0, $0x427F, v9;
	v27 =	vsel vm0, $0x42FF, v10  }
0x57: {  	v8 =	vsel vm14, $0x4371, v28;
	v9 =	vsel vm14, $0x43F1, v29;
	v10 =	vsel vm14, $0x6471, v30  }
0x58: {  	v8 =	vsel vm13, $0x4372, v8;
	v9 =	vsel vm13, $0x43F2, v9;
	v10 =	vsel vm13, $0x6472, v10  }
0x59: {  	v8 =	vsel vm12, $0x4373, v8;
	v9 =	vsel vm12, $0x43F3, v9;
	v10 =	vsel vm12, $0x6473, v10  }
0x5a: {  	v8 =	vsel vm11, $0x4374, v8;
	v9 =	vsel vm11, $0x43F4, v9;
	v10 =	vsel vm11, $0x6474, v10  }
0x5b: {  	v8 =	vsel vm10, $0x4375, v8;
	v9 =	vsel vm10, $0x43F5, v9;
	v10 =	vsel vm10, $0x6475, v10  }
0x5c: {  	v8 =	vsel vm9, $0x4376, v8;
	v9 =	vsel vm9, $0x43F6, v9;
	v10 =	vsel vm9, $0x6476, v10  }
0x5d: {  	v8 =	vsel vm8, $0x4377, v8;
	v9 =	vsel vm8, $0x43F7, v9;
	v10 =	vsel vm8, $0x6477, v10  }
0x5e: {  	v8 =	vsel vm7, $0x4378, v8;
	v9 =	vsel vm7, $0x43F8, v9;
	v10 =	vsel vm7, $0x6478, v10  }
0x5f: {  	v8 =	vsel vm6, $0x4379, v8;
	v9 =	vsel vm6, $0x43F9, v9;
	v10 =	vsel vm6, $0x6479, v10  }
0x60: {  	v8 =	vsel vm5, $0x437A, v8;
	v9 =	vsel vm5, $0x43FA, v9;
	v10 =	vsel vm5, $0x647A, v10  }
0x61: {  	v8 =	vsel vm4, $0x437B, v8;
	v9 =	vsel vm4, $0x43FB, v9;
	v10 =	vsel vm4, $0x647B, v10  }
0x62: {  	v8 =	vsel vm3, $0x437C, v8;
	v9 =	vsel vm3, $0x43FC, v9;
	v10 =	vsel vm3, $0x647C, v10  }
0x63: {  	v8 =	vsel vm2, $0x437D, v8;
	v9 =	vsel vm2, $0x43FD, v9;
	v10 =	vsel vm2, $0x647D, v10  }
0x64: {  	v8 =	vsel vm1, $0x437E, v8;
	v9 =	vsel vm1, $0x43FE, v9;
	v10 =	vsel vm1, $0x647E, v10  }
0x65: {  	v31 =	vsel vm0, $0x437F, v8;
	v32 =	vsel vm0, $0x43FF, v9;
	v33 =	vsel vm0, $0x647F, v10  }
0x66: {  	v8 =	vsel vm14, $0x64F1, v34;
	v9 =	vsel vm14, $0x6571, v35;
	v10 =	vsel vm14, $0x65F1, v36  }
0x67: {  	v8 =	vsel vm13, $0x64F2, v8;
	v9 =	vsel vm13, $0x6572, v9;
	v10 =	vsel vm13, $0x65F2, v10  }
0x68: {  	v8 =	vsel vm12, $0x64F3, v8;
	v9 =	vsel vm12, $0x6573, v9;
	v10 =	vsel vm12, $0x65F3, v10  }
0x69: {  	v8 =	vsel vm11, $0x64F4, v8;
	v9 =	vsel vm11, $0x6574, v9;
	v10 =	vsel vm11, $0x65F4, v10  }
0x6a: {  	v8 =	vsel vm10, $0x64F5, v8;
	v9 =	vsel vm10, $0x6575, v9;
	v10 =	vsel vm10, $0x65F5, v10  }
0x6b: {  	v8 =	vsel vm9, $0x64F6, v8;
	v9 =	vsel vm9, $0x6576, v9;
	v10 =	vsel vm9, $0x65F6, v10  }
0x6c: {  	v8 =	vsel vm8, $0x64F7, v8;
	v9 =	vsel vm8, $0x6577, v9;
	v10 =	vsel vm8, $0x65F7, v10  }
0x6d: {  	v8 =	vsel vm7, $0x64F8, v8;
	v9 =	vsel vm7, $0x6578, v9;
	v10 =	vsel vm7, $0x65F8, v10  }
0x6e: {  	v8 =	vsel vm6, $0x64F9, v8;
	v9 =	vsel vm6, $0x6579, v9;
	v10 =	vsel vm6, $0x65F9, v10  }
0x6f: {  	v8 =	vsel vm5, $0x64FA, v8;
	v9 =	vsel vm5, $0x657A, v9;
	v10 =	vsel vm5, $0x65FA, v10  }
0x70: {  	v8 =	vsel vm4, $0x64FB, v8;
	v9 =	vsel vm4, $0x657B, v9;
	v10 =	vsel vm4, $0x65FB, v10  }
0x71: {  	v8 =	vsel vm3, $0x64FC, v8;
	v9 =	vsel vm3, $0x657C, v9;
	v10 =	vsel vm3, $0x65FC, v10  }
0x72: {  	v8 =	vsel vm2, $0x64FD, v8;
	v9 =	vsel vm2, $0x657D, v9;
	v10 =	vsel vm2, $0x65FD, v10  }
0x73: {  	v8 =	vsel vm1, $0x64FE, v8;
	v9 =	vsel vm1, $0x657E, v9;
	v10 =	vsel vm1, $0x65FE, v10  }
0x74: {  	v37 =	vsel vm0, $0x64FF, v8;
	v38 =	vsel vm0, $0x657F, v9;
	v39 =	vsel vm0, $0x65FF, v10  }
0x75: {  	v8 =	vsel vm14, $0x6671, v40;
	v9 =	vsel vm14, $0x66F1, v41;
	v10 =	vsel vm14, $0x6771, v42  }
0x76: {  	v8 =	vsel vm13, $0x6672, v8;
	v9 =	vsel vm13, $0x66F2, v9;
	v10 =	vsel vm13, $0x6772, v10  }
0x77: {  	v8 =	vsel vm12, $0x6673, v8;
	v9 =	vsel vm12, $0x66F3, v9;
	v10 =	vsel vm12, $0x6773, v10  }
0x78: {  	v8 =	vsel vm11, $0x6674, v8;
	v9 =	vsel vm11, $0x66F4, v9;
	v10 =	vsel vm11, $0x6774, v10  }
0x79: {  	v8 =	vsel vm10, $0x6675, v8;
	v9 =	vsel vm10, $0x66F5, v9;
	v10 =	vsel vm10, $0x6775, v10  }
0x7a: {  	v8 =	vsel vm9, $0x6676, v8;
	v9 =	vsel vm9, $0x66F6, v9;
	v10 =	vsel vm9, $0x6776, v10  }
0x7b: {  	v8 =	vsel vm8, $0x6677, v8;
	v9 =	vsel vm8, $0x66F7, v9;
	v10 =	vsel vm8, $0x6777, v10  }
0x7c: {  	v8 =	vsel vm7, $0x6678, v8;
	v9 =	vsel vm7, $0x66F8, v9;
	v10 =	vsel vm7, $0x6778, v10  }
0x7d: {  	v8 =	vsel vm6, $0x6679, v8;
	v9 =	vsel vm6, $0x66F9, v9;
	v10 =	vsel vm6, $0x6779, v10  }
0x7e: {  	v8 =	vsel vm5, $0x667A, v8;
	v9 =	vsel vm5, $0x66FA, v9;
	v10 =	vsel vm5, $0x677A, v10  }
0x7f: {  	v8 =	vsel vm4, $0x667B, v8;
	v9 =	vsel vm4, $0x66FB, v9;
	v10 =	vsel vm4, $0x677B, v10  }
0x80: {  	v8 =	vsel vm3, $0x667C, v8;
	v9 =	vsel vm3, $0x66FC, v9;
	v10 =	vsel vm3, $0x677C, v10  }
0x81: {  	v8 =	vsel vm2, $0x667D, v8;
	v9 =	vsel vm2, $0x66FD, v9;
	v10 =	vsel vm2, $0x677D, v10  }
0x82: {  	v8 =	vsel vm1, $0x667E, v8;
	v9 =	vsel vm1, $0x66FE, v9;
	v10 =	vsel vm1, $0x677E, v10  }
0x83: {  	v43 =	vsel vm0, $0x667F, v8;
	v44 =	vsel vm0, $0x66FF, v9;
	v45 =	vsel vm0, $0x677F, v10  }
0x84: {  	v8 =	vsel vm14, $0x67F1, v46;
	v9 =	vsel vm14, $0x8871, v47;
	v10 =	vsel vm14, $0x88F1, v48  }
0x85: {  	v8 =	vsel vm13, $0x67F2, v8;
	v9 =	vsel vm13, $0x8872, v9;
	v10 =	vsel vm13, $0x88F2, v10  }
0x86: {  	v8 =	vsel vm12, $0x67F3, v8;
	v9 =	vsel vm12, $0x8873, v9;
	v10 =	vsel vm12, $0x88F3, v10  }
0x87: {  	v8 =	vsel vm11, $0x67F4, v8;
	v9 =	vsel vm11, $0x8874, v9;
	v10 =	vsel vm11, $0x88F4, v10  }
0x88: {  	v8 =	vsel vm10, $0x67F5, v8;
	v9 =	vsel vm10, $0x8875, v9;
	v10 =	vsel vm10, $0x88F5, v10  }
0x89: {  	v8 =	vsel vm9, $0x67F6, v8;
	v9 =	vsel vm9, $0x8876, v9;
	v10 =	vsel vm9, $0x88F6, v10  }
0x8a: {  	v8 =	vsel vm8, $0x67F7, v8;
	v9 =	vsel vm8, $0x8877, v9;
	v10 =	vsel vm8, $0x88F7, v10  }
0x8b: {  	v8 =	vsel vm7, $0x67F8, v8;
	v9 =	vsel vm7, $0x8878, v9;
	v10 =	vsel vm7, $0x88F8, v10  }
0x8c: {  	v8 =	vsel vm6, $0x67F9, v8;
	v9 =	vsel vm6, $0x8879, v9;
	v10 =	vsel vm6, $0x88F9, v10  }
0x8d: {  	v8 =	vsel vm5, $0x67FA, v8;
	v9 =	vsel vm5, $0x887A, v9;
	v10 =	vsel vm5, $0x88FA, v10  }
0x8e: {  	v8 =	vsel vm4, $0x67FB, v8;
	v9 =	vsel vm4, $0x887B, v9;
	v10 =	vsel vm4, $0x88FB, v10  }
0x8f: {  	v8 =	vsel vm3, $0x67FC, v8;
	v9 =	vsel vm3, $0x887C, v9;
	v10 =	vsel vm3, $0x88FC, v10  }
0x90: {  	v8 =	vsel vm2, $0x67FD, v8;
	v9 =	vsel vm2, $0x887D, v9;
	v10 =	vsel vm2, $0x88FD, v10  }
0x91: {  	[tilespmem:$0x1FE00] =	vst v0;
	v8 =	vsel vm1, $0x67FE, v8;
	v9 =	vsel vm1, $0x887E, v9;
	v10 =	vsel vm1, $0x88FE, v10  }
0x92: {  	[tilespmem:$0x1FE10] =	vst v12;
	v49 =	vsel vm0, $0x67FF, v8;
	v50 =	vsel vm0, $0x887F, v9;
	v51 =	vsel vm0, $0x88FF, v10  }
0x93: {  	[tilespmem:$0x1FE20] =	vst v13;
	v8 =	vsel vm14, $0x8971, v52;
	v9 =	vsel vm14, $0x89F1, v53;
	v10 =	vsel vm14, $0x8A71, v54  }
0x94: {  	[tilespmem:$0x1FE30] =	vst v14;
	v8 =	vsel vm13, $0x8972, v8;
	v9 =	vsel vm13, $0x89F2, v9;
	v10 =	vsel vm13, $0x8A72, v10  }
0x95: {  	[tilespmem:$0x1FE40] =	vst v15;
	v8 =	vsel vm12, $0x8973, v8;
	v9 =	vsel vm12, $0x89F3, v9;
	v10 =	vsel vm12, $0x8A73, v10  }
0x96: {  	[tilespmem:$0x1FE50] =	vst v16;
	v8 =	vsel vm11, $0x8974, v8;
	v9 =	vsel vm11, $0x89F4, v9;
	v10 =	vsel vm11, $0x8A74, v10  }
0x97: {  	[tilespmem:$0x1FE60] =	vst v17;
	v8 =	vsel vm10, $0x8975, v8;
	v9 =	vsel vm10, $0x89F5, v9;
	v10 =	vsel vm10, $0x8A75, v10  }
0x98: {  	[tilespmem:$0x1FE70] =	vst v18;
	v8 =	vsel vm9, $0x8976, v8;
	v9 =	vsel vm9, $0x89F6, v9;
	v10 =	vsel vm9, $0x8A76, v10  }
0x99: {  	[tilespmem:$0x1FE80] =	vst v19;
	v8 =	vsel vm8, $0x8977, v8;
	v9 =	vsel vm8, $0x89F7, v9;
	v10 =	vsel vm8, $0x8A77, v10  }
0x9a: {  	[tilespmem:$0x1FE90] =	vst v20;
	v8 =	vsel vm7, $0x8978, v8;
	v9 =	vsel vm7, $0x89F8, v9;
	v10 =	vsel vm7, $0x8A78, v10  }
0x9b: {  	[tilespmem:$0x1FEA0] =	vst v21;
	v8 =	vsel vm6, $0x8979, v8;
	v9 =	vsel vm6, $0x89F9, v9;
	v10 =	vsel vm6, $0x8A79, v10  }
0x9c: {  	[tilespmem:$0x1FEB0] =	vst v25;
	v8 =	vsel vm5, $0x897A, v8;
	v9 =	vsel vm5, $0x89FA, v9;
	v10 =	vsel vm5, $0x8A7A, v10  }
0x9d: {  	[tilespmem:$0x1FEC0] =	vst v26;
	v8 =	vsel vm4, $0x897B, v8;
	v9 =	vsel vm4, $0x89FB, v9;
	v10 =	vsel vm4, $0x8A7B, v10  }
0x9e: {  	[tilespmem:$0x1FED0] =	vst v27;
	v8 =	vsel vm3, $0x897C, v8;
	v9 =	vsel vm3, $0x89FC, v9;
	v10 =	vsel vm3, $0x8A7C, v10  }
0x9f: {  	[tilespmem:$0x1FEE0] =	vst v31;
	v8 =	vsel vm2, $0x897D, v8;
	v9 =	vsel vm2, $0x89FD, v9;
	v10 =	vsel vm2, $0x8A7D, v10  }
0xa0: {  	[tilespmem:$0x1FEF0] =	vst v32;
	v8 =	vsel vm1, $0x897E, v8;
	v9 =	vsel vm1, $0x89FE, v9;
	v10 =	vsel vm1, $0x8A7E, v10  }
0xa1: {  	[tilespmem:$0x1FF00] =	vst v33;
	v55 =	vsel vm0, $0x897F, v8;
	v56 =	vsel vm0, $0x89FF, v9;
	v8 =	vsel vm14, $0x8AF1, v58  }
0xa2: {  	[tilespmem:$0x1FF10] =	vst v37;
	v57 =	vsel vm0, $0x8A7F, v10;
	v9 =	vsel vm14, $0x8B71, v59;
	v8 =	vsel vm13, $0x8AF2, v8  }
0xa3: {  	[tilespmem:$0x1FF20] =	vst v38;
	v10 =	vsel vm14, $0x8BF1, v60;
	v9 =	vsel vm13, $0x8B72, v9;
	v8 =	vsel vm12, $0x8AF3, v8  }
0xa4: {  	[tilespmem:$0x1FF30] =	vst v39;
	v10 =	vsel vm13, $0x8BF2, v10;
	v9 =	vsel vm12, $0x8B73, v9;
	v8 =	vsel vm11, $0x8AF4, v8  }
0xa5: {  	[tilespmem:$0x1FF40] =	vst v43;
	v10 =	vsel vm12, $0x8BF3, v10;
	v9 =	vsel vm11, $0x8B74, v9;
	v8 =	vsel vm10, $0x8AF5, v8  }
0xa6: {  	s0 =	rddreg [dreg:$0x0];
	[tilespmem:$0x1FF50] =	vst v44;
	v10 =	vsel vm11, $0x8BF4, v10;
	v9 =	vsel vm10, $0x8B75, v9;
	v8 =	vsel vm9, $0x8AF6, v8  }
0xa7: {  	s1 =	rddreg [dreg:$0x1];
	[tilespmem:$0x1FF60] =	vst v45;
	v10 =	vsel vm10, $0x8BF5, v10;
	v9 =	vsel vm9, $0x8B76, v9;
	v8 =	vsel vm8, $0x8AF7, v8  }
0xa8: {  	s2 =	rddreg [dreg:$0x2];
	s3 =	simm.s32 $0x0;
	[tilespmem:$0x1FF70] =	vst v49;
	v10 =	vsel vm9, $0x8BF6, v10;
	v9 =	vsel vm8, $0x8B77, v9;
	v8 =	vsel vm7, $0x8AF8, v8  }
0xa9: {  	s4 =	srdreg.scid;
	s6 =	stileid.u32;
	s10 =	simm.s32 $0x14400;
	[tilespmem:$0x1FF80] =	vst v50;
	v10 =	vsel vm8, $0x8BF7, v10;
	v9 =	vsel vm7, $0x8B78, v9;
	v8 =	vsel vm6, $0x8AF9, v8  }
0xaa: {  	s11 =	simm.s32 $0x3;
	s12 =	simm.s32 $0x2400;
	s13 =	simm.s32 $0xB400;
	[tilespmem:$0x1FF90] =	vst v51;
	v10 =	vsel vm7, $0x8BF8, v10;
	v9 =	vsel vm6, $0x8B79, v9;
	v8 =	vsel vm5, $0x8AFA, v8  }
0xab: {  	s14 =	simm.s32 $0x1;
	s4 =	sand.u32 $0x1, s4;
	s6 =	sshll.u32 s6, $0x1;
	[tilespmem:$0x1FFA0] =	vst v55;
	v10 =	vsel vm6, $0x8BF9, v10;
	v9 =	vsel vm5, $0x8B7A, v9;
	v8 =	vsel vm4, $0x8AFB, v8  }
0xac: {  	s15 =	simm.s32 $0x2;
	s5 =	ssub.s32 $0x2, s4;
	s4 =	sor.u32 s4, s6;
	[tilespmem:$0x1FFB0] =	vst v56;
	v10 =	vsel vm5, $0x8BFA, v10;
	v9 =	vsel vm4, $0x8B7B, v9;
	v8 =	vsel vm3, $0x8AFC, v8  }
0xad: {  	[smem:$0x7FF] =	sst s3;
	s1 =	sadd.s32 $0x400, s1;
	s29 =	sshll.u32 s4, $0x5;
	[tilespmem:$0x1FFC0] =	vst v57;
	v10 =	vsel vm4, $0x8BFB, v10;
	v9 =	vsel vm3, $0x8B7C, v9;
	v8 =	vsel vm2, $0x8AFD, v8  }
.Ltmp0:
0xae: {  	_ =	strace $0x80000047;
	[dreg:$0x4] =	wrdreg s1;
	v10 =	vsel vm3, $0x8BFC, v10;
	v9 =	vsel vm2, $0x8B7D, v9;
	v8 =	vsel vm1, $0x8AFE, v8;
	(pc) =	sbr.rel .LBB2_1-.Ltmp0, $4  }
0xaf: {  	s0 =	sadd.s32 $0x24000, s0;
	s28 =	sshrl.u32 s5, $0x1;
	[dreg:$0x5] =	wrdreg s29;
	v10 =	vsel vm2, $0x8BFD, v10;
	v9 =	vsel vm1, $0x8B7E, v9;
	v61 =	vsel vm0, $0x8AFF, v8  }
0xb0: {  	s30 =	sadd.s32 $0x240000, s2;
	s1 =	ssub.s32 s5, s28;
	[dreg:$0x6] =	wrdreg s0;
	v10 =	vsel vm1, $0x8BFE, v10;
	v62 =	vsel vm0, $0x8B7F, v9;
	[tilespmem:$0x1FFD0] =	vst v61  }
0xb1: {  	s6 =	smov.u32 s2;
	[dreg:$0x7] =	wrdreg s30;
	s31 =	smax.u32 s1, $0x1;
	v63 =	vsel vm0, $0x8BFF, v10;
	[tilespmem:$0x1FFE0] =	vst v62  }
0xb2: {  	p0 =	sne.s32 s4, $0x1F;
	s1 =	simm.s32 $0x0;
	[dreg:$0x8] =	wrdreg s31;
	[tilespmem:$0x1FFF0] =	vst v63  }
.LBB2_15:
0xb3: {  	s1 =	sadd.s32 $0x1, s1;
	s0 =	rddreg [dreg:$0x8]  }
0xb4: {  	p1 =	sne.s32 s1, s0  }
.Ltmp1:
0xb5: {  	_ = 	snop;
	(pc) =	sbr.rel @!p1 .LBB2_16-.Ltmp1, $1  }
0xb6: {  	_ =	sdelay $0x3  }
.LBB2_1:
0xb7: {  	[dreg:$0x9] =	wrdreg s1  }
0xb8: {  	s0 =	rddreg [dreg:$0x4]  }
0xb9: {  	[tilespmem:s10], [sflag:$0x3] =	stream.linear.gather [hbm4b:s0+s3], $0x400, $0x38;
	[tilespmem:$0x14800] =	vst v63  }
0xba: {  	_ =	swait.ge [sflag:s11], $0x400  }
0xbb: {  	[sflag:s11] =	ssyncset.done $0x0  }
0xbc: {  	s25 =	simm.s32 $0x0;
	[sflag:s11] =	ssyncadd.s32 $0xFFFFFC00  }
.LBB2_2:
0xbd: {  	s1 =	sshll.u32 s25, $0x3;
	s0 =	rddreg [dreg:$0x5]  }
0xbe: {  	s26 =	sadd.s32 s0, s1  }
0xbf: {  	s1 =	sshrl.u32 s26, $0x3  }
0xc0: {  	s1 =	smul.u32 $0x480, s1  }
0xc1: {  	s21 =	rddreg [dreg:$0x0]  }
0xc2: {  	s1 =	sadd.s32 s21, s1  }
0xc3: {  	[tilespmem:s3], [sflag:$0x3] =	stream.linear.gather [hbm4b:s1+s3], $0x2400, $0x38;
	[tilespmem:$0x14800] =	vst v63  }
0xc4: {  	p1 =	seq.s32 s25, $0x0;
	_ =	swait.ge [sflag:s11], $0x2400  }
0xc5: {  	s4 =	simm.s32 $0x0;
	s5 =	simm.s32 $0x0;
	[sflag:s11] =	ssyncset.done $0x0  }
0xc6: {  	s19 =	sand.u32 $0x40, s4;
	s1 =	simm.s32 @!p1 $0x1;
	[sflag:s11] =	ssyncadd.s32 $0xFFFFDC00  }
0xc7: {  	s4 =	sand.u32 $0x1C00, s4;
	s5 =	sand.u32 $0x3FFFFF80, s5;
	_ =	swait.ge @!p1 [sflag:s1], $0x9000  }
0xc8: {  	s16 =	sadd.s32 s5, s4;
	s5 =	sor.u32 $0x30, s19;
	[sflag:s1] =	ssyncset.done @!p1 $0x0  }
0xc9: {  	s22 =	sor.u32 s5, s16;
	[sflag:s1] =	ssyncadd.s32 @!p1 $0xFFFF7000  }
0xca: {  	s20 =	sor.u32 $0x10, s19;
	s8 =	sor.u32 s19, s16;
	v36 =	vld [tilespmem:s22+$0x0]  }
0xcb: {  	s23 =	sor.u32 s20, s16;
	v33 =	vld [tilespmem:s8+$0x0]  }
0xcc: {  	v35 =	vld [tilespmem:s23+$0x0]  }
0xcd: {  	s8 =	sor.u32 $0x20, s19  }
0xce: {  	s24 =	sor.u32 s8, s16  }
0xcf: {  	v34 =	vld [tilespmem:s24+$0x0]  }
0xd0: {  	s0 =	simm.s32 $0x0  }
0xd1: {  	s1 =	smul.u32 $0x12000, s0  }
0xd2: {  	v8 =	vld.idx.msk [tilespmem:v36+s10+$0x0], $0xffff  }
0xd3: {  	s1 =	sshra.s32 s1, $0x2;
	v10 =	vadd.s32 $0x40, v36;
	v9 =	vld.idx.msk [tilespmem:v33+s10+$0x0], $0xffff  }
0xd4: {  	s18 =	sadd.s32 s4, s1;
	v11 =	vadd.s32 $0x40, v33;
	v12 =	vld.idx.msk [tilespmem:v35+s10+$0x0], $0xffff  }
0xd5: {  	s17 =	sadd.s32 $0x2400, s18;
	v13 =	vadd.s32 $0x40, v35  }
0xd6: {  	s1 =	sor.u32 s5, s17  }
0xd7: {  	s2 =	sor.u32 s19, s17;
	v14 =	vld.idx.msk [tilespmem:v34+s10+$0x0], $0xffff;
	[tilespmem:s1+$0x0] =	vst v8  }
0xd8: {  	s7 =	sor.u32 s20, s17;
	v8 =	vadd.s32 $0x40, v34;
	[tilespmem:s2+$0x0] =	vst v9;
	v9 =	vld.idx.msk [tilespmem:v10+s10+$0x0], $0xffff  }
0xd9: {  	[tilespmem:s7+$0x0] =	vst v12;
	v10 =	vld.idx.msk [tilespmem:v11+s10+$0x0], $0xffff;
	v11 =	vadd.s32 $0x80, v36  }
0xda: {  	v12 =	vadd.s32 $0x80, v33;
	v13 =	vld.idx.msk [tilespmem:v13+s10+$0x0], $0xffff  }
0xdb: {  	s21 =	sor.u32 s8, s17;
	v15 =	vadd.s32 $0x80, v35  }
0xdc: {  	[tilespmem:s21+$0x0] =	vst v14  }
0xdd: {  	v8 =	vld.idx.msk [tilespmem:v8+s10+$0x0], $0xffff;
	[tilespmem:s1+$0x80] =	vst v9  }
0xde: {  	v9 =	vadd.s32 $0x80, v34;
	[tilespmem:s2+$0x80] =	vst v10;
	v10 =	vld.idx.msk [tilespmem:v11+s10+$0x0], $0xffff  }
0xdf: {  	[tilespmem:s7+$0x80] =	vst v13;
	v11 =	vld.idx.msk [tilespmem:v12+s10+$0x0], $0xffff;
	v12 =	vadd.s32 $0xC0, v36  }
0xe0: {  	v13 =	vadd.s32 $0xC0, v33;
	v14 =	vld.idx.msk [tilespmem:v15+s10+$0x0], $0xffff  }
0xe1: {  	v15 =	vadd.s32 $0xC0, v35  }
0xe2: {  	[tilespmem:s21+$0x80] =	vst v8  }
0xe3: {  	v8 =	vld.idx.msk [tilespmem:v9+s10+$0x0], $0xffff;
	[tilespmem:s1+$0x100] =	vst v10  }
0xe4: {  	v9 =	vadd.s32 $0xC0, v34;
	[tilespmem:s2+$0x100] =	vst v11;
	v10 =	vld.idx.msk [tilespmem:v12+s10+$0x0], $0xffff  }
0xe5: {  	[tilespmem:s7+$0x100] =	vst v14;
	v11 =	vld.idx.msk [tilespmem:v13+s10+$0x0], $0xffff;
	v12 =	vadd.s32 $0x100, v36  }
0xe6: {  	v13 =	vadd.s32 $0x100, v33;
	v14 =	vld.idx.msk [tilespmem:v15+s10+$0x0], $0xffff  }
0xe7: {  	v15 =	vadd.s32 $0x100, v35  }
0xe8: {  	[tilespmem:s21+$0x100] =	vst v8  }
0xe9: {  	v8 =	vld.idx.msk [tilespmem:v9+s10+$0x0], $0xffff;
	[tilespmem:s1+$0x180] =	vst v10  }
0xea: {  	v9 =	vadd.s32 $0x100, v34;
	[tilespmem:s2+$0x180] =	vst v11;
	v10 =	vld.idx.msk [tilespmem:v12+s10+$0x0], $0xffff  }
0xeb: {  	[tilespmem:s7+$0x180] =	vst v14;
	v11 =	vld.idx.msk [tilespmem:v13+s10+$0x0], $0xffff;
	v12 =	vadd.s32 $0x140, v36  }
0xec: {  	v13 =	vadd.s32 $0x140, v33;
	v14 =	vld.idx.msk [tilespmem:v15+s10+$0x0], $0xffff  }
0xed: {  	v15 =	vadd.s32 $0x140, v35  }
0xee: {  	[tilespmem:s21+$0x180] =	vst v8  }
0xef: {  	v8 =	vld.idx.msk [tilespmem:v9+s10+$0x0], $0xffff;
	[tilespmem:s1+$0x200] =	vst v10  }
0xf0: {  	v9 =	vadd.s32 $0x140, v34;
	[tilespmem:s2+$0x200] =	vst v11;
	v10 =	vld.idx.msk [tilespmem:v12+s10+$0x0], $0xffff  }
0xf1: {  	[tilespmem:s7+$0x200] =	vst v14;
	v11 =	vld.idx.msk [tilespmem:v13+s10+$0x0], $0xffff;
	v12 =	vadd.s32 $0x180, v36  }
0xf2: {  	v13 =	vadd.s32 $0x180, v33;
	v14 =	vld.idx.msk [tilespmem:v15+s10+$0x0], $0xffff  }
0xf3: {  	v15 =	vadd.s32 $0x180, v35  }
0xf4: {  	[tilespmem:s21+$0x200] =	vst v8  }
0xf5: {  	v8 =	vld.idx.msk [tilespmem:v9+s10+$0x0], $0xffff;
	[tilespmem:s1+$0x280] =	vst v10  }
0xf6: {  	v9 =	vadd.s32 $0x180, v34;
	[tilespmem:s2+$0x280] =	vst v11;
	v10 =	vld.idx.msk [tilespmem:v12+s10+$0x0], $0xffff  }
0xf7: {  	[tilespmem:s7+$0x280] =	vst v14;
	v11 =	vld.idx.msk [tilespmem:v13+s10+$0x0], $0xffff;
	v12 =	vadd.s32 $0x1C0, v36  }
0xf8: {  	v13 =	vadd.s32 $0x1C0, v33;
	v14 =	vld.idx.msk [tilespmem:v15+s10+$0x0], $0xffff  }
0xf9: {  	v15 =	vadd.s32 $0x1C0, v35  }
0xfa: {  	[tilespmem:s21+$0x280] =	vst v8  }
0xfb: {  	v8 =	vld.idx.msk [tilespmem:v9+s10+$0x0], $0xffff;
	[tilespmem:s1+$0x300] =	vst v10  }
0xfc: {  	v9 =	vadd.s32 $0x1C0, v34;
	[tilespmem:s2+$0x300] =	vst v11;
	v10 =	vld.idx.msk [tilespmem:v12+s10+$0x0], $0xffff  }
0xfd: {  	[tilespmem:s7+$0x300] =	vst v14;
	v11 =	vld.idx.msk [tilespmem:v13+s10+$0x0], $0xffff;
	v12 =	vadd.s32 $0x200, v36  }
0xfe: {  	v13 =	vadd.s32 $0x200, v33;
	v14 =	vld.idx.msk [tilespmem:v15+s10+$0x0], $0xffff  }
0xff: {  	v15 =	vadd.s32 $0x200, v35  }
0x100: {  	[tilespmem:s21+$0x300] =	vst v8  }
0x101: {  	s9 =	simm.s32 $0x8;
	s4 =	simm.s32 $0x200;
	v8 =	vld.idx.msk [tilespmem:v9+s10+$0x0], $0xffff;
	[tilespmem:s1+$0x380] =	vst v10  }
0x102: {  	s31 =	simm.s32 $0x40;
	s22 =	sand.u32 $0x1C00, s4;
	s17 =	sand.u32 $0x3FFFFF80, s9;
	[tilespmem:s2+$0x380] =	vst v11;
	v9 =	vld.idx.msk [tilespmem:v12+s10+$0x0], $0xffff  }
0x103: {  	s23 =	sadd.s32 s17, s22;
	s1 =	sand.u32 $0x40, s31;
	[tilespmem:s7+$0x380] =	vst v14;
	v10 =	vld.idx.msk [tilespmem:v13+s10+$0x0], $0xffff  }
0x104: {  	s17 =	sor.u32 $0x30, s1;
	v12 =	vld.idx.msk [tilespmem:v15+s10+$0x0], $0xffff;
	v13 =	vadd.s32 $0x200, v34;
	s29 =	sor.u32 s1, s23  }
0x105: {  	v11 =	vadd.s32 $0x240, v36;
	s16 =	sor.u32 $0x10, s1;
	s28 =	sor.u32 s17, s23;
	v40 =	vld [tilespmem:s29+$0x0]  }
0x106: {  	s30 =	sadd.s32 $0x4800, s18;
	v14 =	vadd.s32 $0x240, v33;
	s18 =	sor.u32 $0x20, s1;
	v32 =	vld [tilespmem:s28+$0x0];
	s28 =	sor.u32 s16, s23  }
0x107: {  	v15 =	vadd.s32 $0x240, v35;
	s23 =	sor.u32 s18, s23;
	v57 =	vld [tilespmem:s28+$0x0]  }
0x108: {  	s5 =	sor.u32 s5, s30;
	[tilespmem:s21+$0x380] =	vst v8;
	v59 =	vld [tilespmem:s23+$0x0]  }
0x109: {  	s29 =	sor.u32 s19, s30;
	[tilespmem:s5+$0x0] =	vst v9;
	v8 =	vld.idx.msk [tilespmem:v13+s10+$0x0], $0xffff  }
0x10a: {  	s28 =	sor.u32 s20, s30;
	[tilespmem:s29+$0x0] =	vst v10;
	v9 =	vld.idx.msk [tilespmem:v11+s10+$0x0], $0xffff  }
0x10b: {  	s23 =	simm.s32 $0x0;
	[tilespmem:s28+$0x0] =	vst v12;
	v11 =	vld.idx.msk [tilespmem:v14+s10+$0x0], $0xffff  }
0x10c: {  	s19 =	smul.u32 $0x12000, s23;
	v13 =	vadd.s32 $0x240, v34;
	v12 =	vld.idx.msk [tilespmem:v15+s10+$0x0], $0xffff  }
0x10d: {  	s30 =	sor.u32 s8, s30;
	v10 =	vadd.s32 $0x280, v36;
	v16 =	vld.idx.msk [tilespmem:v40+s10+$0x0], $0xffff  }
0x10e: {  	v15 =	vadd.s32 $0x280, v33;
	s24 =	sshra.s32 s19, $0x2;
	v14 =	vld.idx.msk [tilespmem:v32+s10+$0x0], $0xffff;
	[tilespmem:s30+$0x0] =	vst v8  }
0x10f: {  	v17 =	vadd.s32 $0x40, v40;
	s19 =	sadd.s32 s22, s24;
	[tilespmem:s5+$0x80] =	vst v9;
	v18 =	vld.idx.msk [tilespmem:v57+s10+$0x0], $0xffff  }
0x110: {  	s8 =	sadd.s32 $0x2400, s19;
	v9 =	vadd.s32 $0x40, v32;
	v8 =	vld.idx.msk [tilespmem:v59+s10+$0x0], $0xffff;
	[tilespmem:s29+$0x80] =	vst v11  }
0x111: {  	v19 =	vadd.s32 $0x40, v57;
	s22 =	sor.u32 s1, s8;
	[tilespmem:s28+$0x80] =	vst v12;
	v12 =	vld.idx.msk [tilespmem:v13+s10+$0x0], $0xffff  }
0x112: {  	s23 =	sor.u32 s17, s8;
	v13 =	vadd.s32 $0x40, v59;
	v10 =	vld.idx.msk [tilespmem:v10+s10+$0x0], $0xffff;
	[tilespmem:s22+$0x0] =	vst v16  }
0x113: {  	s20 =	sor.u32 s16, s8;
	v11 =	vadd.s32 $0x2C0, v36;
	[tilespmem:s23+$0x0] =	vst v14;
	v14 =	vld.idx.msk [tilespmem:v15+s10+$0x0], $0xffff  }
0x114: {  	s21 =	sor.u32 s18, s8;
	v15 =	vadd.s32 $0x280, v35;
	v17 =	vld.idx.msk [tilespmem:v17+s10+$0x0], $0xffff;
	[tilespmem:s20+$0x0] =	vst v18  }
0x115: {  	v16 =	vadd.s32 $0x280, v34;
	v9 =	vld.idx.msk [tilespmem:v9+s10+$0x0], $0xffff;
	[tilespmem:s21+$0x0] =	vst v8  }
0x116: {  	v18 =	vadd.s32 $0x80, v40;
	[tilespmem:s30+$0x80] =	vst v12;
	v19 =	vld.idx.msk [tilespmem:v19+s10+$0x0], $0xffff  }
0x117: {  	[tilespmem:s5+$0x100] =	vst v10;
	v10 =	vadd.s32 $0x80, v32;
	v8 =	vld.idx.msk [tilespmem:v13+s10+$0x0], $0xffff  }
0x118: {  	v13 =	vadd.s32 $0x80, v57;
	v11 =	vld.idx.msk [tilespmem:v11+s10+$0x0], $0xffff;
	[tilespmem:s29+$0x100] =	vst v14  }
0x119: {  	v12 =	vadd.s32 $0x300, v36;
	v14 =	vld.idx.msk [tilespmem:v15+s10+$0x0], $0xffff;
	[tilespmem:s22+$0x80] =	vst v17  }
0x11a: {  	v15 =	vadd.s32 $0x80, v59;
	[tilespmem:s23+$0x80] =	vst v9;
	v9 =	vld.idx.msk [tilespmem:v16+s10+$0x0], $0xffff  }
0x11b: {  	v16 =	vadd.s32 $0x2C0, v33;
	v18 =	vld.idx.msk [tilespmem:v18+s10+$0x0], $0xffff;
	[tilespmem:s20+$0x80] =	vst v19  }
0x11c: {  	v17 =	vadd.s32 $0x2C0, v35;
	v10 =	vld.idx.msk [tilespmem:v10+s10+$0x0], $0xffff;
	[tilespmem:s21+$0x80] =	vst v8  }
0x11d: {  	v19 =	vadd.s32 $0xC0, v40;
	[tilespmem:s5+$0x180] =	vst v11;
	v13 =	vld.idx.msk [tilespmem:v13+s10+$0x0], $0xffff  }
0x11e: {  	v11 =	vadd.s32 $0xC0, v32;
	v12 =	vld.idx.msk [tilespmem:v12+s10+$0x0], $0xffff;
	[tilespmem:s28+$0x100] =	vst v14  }
0x11f: {  	v8 =	vld.idx.msk [tilespmem:v15+s10+$0x0], $0xffff;
	v14 =	vadd.s32 $0x340, v36;
	[tilespmem:s30+$0x100] =	vst v9  }
0x120: {  	v15 =	vadd.s32 $0xC0, v57;
	v16 =	vld.idx.msk [tilespmem:v16+s10+$0x0], $0xffff;
	[tilespmem:s22+$0x100] =	vst v18  }
0x121: {  	v9 =	vadd.s32 $0xC0, v59;
	[tilespmem:s23+$0x100] =	vst v10;
	v10 =	vld.idx.msk [tilespmem:v17+s10+$0x0], $0xffff  }
0x122: {  	v17 =	vadd.s32 $0x2C0, v34;
	v19 =	vld.idx.msk [tilespmem:v19+s10+$0x0], $0xffff  }
0x123: {  	v18 =	vadd.s32 $0x300, v33;
	v11 =	vld.idx.msk [tilespmem:v11+s10+$0x0], $0xffff;
	[tilespmem:s5+$0x200] =	vst v12  }
0x124: {  	[tilespmem:s20+$0x100] =	vst v13;
	v12 =	vadd.s32 $0x100, v32;
	v13 =	vld.idx.msk [tilespmem:v14+s10+$0x0], $0xffff  }
0x125: {  	v14 =	vadd.s32 $0x100, v40;
	v15 =	vld.idx.msk [tilespmem:v15+s10+$0x0], $0xffff;
	[tilespmem:s21+$0x100] =	vst v8  }
0x126: {  	v8 =	vld.idx.msk [tilespmem:v9+s10+$0x0], $0xffff;
	[tilespmem:s29+$0x180] =	vst v16;
	v9 =	vadd.s32 $0x380, v36  }
0x127: {  	v16 =	vadd.s32 $0x100, v57;
	[tilespmem:s28+$0x180] =	vst v10;
	v10 =	vld.idx.msk [tilespmem:v17+s10+$0x0], $0xffff  }
0x128: {  	v17 =	vadd.s32 $0x100, v59;
	[tilespmem:s23+$0x180] =	vst v11;
	v11 =	vld.idx.msk [tilespmem:v18+s10+$0x0], $0xffff  }
0x129: {  	[tilespmem:s22+$0x180] =	vst v19;
	v18 =	vadd.s32 $0x300, v35;
	v12 =	vld.idx.msk [tilespmem:v12+s10+$0x0], $0xffff  }
0x12a: {  	v19 =	vadd.s32 $0x300, v34;
	v14 =	vld.idx.msk [tilespmem:v14+s10+$0x0], $0xffff;
	[tilespmem:s5+$0x280] =	vst v13  }
0x12b: {  	[tilespmem:s20+$0x180] =	vst v15;
	v13 =	vadd.s32 $0x140, v32;
	v9 =	vld.idx.msk [tilespmem:v9+s10+$0x0], $0xffff  }
0x12c: {  	v15 =	vadd.s32 $0x140, v40;
	v16 =	vld.idx.msk [tilespmem:v16+s10+$0x0], $0xffff;
	[tilespmem:s21+$0x180] =	vst v8  }
0x12d: {  	v8 =	vld.idx.msk [tilespmem:v17+s10+$0x0], $0xffff;
	[tilespmem:s30+$0x180] =	vst v10;
	v10 =	vadd.s32 $0x3C0, v36  }
0x12e: {  	v17 =	vadd.s32 $0x140, v57;
	[tilespmem:s29+$0x200] =	vst v11;
	v11 =	vld.idx.msk [tilespmem:v18+s10+$0x0], $0xffff  }
0x12f: {  	v18 =	vadd.s32 $0x140, v59;
	[tilespmem:s23+$0x200] =	vst v12;
	v12 =	vld.idx.msk [tilespmem:v19+s10+$0x0], $0xffff  }
0x130: {  	v19 =	vadd.s32 $0x340, v33;
	[tilespmem:s22+$0x200] =	vst v14;
	v13 =	vld.idx.msk [tilespmem:v13+s10+$0x0], $0xffff  }
0x131: {  	v14 =	vadd.s32 $0x340, v35;
	v15 =	vld.idx.msk [tilespmem:v15+s10+$0x0], $0xffff;
	[tilespmem:s5+$0x300] =	vst v9  }
0x132: {  	[tilespmem:s20+$0x200] =	vst v16;
	v9 =	vadd.s32 $0x180, v32;
	v10 =	vld.idx.msk [tilespmem:v10+s10+$0x0], $0xffff  }
0x133: {  	v16 =	vadd.s32 $0x180, v40;
	v17 =	vld.idx.msk [tilespmem:v17+s10+$0x0], $0xffff;
	[tilespmem:s21+$0x200] =	vst v8  }
0x134: {  	v8 =	vadd.s32 $0x340, v34;
	v18 =	vld.idx.msk [tilespmem:v18+s10+$0x0], $0xffff;
	[tilespmem:s28+$0x200] =	vst v11  }
0x135: {  	v11 =	vadd.s32 $0x180, v57;
	v19 =	vld.idx.msk [tilespmem:v19+s10+$0x0], $0xffff;
	[tilespmem:s30+$0x200] =	vst v12  }
0x136: {  	v12 =	vadd.s32 $0x180, v59;
	[tilespmem:s23+$0x280] =	vst v13;
	v13 =	vld.idx.msk [tilespmem:v14+s10+$0x0], $0xffff  }
0x137: {  	v14 =	vadd.s32 $0x380, v33;
	[tilespmem:s22+$0x280] =	vst v15;
	v9 =	vld.idx.msk [tilespmem:v9+s10+$0x0], $0xffff  }
0x138: {  	v15 =	vadd.s32 $0x380, v35;
	v16 =	vld.idx.msk [tilespmem:v16+s10+$0x0], $0xffff;
	[tilespmem:s5+$0x380] =	vst v10  }
0x139: {  	v20 =	vadd.s32 $0x3C0, v33;
	v5 =	vadd.s32 $0x3C0, v35;
	[tilespmem:s20+$0x280] =	vst v17;
	v10 =	vadd.s32 $0x1C0, v32;
	v8 =	vld.idx.msk [tilespmem:v8+s10+$0x0], $0xffff  }
0x13a: {  	v6 =	vadd.s32 $0x3C0, v34;
	v21 =	vadd.s32 $0x1C0, v40;
	v56 =	vadd.s32 $0x200, v40;
	v63 =	vld.idx.msk [tilespmem:v11+s10+$0x0], $0xffff;
	[tilespmem:s21+$0x280] =	vst v18  }
0x13b: {  	v52 =	vadd.s32 $0x240, v40;
	v48 =	vadd.s32 $0x280, v40;
	v17 =	vadd.s32 $0x380, v34;
	v44 =	vld.idx.msk [tilespmem:v12+s10+$0x0], $0xffff;
	[tilespmem:s29+$0x280] =	vst v19  }
0x13c: {  	v45 =	vadd.s32 $0x2C0, v40;
	v41 =	vadd.s32 $0x300, v40;
	v18 =	vadd.s32 $0x1C0, v57;
	v19 =	vld.idx.msk [tilespmem:v14+s10+$0x0], $0xffff;
	[tilespmem:s28+$0x280] =	vst v13  }
0x13d: {  	v38 =	vadd.s32 $0x340, v40;
	v37 =	vadd.s32 $0x380, v40;
	v0 =	vadd.s32 $0x1C0, v59;
	[tilespmem:s23+$0x300] =	vst v9;
	v9 =	vld.idx.msk [tilespmem:v15+s10+$0x0], $0xffff  }
0x13e: {  	v55 =	vadd.s32 $0x200, v57;
	v54 =	vadd.s32 $0x200, v59;
	v53 =	vadd.s32 $0x240, v57;
	[tilespmem:s22+$0x300] =	vst v16;
	v11 =	vld.idx.msk [tilespmem:v10+s10+$0x0], $0xffff  }
0x13f: {  	v51 =	vadd.s32 $0x240, v59;
	v49 =	vadd.s32 $0x280, v57;
	v50 =	vadd.s32 $0x280, v59;
	[tilespmem:s30+$0x280] =	vst v8;
	v12 =	vld.idx.msk [tilespmem:v21+s10+$0x0], $0xffff  }
0x140: {  	v46 =	vadd.s32 $0x2C0, v57;
	v47 =	vadd.s32 $0x2C0, v59;
	v42 =	vadd.s32 $0x300, v57;
	[tilespmem:s20+$0x300] =	vst v63;
	v8 =	vld.idx.msk [tilespmem:v17+s10+$0x0], $0xffff  }
0x141: {  	v43 =	vadd.s32 $0x300, v59;
	v39 =	vadd.s32 $0x340, v57;
	v58 =	vadd.s32 $0x3C0, v57;
	v14 =	vld.idx.msk [tilespmem:v18+s10+$0x0], $0xffff;
	[tilespmem:s21+$0x300] =	vst v44  }
0x142: {  	v36 =	vadd.s32 $0x3C0, v40;
	v40 =	vadd.s32 $0x380, v59;
	v15 =	vadd.s32 $0x200, v32;
	v10 =	vld.idx.msk [tilespmem:v0+s10+$0x0], $0xffff;
	[tilespmem:s29+$0x300] =	vst v19  }
0x143: {  	s8 =	simm.s32 $0x4;
	v16 =	vadd.s32 $0x380, v57;
	v57 =	vadd.s32 $0x3C0, v59;
	v44 =	vadd.s32 $0x340, v59;
	[tilespmem:s28+$0x300] =	vst v9;
	v9 =	vld.idx.msk [tilespmem:v20+s10+$0x0], $0xffff  }
.LBB2_3:
0x144: {  	[tilespmem:$0x1FDA0] =	vst v16  }
0x145: {  	[tilespmem:s22+$0x380] =	vst v12  }
0x146: {  	s8 =	sadd.s32 $0x4, s8;
	[tilespmem:s23+$0x380] =	vst v11;
	v11 =	vld.idx.msk [tilespmem:v5+s10+$0x0], $0xffff  }
0x147: {  	s4 =	sadd.s32 $0x200, s4;
	s5 =	sshll.u32 s8, $0x1;
	[tilespmem:s30+$0x300] =	vst v8;
	v13 =	vld.idx.msk [tilespmem:v56+s10+$0x0], $0xffff  }
0x148: {  	v0 =	vmov v58;
	s31 =	sadd.s32 $0x40, s31;
	s5 =	sand.u32 $0x3FFFFF80, s5;
	s22 =	sand.u32 $0x1C00, s4;
	[tilespmem:s20+$0x380] =	vst v14;
	v14 =	vld.idx.msk [tilespmem:v6+s10+$0x0], $0xffff  }
0x149: {  	[tilespmem:$0x1FDC0] =	vst v0;
	s23 =	sand.u32 $0x40, s31;
	s5 =	sadd.s32 s5, s22;
	v12 =	vld.idx.msk [tilespmem:v15+s10+$0x0], $0xffff  }
0x14a: {  	v31 =	vmov v57;
	[tilespmem:s29+$0x380] =	vst v9;
	s7 =	sor.u32 $0x30, s23;
	s20 =	sor.u32 s23, s5;
	v15 =	vld.idx.msk [tilespmem:v55+s10+$0x0], $0xffff  }
0x14b: {  	[tilespmem:$0x1FDE0] =	vst v31;
	s24 =	sor.u32 $0x20, s23;
	s0 =	sor.u32 s7, s5;
	v17 =	vld [tilespmem:s20+$0x0]  }
0x14c: {  	v8 =	vadd.s32 $0x240, v32;
	[tilespmem:s21+$0x380] =	vst v10;
	s9 =	sor.u32 $0x10, s23;
	s2 =	sor.u32 s24, s5;
	v59 =	vld [tilespmem:s0+$0x0]  }
0x14d: {  	s19 =	sadd.s32 $0x4800, s19;
	s21 =	sor.u32 s9, s5;
	v22 =	vld [tilespmem:s2+$0x0];
	[tilespmem:s28+$0x380] =	vst v11  }
0x14e: {  	s29 =	sor.u32 s1, s19;
	[tilespmem:s30+$0x380] =	vst v14;
	v57 =	vld [tilespmem:s21+$0x0]  }
0x14f: {  	s5 =	sor.u32 s17, s19;
	[tilespmem:s29+$0x0] =	vst v13;
	v13 =	vld.idx.msk [tilespmem:v54+s10+$0x0], $0xffff  }
0x150: {  	s28 =	sor.u32 s16, s19;
	[tilespmem:s5+$0x0] =	vst v12;
	v19 =	vld.idx.msk [tilespmem:v52+s10+$0x0], $0xffff  }
0x151: {  	[tilespmem:s28+$0x0] =	vst v15;
	v8 =	vld.idx.msk [tilespmem:v8+s10+$0x0], $0xffff;
	v60 =	vadd.s32 $0x1C0, v17  }
0x152: {  	v9 =	vadd.s32 $0x280, v32;
	s0 =	sor.u32 s18, s19;
	s18 =	smov.u32 s24;
	s24 =	sshrl.u32 s8, $0x6;
	v34 =	vld.idx.msk [tilespmem:v53+s10+$0x0], $0xffff;
	[tilespmem:$0x1FDB0] =	vst v60;
	v62 =	vadd.s32 $0x1C0, v22  }
0x153: {  	s30 =	smov.u32 s0;
	s0 =	smul.u32 $0x12000, s24;
	[tilespmem:$0x1FDF0] =	vst v62;
	v25 =	vld.idx.msk [tilespmem:v17+s10+$0x0], $0xffff  }
0x154: {  	v35 =	vld.idx.msk [tilespmem:v59+s10+$0x0], $0xffff;
	[tilespmem:s30+$0x0] =	vst v13  }
0x155: {  	s0 =	sshra.s32 s0, $0x2;
	v29 =	vadd.s32 $0x40, v59;
	[tilespmem:s29+$0x80] =	vst v19;
	v13 =	vld.idx.msk [tilespmem:v22+s10+$0x0], $0xffff  }
0x156: {  	v18 =	vadd.s32 $0x40, v17;
	s19 =	sadd.s32 s22, s0;
	v61 =	vadd.s32 $0x1C0, v57;
	[tilespmem:s5+$0x80] =	vst v8;
	v1 =	vld.idx.msk [tilespmem:v51+s10+$0x0], $0xffff  }
0x157: {  	s17 =	smov.u32 s7;
	v26 =	vadd.s32 $0x40, v22;
	s0 =	sadd.s32 $0x2400, s19;
	[tilespmem:$0x1FDD0] =	vst v61;
	v30 =	vld.idx.msk [tilespmem:v9+s10+$0x0], $0xffff  }
0x158: {  	s1 =	smov.u32 s23;
	v23 =	vadd.s32 $0x80, v17;
	s23 =	sor.u32 s17, s0;
	v19 =	vadd.s32 $0x2C0, v32;
	v31 =	vld.idx.msk [tilespmem:v57+s10+$0x0], $0xffff;
	[tilespmem:s28+$0x80] =	vst v34  }
0x159: {  	v21 =	vadd.s32 $0xC0, v17;
	v14 =	vadd.s32 $0x100, v17;
	s22 =	sor.u32 s1, s0;
	v33 =	vadd.s32 $0x40, v57;
	v0 =	vld.idx.msk [tilespmem:v48+s10+$0x0], $0xffff;
	[tilespmem:s23+$0x0] =	vst v35  }
0x15a: {  	v10 =	vadd.s32 $0x140, v17;
	v56 =	vadd.s32 $0x200, v17;
	v52 =	vadd.s32 $0x240, v17;
	s21 =	sor.u32 s18, s0;
	[tilespmem:s22+$0x0] =	vst v25;
	v25 =	vld.idx.msk [tilespmem:v29+s10+$0x0], $0xffff  }
0x15b: {  	s16 =	smov.u32 s9;
	v2 =	vadd.s32 $0x2C0, v17;
	v7 =	vadd.s32 $0x300, v17;
	v27 =	vadd.s32 $0x80, v22;
	v29 =	vld.idx.msk [tilespmem:v18+s10+$0x0], $0xffff;
	[tilespmem:s21+$0x0] =	vst v13  }
0x15c: {  	v28 =	vadd.s32 $0xC0, v22;
	v15 =	vadd.s32 $0x100, v22;
	v5 =	vadd.s32 $0x80, v59;
	s20 =	sor.u32 s16, s0;
	[tilespmem:s5+$0x100] =	vst v30;
	v26 =	vld.idx.msk [tilespmem:v26+s10+$0x0], $0xffff  }
0x15d: {  	v12 =	vadd.s32 $0x140, v22;
	v54 =	vadd.s32 $0x200, v22;
	v4 =	vadd.s32 $0x280, v22;
	[tilespmem:s20+$0x0] =	vst v31;
	v6 =	vld.idx.msk [tilespmem:v19+s10+$0x0], $0xffff  }
0x15e: {  	v60 =	vadd.s32 $0x340, v17;
	v62 =	vadd.s32 $0x340, v22;
	v24 =	vadd.s32 $0x80, v57;
	[tilespmem:s29+$0x100] =	vst v0;
	v33 =	vld.idx.msk [tilespmem:v33+s10+$0x0], $0xffff  }
0x15f: {  	v20 =	vadd.s32 $0xC0, v57;
	v16 =	vadd.s32 $0x100, v57;
	v3 =	vadd.s32 $0x280, v57;
	[tilespmem:s30+$0x80] =	vst v1;
	v0 =	vld.idx.msk [tilespmem:v49+s10+$0x0], $0xffff  }
0x160: {  	v11 =	vadd.s32 $0x140, v57;
	v63 =	vadd.s32 $0x180, v57;
	v1 =	vadd.s32 $0x300, v32;
	v49 =	vmovc v3;
	v3 =	vld.idx.msk [tilespmem:v50+s10+$0x0], $0xffff;
	[tilespmem:s23+$0x80] =	vst v25  }
0x161: {  	v55 =	vadd.s32 $0x200, v57;
	v53 =	vadd.s32 $0x240, v57;
	v58 =	vadd.s32 $0x3C0, v57;
	v50 =	vmovc v4;
	[tilespmem:s22+$0x80] =	vst v29;
	v4 =	vld.idx.msk [tilespmem:v5+s10+$0x0], $0xffff  }
0x162: {  	v8 =	vadd.s32 $0x180, v22;
	v48 =	vadd.s32 $0x280, v17;
	v51 =	vadd.s32 $0x240, v22;
	v5 =	vld.idx.msk [tilespmem:v23+s10+$0x0], $0xffff;
	[tilespmem:s21+$0x80] =	vst v26  }
0x163: {  	v61 =	vadd.s32 $0x340, v57;
	v9 =	vadd.s32 $0x180, v17;
	v29 =	vld.idx.msk [tilespmem:v45+s10+$0x0], $0xffff;
	[tilespmem:s5+$0x180] =	vst v6;
	v6 =	vadd.s32 $0xC0, v59  }
0x164: {  	v34 =	vadd.s32 $0x300, v57;
	v35 =	vadd.s32 $0x300, v22;
	v18 =	vadd.s32 $0x380, v57;
	v23 =	vld.idx.msk [tilespmem:v27+s10+$0x0], $0xffff;
	[tilespmem:s20+$0x80] =	vst v33  }
0x165: {  	v13 =	vadd.s32 $0x3C0, v17;
	v30 =	vadd.s32 $0x2C0, v57;
	v57 =	vadd.s32 $0x3C0, v22;
	v1 =	vld.idx.msk [tilespmem:v1+s10+$0x0], $0xffff;
	[tilespmem:s30+$0x100] =	vst v3  }
0x166: {  	v31 =	vadd.s32 $0x2C0, v22;
	v19 =	vadd.s32 $0x380, v17;
	v17 =	vadd.s32 $0x380, v22;
	v22 =	vld.idx.msk [tilespmem:v24+s10+$0x0], $0xffff;
	[tilespmem:s28+$0x100] =	vst v0  }
0x167: {  	v0 =	vadd.s32 $0x340, v32;
	v33 =	vld.idx.msk [tilespmem:v46+s10+$0x0], $0xffff;
	[tilespmem:s23+$0x100] =	vst v4  }
0x168: {  	[tilespmem:s22+$0x100] =	vst v5;
	v3 =	vld.idx.msk [tilespmem:v6+s10+$0x0], $0xffff  }
0x169: {  	v4 =	vld.idx.msk [tilespmem:v21+s10+$0x0], $0xffff;
	[tilespmem:s21+$0x100] =	vst v23  }
0x16a: {  	[tilespmem:s29+$0x180] =	vst v29;
	v6 =	vld.idx.msk [tilespmem:v28+s10+$0x0], $0xffff  }
0x16b: {  	v25 =	vadd.s32 $0x100, v59;
	[tilespmem:s5+$0x200] =	vst v1;
	v27 =	vld.idx.msk [tilespmem:v47+s10+$0x0], $0xffff  }
0x16c: {  	[tilespmem:s20+$0x100] =	vst v22;
	v0 =	vld.idx.msk [tilespmem:v0+s10+$0x0], $0xffff  }
0x16d: {  	v5 =	vld.idx.msk [tilespmem:v20+s10+$0x0], $0xffff;
	[tilespmem:s28+$0x180] =	vst v33  }
0x16e: {  	v26 =	vadd.s32 $0x380, v32;
	[tilespmem:s23+$0x180] =	vst v3  }
0x16f: {  	v3 =	vld.idx.msk [tilespmem:v41+s10+$0x0], $0xffff;
	[tilespmem:s22+$0x180] =	vst v4  }
0x170: {  	v1 =	vld.idx.msk [tilespmem:v25+s10+$0x0], $0xffff;
	[tilespmem:s21+$0x180] =	vst v6  }
0x171: {  	v4 =	vld.idx.msk [tilespmem:v14+s10+$0x0], $0xffff;
	[tilespmem:s5+$0x280] =	vst v0  }
0x172: {  	v28 =	vadd.s32 $0x140, v59;
	v6 =	vld.idx.msk [tilespmem:v15+s10+$0x0], $0xffff;
	[tilespmem:s30+$0x180] =	vst v27  }
0x173: {  	[tilespmem:s20+$0x180] =	vst v5;
	v5 =	vld.idx.msk [tilespmem:v26+s10+$0x0], $0xffff  }
0x174: {  	v33 =	vld.idx.msk [tilespmem:v43+s10+$0x0], $0xffff  }
0x175: {  	v29 =	vadd.s32 $0x3C0, v32;
	v41 =	vmov v7;
	v7 =	vld.idx.msk [tilespmem:v16+s10+$0x0], $0xffff;
	[tilespmem:s29+$0x200] =	vst v3  }
0x176: {  	v3 =	vld.idx.msk [tilespmem:v42+s10+$0x0], $0xffff;
	[tilespmem:s23+$0x200] =	vst v1  }
0x177: {  	[tilespmem:s22+$0x200] =	vst v4;
	v0 =	vld.idx.msk [tilespmem:v28+s10+$0x0], $0xffff  }
0x178: {  	v4 =	vld.idx.msk [tilespmem:v10+s10+$0x0], $0xffff;
	[tilespmem:s21+$0x200] =	vst v6  }
0x179: {  	[tilespmem:s5+$0x300] =	vst v5;
	v6 =	vld.idx.msk [tilespmem:v12+s10+$0x0], $0xffff  }
0x17a: {  	v45 =	vmov v2;
	v32 =	vmov v59;
	[tilespmem:s20+$0x200] =	vst v7;
	v2 =	vld.idx.msk [tilespmem:v29+s10+$0x0], $0xffff  }
0x17b: {  	v5 =	vadd.s32 $0x180, v32;
	v7 =	vld.idx.msk [tilespmem:v11+s10+$0x0], $0xffff  }
0x17c: {  	[tilespmem:s28+$0x200] =	vst v3;
	v3 =	vld.idx.msk [tilespmem:v38+s10+$0x0], $0xffff  }
0x17d: {  	v38 =	vmov v60;
	v60 =	vld [tilespmem:$0x1FDA0]  }
0x17e: {  	v42 =	vmov v34;
	v34 =	vld.idx.msk [tilespmem:v39+s10+$0x0], $0xffff  }
0x17f: {  	v39 =	vmov v61;
	v61 =	vld [tilespmem:$0x1FDB0];
	[tilespmem:s23+$0x280] =	vst v0  }
0x180: {  	v43 =	vmov v35;
	[tilespmem:s22+$0x280] =	vst v4;
	v35 =	vld.idx.msk [tilespmem:v5+s10+$0x0], $0xffff  }
0x181: {  	[tilespmem:s30+$0x200] =	vst v33;
	v4 =	vld.idx.msk [tilespmem:v9+s10+$0x0], $0xffff  }
0x182: {  	v5 =	vld.idx.msk [tilespmem:v44+s10+$0x0], $0xffff  }
0x183: {  	v44 =	vmov v62;
	[tilespmem:s21+$0x280] =	vst v6;
	v62 =	vld [tilespmem:$0x1FDD0]  }
0x184: {  	v6 =	vld.idx.msk [tilespmem:v8+s10+$0x0], $0xffff;
	[tilespmem:s20+$0x280] =	vst v7  }
0x185: {  	v59 =	vadd.s32 $0x1C0, v32;
	[tilespmem:s29+$0x280] =	vst v3;
	v7 =	vld.idx.msk [tilespmem:v63+s10+$0x0], $0xffff  }
0x186: {  	[tilespmem:s5+$0x380] =	vst v2;
	v3 =	vld.idx.msk [tilespmem:v37+s10+$0x0], $0xffff  }
0x187: {  	[tilespmem:s28+$0x280] =	vst v34;
	v63 =	vld [tilespmem:$0x1FDF0]  }
0x188: {  	[tilespmem:s23+$0x300] =	vst v35;
	v0 =	vld.idx.msk [tilespmem:v60+s10+$0x0], $0xffff  }
0x189: {  	[tilespmem:s30+$0x280] =	vst v5;
	v5 =	vld [tilespmem:$0x1FDC0]  }
0x18a: {  	[tilespmem:s22+$0x300] =	vst v4;
	v11 =	vld.idx.msk [tilespmem:v59+s10+$0x0], $0xffff  }
0x18b: {  	p2 =	slt.u32 s8, $0x7C;
	v12 =	vld.idx.msk [tilespmem:v61+s10+$0x0], $0xffff  }
.Ltmp2:
0x18c: {  	v8 =	vld.idx.msk [tilespmem:v40+s10+$0x0], $0xffff;
	[tilespmem:s21+$0x300] =	vst v6;
	(pc) =	sbr.rel @p2 .LBB2_3-.Ltmp2, $4  }
0x18d: {  	v6 =	vld [tilespmem:$0x1FDE0];
	[tilespmem:s20+$0x300] =	vst v7  }
0x18e: {  	[tilespmem:s29+$0x300] =	vst v3;
	v14 =	vld.idx.msk [tilespmem:v62+s10+$0x0], $0xffff  }
0x18f: {  	v46 =	vmov v30;
	v47 =	vmov v31;
	v9 =	vld.idx.msk [tilespmem:v36+s10+$0x0], $0xffff  }
0x190: {  	v15 =	vadd.s32 $0x200, v32;
	v16 =	vmovc v18;
	v37 =	vmovc v19;
	v40 =	vmov v17;
	v36 =	vmov v13;
	[tilespmem:s28+$0x300] =	vst v0;
	v10 =	vld.idx.msk [tilespmem:v63+s10+$0x0], $0xffff  }
0x191: {  	_ =	sdelay $0x2  }
0x192: {  	[tilespmem:s23+$0x380] =	vst v11  }
0x193: {  	[tilespmem:s22+$0x380] =	vst v12;
	v0 =	vld.idx.msk [tilespmem:v15+s10+$0x0], $0xffff  }
0x194: {  	v2 =	vadd.s32 $0x240, v32;
	v1 =	vld.idx.msk [tilespmem:v56+s10+$0x0], $0xffff;
	[tilespmem:s20+$0x380] =	vst v14  }
0x195: {  	v3 =	vld.idx.msk [tilespmem:v55+s10+$0x0], $0xffff;
	[tilespmem:s21+$0x380] =	vst v10  }
0x196: {  	s0 =	sadd.s32 $0x4800, s19;
	v4 =	vld.idx.msk [tilespmem:v54+s10+$0x0], $0xffff  }
0x197: {  	s4 =	sor.u32 s17, s0  }
0x198: {  	s1 =	sor.u32 s1, s0;
	[tilespmem:s4+$0x0] =	vst v0  }
0x199: {  	s5 =	sor.u32 s16, s0;
	[tilespmem:s1+$0x0] =	vst v1;
	v0 =	vld.idx.msk [tilespmem:v2+s10+$0x0], $0xffff  }
0x19a: {  	v27 =	vadd.s32 $0x280, v32;
	s8 =	sor.u32 s18, s0;
	v28 =	vld.idx.msk [tilespmem:v52+s10+$0x0], $0xffff;
	[tilespmem:s5+$0x0] =	vst v3  }
0x19b: {  	v3 =	vld.idx.msk [tilespmem:v53+s10+$0x0], $0xffff;
	[tilespmem:s8+$0x0] =	vst v4  }
0x19c: {  	v4 =	vld.idx.msk [tilespmem:v51+s10+$0x0], $0xffff;
	_ =	sdelay $0x1  }
0x19d: {  	[tilespmem:s4+$0x80] =	vst v0  }
0x19e: {  	[tilespmem:s1+$0x80] =	vst v28;
	v0 =	vld.idx.msk [tilespmem:v27+s10+$0x0], $0xffff  }
0x19f: {  	v29 =	vadd.s32 $0x2C0, v32;
	v2 =	vld.idx.msk [tilespmem:v48+s10+$0x0], $0xffff;
	[tilespmem:s5+$0x80] =	vst v3  }
0x1a0: {  	v3 =	vld.idx.msk [tilespmem:v49+s10+$0x0], $0xffff;
	[tilespmem:s8+$0x80] =	vst v4  }
0x1a1: {  	v4 =	vld.idx.msk [tilespmem:v50+s10+$0x0], $0xffff;
	_ =	sdelay $0x1  }
0x1a2: {  	[tilespmem:s4+$0x100] =	vst v0  }
0x1a3: {  	[tilespmem:s1+$0x100] =	vst v2;
	v0 =	vld.idx.msk [tilespmem:v29+s10+$0x0], $0xffff  }
0x1a4: {  	v30 =	vadd.s32 $0x300, v32;
	v2 =	vld.idx.msk [tilespmem:v45+s10+$0x0], $0xffff;
	[tilespmem:s5+$0x100] =	vst v3  }
0x1a5: {  	v3 =	vld.idx.msk [tilespmem:v46+s10+$0x0], $0xffff;
	[tilespmem:s8+$0x100] =	vst v4  }
0x1a6: {  	v4 =	vld.idx.msk [tilespmem:v47+s10+$0x0], $0xffff;
	_ =	sdelay $0x1  }
0x1a7: {  	[tilespmem:s4+$0x180] =	vst v0  }
0x1a8: {  	[tilespmem:s1+$0x180] =	vst v2;
	v0 =	vld.idx.msk [tilespmem:v30+s10+$0x0], $0xffff  }
0x1a9: {  	v31 =	vadd.s32 $0x340, v32;
	v2 =	vld.idx.msk [tilespmem:v41+s10+$0x0], $0xffff;
	[tilespmem:s5+$0x180] =	vst v3  }
0x1aa: {  	v3 =	vld.idx.msk [tilespmem:v42+s10+$0x0], $0xffff;
	[tilespmem:s8+$0x180] =	vst v4  }
0x1ab: {  	v4 =	vld.idx.msk [tilespmem:v43+s10+$0x0], $0xffff;
	_ =	sdelay $0x1  }
0x1ac: {  	[tilespmem:s4+$0x200] =	vst v0  }
0x1ad: {  	[tilespmem:s1+$0x200] =	vst v2;
	v0 =	vld.idx.msk [tilespmem:v31+s10+$0x0], $0xffff  }
0x1ae: {  	v33 =	vadd.s32 $0x380, v32;
	v2 =	vld.idx.msk [tilespmem:v38+s10+$0x0], $0xffff;
	[tilespmem:s5+$0x200] =	vst v3  }
0x1af: {  	v3 =	vld.idx.msk [tilespmem:v39+s10+$0x0], $0xffff;
	[tilespmem:s8+$0x200] =	vst v4  }
0x1b0: {  	v4 =	vld.idx.msk [tilespmem:v44+s10+$0x0], $0xffff;
	_ =	sdelay $0x1  }
0x1b1: {  	[tilespmem:s4+$0x280] =	vst v0  }
0x1b2: {  	[tilespmem:s1+$0x280] =	vst v2;
	v0 =	vld.idx.msk [tilespmem:v33+s10+$0x0], $0xffff  }
0x1b3: {  	v34 =	vadd.s32 $0x3C0, v32;
	v2 =	vld.idx.msk [tilespmem:v37+s10+$0x0], $0xffff;
	[tilespmem:s5+$0x280] =	vst v3  }
0x1b4: {  	v3 =	vld.idx.msk [tilespmem:v16+s10+$0x0], $0xffff;
	[tilespmem:s8+$0x280] =	vst v4  }
0x1b5: {  	[tilespmem:s30+$0x300] =	vst v8;
	v4 =	vld.idx.msk [tilespmem:v40+s10+$0x0], $0xffff  }
0x1b6: {  	v5 =	vld.idx.msk [tilespmem:v5+s10+$0x0], $0xffff;
	[tilespmem:s29+$0x380] =	vst v9  }
0x1b7: {  	v6 =	vld.idx.msk [tilespmem:v6+s10+$0x0], $0xffff;
	[tilespmem:s4+$0x300] =	vst v0  }
0x1b8: {  	[tilespmem:s1+$0x300] =	vst v2;
	v0 =	vld.idx.msk [tilespmem:v34+s10+$0x0], $0xffff  }
0x1b9: {  	v35 =	vld.idx.msk [tilespmem:v36+s10+$0x0], $0xffff;
	[tilespmem:s5+$0x300] =	vst v3  }
0x1ba: {  	v36 =	vld.idx.msk [tilespmem:v58+s10+$0x0], $0xffff;
	[tilespmem:s8+$0x300] =	vst v4  }
0x1bb: {  	[tilespmem:s28+$0x380] =	vst v5;
	v37 =	vld.idx.msk [tilespmem:v57+s10+$0x0], $0xffff  }
0x1bc: {  	[tilespmem:s30+$0x380] =	vst v6  }
0x1bd: {  	[tilespmem:s4+$0x380] =	vst v0  }
0x1be: {  	[tilespmem:s1+$0x380] =	vst v35  }
0x1bf: {  	[tilespmem:s5+$0x380] =	vst v36  }
0x1c0: {  	[tilespmem:s8+$0x380] =	vst v37  }
0x1c1: {  	v3 =	vld [tilespmem:$0x1FE00];
	_ =	sdelay $0x7  }
0x1c2: {  	v0 =	vld.idx.msk [tilespmem:v3+s3+$0x0], $0xffff;
	_ =	sdelay $0x7  }
0x1c3: {  	v1 =	vld.idx.msk [tilespmem:v0+s10+$0x0], $0xffff  }
0x1c4: {  	v38 =	vadd.s32 $0x40, v0;
	_ =	sdelay $0x1  }
0x1c5: {  	v40 =	vld [tilespmem:$0x1FE10];
	_ =	sdelay $0x1  }
0x1c6: {  	[tilespmem:v3+s12+$0x0] =	vst.idx.msk $0xffff, v1  }
0x1c7: {  	v1 =	vld.idx.msk [tilespmem:v38+s10+$0x0], $0xffff  }
0x1c8: {  	v39 =	vadd.s32 $0x80, v0;
	_ =	sdelay $0x1  }
0x1c9: {  	v4 =	vld [tilespmem:$0x1FE20];
	_ =	sdelay $0x1  }
0x1ca: {  	[tilespmem:v40+s12+$0x0] =	vst.idx.msk $0xffff, v1  }
0x1cb: {  	v1 =	vld.idx.msk [tilespmem:v39+s10+$0x0], $0xffff  }
0x1cc: {  	v41 =	vadd.s32 $0xC0, v0;
	_ =	sdelay $0x1  }
0x1cd: {  	v43 =	vld [tilespmem:$0x1FE30];
	_ =	sdelay $0x1  }
0x1ce: {  	[tilespmem:v4+s12+$0x0] =	vst.idx.msk $0xffff, v1  }
0x1cf: {  	v1 =	vld.idx.msk [tilespmem:v41+s10+$0x0], $0xffff  }
0x1d0: {  	v42 =	vadd.s32 $0x100, v0;
	_ =	sdelay $0x1  }
0x1d1: {  	v45 =	vld [tilespmem:$0x1FE40];
	_ =	sdelay $0x1  }
0x1d2: {  	[tilespmem:v43+s12+$0x0] =	vst.idx.msk $0xffff, v1  }
0x1d3: {  	v1 =	vld.idx.msk [tilespmem:v42+s10+$0x0], $0xffff  }
0x1d4: {  	v44 =	vadd.s32 $0x140, v0;
	_ =	sdelay $0x1  }
0x1d5: {  	v47 =	vld [tilespmem:$0x1FE50];
	_ =	sdelay $0x1  }
0x1d6: {  	[tilespmem:v45+s12+$0x0] =	vst.idx.msk $0xffff, v1  }
0x1d7: {  	v1 =	vld.idx.msk [tilespmem:v44+s10+$0x0], $0xffff  }
0x1d8: {  	v46 =	vadd.s32 $0x180, v0;
	_ =	sdelay $0x1  }
0x1d9: {  	v49 =	vld [tilespmem:$0x1FE60];
	_ =	sdelay $0x1  }
0x1da: {  	[tilespmem:v47+s12+$0x0] =	vst.idx.msk $0xffff, v1  }
0x1db: {  	v1 =	vld.idx.msk [tilespmem:v46+s10+$0x0], $0xffff  }
0x1dc: {  	v48 =	vadd.s32 $0x1C0, v0;
	_ =	sdelay $0x1  }
0x1dd: {  	v51 =	vld [tilespmem:$0x1FE70];
	_ =	sdelay $0x1  }
0x1de: {  	[tilespmem:v49+s12+$0x0] =	vst.idx.msk $0xffff, v1  }
0x1df: {  	v1 =	vld.idx.msk [tilespmem:v48+s10+$0x0], $0xffff  }
0x1e0: {  	v50 =	vadd.s32 $0x200, v0;
	_ =	sdelay $0x1  }
0x1e1: {  	v53 =	vld [tilespmem:$0x1FE80];
	_ =	sdelay $0x1  }
0x1e2: {  	[tilespmem:v51+s12+$0x0] =	vst.idx.msk $0xffff, v1  }
0x1e3: {  	v1 =	vld.idx.msk [tilespmem:v50+s10+$0x0], $0xffff  }
0x1e4: {  	v52 =	vadd.s32 $0x240, v0;
	_ =	sdelay $0x1  }
0x1e5: {  	v55 =	vld [tilespmem:$0x1FE90];
	_ =	sdelay $0x1  }
0x1e6: {  	[tilespmem:v53+s12+$0x0] =	vst.idx.msk $0xffff, v1  }
0x1e7: {  	v1 =	vld.idx.msk [tilespmem:v52+s10+$0x0], $0xffff  }
0x1e8: {  	v54 =	vadd.s32 $0x280, v0;
	_ =	sdelay $0x1  }
0x1e9: {  	v57 =	vld [tilespmem:$0x1FEA0];
	_ =	sdelay $0x1  }
0x1ea: {  	[tilespmem:v55+s12+$0x0] =	vst.idx.msk $0xffff, v1  }
0x1eb: {  	v1 =	vld.idx.msk [tilespmem:v54+s10+$0x0], $0xffff  }
0x1ec: {  	v56 =	vadd.s32 $0x2C0, v0;
	_ =	sdelay $0x1  }
0x1ed: {  	v59 =	vld [tilespmem:$0x1FEB0];
	_ =	sdelay $0x1  }
0x1ee: {  	[tilespmem:v57+s12+$0x0] =	vst.idx.msk $0xffff, v1  }
0x1ef: {  	v1 =	vld.idx.msk [tilespmem:v56+s10+$0x0], $0xffff  }
0x1f0: {  	v58 =	vadd.s32 $0x300, v0;
	_ =	sdelay $0x1  }
0x1f1: {  	v61 =	vld [tilespmem:$0x1FEC0];
	_ =	sdelay $0x1  }
0x1f2: {  	[tilespmem:v59+s12+$0x0] =	vst.idx.msk $0xffff, v1  }
0x1f3: {  	v1 =	vld.idx.msk [tilespmem:v58+s10+$0x0], $0xffff  }
0x1f4: {  	v60 =	vadd.s32 $0x340, v0;
	_ =	sdelay $0x1  }
0x1f5: {  	v63 =	vld [tilespmem:$0x1FED0];
	_ =	sdelay $0x1  }
0x1f6: {  	[tilespmem:v61+s12+$0x0] =	vst.idx.msk $0xffff, v1  }
0x1f7: {  	v1 =	vld.idx.msk [tilespmem:v60+s10+$0x0], $0xffff  }
0x1f8: {  	v62 =	vadd.s32 $0x380, v0;
	_ =	sdelay $0x1  }
0x1f9: {  	v24 =	vld [tilespmem:$0x1FEE0];
	_ =	sdelay $0x1  }
0x1fa: {  	[tilespmem:v63+s12+$0x0] =	vst.idx.msk $0xffff, v1  }
0x1fb: {  	v1 =	vld.idx.msk [tilespmem:v62+s10+$0x0], $0xffff  }
0x1fc: {  	v0 =	vadd.s32 $0x3C0, v0;
	_ =	sdelay $0x1  }
0x1fd: {  	v25 =	vld [tilespmem:$0x1FEF0];
	_ =	sdelay $0x1  }
0x1fe: {  	[tilespmem:v24+s12+$0x0] =	vst.idx.msk $0xffff, v1  }
0x1ff: {  	v0 =	vld.idx.msk [tilespmem:v0+s10+$0x0], $0xffff;
	_ =	sdelay $0x4  }
0x200: {  	[tilespmem:v25+s12+$0x0] =	vst.idx.msk $0xffff, v0  }
0x201: {  	v0 =	vld.idx.msk [tilespmem:v40+s3+$0x0], $0xffff;
	_ =	sdelay $0x4  }
0x202: {  	v27 =	vld [tilespmem:$0x1FF00];
	_ =	sdelay $0x2  }
0x203: {  	v1 =	vld.idx.msk [tilespmem:v0+s10+$0x0], $0xffff  }
0x204: {  	v26 =	vadd.s32 $0x40, v0;
	_ =	sdelay $0x1  }
0x205: {  	v29 =	vld [tilespmem:$0x1FF10];
	_ =	sdelay $0x1  }
0x206: {  	[tilespmem:v27+s12+$0x0] =	vst.idx.msk $0xffff, v1  }
0x207: {  	v1 =	vld.idx.msk [tilespmem:v26+s10+$0x0], $0xffff  }
0x208: {  	v28 =	vadd.s32 $0x80, v0;
	_ =	sdelay $0x1  }
0x209: {  	v31 =	vld [tilespmem:$0x1FF20];
	_ =	sdelay $0x1  }
0x20a: {  	[tilespmem:v29+s12+$0x0] =	vst.idx.msk $0xffff, v1  }
0x20b: {  	v1 =	vld.idx.msk [tilespmem:v28+s10+$0x0], $0xffff  }
0x20c: {  	v30 =	vadd.s32 $0xC0, v0;
	_ =	sdelay $0x1  }
0x20d: {  	v33 =	vld [tilespmem:$0x1FF30];
	_ =	sdelay $0x1  }
0x20e: {  	[tilespmem:v31+s12+$0x0] =	vst.idx.msk $0xffff, v1  }
0x20f: {  	v1 =	vld.idx.msk [tilespmem:v30+s10+$0x0], $0xffff  }
0x210: {  	v32 =	vadd.s32 $0x100, v0;
	_ =	sdelay $0x1  }
0x211: {  	v35 =	vld [tilespmem:$0x1FF40];
	_ =	sdelay $0x1  }
0x212: {  	[tilespmem:v33+s12+$0x0] =	vst.idx.msk $0xffff, v1  }
0x213: {  	v1 =	vld.idx.msk [tilespmem:v32+s10+$0x0], $0xffff  }
0x214: {  	v34 =	vadd.s32 $0x140, v0;
	_ =	sdelay $0x1  }
0x215: {  	v37 =	vld [tilespmem:$0x1FF50];
	_ =	sdelay $0x1  }
0x216: {  	[tilespmem:v35+s12+$0x0] =	vst.idx.msk $0xffff, v1  }
0x217: {  	v1 =	vld.idx.msk [tilespmem:v34+s10+$0x0], $0xffff  }
0x218: {  	v36 =	vadd.s32 $0x180, v0;
	_ =	sdelay $0x1  }
0x219: {  	v39 =	vld [tilespmem:$0x1FF60];
	_ =	sdelay $0x1  }
0x21a: {  	[tilespmem:v37+s12+$0x0] =	vst.idx.msk $0xffff, v1  }
0x21b: {  	v1 =	vld.idx.msk [tilespmem:v36+s10+$0x0], $0xffff  }
0x21c: {  	v38 =	vadd.s32 $0x1C0, v0;
	_ =	sdelay $0x1  }
0x21d: {  	v41 =	vld [tilespmem:$0x1FF70];
	_ =	sdelay $0x1  }
0x21e: {  	[tilespmem:v39+s12+$0x0] =	vst.idx.msk $0xffff, v1  }
0x21f: {  	v1 =	vld.idx.msk [tilespmem:v38+s10+$0x0], $0xffff  }
0x220: {  	v40 =	vadd.s32 $0x200, v0;
	_ =	sdelay $0x1  }
0x221: {  	v43 =	vld [tilespmem:$0x1FF80];
	_ =	sdelay $0x1  }
0x222: {  	[tilespmem:v41+s12+$0x0] =	vst.idx.msk $0xffff, v1  }
0x223: {  	v1 =	vld.idx.msk [tilespmem:v40+s10+$0x0], $0xffff  }
0x224: {  	v42 =	vadd.s32 $0x240, v0;
	_ =	sdelay $0x1  }
0x225: {  	v45 =	vld [tilespmem:$0x1FF90];
	_ =	sdelay $0x1  }
0x226: {  	[tilespmem:v43+s12+$0x0] =	vst.idx.msk $0xffff, v1  }
0x227: {  	v1 =	vld.idx.msk [tilespmem:v42+s10+$0x0], $0xffff  }
0x228: {  	v44 =	vadd.s32 $0x280, v0;
	_ =	sdelay $0x1  }
0x229: {  	v47 =	vld [tilespmem:$0x1FFA0];
	_ =	sdelay $0x1  }
0x22a: {  	[tilespmem:v45+s12+$0x0] =	vst.idx.msk $0xffff, v1  }
0x22b: {  	v1 =	vld.idx.msk [tilespmem:v44+s10+$0x0], $0xffff  }
0x22c: {  	v46 =	vadd.s32 $0x2C0, v0;
	_ =	sdelay $0x1  }
0x22d: {  	v49 =	vld [tilespmem:$0x1FFB0];
	_ =	sdelay $0x1  }
0x22e: {  	[tilespmem:v47+s12+$0x0] =	vst.idx.msk $0xffff, v1  }
0x22f: {  	v1 =	vld.idx.msk [tilespmem:v46+s10+$0x0], $0xffff  }
0x230: {  	v48 =	vadd.s32 $0x300, v0;
	_ =	sdelay $0x1  }
0x231: {  	v51 =	vld [tilespmem:$0x1FFC0];
	_ =	sdelay $0x1  }
0x232: {  	[tilespmem:v49+s12+$0x0] =	vst.idx.msk $0xffff, v1  }
0x233: {  	v1 =	vld.idx.msk [tilespmem:v48+s10+$0x0], $0xffff  }
0x234: {  	v50 =	vadd.s32 $0x340, v0;
	_ =	sdelay $0x1  }
0x235: {  	v53 =	vld [tilespmem:$0x1FFD0];
	_ =	sdelay $0x1  }
0x236: {  	[tilespmem:v51+s12+$0x0] =	vst.idx.msk $0xffff, v1  }
0x237: {  	v1 =	vld.idx.msk [tilespmem:v50+s10+$0x0], $0xffff  }
0x238: {  	v52 =	vadd.s32 $0x380, v0;
	_ =	sdelay $0x1  }
0x239: {  	v54 =	vld [tilespmem:$0x1FFE0];
	_ =	sdelay $0x1  }
0x23a: {  	[tilespmem:v53+s12+$0x0] =	vst.idx.msk $0xffff, v1  }
0x23b: {  	v1 =	vld.idx.msk [tilespmem:v52+s10+$0x0], $0xffff  }
0x23c: {  	v0 =	vadd.s32 $0x3C0, v0;
	_ =	sdelay $0x1  }
0x23d: {  	v55 =	vld [tilespmem:$0x1FFF0];
	_ =	sdelay $0x1  }
0x23e: {  	[tilespmem:v54+s12+$0x0] =	vst.idx.msk $0xffff, v1  }
0x23f: {  	v0 =	vld.idx.msk [tilespmem:v0+s10+$0x0], $0xffff;
	_ =	sdelay $0x2  }
0x240: {  	s21 =	smul.u32 $0x900, s26  }
0x241: {  	s22 =	simm.s32 $0x0;
	s23 =	simm.s32 $0x0;
	s2 =	simm.s32 @!p1 $0x2  }
0x242: {  	s24 =	sand.u32 $0x1C00, s22;
	s0 =	sadd.s32 s6, s21;
	s1 =	sand.u32 $0x3FFFFF80, s23;
	[tilespmem:v55+s12+$0x0] =	vst.idx.msk $0xffff, v0  }
0x243: {  	[hbm4b:s0+s3] =	stream.linear.scatter [tilespmem:s12], [sflag:$0x1], $0x9000, $0x38;
	[tilespmem:$0x14800] =	vst v63  }
0x244: {  	s19 =	sand.u32 $0x40, s22;
	s5 =	sadd.s32 s1, s24;
	_ =	swait.ge @!p1 [sflag:s2], $0x9000  }
0x245: {  	s0 =	sadd.s32 $0x100, s5;
	s5 =	sor.u32 $0x30, s19;
	[sflag:s2] =	ssyncset.done @!p1 $0x0  }
0x246: {  	s7 =	sor.u32 s5, s0;
	[sflag:s2] =	ssyncadd.s32 @!p1 $0xFFFF7000  }
0x247: {  	s20 =	sor.u32 $0x10, s19;
	s8 =	sor.u32 s19, s0;
	v35 =	vld [tilespmem:s7+$0x0]  }
0x248: {  	s9 =	sor.u32 s20, s0;
	v33 =	vld [tilespmem:s8+$0x0]  }
0x249: {  	v36 =	vld [tilespmem:s9+$0x0]  }
0x24a: {  	s8 =	sor.u32 $0x20, s19  }
0x24b: {  	s0 =	sor.u32 s8, s0  }
0x24c: {  	v34 =	vld [tilespmem:s0+$0x0]  }
0x24d: {  	s16 =	simm.s32 $0x0  }
0x24e: {  	s0 =	smul.u32 $0x12000, s16  }
0x24f: {  	v56 =	vld.idx.msk [tilespmem:v35+s10+$0x0], $0xffff  }
0x250: {  	s0 =	sshra.s32 s0, $0x2;
	v58 =	vadd.s32 $0x40, v35;
	v57 =	vld.idx.msk [tilespmem:v33+s10+$0x0], $0xffff  }
0x251: {  	v59 =	vadd.s32 $0x40, v33;
	s18 =	sadd.s32 s24, s0;
	v60 =	vld.idx.msk [tilespmem:v36+s10+$0x0], $0xffff  }
0x252: {  	v61 =	vadd.s32 $0x40, v36;
	s0 =	sadd.s32 $0xB400, s18  }
0x253: {  	s17 =	sor.u32 s5, s0  }
0x254: {  	s21 =	sor.u32 s19, s0;
	v6 =	vld.idx.msk [tilespmem:v34+s10+$0x0], $0xffff;
	[tilespmem:s17+$0x0] =	vst v56  }
0x255: {  	v62 =	vadd.s32 $0x40, v34;
	s23 =	sor.u32 s20, s0;
	[tilespmem:s21+$0x0] =	vst v57;
	v63 =	vld.idx.msk [tilespmem:v58+s10+$0x0], $0xffff  }
0x256: {  	v25 =	vadd.s32 $0x80, v35;
	[tilespmem:s23+$0x0] =	vst v60;
	v24 =	vld.idx.msk [tilespmem:v59+s10+$0x0], $0xffff  }
0x257: {  	v26 =	vadd.s32 $0x80, v33;
	v5 =	vld.idx.msk [tilespmem:v61+s10+$0x0], $0xffff  }
0x258: {  	v7 =	vadd.s32 $0x80, v36;
	s24 =	sor.u32 s8, s0  }
0x259: {  	[tilespmem:s24+$0x0] =	vst v6  }
0x25a: {  	v0 =	vld.idx.msk [tilespmem:v62+s10+$0x0], $0xffff;
	[tilespmem:s17+$0x80] =	vst v63  }
0x25b: {  	v27 =	vadd.s32 $0x80, v34;
	[tilespmem:s21+$0x80] =	vst v24;
	v28 =	vld.idx.msk [tilespmem:v25+s10+$0x0], $0xffff  }
0x25c: {  	v30 =	vadd.s32 $0xC0, v35;
	[tilespmem:s23+$0x80] =	vst v5;
	v29 =	vld.idx.msk [tilespmem:v26+s10+$0x0], $0xffff  }
0x25d: {  	v31 =	vadd.s32 $0xC0, v33;
	v6 =	vld.idx.msk [tilespmem:v7+s10+$0x0], $0xffff  }
0x25e: {  	v7 =	vadd.s32 $0xC0, v36  }
0x25f: {  	[tilespmem:s24+$0x80] =	vst v0  }
0x260: {  	v0 =	vld.idx.msk [tilespmem:v27+s10+$0x0], $0xffff;
	[tilespmem:s17+$0x100] =	vst v28  }
0x261: {  	v32 =	vadd.s32 $0xC0, v34;
	[tilespmem:s21+$0x100] =	vst v29;
	v2 =	vld.idx.msk [tilespmem:v30+s10+$0x0], $0xffff  }
0x262: {  	v37 =	vadd.s32 $0x100, v35;
	[tilespmem:s23+$0x100] =	vst v6;
	v3 =	vld.idx.msk [tilespmem:v31+s10+$0x0], $0xffff  }
0x263: {  	v38 =	vadd.s32 $0x100, v33;
	v6 =	vld.idx.msk [tilespmem:v7+s10+$0x0], $0xffff  }
0x264: {  	v7 =	vadd.s32 $0x100, v36  }
0x265: {  	[tilespmem:s24+$0x100] =	vst v0  }
0x266: {  	v0 =	vld.idx.msk [tilespmem:v32+s10+$0x0], $0xffff;
	[tilespmem:s17+$0x180] =	vst v2  }
0x267: {  	v39 =	vadd.s32 $0x100, v34;
	[tilespmem:s21+$0x180] =	vst v3;
	v2 =	vld.idx.msk [tilespmem:v37+s10+$0x0], $0xffff  }
0x268: {  	v40 =	vadd.s32 $0x140, v35;
	[tilespmem:s23+$0x180] =	vst v6;
	v3 =	vld.idx.msk [tilespmem:v38+s10+$0x0], $0xffff  }
0x269: {  	v41 =	vadd.s32 $0x140, v33;
	v6 =	vld.idx.msk [tilespmem:v7+s10+$0x0], $0xffff  }
0x26a: {  	v7 =	vadd.s32 $0x140, v36  }
0x26b: {  	[tilespmem:s24+$0x180] =	vst v0  }
0x26c: {  	v0 =	vld.idx.msk [tilespmem:v39+s10+$0x0], $0xffff;
	[tilespmem:s17+$0x200] =	vst v2  }
0x26d: {  	v42 =	vadd.s32 $0x140, v34;
	[tilespmem:s21+$0x200] =	vst v3;
	v2 =	vld.idx.msk [tilespmem:v40+s10+$0x0], $0xffff  }
0x26e: {  	v43 =	vadd.s32 $0x180, v35;
	[tilespmem:s23+$0x200] =	vst v6;
	v3 =	vld.idx.msk [tilespmem:v41+s10+$0x0], $0xffff  }
0x26f: {  	v44 =	vadd.s32 $0x180, v33;
	v6 =	vld.idx.msk [tilespmem:v7+s10+$0x0], $0xffff  }
0x270: {  	v7 =	vadd.s32 $0x180, v36  }
0x271: {  	[tilespmem:s24+$0x200] =	vst v0  }
0x272: {  	v0 =	vld.idx.msk [tilespmem:v42+s10+$0x0], $0xffff;
	[tilespmem:s17+$0x280] =	vst v2  }
0x273: {  	v45 =	vadd.s32 $0x180, v34;
	[tilespmem:s21+$0x280] =	vst v3;
	v2 =	vld.idx.msk [tilespmem:v43+s10+$0x0], $0xffff  }
0x274: {  	v46 =	vadd.s32 $0x1C0, v35;
	[tilespmem:s23+$0x280] =	vst v6;
	v3 =	vld.idx.msk [tilespmem:v44+s10+$0x0], $0xffff  }
0x275: {  	v47 =	vadd.s32 $0x1C0, v33;
	v6 =	vld.idx.msk [tilespmem:v7+s10+$0x0], $0xffff  }
0x276: {  	v7 =	vadd.s32 $0x1C0, v36  }
0x277: {  	s31 =	simm.s32 $0x200;
	s22 =	simm.s32 $0x8;
	[tilespmem:s24+$0x280] =	vst v0  }
0x278: {  	s2 =	sand.u32 $0x1C00, s31;
	s0 =	sand.u32 $0x3FFFFF80, s22;
	v0 =	vld.idx.msk [tilespmem:v45+s10+$0x0], $0xffff;
	[tilespmem:s17+$0x300] =	vst v2  }
0x279: {  	s4 =	simm.s32 $0x40;
	v48 =	vadd.s32 $0x1C0, v34;
	s0 =	sadd.s32 s0, s2;
	[tilespmem:s21+$0x300] =	vst v3;
	v2 =	vld.idx.msk [tilespmem:v46+s10+$0x0], $0xffff  }
0x27a: {  	s1 =	sand.u32 $0x40, s4;
	v49 =	vadd.s32 $0x200, v35;
	s0 =	sadd.s32 $0x100, s0;
	[tilespmem:s23+$0x300] =	vst v6;
	v3 =	vld.idx.msk [tilespmem:v47+s10+$0x0], $0xffff  }
0x27b: {  	v50 =	vadd.s32 $0x200, v33;
	s9 =	sor.u32 s1, s0;
	v6 =	vld.idx.msk [tilespmem:v7+s10+$0x0], $0xffff  }
0x27c: {  	v38 =	vld [tilespmem:s9+$0x0];
	v7 =	vadd.s32 $0x200, v36  }
0x27d: {  	[tilespmem:s24+$0x300] =	vst v0  }
0x27e: {  	v0 =	vld.idx.msk [tilespmem:v48+s10+$0x0], $0xffff;
	[tilespmem:s17+$0x380] =	vst v2  }
0x27f: {  	[tilespmem:s21+$0x380] =	vst v3;
	v51 =	vld.idx.msk [tilespmem:v49+s10+$0x0], $0xffff  }
0x280: {  	s16 =	sor.u32 $0x10, s1;
	v55 =	vadd.s32 $0x200, v34;
	[tilespmem:s23+$0x380] =	vst v6;
	v52 =	vld.idx.msk [tilespmem:v50+s10+$0x0], $0xffff  }
0x281: {  	s17 =	sor.u32 $0x30, s1;
	s23 =	sor.u32 s16, s0;
	v54 =	vld.idx.msk [tilespmem:v7+s10+$0x0], $0xffff  }
0x282: {  	v53 =	vadd.s32 $0x240, v35;
	s7 =	sor.u32 s17, s0;
	v57 =	vld [tilespmem:s23+$0x0]  }
0x283: {  	v6 =	vadd.s32 $0x240, v33;
	v32 =	vld [tilespmem:s7+$0x0]  }
0x284: {  	v8 =	vld.idx.msk [tilespmem:v38+s10+$0x0], $0xffff;
	v7 =	vadd.s32 $0x240, v36;
	s7 =	sadd.s32 $0xD800, s18;
	s18 =	sor.u32 $0x20, s1;
	[tilespmem:s24+$0x380] =	vst v0  }
0x285: {  	s24 =	simm.s32 $0x0;
	s5 =	sor.u32 s5, s7;
	s0 =	sor.u32 s18, s0;
	v0 =	vld.idx.msk [tilespmem:v55+s10+$0x0], $0xffff  }
0x286: {  	s29 =	sor.u32 s19, s7;
	v60 =	vld [tilespmem:s0+$0x0];
	s0 =	smul.u32 $0x12000, s24;
	[tilespmem:s5+$0x0] =	vst v51  }
0x287: {  	v63 =	vadd.s32 $0x240, v34;
	s28 =	sor.u32 s20, s7;
	[tilespmem:s29+$0x0] =	vst v52;
	v1 =	vld.idx.msk [tilespmem:v53+s10+$0x0], $0xffff  }
0x288: {  	v9 =	vadd.s32 $0x40, v38;
	[tilespmem:s28+$0x0] =	vst v54;
	s0 =	sshra.s32 s0, $0x2;
	v62 =	vld.idx.msk [tilespmem:v6+s10+$0x0], $0xffff  }
0x289: {  	v4 =	vld.idx.msk [tilespmem:v7+s10+$0x0], $0xffff;
	s19 =	sadd.s32 s2, s0  }
0x28a: {  	v61 =	vadd.s32 $0x280, v35;
	s30 =	sor.u32 s8, s7;
	s0 =	sadd.s32 $0xB400, s19;
	v10 =	vld.idx.msk [tilespmem:v57+s10+$0x0], $0xffff  }
0x28b: {  	v7 =	vadd.s32 $0x280, v33;
	[tilespmem:s30+$0x0] =	vst v0;
	s22 =	sor.u32 s1, s0;
	v6 =	vld.idx.msk [tilespmem:v32+s10+$0x0], $0xffff  }
0x28c: {  	v11 =	vadd.s32 $0x40, v57;
	v27 =	vld.idx.msk [tilespmem:v63+s10+$0x0], $0xffff;
	[tilespmem:s22+$0x0] =	vst v8  }
0x28d: {  	v8 =	vadd.s32 $0x280, v34;
	v9 =	vld.idx.msk [tilespmem:v9+s10+$0x0], $0xffff;
	[tilespmem:s5+$0x80] =	vst v1  }
0x28e: {  	v24 =	vadd.s32 $0x40, v32;
	s20 =	sor.u32 s16, s0;
	v25 =	vld.idx.msk [tilespmem:v60+s10+$0x0], $0xffff;
	[tilespmem:s29+$0x80] =	vst v62  }
0x28f: {  	s23 =	sor.u32 s17, s0;
	v28 =	vadd.s32 $0x40, v60;
	v2 =	vld.idx.msk [tilespmem:v61+s10+$0x0], $0xffff;
	[tilespmem:s20+$0x0] =	vst v10  }
0x290: {  	v26 =	vadd.s32 $0x2C0, v35;
	[tilespmem:s23+$0x0] =	vst v6;
	v6 =	vld.idx.msk [tilespmem:v7+s10+$0x0], $0xffff  }
0x291: {  	v10 =	vadd.s32 $0x80, v38;
	[tilespmem:s30+$0x80] =	vst v27;
	v11 =	vld.idx.msk [tilespmem:v11+s10+$0x0], $0xffff  }
0x292: {  	s21 =	sor.u32 s18, s0;
	[tilespmem:s28+$0x80] =	vst v4;
	v7 =	vadd.s32 $0x280, v36;
	v37 =	vld.idx.msk [tilespmem:v8+s10+$0x0], $0xffff  }
0x293: {  	v31 =	vadd.s32 $0x80, v57;
	v1 =	vld.idx.msk [tilespmem:v24+s10+$0x0], $0xffff;
	[tilespmem:s21+$0x0] =	vst v25  }
0x294: {  	v29 =	vadd.s32 $0x80, v32;
	[tilespmem:s5+$0x100] =	vst v2;
	v0 =	vld.idx.msk [tilespmem:v28+s10+$0x0], $0xffff  }
0x295: {  	v8 =	vadd.s32 $0x2C0, v33;
	[tilespmem:s22+$0x80] =	vst v9;
	v3 =	vld.idx.msk [tilespmem:v26+s10+$0x0], $0xffff  }
0x296: {  	v30 =	vadd.s32 $0x300, v35;
	v10 =	vld.idx.msk [tilespmem:v10+s10+$0x0], $0xffff;
	[tilespmem:s29+$0x100] =	vst v6  }
0x297: {  	v6 =	vld.idx.msk [tilespmem:v7+s10+$0x0], $0xffff;
	v7 =	vadd.s32 $0x80, v60;
	[tilespmem:s20+$0x80] =	vst v11  }
0x298: {  	v11 =	vadd.s32 $0xC0, v38;
	[tilespmem:s23+$0x80] =	vst v1;
	v5 =	vld.idx.msk [tilespmem:v31+s10+$0x0], $0xffff  }
0x299: {  	v9 =	vadd.s32 $0x2C0, v36;
	v2 =	vld.idx.msk [tilespmem:v29+s10+$0x0], $0xffff;
	[tilespmem:s21+$0x80] =	vst v0  }
0x29a: {  	v39 =	vadd.s32 $0xC0, v32;
	v8 =	vld.idx.msk [tilespmem:v8+s10+$0x0], $0xffff;
	[tilespmem:s5+$0x180] =	vst v3  }
0x29b: {  	[tilespmem:s22+$0x100] =	vst v10;
	v10 =	vadd.s32 $0x300, v33;
	v4 =	vld.idx.msk [tilespmem:v30+s10+$0x0], $0xffff  }
0x29c: {  	v0 =	vld.idx.msk [tilespmem:v7+s10+$0x0], $0xffff;
	v7 =	vadd.s32 $0xC0, v57  }
0x29d: {  	[tilespmem:s28+$0x100] =	vst v6;
	v6 =	vadd.s32 $0x340, v35;
	v11 =	vld.idx.msk [tilespmem:v11+s10+$0x0], $0xffff  }
0x29e: {  	v40 =	vadd.s32 $0xC0, v60;
	v41 =	vld.idx.msk [tilespmem:v9+s10+$0x0], $0xffff;
	[tilespmem:s23+$0x100] =	vst v2  }
0x29f: {  	v9 =	vadd.s32 $0x2C0, v34;
	[tilespmem:s29+$0x180] =	vst v8;
	v3 =	vld.idx.msk [tilespmem:v39+s10+$0x0], $0xffff  }
0x2a0: {  	v42 =	vadd.s32 $0x100, v32;
	[tilespmem:s20+$0x100] =	vst v5;
	v46 =	vld.idx.msk [tilespmem:v10+s10+$0x0], $0xffff  }
0x2a1: {  	v10 =	vadd.s32 $0x300, v36;
	[tilespmem:s5+$0x200] =	vst v4;
	v7 =	vld.idx.msk [tilespmem:v7+s10+$0x0], $0xffff  }
0x2a2: {  	[tilespmem:s21+$0x100] =	vst v0;
	v43 =	vld.idx.msk [tilespmem:v6+s10+$0x0], $0xffff;
	v6 =	vadd.s32 $0x100, v38  }
0x2a3: {  	[tilespmem:s30+$0x100] =	vst v37;
	v8 =	vadd.s32 $0x100, v57;
	v0 =	vld.idx.msk [tilespmem:v40+s10+$0x0], $0xffff  }
0x2a4: {  	v44 =	vadd.s32 $0x380, v35;
	v45 =	vld.idx.msk [tilespmem:v9+s10+$0x0], $0xffff;
	[tilespmem:s23+$0x180] =	vst v3  }
0x2a5: {  	[tilespmem:s28+$0x180] =	vst v41;
	v9 =	vadd.s32 $0x100, v60;
	v4 =	vld.idx.msk [tilespmem:v42+s10+$0x0], $0xffff  }
0x2a6: {  	[tilespmem:s22+$0x180] =	vst v11;
	v11 =	vadd.s32 $0x300, v34;
	v49 =	vld.idx.msk [tilespmem:v10+s10+$0x0], $0xffff  }
0x2a7: {  	[tilespmem:s20+$0x180] =	vst v7;
	v6 =	vld.idx.msk [tilespmem:v6+s10+$0x0], $0xffff  }
0x2a8: {  	v47 =	vadd.s32 $0x140, v32;
	[tilespmem:s5+$0x280] =	vst v43;
	v8 =	vld.idx.msk [tilespmem:v8+s10+$0x0], $0xffff  }
0x2a9: {  	v7 =	vadd.s32 $0x140, v38;
	[tilespmem:s21+$0x180] =	vst v0;
	v1 =	vld.idx.msk [tilespmem:v44+s10+$0x0], $0xffff  }
0x2aa: {  	[tilespmem:s30+$0x180] =	vst v45;
	v0 =	vld.idx.msk [tilespmem:v9+s10+$0x0], $0xffff;
	v9 =	vadd.s32 $0x140, v57  }
0x2ab: {  	[tilespmem:s29+$0x200] =	vst v46;
	v50 =	vld.idx.msk [tilespmem:v11+s10+$0x0], $0xffff;
	v11 =	vadd.s32 $0x340, v33  }
0x2ac: {  	v48 =	vadd.s32 $0x3C0, v35;
	[tilespmem:s23+$0x200] =	vst v4  }
0x2ad: {  	v10 =	vadd.s32 $0x140, v60;
	v5 =	vld.idx.msk [tilespmem:v47+s10+$0x0], $0xffff;
	[tilespmem:s22+$0x200] =	vst v6  }
0x2ae: {  	v52 =	vadd.s32 $0x340, v34;
	[tilespmem:s20+$0x200] =	vst v8;
	v7 =	vld.idx.msk [tilespmem:v7+s10+$0x0], $0xffff  }
0x2af: {  	[tilespmem:s28+$0x200] =	vst v49;
	v6 =	vadd.s32 $0x340, v36;
	v9 =	vld.idx.msk [tilespmem:v9+s10+$0x0], $0xffff  }
0x2b0: {  	v51 =	vadd.s32 $0x180, v32;
	[tilespmem:s5+$0x300] =	vst v1;
	v11 =	vld.idx.msk [tilespmem:v11+s10+$0x0], $0xffff  }
0x2b1: {  	v8 =	vadd.s32 $0x180, v38;
	[tilespmem:s21+$0x200] =	vst v0;
	v2 =	vld.idx.msk [tilespmem:v48+s10+$0x0], $0xffff  }
0x2b2: {  	v53 =	vadd.s32 $0x180, v57;
	[tilespmem:s30+$0x200] =	vst v50;
	v10 =	vld.idx.msk [tilespmem:v10+s10+$0x0], $0xffff  }
0x2b3: {  	v61 =	vadd.s32 $0x180, v60;
	v0 =	vld.idx.msk [tilespmem:v52+s10+$0x0], $0xffff;
	[tilespmem:s23+$0x280] =	vst v5  }
0x2b4: {  	v12 =	vadd.s32 $0x380, v36;
	v62 =	vld.idx.msk [tilespmem:v6+s10+$0x0], $0xffff;
	v6 =	vadd.s32 $0x380, v33;
	[tilespmem:s22+$0x280] =	vst v7  }
0x2b5: {  	v18 =	vadd.s32 $0x3C0, v33;
	v16 =	vadd.s32 $0x3C0, v36;
	v17 =	vadd.s32 $0x3C0, v34;
	v1 =	vld.idx.msk [tilespmem:v51+s10+$0x0], $0xffff;
	[tilespmem:s20+$0x280] =	vst v9  }
0x2b6: {  	v56 =	vadd.s32 $0x200, v38;
	v20 =	vadd.s32 $0x380, v38;
	v13 =	vadd.s32 $0x1C0, v32;
	[tilespmem:s29+$0x280] =	vst v11;
	v8 =	vld.idx.msk [tilespmem:v8+s10+$0x0], $0xffff  }
0x2b7: {  	v59 =	vadd.s32 $0x3C0, v38;
	v14 =	vadd.s32 $0x1C0, v57;
	v7 =	vadd.s32 $0x380, v34;
	v3 =	vld.idx.msk [tilespmem:v53+s10+$0x0], $0xffff;
	[tilespmem:s21+$0x280] =	vst v10  }
0x2b8: {  	v55 =	vadd.s32 $0x200, v57;
	v19 =	vadd.s32 $0x380, v57;
	v63 =	vadd.s32 $0x1C0, v38;
	[tilespmem:s5+$0x380] =	vst v2;
	v4 =	vld.idx.msk [tilespmem:v61+s10+$0x0], $0xffff  }
0x2b9: {  	v58 =	vadd.s32 $0x3C0, v57;
	v15 =	vadd.s32 $0x1C0, v60;
	v54 =	vadd.s32 $0x200, v60;
	v6 =	vld.idx.msk [tilespmem:v6+s10+$0x0], $0xffff;
	[tilespmem:s28+$0x280] =	vst v62  }
0x2ba: {  	v39 =	vadd.s32 $0x340, v38;
	v41 =	vadd.s32 $0x300, v38;
	v40 =	vadd.s32 $0x340, v57;
	[tilespmem:s23+$0x300] =	vst v1;
	v9 =	vld.idx.msk [tilespmem:v12+s10+$0x0], $0xffff  }
0x2bb: {  	v46 =	vadd.s32 $0x2C0, v57;
	v42 =	vadd.s32 $0x300, v57;
	v45 =	vadd.s32 $0x2C0, v38;
	[tilespmem:s30+$0x280] =	vst v0;
	v12 =	vld.idx.msk [tilespmem:v13+s10+$0x0], $0xffff  }
0x2bc: {  	v43 =	vadd.s32 $0x300, v60;
	v44 =	vadd.s32 $0x340, v60;
	v49 =	vadd.s32 $0x280, v57;
	[tilespmem:s22+$0x300] =	vst v8;
	v8 =	vld.idx.msk [tilespmem:v7+s10+$0x0], $0xffff  }
0x2bd: {  	v47 =	vadd.s32 $0x2C0, v60;
	v50 =	vadd.s32 $0x280, v60;
	v52 =	vadd.s32 $0x240, v38;
	[tilespmem:s20+$0x300] =	vst v3;
	v10 =	vld.idx.msk [tilespmem:v63+s10+$0x0], $0xffff  }
0x2be: {  	v48 =	vadd.s32 $0x280, v38;
	v38 =	vadd.s32 $0x380, v60;
	v51 =	vadd.s32 $0x240, v60;
	v13 =	vld.idx.msk [tilespmem:v14+s10+$0x0], $0xffff;
	[tilespmem:s21+$0x300] =	vst v4  }
0x2bf: {  	s8 =	simm.s32 $0x4;
	v53 =	vadd.s32 $0x240, v57;
	v57 =	vadd.s32 $0x3C0, v60;
	v14 =	vadd.s32 $0x200, v32;
	v11 =	vld.idx.msk [tilespmem:v15+s10+$0x0], $0xffff;
	[tilespmem:s29+$0x300] =	vst v6  }
.LBB2_5:
0x2c0: {  	[tilespmem:$0x1FD30] =	vst v20;
	v1 =	vmov v59  }
0x2c1: {  	[tilespmem:$0x1FD50] =	vst v1  }
0x2c2: {  	[tilespmem:s28+$0x300] =	vst v9  }
0x2c3: {  	s8 =	sadd.s32 $0x4, s8;
	[tilespmem:s30+$0x300] =	vst v8;
	v0 =	vld.idx.msk [tilespmem:v18+s10+$0x0], $0xffff  }
0x2c4: {  	s31 =	sadd.s32 $0x200, s31;
	s0 =	sshll.u32 s8, $0x1;
	v36 =	vld.idx.msk [tilespmem:v16+s10+$0x0], $0xffff;
	[tilespmem:s22+$0x380] =	vst v10  }
0x2c5: {  	s4 =	sadd.s32 $0x40, s4;
	v6 =	vmov v57;
	s0 =	sand.u32 $0x3FFFFF80, s0;
	[tilespmem:s23+$0x380] =	vst v12;
	s23 =	sand.u32 $0x1C00, s31;
	v3 =	vld.idx.msk [tilespmem:v56+s10+$0x0], $0xffff  }
0x2c6: {  	s2 =	sand.u32 $0x40, s4;
	[tilespmem:$0x1FD70] =	vst v6;
	v5 =	vld.idx.msk [tilespmem:v17+s10+$0x0], $0xffff;
	s0 =	sadd.s32 s0, s23  }
0x2c7: {  	s9 =	sor.u32 $0x30, s2;
	[tilespmem:s20+$0x380] =	vst v13;
	v37 =	vld.idx.msk [tilespmem:v14+s10+$0x0], $0xffff;
	s0 =	sadd.s32 $0x100, s0  }
0x2c8: {  	s19 =	sadd.s32 $0xD800, s19;
	s7 =	sor.u32 $0x10, s2;
	[tilespmem:s21+$0x380] =	vst v11;
	v6 =	vld.idx.msk [tilespmem:v55+s10+$0x0], $0xffff;
	s22 =	sor.u32 s9, s0  }
0x2c9: {  	v4 =	vadd.s32 $0x240, v32;
	s20 =	sor.u32 $0x20, s2;
	s5 =	sor.u32 s2, s0;
	v60 =	vld [tilespmem:s22+$0x0];
	[tilespmem:s29+$0x380] =	vst v0;
	s29 =	sor.u32 s1, s19  }
0x2ca: {  	s24 =	sor.u32 s7, s0;
	s0 =	sor.u32 s20, s0;
	v0 =	vld [tilespmem:s5+$0x0];
	[tilespmem:s29+$0x0] =	vst v3  }
0x2cb: {  	v3 =	vld [tilespmem:s0+$0x0];
	[tilespmem:s30+$0x380] =	vst v5  }
0x2cc: {  	v2 =	vmov v58;
	[tilespmem:s28+$0x380] =	vst v36;
	s5 =	sor.u32 s17, s19;
	v58 =	vld.idx.msk [tilespmem:v54+s10+$0x0], $0xffff  }
0x2cd: {  	v1 =	vld [tilespmem:s24+$0x0];
	[tilespmem:s5+$0x0] =	vst v37  }
0x2ce: {  	[tilespmem:$0x1FD20] =	vst v2;
	v2 =	vld.idx.msk [tilespmem:v4+s10+$0x0], $0xffff  }
0x2cf: {  	[tilespmem:$0x1FD40] =	vst v19;
	v59 =	vadd.s32 $0x280, v32;
	s28 =	sor.u32 s16, s19;
	s19 =	sor.u32 s18, s19  }
0x2d0: {  	[tilespmem:s28+$0x0] =	vst v6;
	s30 =	smov.u32 s19;
	v17 =	vld.idx.msk [tilespmem:v52+s10+$0x0], $0xffff  }
0x2d1: {  	s24 =	sshrl.u32 s8, $0x6;
	v19 =	vld.idx.msk [tilespmem:v53+s10+$0x0], $0xffff;
	v62 =	vadd.s32 $0x1C0, v0;
	[tilespmem:s30+$0x0] =	vst v58  }
0x2d2: {  	s0 =	smul.u32 $0x12000, s24;
	v23 =	vld.idx.msk [tilespmem:v60+s10+$0x0], $0xffff;
	[tilespmem:$0x1FD60] =	vst v62  }
0x2d3: {  	v29 =	vadd.s32 $0x1C0, v1;
	[tilespmem:s5+$0x80] =	vst v2;
	v24 =	vld.idx.msk [tilespmem:v0+s10+$0x0], $0xffff  }
0x2d4: {  	s0 =	sshra.s32 s0, $0x2;
	v61 =	vadd.s32 $0x40, v60;
	[tilespmem:$0x1FD80] =	vst v29;
	v58 =	vadd.s32 $0x1C0, v3;
	v5 =	vld.idx.msk [tilespmem:v59+s10+$0x0], $0xffff  }
0x2d5: {  	s19 =	sadd.s32 s23, s0;
	v6 =	vadd.s32 $0x40, v0;
	[tilespmem:$0x1FD90] =	vst v58;
	v28 =	vld.idx.msk [tilespmem:v1+s10+$0x0], $0xffff  }
0x2d6: {  	s17 =	smov.u32 s9;
	s0 =	sadd.s32 $0xB400, s19;
	v63 =	vld.idx.msk [tilespmem:v3+s10+$0x0], $0xffff;
	[tilespmem:s29+$0x80] =	vst v17;
	v17 =	vadd.s32 $0x2C0, v32  }
0x2d7: {  	s1 =	smov.u32 s2;
	v18 =	vadd.s32 $0x40, v1;
	s23 =	sor.u32 s17, s0;
	[tilespmem:s28+$0x80] =	vst v19;
	v19 =	vld.idx.msk [tilespmem:v51+s10+$0x0], $0xffff  }
0x2d8: {  	v25 =	vadd.s32 $0x40, v3;
	s22 =	sor.u32 s1, s0;
	[tilespmem:s23+$0x0] =	vst v23;
	v23 =	vld.idx.msk [tilespmem:v48+s10+$0x0], $0xffff  }
0x2d9: {  	s16 =	smov.u32 s7;
	v2 =	vld.idx.msk [tilespmem:v61+s10+$0x0], $0xffff;
	[tilespmem:s22+$0x0] =	vst v24  }
0x2da: {  	s18 =	smov.u32 s20;
	s20 =	sor.u32 s16, s0;
	[tilespmem:s5+$0x100] =	vst v5;
	v6 =	vld.idx.msk [tilespmem:v6+s10+$0x0], $0xffff  }
0x2db: {  	v31 =	vadd.s32 $0x80, v60;
	s21 =	sor.u32 s18, s0;
	[tilespmem:s20+$0x0] =	vst v28;
	v33 =	vld.idx.msk [tilespmem:v17+s10+$0x0], $0xffff  }
0x2dc: {  	v7 =	vadd.s32 $0x80, v0;
	[tilespmem:s21+$0x0] =	vst v63;
	v35 =	vld.idx.msk [tilespmem:v18+s10+$0x0], $0xffff  }
0x2dd: {  	v63 =	vadd.s32 $0x300, v32;
	v25 =	vld.idx.msk [tilespmem:v25+s10+$0x0], $0xffff;
	[tilespmem:s30+$0x80] =	vst v19  }
0x2de: {  	v22 =	vadd.s32 $0x80, v1;
	v29 =	vld.idx.msk [tilespmem:v50+s10+$0x0], $0xffff;
	[tilespmem:s29+$0x100] =	vst v23  }
0x2df: {  	v26 =	vadd.s32 $0x80, v3;
	v30 =	vadd.s32 $0x280, v3;
	v23 =	vld.idx.msk [tilespmem:v49+s10+$0x0], $0xffff;
	[tilespmem:s23+$0x80] =	vst v2  }
0x2e0: {  	v50 =	vmov v30;
	v30 =	vld.idx.msk [tilespmem:v31+s10+$0x0], $0xffff;
	[tilespmem:s22+$0x80] =	vst v6  }
0x2e1: {  	[tilespmem:s5+$0x180] =	vst v33;
	v31 =	vld.idx.msk [tilespmem:v7+s10+$0x0], $0xffff  }
0x2e2: {  	[tilespmem:s20+$0x80] =	vst v35;
	v33 =	vadd.s32 $0xC0, v60;
	v6 =	vld.idx.msk [tilespmem:v63+s10+$0x0], $0xffff  }
0x2e3: {  	v21 =	vadd.s32 $0xC0, v0;
	v20 =	vadd.s32 $0xC0, v1;
	v16 =	vadd.s32 $0x100, v1;
	[tilespmem:s21+$0x80] =	vst v25;
	v7 =	vld.idx.msk [tilespmem:v22+s10+$0x0], $0xffff  }
0x2e4: {  	v27 =	vadd.s32 $0xC0, v3;
	v12 =	vadd.s32 $0x140, v1;
	v22 =	vld.idx.msk [tilespmem:v26+s10+$0x0], $0xffff;
	[tilespmem:s28+$0x100] =	vst v23;
	v23 =	vadd.s32 $0x340, v32  }
0x2e5: {  	v8 =	vadd.s32 $0x180, v1;
	v55 =	vadd.s32 $0x200, v1;
	v53 =	vadd.s32 $0x240, v1;
	v35 =	vld.idx.msk [tilespmem:v45+s10+$0x0], $0xffff;
	[tilespmem:s30+$0x100] =	vst v29  }
0x2e6: {  	v36 =	vadd.s32 $0x300, v1;
	v62 =	vadd.s32 $0x340, v1;
	v58 =	vadd.s32 $0x3C0, v1;
	v63 =	vld.idx.msk [tilespmem:v46+s10+$0x0], $0xffff;
	[tilespmem:s23+$0x100] =	vst v30  }
0x2e7: {  	v59 =	vadd.s32 $0x280, v1;
	v5 =	vadd.s32 $0x2C0, v1;
	v18 =	vadd.s32 $0x380, v1;
	v1 =	vld.idx.msk [tilespmem:v33+s10+$0x0], $0xffff;
	[tilespmem:s22+$0x100] =	vst v31  }
0x2e8: {  	v24 =	vadd.s32 $0x2C0, v0;
	[tilespmem:s5+$0x200] =	vst v6;
	v2 =	vld.idx.msk [tilespmem:v21+s10+$0x0], $0xffff  }
0x2e9: {  	v45 =	vmov v24;
	v24 =	vadd.s32 $0x100, v60;
	[tilespmem:s20+$0x100] =	vst v7;
	v26 =	vld.idx.msk [tilespmem:v23+s10+$0x0], $0xffff  }
0x2ea: {  	[tilespmem:s21+$0x100] =	vst v22;
	v6 =	vld.idx.msk [tilespmem:v20+s10+$0x0], $0xffff  }
0x2eb: {  	v14 =	vadd.s32 $0x100, v0;
	v7 =	vld.idx.msk [tilespmem:v27+s10+$0x0], $0xffff;
	[tilespmem:s29+$0x180] =	vst v35  }
0x2ec: {  	v20 =	vadd.s32 $0x380, v32;
	v27 =	vld.idx.msk [tilespmem:v47+s10+$0x0], $0xffff;
	[tilespmem:s28+$0x180] =	vst v63  }
0x2ed: {  	v29 =	vld.idx.msk [tilespmem:v41+s10+$0x0], $0xffff;
	[tilespmem:s23+$0x180] =	vst v1  }
0x2ee: {  	v63 =	vld.idx.msk [tilespmem:v24+s10+$0x0], $0xffff;
	[tilespmem:s22+$0x180] =	vst v2  }
0x2ef: {  	v15 =	vadd.s32 $0x100, v3;
	v25 =	vadd.s32 $0x140, v60;
	[tilespmem:s5+$0x280] =	vst v26;
	v26 =	vadd.s32 $0x3C0, v32;
	v32 =	vmovc v60;
	v60 =	vld [tilespmem:$0x1FD40]  }
0x2f0: {  	v24 =	vld.idx.msk [tilespmem:v14+s10+$0x0], $0xffff  }
0x2f1: {  	[tilespmem:s20+$0x180] =	vst v6;
	v6 =	vld.idx.msk [tilespmem:v20+s10+$0x0], $0xffff  }
0x2f2: {  	v14 =	vld.idx.msk [tilespmem:v16+s10+$0x0], $0xffff  }
0x2f3: {  	v19 =	vadd.s32 $0x380, v0;
	[tilespmem:s21+$0x180] =	vst v7;
	v16 =	vld [tilespmem:$0x1FD20]  }
0x2f4: {  	v7 =	vld.idx.msk [tilespmem:v15+s10+$0x0], $0xffff  }
0x2f5: {  	v11 =	vadd.s32 $0x140, v0;
	[tilespmem:s30+$0x180] =	vst v27;
	v27 =	vld.idx.msk [tilespmem:v42+s10+$0x0], $0xffff  }
0x2f6: {  	v28 =	vadd.s32 $0x2C0, v3;
	v20 =	vmov v19;
	v19 =	vmov v18;
	v18 =	vld [tilespmem:$0x1FD50]  }
0x2f7: {  	v47 =	vmov v28;
	[tilespmem:s29+$0x200] =	vst v29;
	v28 =	vld.idx.msk [tilespmem:v43+s10+$0x0], $0xffff  }
0x2f8: {  	v13 =	vadd.s32 $0x140, v3;
	[tilespmem:s23+$0x200] =	vst v63;
	v63 =	vld [tilespmem:$0x1FD90]  }
0x2f9: {  	v10 =	vadd.s32 $0x180, v0;
	v29 =	vld.idx.msk [tilespmem:v25+s10+$0x0], $0xffff;
	[tilespmem:s22+$0x200] =	vst v24  }
0x2fa: {  	v56 =	vadd.s32 $0x200, v0;
	v52 =	vadd.s32 $0x240, v0;
	v34 =	vadd.s32 $0x300, v0;
	[tilespmem:s5+$0x300] =	vst v6;
	v30 =	vld.idx.msk [tilespmem:v11+s10+$0x0], $0xffff  }
0x2fb: {  	v48 =	vadd.s32 $0x280, v0;
	v61 =	vadd.s32 $0x340, v0;
	v49 =	vmovc v59;
	v59 =	vadd.s32 $0x3C0, v0;
	[tilespmem:s20+$0x200] =	vst v14;
	v0 =	vld.idx.msk [tilespmem:v26+s10+$0x0], $0xffff  }
0x2fc: {  	[tilespmem:s21+$0x200] =	vst v7;
	v6 =	vld.idx.msk [tilespmem:v12+s10+$0x0], $0xffff  }
0x2fd: {  	v7 =	vld.idx.msk [tilespmem:v13+s10+$0x0], $0xffff  }
0x2fe: {  	v33 =	vld.idx.msk [tilespmem:v39+s10+$0x0], $0xffff  }
0x2ff: {  	v31 =	vadd.s32 $0x180, v32;
	[tilespmem:s28+$0x200] =	vst v27;
	v39 =	vmov v61;
	v61 =	vld [tilespmem:$0x1FD60]  }
0x300: {  	v41 =	vmov v34;
	[tilespmem:s30+$0x200] =	vst v28;
	v34 =	vld.idx.msk [tilespmem:v40+s10+$0x0], $0xffff  }
0x301: {  	v37 =	vadd.s32 $0x340, v3;
	v42 =	vmov v36;
	v36 =	vld.idx.msk [tilespmem:v44+s10+$0x0], $0xffff  }
0x302: {  	v9 =	vadd.s32 $0x180, v3;
	v44 =	vmov v37;
	v37 =	vld [tilespmem:$0x1FD30]  }
0x303: {  	v54 =	vadd.s32 $0x200, v3;
	v4 =	vadd.s32 $0x300, v3;
	v40 =	vmov v62;
	v62 =	vld [tilespmem:$0x1FD80];
	[tilespmem:s23+$0x280] =	vst v29  }
0x304: {  	v57 =	vadd.s32 $0x3C0, v3;
	v51 =	vadd.s32 $0x240, v3;
	v17 =	vadd.s32 $0x380, v3;
	v3 =	vld.idx.msk [tilespmem:v31+s10+$0x0], $0xffff;
	[tilespmem:s22+$0x280] =	vst v30  }
0x305: {  	v43 =	vmov v4;
	[tilespmem:s20+$0x280] =	vst v6;
	v4 =	vld.idx.msk [tilespmem:v10+s10+$0x0], $0xffff  }
0x306: {  	[tilespmem:s21+$0x280] =	vst v7;
	v6 =	vld.idx.msk [tilespmem:v8+s10+$0x0], $0xffff  }
0x307: {  	v35 =	vadd.s32 $0x1C0, v32;
	v7 =	vld.idx.msk [tilespmem:v9+s10+$0x0], $0xffff;
	[tilespmem:s28+$0x280] =	vst v34  }
0x308: {  	[tilespmem:s30+$0x280] =	vst v36;
	v9 =	vld.idx.msk [tilespmem:v60+s10+$0x0], $0xffff  }
0x309: {  	[tilespmem:s29+$0x280] =	vst v33;
	v8 =	vld.idx.msk [tilespmem:v38+s10+$0x0], $0xffff  }
0x30a: {  	p1 =	slt.u32 s8, $0x7C;
	[tilespmem:s5+$0x380] =	vst v0;
	v1 =	vld.idx.msk [tilespmem:v37+s10+$0x0], $0xffff  }
.Ltmp3:
0x30b: {  	v38 =	vmov v17;
	v17 =	vld [tilespmem:$0x1FD70];
	[tilespmem:s23+$0x300] =	vst v3;
	(pc) =	sbr.rel @p1 .LBB2_5-.Ltmp3, $4  }
0x30c: {  	v12 =	vld.idx.msk [tilespmem:v35+s10+$0x0], $0xffff;
	[tilespmem:s22+$0x300] =	vst v4  }
0x30d: {  	[tilespmem:s20+$0x300] =	vst v6;
	v10 =	vld.idx.msk [tilespmem:v61+s10+$0x0], $0xffff  }
0x30e: {  	[tilespmem:s21+$0x300] =	vst v7;
	v13 =	vld.idx.msk [tilespmem:v62+s10+$0x0], $0xffff  }
0x30f: {  	v46 =	vmov v5;
	v14 =	vadd.s32 $0x200, v32;
	v11 =	vld.idx.msk [tilespmem:v63+s10+$0x0], $0xffff;
	[tilespmem:s29+$0x300] =	vst v1  }
0x310: {  	_ =	sdelay $0x2  }
0x311: {  	[tilespmem:s23+$0x380] =	vst v12  }
0x312: {  	[tilespmem:s22+$0x380] =	vst v10;
	v0 =	vld.idx.msk [tilespmem:v14+s10+$0x0], $0xffff  }
0x313: {  	v2 =	vadd.s32 $0x240, v32;
	v1 =	vld.idx.msk [tilespmem:v56+s10+$0x0], $0xffff;
	[tilespmem:s20+$0x380] =	vst v13  }
0x314: {  	v3 =	vld.idx.msk [tilespmem:v55+s10+$0x0], $0xffff;
	[tilespmem:s21+$0x380] =	vst v11  }
0x315: {  	s0 =	sadd.s32 $0xD800, s19;
	v4 =	vld.idx.msk [tilespmem:v54+s10+$0x0], $0xffff  }
0x316: {  	s4 =	sor.u32 s17, s0  }
0x317: {  	s1 =	sor.u32 s1, s0;
	[tilespmem:s4+$0x0] =	vst v0  }
0x318: {  	s5 =	sor.u32 s16, s0;
	[tilespmem:s1+$0x0] =	vst v1;
	v0 =	vld.idx.msk [tilespmem:v2+s10+$0x0], $0xffff  }
0x319: {  	v26 =	vadd.s32 $0x280, v32;
	s8 =	sor.u32 s18, s0;
	[tilespmem:s5+$0x0] =	vst v3;
	v27 =	vld.idx.msk [tilespmem:v52+s10+$0x0], $0xffff  }
0x31a: {  	v3 =	vld.idx.msk [tilespmem:v53+s10+$0x0], $0xffff;
	[tilespmem:s8+$0x0] =	vst v4  }
0x31b: {  	v4 =	vld.idx.msk [tilespmem:v51+s10+$0x0], $0xffff;
	_ =	sdelay $0x1  }
0x31c: {  	[tilespmem:s4+$0x80] =	vst v0  }
0x31d: {  	v0 =	vld.idx.msk [tilespmem:v26+s10+$0x0], $0xffff;
	[tilespmem:s1+$0x80] =	vst v27  }
0x31e: {  	v28 =	vadd.s32 $0x2C0, v32;
	[tilespmem:s5+$0x80] =	vst v3;
	v2 =	vld.idx.msk [tilespmem:v48+s10+$0x0], $0xffff  }
0x31f: {  	[tilespmem:s8+$0x80] =	vst v4;
	v3 =	vld.idx.msk [tilespmem:v49+s10+$0x0], $0xffff  }
0x320: {  	v4 =	vld.idx.msk [tilespmem:v50+s10+$0x0], $0xffff;
	_ =	sdelay $0x1  }
0x321: {  	[tilespmem:s4+$0x100] =	vst v0  }
0x322: {  	v0 =	vld.idx.msk [tilespmem:v28+s10+$0x0], $0xffff;
	[tilespmem:s1+$0x100] =	vst v2  }
0x323: {  	v29 =	vadd.s32 $0x300, v32;
	[tilespmem:s5+$0x100] =	vst v3;
	v2 =	vld.idx.msk [tilespmem:v45+s10+$0x0], $0xffff  }
0x324: {  	[tilespmem:s8+$0x100] =	vst v4;
	v3 =	vld.idx.msk [tilespmem:v46+s10+$0x0], $0xffff  }
0x325: {  	v4 =	vld.idx.msk [tilespmem:v47+s10+$0x0], $0xffff;
	_ =	sdelay $0x1  }
0x326: {  	[tilespmem:s4+$0x180] =	vst v0  }
0x327: {  	v0 =	vld.idx.msk [tilespmem:v29+s10+$0x0], $0xffff;
	[tilespmem:s1+$0x180] =	vst v2  }
0x328: {  	v30 =	vadd.s32 $0x340, v32;
	[tilespmem:s5+$0x180] =	vst v3;
	v2 =	vld.idx.msk [tilespmem:v41+s10+$0x0], $0xffff  }
0x329: {  	[tilespmem:s8+$0x180] =	vst v4;
	v3 =	vld.idx.msk [tilespmem:v42+s10+$0x0], $0xffff  }
0x32a: {  	v4 =	vld.idx.msk [tilespmem:v43+s10+$0x0], $0xffff;
	_ =	sdelay $0x1  }
0x32b: {  	[tilespmem:s4+$0x200] =	vst v0  }
0x32c: {  	v0 =	vld.idx.msk [tilespmem:v30+s10+$0x0], $0xffff;
	[tilespmem:s1+$0x200] =	vst v2  }
0x32d: {  	v31 =	vadd.s32 $0x380, v32;
	[tilespmem:s5+$0x200] =	vst v3;
	v2 =	vld.idx.msk [tilespmem:v39+s10+$0x0], $0xffff  }
0x32e: {  	[tilespmem:s8+$0x200] =	vst v4;
	v3 =	vld.idx.msk [tilespmem:v40+s10+$0x0], $0xffff  }
0x32f: {  	v4 =	vld.idx.msk [tilespmem:v44+s10+$0x0], $0xffff  }
0x330: {  	[tilespmem:s28+$0x300] =	vst v9  }
0x331: {  	v5 =	vld.idx.msk [tilespmem:v18+s10+$0x0], $0xffff;
	[tilespmem:s4+$0x280] =	vst v0  }
0x332: {  	v0 =	vld.idx.msk [tilespmem:v31+s10+$0x0], $0xffff;
	[tilespmem:s1+$0x280] =	vst v2  }
0x333: {  	v33 =	vadd.s32 $0x3C0, v32;
	v2 =	vld.idx.msk [tilespmem:v20+s10+$0x0], $0xffff;
	[tilespmem:s5+$0x280] =	vst v3  }
0x334: {  	v3 =	vld.idx.msk [tilespmem:v19+s10+$0x0], $0xffff;
	[tilespmem:s8+$0x280] =	vst v4  }
0x335: {  	[tilespmem:s30+$0x300] =	vst v8;
	v4 =	vld.idx.msk [tilespmem:v38+s10+$0x0], $0xffff  }
0x336: {  	v6 =	vld.idx.msk [tilespmem:v16+s10+$0x0], $0xffff;
	[tilespmem:s29+$0x380] =	vst v5  }
0x337: {  	v34 =	vld.idx.msk [tilespmem:v17+s10+$0x0], $0xffff;
	[tilespmem:s4+$0x300] =	vst v0  }
0x338: {  	v0 =	vld.idx.msk [tilespmem:v33+s10+$0x0], $0xffff;
	[tilespmem:s1+$0x300] =	vst v2  }
0x339: {  	v35 =	vld.idx.msk [tilespmem:v59+s10+$0x0], $0xffff;
	[tilespmem:s5+$0x300] =	vst v3  }
0x33a: {  	v36 =	vld.idx.msk [tilespmem:v58+s10+$0x0], $0xffff;
	[tilespmem:s8+$0x300] =	vst v4  }
0x33b: {  	[tilespmem:s28+$0x380] =	vst v6;
	v37 =	vld.idx.msk [tilespmem:v57+s10+$0x0], $0xffff  }
0x33c: {  	[tilespmem:s30+$0x380] =	vst v34  }
0x33d: {  	[tilespmem:s4+$0x380] =	vst v0  }
0x33e: {  	[tilespmem:s1+$0x380] =	vst v35  }
0x33f: {  	[tilespmem:s5+$0x380] =	vst v36  }
0x340: {  	[tilespmem:s8+$0x380] =	vst v37  }
0x341: {  	v4 =	vld [tilespmem:$0x1FE20];
	_ =	sdelay $0x6  }
0x342: {  	s24 =	simm.s32 $0x0  }
0x343: {  	v0 =	vld.idx.msk [tilespmem:v4+s24+$0x0], $0xffff;
	_ =	sdelay $0x4  }
0x344: {  	v3 =	vld [tilespmem:$0x1FE00];
	_ =	sdelay $0x2  }
0x345: {  	v1 =	vld.idx.msk [tilespmem:v0+s10+$0x0], $0xffff  }
0x346: {  	v38 =	vadd.s32 $0x40, v0;
	_ =	sdelay $0x1  }
0x347: {  	v40 =	vld [tilespmem:$0x1FE10];
	_ =	sdelay $0x1  }
0x348: {  	[tilespmem:v3+s13+$0x0] =	vst.idx.msk $0xffff, v1  }
0x349: {  	v1 =	vld.idx.msk [tilespmem:v38+s10+$0x0], $0xffff  }
0x34a: {  	v39 =	vadd.s32 $0x80, v0;
	_ =	sdelay $0x3  }
0x34b: {  	[tilespmem:v40+s13+$0x0] =	vst.idx.msk $0xffff, v1  }
0x34c: {  	v1 =	vld.idx.msk [tilespmem:v39+s10+$0x0], $0xffff  }
0x34d: {  	v41 =	vadd.s32 $0xC0, v0;
	_ =	sdelay $0x1  }
0x34e: {  	v43 =	vld [tilespmem:$0x1FE30];
	_ =	sdelay $0x1  }
0x34f: {  	[tilespmem:v4+s13+$0x0] =	vst.idx.msk $0xffff, v1  }
0x350: {  	v1 =	vld.idx.msk [tilespmem:v41+s10+$0x0], $0xffff  }
0x351: {  	v42 =	vadd.s32 $0x100, v0;
	_ =	sdelay $0x1  }
0x352: {  	v45 =	vld [tilespmem:$0x1FE40];
	_ =	sdelay $0x1  }
0x353: {  	[tilespmem:v43+s13+$0x0] =	vst.idx.msk $0xffff, v1  }
0x354: {  	v1 =	vld.idx.msk [tilespmem:v42+s10+$0x0], $0xffff  }
0x355: {  	v44 =	vadd.s32 $0x140, v0;
	_ =	sdelay $0x1  }
0x356: {  	v47 =	vld [tilespmem:$0x1FE50];
	_ =	sdelay $0x1  }
0x357: {  	[tilespmem:v45+s13+$0x0] =	vst.idx.msk $0xffff, v1  }
0x358: {  	v1 =	vld.idx.msk [tilespmem:v44+s10+$0x0], $0xffff  }
0x359: {  	v46 =	vadd.s32 $0x180, v0;
	_ =	sdelay $0x1  }
0x35a: {  	v49 =	vld [tilespmem:$0x1FE60];
	_ =	sdelay $0x1  }
0x35b: {  	[tilespmem:v47+s13+$0x0] =	vst.idx.msk $0xffff, v1  }
0x35c: {  	v1 =	vld.idx.msk [tilespmem:v46+s10+$0x0], $0xffff  }
0x35d: {  	v48 =	vadd.s32 $0x1C0, v0;
	_ =	sdelay $0x1  }
0x35e: {  	v51 =	vld [tilespmem:$0x1FE70];
	_ =	sdelay $0x1  }
0x35f: {  	[tilespmem:v49+s13+$0x0] =	vst.idx.msk $0xffff, v1  }
0x360: {  	v1 =	vld.idx.msk [tilespmem:v48+s10+$0x0], $0xffff  }
0x361: {  	v50 =	vadd.s32 $0x200, v0;
	_ =	sdelay $0x1  }
0x362: {  	v53 =	vld [tilespmem:$0x1FE80];
	_ =	sdelay $0x1  }
0x363: {  	[tilespmem:v51+s13+$0x0] =	vst.idx.msk $0xffff, v1  }
0x364: {  	v1 =	vld.idx.msk [tilespmem:v50+s10+$0x0], $0xffff  }
0x365: {  	v52 =	vadd.s32 $0x240, v0;
	_ =	sdelay $0x1  }
0x366: {  	v55 =	vld [tilespmem:$0x1FE90];
	_ =	sdelay $0x1  }
0x367: {  	[tilespmem:v53+s13+$0x0] =	vst.idx.msk $0xffff, v1  }
0x368: {  	v1 =	vld.idx.msk [tilespmem:v52+s10+$0x0], $0xffff  }
0x369: {  	v54 =	vadd.s32 $0x280, v0;
	_ =	sdelay $0x1  }
0x36a: {  	v57 =	vld [tilespmem:$0x1FEA0];
	_ =	sdelay $0x1  }
0x36b: {  	[tilespmem:v55+s13+$0x0] =	vst.idx.msk $0xffff, v1  }
0x36c: {  	v1 =	vld.idx.msk [tilespmem:v54+s10+$0x0], $0xffff  }
0x36d: {  	v56 =	vadd.s32 $0x2C0, v0;
	_ =	sdelay $0x1  }
0x36e: {  	v59 =	vld [tilespmem:$0x1FEB0];
	_ =	sdelay $0x1  }
0x36f: {  	[tilespmem:v57+s13+$0x0] =	vst.idx.msk $0xffff, v1  }
0x370: {  	v1 =	vld.idx.msk [tilespmem:v56+s10+$0x0], $0xffff  }
0x371: {  	v58 =	vadd.s32 $0x300, v0;
	_ =	sdelay $0x1  }
0x372: {  	v61 =	vld [tilespmem:$0x1FEC0];
	_ =	sdelay $0x1  }
0x373: {  	[tilespmem:v59+s13+$0x0] =	vst.idx.msk $0xffff, v1  }
0x374: {  	v1 =	vld.idx.msk [tilespmem:v58+s10+$0x0], $0xffff  }
0x375: {  	v60 =	vadd.s32 $0x340, v0;
	_ =	sdelay $0x1  }
0x376: {  	v63 =	vld [tilespmem:$0x1FED0];
	_ =	sdelay $0x1  }
0x377: {  	[tilespmem:v61+s13+$0x0] =	vst.idx.msk $0xffff, v1  }
0x378: {  	v1 =	vld.idx.msk [tilespmem:v60+s10+$0x0], $0xffff  }
0x379: {  	v62 =	vadd.s32 $0x380, v0;
	_ =	sdelay $0x1  }
0x37a: {  	v24 =	vld [tilespmem:$0x1FEE0];
	_ =	sdelay $0x1  }
0x37b: {  	[tilespmem:v63+s13+$0x0] =	vst.idx.msk $0xffff, v1  }
0x37c: {  	v1 =	vld.idx.msk [tilespmem:v62+s10+$0x0], $0xffff  }
0x37d: {  	v0 =	vadd.s32 $0x3C0, v0;
	_ =	sdelay $0x1  }
0x37e: {  	v25 =	vld [tilespmem:$0x1FEF0];
	_ =	sdelay $0x1  }
0x37f: {  	[tilespmem:v24+s13+$0x0] =	vst.idx.msk $0xffff, v1  }
0x380: {  	v0 =	vld.idx.msk [tilespmem:v0+s10+$0x0], $0xffff;
	_ =	sdelay $0x4  }
0x381: {  	[tilespmem:v25+s13+$0x0] =	vst.idx.msk $0xffff, v0  }
0x382: {  	v0 =	vld.idx.msk [tilespmem:v43+s24+$0x0], $0xffff;
	_ =	sdelay $0x4  }
0x383: {  	v27 =	vld [tilespmem:$0x1FF00];
	_ =	sdelay $0x2  }
0x384: {  	v1 =	vld.idx.msk [tilespmem:v0+s10+$0x0], $0xffff  }
0x385: {  	v26 =	vadd.s32 $0x40, v0;
	_ =	sdelay $0x1  }
0x386: {  	v29 =	vld [tilespmem:$0x1FF10];
	_ =	sdelay $0x1  }
0x387: {  	[tilespmem:v27+s13+$0x0] =	vst.idx.msk $0xffff, v1  }
0x388: {  	v1 =	vld.idx.msk [tilespmem:v26+s10+$0x0], $0xffff  }
0x389: {  	v28 =	vadd.s32 $0x80, v0;
	_ =	sdelay $0x1  }
0x38a: {  	v31 =	vld [tilespmem:$0x1FF20];
	_ =	sdelay $0x1  }
0x38b: {  	[tilespmem:v29+s13+$0x0] =	vst.idx.msk $0xffff, v1  }
0x38c: {  	v1 =	vld.idx.msk [tilespmem:v28+s10+$0x0], $0xffff  }
0x38d: {  	v30 =	vadd.s32 $0xC0, v0;
	_ =	sdelay $0x1  }
0x38e: {  	v33 =	vld [tilespmem:$0x1FF30];
	_ =	sdelay $0x1  }
0x38f: {  	[tilespmem:v31+s13+$0x0] =	vst.idx.msk $0xffff, v1  }
0x390: {  	v1 =	vld.idx.msk [tilespmem:v30+s10+$0x0], $0xffff  }
0x391: {  	v32 =	vadd.s32 $0x100, v0;
	_ =	sdelay $0x1  }
0x392: {  	v35 =	vld [tilespmem:$0x1FF40];
	_ =	sdelay $0x1  }
0x393: {  	[tilespmem:v33+s13+$0x0] =	vst.idx.msk $0xffff, v1  }
0x394: {  	v1 =	vld.idx.msk [tilespmem:v32+s10+$0x0], $0xffff  }
0x395: {  	v34 =	vadd.s32 $0x140, v0;
	_ =	sdelay $0x1  }
0x396: {  	v37 =	vld [tilespmem:$0x1FF50];
	_ =	sdelay $0x1  }
0x397: {  	[tilespmem:v35+s13+$0x0] =	vst.idx.msk $0xffff, v1  }
0x398: {  	v1 =	vld.idx.msk [tilespmem:v34+s10+$0x0], $0xffff  }
0x399: {  	v36 =	vadd.s32 $0x180, v0;
	_ =	sdelay $0x1  }
0x39a: {  	v39 =	vld [tilespmem:$0x1FF60];
	_ =	sdelay $0x1  }
0x39b: {  	[tilespmem:v37+s13+$0x0] =	vst.idx.msk $0xffff, v1  }
0x39c: {  	v1 =	vld.idx.msk [tilespmem:v36+s10+$0x0], $0xffff  }
0x39d: {  	v38 =	vadd.s32 $0x1C0, v0;
	_ =	sdelay $0x1  }
0x39e: {  	v41 =	vld [tilespmem:$0x1FF70];
	_ =	sdelay $0x1  }
0x39f: {  	[tilespmem:v39+s13+$0x0] =	vst.idx.msk $0xffff, v1  }
0x3a0: {  	v1 =	vld.idx.msk [tilespmem:v38+s10+$0x0], $0xffff  }
0x3a1: {  	v40 =	vadd.s32 $0x200, v0;
	_ =	sdelay $0x1  }
0x3a2: {  	v43 =	vld [tilespmem:$0x1FF80];
	_ =	sdelay $0x1  }
0x3a3: {  	[tilespmem:v41+s13+$0x0] =	vst.idx.msk $0xffff, v1  }
0x3a4: {  	v1 =	vld.idx.msk [tilespmem:v40+s10+$0x0], $0xffff  }
0x3a5: {  	v42 =	vadd.s32 $0x240, v0;
	_ =	sdelay $0x1  }
0x3a6: {  	v45 =	vld [tilespmem:$0x1FF90];
	_ =	sdelay $0x1  }
0x3a7: {  	[tilespmem:v43+s13+$0x0] =	vst.idx.msk $0xffff, v1  }
0x3a8: {  	v1 =	vld.idx.msk [tilespmem:v42+s10+$0x0], $0xffff  }
0x3a9: {  	v44 =	vadd.s32 $0x280, v0;
	_ =	sdelay $0x1  }
0x3aa: {  	v47 =	vld [tilespmem:$0x1FFA0];
	_ =	sdelay $0x1  }
0x3ab: {  	[tilespmem:v45+s13+$0x0] =	vst.idx.msk $0xffff, v1  }
0x3ac: {  	v1 =	vld.idx.msk [tilespmem:v44+s10+$0x0], $0xffff  }
0x3ad: {  	v46 =	vadd.s32 $0x2C0, v0;
	_ =	sdelay $0x1  }
0x3ae: {  	v49 =	vld [tilespmem:$0x1FFB0];
	_ =	sdelay $0x1  }
0x3af: {  	[tilespmem:v47+s13+$0x0] =	vst.idx.msk $0xffff, v1  }
0x3b0: {  	v1 =	vld.idx.msk [tilespmem:v46+s10+$0x0], $0xffff  }
0x3b1: {  	v48 =	vadd.s32 $0x300, v0;
	_ =	sdelay $0x1  }
0x3b2: {  	v51 =	vld [tilespmem:$0x1FFC0];
	_ =	sdelay $0x1  }
0x3b3: {  	[tilespmem:v49+s13+$0x0] =	vst.idx.msk $0xffff, v1  }
0x3b4: {  	v1 =	vld.idx.msk [tilespmem:v48+s10+$0x0], $0xffff  }
0x3b5: {  	v50 =	vadd.s32 $0x340, v0;
	_ =	sdelay $0x1  }
0x3b6: {  	v53 =	vld [tilespmem:$0x1FFD0];
	_ =	sdelay $0x1  }
0x3b7: {  	[tilespmem:v51+s13+$0x0] =	vst.idx.msk $0xffff, v1  }
0x3b8: {  	v1 =	vld.idx.msk [tilespmem:v50+s10+$0x0], $0xffff  }
0x3b9: {  	v52 =	vadd.s32 $0x380, v0;
	_ =	sdelay $0x1  }
0x3ba: {  	v54 =	vld [tilespmem:$0x1FFE0];
	_ =	sdelay $0x1  }
0x3bb: {  	[tilespmem:v53+s13+$0x0] =	vst.idx.msk $0xffff, v1  }
0x3bc: {  	v1 =	vld.idx.msk [tilespmem:v52+s10+$0x0], $0xffff  }
0x3bd: {  	v0 =	vadd.s32 $0x3C0, v0;
	_ =	sdelay $0x1  }
0x3be: {  	v55 =	vld [tilespmem:$0x1FFF0];
	_ =	sdelay $0x1  }
0x3bf: {  	[tilespmem:v54+s13+$0x0] =	vst.idx.msk $0xffff, v1  }
0x3c0: {  	v0 =	vld.idx.msk [tilespmem:v0+s10+$0x0], $0xffff  }
0x3c1: {  	s4 =	smul.u32 $0x4800, s26;
	_ =	sdelay $0x1  }
0x3c2: {  	s0 =	sshrl.u32 s4, $0x3  }
0x3c3: {  	s26 =	sadd.s32 s6, s0  }
0x3c4: {  	s5 =	simm.s32 $0x0;
	s0 =	sadd.s32 $0x1200, s26;
	[tilespmem:v55+s13+$0x0] =	vst.idx.msk $0xffff, v0  }
0x3c5: {  	[hbm4b:s0+s24] =	stream.linear.scatter [tilespmem:s13], [sflag:$0x2], $0x9000, $0x38;
	[tilespmem:$0x14800] =	vst v63  }
0x3c6: {  	s2 =	sand.u32 $0x1C00, s24;
	s0 =	sand.u32 $0x3FFFFF80, s5  }
0x3c7: {  	s19 =	sand.u32 $0x40, s24;
	_ =	swait.ge [sflag:s14], $0x9000;
	s0 =	sadd.s32 s0, s2  }
0x3c8: {  	s5 =	sor.u32 $0x30, s19;
	[sflag:s14] =	ssyncset.done $0x0;
	s0 =	sadd.s32 $0x200, s0  }
0x3c9: {  	[sflag:s14] =	ssyncadd.s32 $0xFFFF7000;
	s7 =	sor.u32 s5, s0  }
0x3ca: {  	s20 =	sor.u32 $0x10, s19;
	s8 =	sor.u32 s19, s0;
	v35 =	vld [tilespmem:s7+$0x0]  }
0x3cb: {  	s9 =	sor.u32 s20, s0;
	v33 =	vld [tilespmem:s8+$0x0]  }
0x3cc: {  	v36 =	vld [tilespmem:s9+$0x0]  }
0x3cd: {  	s8 =	sor.u32 $0x20, s19  }
0x3ce: {  	s0 =	sor.u32 s8, s0  }
0x3cf: {  	v34 =	vld [tilespmem:s0+$0x0]  }
0x3d0: {  	s16 =	simm.s32 $0x0  }
0x3d1: {  	s0 =	smul.u32 $0x12000, s16  }
0x3d2: {  	v56 =	vld.idx.msk [tilespmem:v35+s10+$0x0], $0xffff  }
0x3d3: {  	s0 =	sshra.s32 s0, $0x2;
	v58 =	vadd.s32 $0x40, v35;
	v57 =	vld.idx.msk [tilespmem:v33+s10+$0x0], $0xffff  }
0x3d4: {  	v59 =	vadd.s32 $0x40, v33;
	s18 =	sadd.s32 s2, s0;
	v60 =	vld.idx.msk [tilespmem:v36+s10+$0x0], $0xffff  }
0x3d5: {  	v61 =	vadd.s32 $0x40, v36;
	s0 =	sadd.s32 $0x2400, s18  }
0x3d6: {  	s17 =	sor.u32 s5, s0  }
0x3d7: {  	s21 =	sor.u32 s19, s0;
	v6 =	vld.idx.msk [tilespmem:v34+s10+$0x0], $0xffff;
	[tilespmem:s17+$0x0] =	vst v56  }
0x3d8: {  	v62 =	vadd.s32 $0x40, v34;
	s23 =	sor.u32 s20, s0;
	[tilespmem:s21+$0x0] =	vst v57;
	v63 =	vld.idx.msk [tilespmem:v58+s10+$0x0], $0xffff  }
0x3d9: {  	v25 =	vadd.s32 $0x80, v35;
	[tilespmem:s23+$0x0] =	vst v60;
	v24 =	vld.idx.msk [tilespmem:v59+s10+$0x0], $0xffff  }
0x3da: {  	v26 =	vadd.s32 $0x80, v33;
	v5 =	vld.idx.msk [tilespmem:v61+s10+$0x0], $0xffff  }
0x3db: {  	v7 =	vadd.s32 $0x80, v36;
	s24 =	sor.u32 s8, s0  }
0x3dc: {  	[tilespmem:s24+$0x0] =	vst v6  }
0x3dd: {  	v0 =	vld.idx.msk [tilespmem:v62+s10+$0x0], $0xffff;
	[tilespmem:s17+$0x80] =	vst v63  }
0x3de: {  	v27 =	vadd.s32 $0x80, v34;
	[tilespmem:s21+$0x80] =	vst v24;
	v28 =	vld.idx.msk [tilespmem:v25+s10+$0x0], $0xffff  }
0x3df: {  	v30 =	vadd.s32 $0xC0, v35;
	[tilespmem:s23+$0x80] =	vst v5;
	v29 =	vld.idx.msk [tilespmem:v26+s10+$0x0], $0xffff  }
0x3e0: {  	v31 =	vadd.s32 $0xC0, v33;
	v6 =	vld.idx.msk [tilespmem:v7+s10+$0x0], $0xffff  }
0x3e1: {  	v7 =	vadd.s32 $0xC0, v36  }
0x3e2: {  	[tilespmem:s24+$0x80] =	vst v0  }
0x3e3: {  	v0 =	vld.idx.msk [tilespmem:v27+s10+$0x0], $0xffff;
	[tilespmem:s17+$0x100] =	vst v28  }
0x3e4: {  	v32 =	vadd.s32 $0xC0, v34;
	[tilespmem:s21+$0x100] =	vst v29;
	v2 =	vld.idx.msk [tilespmem:v30+s10+$0x0], $0xffff  }
0x3e5: {  	v37 =	vadd.s32 $0x100, v35;
	[tilespmem:s23+$0x100] =	vst v6;
	v3 =	vld.idx.msk [tilespmem:v31+s10+$0x0], $0xffff  }
0x3e6: {  	v38 =	vadd.s32 $0x100, v33;
	v6 =	vld.idx.msk [tilespmem:v7+s10+$0x0], $0xffff  }
0x3e7: {  	v7 =	vadd.s32 $0x100, v36  }
0x3e8: {  	[tilespmem:s24+$0x100] =	vst v0  }
0x3e9: {  	v0 =	vld.idx.msk [tilespmem:v32+s10+$0x0], $0xffff;
	[tilespmem:s17+$0x180] =	vst v2  }
0x3ea: {  	v39 =	vadd.s32 $0x100, v34;
	[tilespmem:s21+$0x180] =	vst v3;
	v2 =	vld.idx.msk [tilespmem:v37+s10+$0x0], $0xffff  }
0x3eb: {  	v40 =	vadd.s32 $0x140, v35;
	[tilespmem:s23+$0x180] =	vst v6;
	v3 =	vld.idx.msk [tilespmem:v38+s10+$0x0], $0xffff  }
0x3ec: {  	v41 =	vadd.s32 $0x140, v33;
	v6 =	vld.idx.msk [tilespmem:v7+s10+$0x0], $0xffff  }
0x3ed: {  	v7 =	vadd.s32 $0x140, v36  }
0x3ee: {  	[tilespmem:s24+$0x180] =	vst v0  }
0x3ef: {  	v0 =	vld.idx.msk [tilespmem:v39+s10+$0x0], $0xffff;
	[tilespmem:s17+$0x200] =	vst v2  }
0x3f0: {  	v42 =	vadd.s32 $0x140, v34;
	[tilespmem:s21+$0x200] =	vst v3;
	v2 =	vld.idx.msk [tilespmem:v40+s10+$0x0], $0xffff  }
0x3f1: {  	v43 =	vadd.s32 $0x180, v35;
	[tilespmem:s23+$0x200] =	vst v6;
	v3 =	vld.idx.msk [tilespmem:v41+s10+$0x0], $0xffff  }
0x3f2: {  	v44 =	vadd.s32 $0x180, v33;
	v6 =	vld.idx.msk [tilespmem:v7+s10+$0x0], $0xffff  }
0x3f3: {  	v7 =	vadd.s32 $0x180, v36  }
0x3f4: {  	[tilespmem:s24+$0x200] =	vst v0  }
0x3f5: {  	v0 =	vld.idx.msk [tilespmem:v42+s10+$0x0], $0xffff;
	[tilespmem:s17+$0x280] =	vst v2  }
0x3f6: {  	v45 =	vadd.s32 $0x180, v34;
	[tilespmem:s21+$0x280] =	vst v3;
	v2 =	vld.idx.msk [tilespmem:v43+s10+$0x0], $0xffff  }
0x3f7: {  	v46 =	vadd.s32 $0x1C0, v35;
	[tilespmem:s23+$0x280] =	vst v6;
	v3 =	vld.idx.msk [tilespmem:v44+s10+$0x0], $0xffff  }
0x3f8: {  	v47 =	vadd.s32 $0x1C0, v33;
	v6 =	vld.idx.msk [tilespmem:v7+s10+$0x0], $0xffff  }
0x3f9: {  	v7 =	vadd.s32 $0x1C0, v36  }
0x3fa: {  	s31 =	simm.s32 $0x200;
	s22 =	simm.s32 $0x8;
	[tilespmem:s24+$0x280] =	vst v0  }
0x3fb: {  	s2 =	sand.u32 $0x1C00, s31;
	s0 =	sand.u32 $0x3FFFFF80, s22;
	v0 =	vld.idx.msk [tilespmem:v45+s10+$0x0], $0xffff;
	[tilespmem:s17+$0x300] =	vst v2  }
0x3fc: {  	s4 =	simm.s32 $0x40;
	v48 =	vadd.s32 $0x1C0, v34;
	s0 =	sadd.s32 s0, s2;
	[tilespmem:s21+$0x300] =	vst v3;
	v2 =	vld.idx.msk [tilespmem:v46+s10+$0x0], $0xffff  }
0x3fd: {  	s1 =	sand.u32 $0x40, s4;
	v49 =	vadd.s32 $0x200, v35;
	s0 =	sadd.s32 $0x200, s0;
	[tilespmem:s23+$0x300] =	vst v6;
	v3 =	vld.idx.msk [tilespmem:v47+s10+$0x0], $0xffff  }
0x3fe: {  	v50 =	vadd.s32 $0x200, v33;
	s9 =	sor.u32 s1, s0;
	v6 =	vld.idx.msk [tilespmem:v7+s10+$0x0], $0xffff  }
0x3ff: {  	v38 =	vld [tilespmem:s9+$0x0];
	v7 =	vadd.s32 $0x200, v36  }
0x400: {  	[tilespmem:s24+$0x300] =	vst v0  }
0x401: {  	v0 =	vld.idx.msk [tilespmem:v48+s10+$0x0], $0xffff;
	[tilespmem:s17+$0x380] =	vst v2  }
0x402: {  	[tilespmem:s21+$0x380] =	vst v3;
	v51 =	vld.idx.msk [tilespmem:v49+s10+$0x0], $0xffff  }
0x403: {  	s16 =	sor.u32 $0x10, s1;
	v55 =	vadd.s32 $0x200, v34;
	[tilespmem:s23+$0x380] =	vst v6;
	v52 =	vld.idx.msk [tilespmem:v50+s10+$0x0], $0xffff  }
0x404: {  	s17 =	sor.u32 $0x30, s1;
	s23 =	sor.u32 s16, s0;
	v54 =	vld.idx.msk [tilespmem:v7+s10+$0x0], $0xffff  }
0x405: {  	v53 =	vadd.s32 $0x240, v35;
	s7 =	sor.u32 s17, s0;
	v57 =	vld [tilespmem:s23+$0x0]  }
0x406: {  	v6 =	vadd.s32 $0x240, v33;
	v32 =	vld [tilespmem:s7+$0x0]  }
0x407: {  	v8 =	vld.idx.msk [tilespmem:v38+s10+$0x0], $0xffff;
	v7 =	vadd.s32 $0x240, v36;
	s7 =	sadd.s32 $0x4800, s18;
	s18 =	sor.u32 $0x20, s1;
	[tilespmem:s24+$0x380] =	vst v0  }
0x408: {  	s24 =	simm.s32 $0x0;
	s5 =	sor.u32 s5, s7;
	s0 =	sor.u32 s18, s0;
	v0 =	vld.idx.msk [tilespmem:v55+s10+$0x0], $0xffff  }
0x409: {  	s29 =	sor.u32 s19, s7;
	v60 =	vld [tilespmem:s0+$0x0];
	s0 =	smul.u32 $0x12000, s24;
	[tilespmem:s5+$0x0] =	vst v51  }
0x40a: {  	v63 =	vadd.s32 $0x240, v34;
	s28 =	sor.u32 s20, s7;
	[tilespmem:s29+$0x0] =	vst v52;
	v1 =	vld.idx.msk [tilespmem:v53+s10+$0x0], $0xffff  }
0x40b: {  	v9 =	vadd.s32 $0x40, v38;
	[tilespmem:s28+$0x0] =	vst v54;
	s0 =	sshra.s32 s0, $0x2;
	v62 =	vld.idx.msk [tilespmem:v6+s10+$0x0], $0xffff  }
0x40c: {  	v4 =	vld.idx.msk [tilespmem:v7+s10+$0x0], $0xffff;
	s19 =	sadd.s32 s2, s0  }
0x40d: {  	v61 =	vadd.s32 $0x280, v35;
	s30 =	sor.u32 s8, s7;
	s0 =	sadd.s32 $0x2400, s19;
	v10 =	vld.idx.msk [tilespmem:v57+s10+$0x0], $0xffff  }
0x40e: {  	v7 =	vadd.s32 $0x280, v33;
	[tilespmem:s30+$0x0] =	vst v0;
	s22 =	sor.u32 s1, s0;
	v6 =	vld.idx.msk [tilespmem:v32+s10+$0x0], $0xffff  }
0x40f: {  	v11 =	vadd.s32 $0x40, v57;
	v27 =	vld.idx.msk [tilespmem:v63+s10+$0x0], $0xffff;
	[tilespmem:s22+$0x0] =	vst v8  }
0x410: {  	v8 =	vadd.s32 $0x280, v34;
	v9 =	vld.idx.msk [tilespmem:v9+s10+$0x0], $0xffff;
	[tilespmem:s5+$0x80] =	vst v1  }
0x411: {  	v24 =	vadd.s32 $0x40, v32;
	s20 =	sor.u32 s16, s0;
	v25 =	vld.idx.msk [tilespmem:v60+s10+$0x0], $0xffff;
	[tilespmem:s29+$0x80] =	vst v62  }
0x412: {  	s23 =	sor.u32 s17, s0;
	v28 =	vadd.s32 $0x40, v60;
	v2 =	vld.idx.msk [tilespmem:v61+s10+$0x0], $0xffff;
	[tilespmem:s20+$0x0] =	vst v10  }
0x413: {  	v26 =	vadd.s32 $0x2C0, v35;
	[tilespmem:s23+$0x0] =	vst v6;
	v6 =	vld.idx.msk [tilespmem:v7+s10+$0x0], $0xffff  }
0x414: {  	v10 =	vadd.s32 $0x80, v38;
	[tilespmem:s30+$0x80] =	vst v27;
	v11 =	vld.idx.msk [tilespmem:v11+s10+$0x0], $0xffff  }
0x415: {  	s21 =	sor.u32 s18, s0;
	[tilespmem:s28+$0x80] =	vst v4;
	v7 =	vadd.s32 $0x280, v36;
	v37 =	vld.idx.msk [tilespmem:v8+s10+$0x0], $0xffff  }
0x416: {  	v31 =	vadd.s32 $0x80, v57;
	v1 =	vld.idx.msk [tilespmem:v24+s10+$0x0], $0xffff;
	[tilespmem:s21+$0x0] =	vst v25  }
0x417: {  	v29 =	vadd.s32 $0x80, v32;
	[tilespmem:s5+$0x100] =	vst v2;
	v0 =	vld.idx.msk [tilespmem:v28+s10+$0x0], $0xffff  }
0x418: {  	v8 =	vadd.s32 $0x2C0, v33;
	[tilespmem:s22+$0x80] =	vst v9;
	v3 =	vld.idx.msk [tilespmem:v26+s10+$0x0], $0xffff  }
0x419: {  	v30 =	vadd.s32 $0x300, v35;
	v10 =	vld.idx.msk [tilespmem:v10+s10+$0x0], $0xffff;
	[tilespmem:s29+$0x100] =	vst v6  }
0x41a: {  	v6 =	vld.idx.msk [tilespmem:v7+s10+$0x0], $0xffff;
	v7 =	vadd.s32 $0x80, v60;
	[tilespmem:s20+$0x80] =	vst v11  }
0x41b: {  	v11 =	vadd.s32 $0xC0, v38;
	[tilespmem:s23+$0x80] =	vst v1;
	v5 =	vld.idx.msk [tilespmem:v31+s10+$0x0], $0xffff  }
0x41c: {  	v9 =	vadd.s32 $0x2C0, v36;
	v2 =	vld.idx.msk [tilespmem:v29+s10+$0x0], $0xffff;
	[tilespmem:s21+$0x80] =	vst v0  }
0x41d: {  	v39 =	vadd.s32 $0xC0, v32;
	v8 =	vld.idx.msk [tilespmem:v8+s10+$0x0], $0xffff;
	[tilespmem:s5+$0x180] =	vst v3  }
0x41e: {  	[tilespmem:s22+$0x100] =	vst v10;
	v10 =	vadd.s32 $0x300, v33;
	v4 =	vld.idx.msk [tilespmem:v30+s10+$0x0], $0xffff  }
0x41f: {  	v0 =	vld.idx.msk [tilespmem:v7+s10+$0x0], $0xffff;
	v7 =	vadd.s32 $0xC0, v57  }
0x420: {  	[tilespmem:s28+$0x100] =	vst v6;
	v6 =	vadd.s32 $0x340, v35;
	v11 =	vld.idx.msk [tilespmem:v11+s10+$0x0], $0xffff  }
0x421: {  	v40 =	vadd.s32 $0xC0, v60;
	v41 =	vld.idx.msk [tilespmem:v9+s10+$0x0], $0xffff;
	[tilespmem:s23+$0x100] =	vst v2  }
0x422: {  	v9 =	vadd.s32 $0x2C0, v34;
	[tilespmem:s29+$0x180] =	vst v8;
	v3 =	vld.idx.msk [tilespmem:v39+s10+$0x0], $0xffff  }
0x423: {  	v42 =	vadd.s32 $0x100, v32;
	[tilespmem:s20+$0x100] =	vst v5;
	v46 =	vld.idx.msk [tilespmem:v10+s10+$0x0], $0xffff  }
0x424: {  	v10 =	vadd.s32 $0x300, v36;
	[tilespmem:s5+$0x200] =	vst v4;
	v7 =	vld.idx.msk [tilespmem:v7+s10+$0x0], $0xffff  }
0x425: {  	[tilespmem:s21+$0x100] =	vst v0;
	v43 =	vld.idx.msk [tilespmem:v6+s10+$0x0], $0xffff;
	v6 =	vadd.s32 $0x100, v38  }
0x426: {  	[tilespmem:s30+$0x100] =	vst v37;
	v8 =	vadd.s32 $0x100, v57;
	v0 =	vld.idx.msk [tilespmem:v40+s10+$0x0], $0xffff  }
0x427: {  	v44 =	vadd.s32 $0x380, v35;
	v45 =	vld.idx.msk [tilespmem:v9+s10+$0x0], $0xffff;
	[tilespmem:s23+$0x180] =	vst v3  }
0x428: {  	[tilespmem:s28+$0x180] =	vst v41;
	v9 =	vadd.s32 $0x100, v60;
	v4 =	vld.idx.msk [tilespmem:v42+s10+$0x0], $0xffff  }
0x429: {  	[tilespmem:s22+$0x180] =	vst v11;
	v11 =	vadd.s32 $0x300, v34;
	v49 =	vld.idx.msk [tilespmem:v10+s10+$0x0], $0xffff  }
0x42a: {  	[tilespmem:s20+$0x180] =	vst v7;
	v6 =	vld.idx.msk [tilespmem:v6+s10+$0x0], $0xffff  }
0x42b: {  	v47 =	vadd.s32 $0x140, v32;
	[tilespmem:s5+$0x280] =	vst v43;
	v8 =	vld.idx.msk [tilespmem:v8+s10+$0x0], $0xffff  }
0x42c: {  	v7 =	vadd.s32 $0x140, v38;
	[tilespmem:s21+$0x180] =	vst v0;
	v1 =	vld.idx.msk [tilespmem:v44+s10+$0x0], $0xffff  }
0x42d: {  	[tilespmem:s30+$0x180] =	vst v45;
	v0 =	vld.idx.msk [tilespmem:v9+s10+$0x0], $0xffff;
	v9 =	vadd.s32 $0x140, v57  }
0x42e: {  	[tilespmem:s29+$0x200] =	vst v46;
	v50 =	vld.idx.msk [tilespmem:v11+s10+$0x0], $0xffff;
	v11 =	vadd.s32 $0x340, v33  }
0x42f: {  	v48 =	vadd.s32 $0x3C0, v35;
	[tilespmem:s23+$0x200] =	vst v4  }
0x430: {  	v10 =	vadd.s32 $0x140, v60;
	v5 =	vld.idx.msk [tilespmem:v47+s10+$0x0], $0xffff;
	[tilespmem:s22+$0x200] =	vst v6  }
0x431: {  	v52 =	vadd.s32 $0x340, v34;
	[tilespmem:s20+$0x200] =	vst v8;
	v7 =	vld.idx.msk [tilespmem:v7+s10+$0x0], $0xffff  }
0x432: {  	[tilespmem:s28+$0x200] =	vst v49;
	v6 =	vadd.s32 $0x340, v36;
	v9 =	vld.idx.msk [tilespmem:v9+s10+$0x0], $0xffff  }
0x433: {  	v51 =	vadd.s32 $0x180, v32;
	[tilespmem:s5+$0x300] =	vst v1;
	v11 =	vld.idx.msk [tilespmem:v11+s10+$0x0], $0xffff  }
0x434: {  	v8 =	vadd.s32 $0x180, v38;
	[tilespmem:s21+$0x200] =	vst v0;
	v2 =	vld.idx.msk [tilespmem:v48+s10+$0x0], $0xffff  }
0x435: {  	v53 =	vadd.s32 $0x180, v57;
	[tilespmem:s30+$0x200] =	vst v50;
	v10 =	vld.idx.msk [tilespmem:v10+s10+$0x0], $0xffff  }
0x436: {  	v61 =	vadd.s32 $0x180, v60;
	v0 =	vld.idx.msk [tilespmem:v52+s10+$0x0], $0xffff;
	[tilespmem:s23+$0x280] =	vst v5  }
0x437: {  	v12 =	vadd.s32 $0x380, v36;
	v62 =	vld.idx.msk [tilespmem:v6+s10+$0x0], $0xffff;
	v6 =	vadd.s32 $0x380, v33;
	[tilespmem:s22+$0x280] =	vst v7  }
0x438: {  	v18 =	vadd.s32 $0x3C0, v33;
	v16 =	vadd.s32 $0x3C0, v36;
	v17 =	vadd.s32 $0x3C0, v34;
	v1 =	vld.idx.msk [tilespmem:v51+s10+$0x0], $0xffff;
	[tilespmem:s20+$0x280] =	vst v9  }
0x439: {  	v56 =	vadd.s32 $0x200, v38;
	v20 =	vadd.s32 $0x380, v38;
	v13 =	vadd.s32 $0x1C0, v32;
	[tilespmem:s29+$0x280] =	vst v11;
	v8 =	vld.idx.msk [tilespmem:v8+s10+$0x0], $0xffff  }
0x43a: {  	v59 =	vadd.s32 $0x3C0, v38;
	v14 =	vadd.s32 $0x1C0, v57;
	v7 =	vadd.s32 $0x380, v34;
	v3 =	vld.idx.msk [tilespmem:v53+s10+$0x0], $0xffff;
	[tilespmem:s21+$0x280] =	vst v10  }
0x43b: {  	v55 =	vadd.s32 $0x200, v57;
	v19 =	vadd.s32 $0x380, v57;
	v63 =	vadd.s32 $0x1C0, v38;
	[tilespmem:s5+$0x380] =	vst v2;
	v4 =	vld.idx.msk [tilespmem:v61+s10+$0x0], $0xffff  }
0x43c: {  	v58 =	vadd.s32 $0x3C0, v57;
	v15 =	vadd.s32 $0x1C0, v60;
	v54 =	vadd.s32 $0x200, v60;
	v6 =	vld.idx.msk [tilespmem:v6+s10+$0x0], $0xffff;
	[tilespmem:s28+$0x280] =	vst v62  }
0x43d: {  	v39 =	vadd.s32 $0x340, v38;
	v41 =	vadd.s32 $0x300, v38;
	v40 =	vadd.s32 $0x340, v57;
	[tilespmem:s23+$0x300] =	vst v1;
	v9 =	vld.idx.msk [tilespmem:v12+s10+$0x0], $0xffff  }
0x43e: {  	v46 =	vadd.s32 $0x2C0, v57;
	v42 =	vadd.s32 $0x300, v57;
	v45 =	vadd.s32 $0x2C0, v38;
	[tilespmem:s30+$0x280] =	vst v0;
	v12 =	vld.idx.msk [tilespmem:v13+s10+$0x0], $0xffff  }
0x43f: {  	v43 =	vadd.s32 $0x300, v60;
	v44 =	vadd.s32 $0x340, v60;
	v49 =	vadd.s32 $0x280, v57;
	[tilespmem:s22+$0x300] =	vst v8;
	v8 =	vld.idx.msk [tilespmem:v7+s10+$0x0], $0xffff  }
0x440: {  	v47 =	vadd.s32 $0x2C0, v60;
	v50 =	vadd.s32 $0x280, v60;
	v52 =	vadd.s32 $0x240, v38;
	[tilespmem:s20+$0x300] =	vst v3;
	v10 =	vld.idx.msk [tilespmem:v63+s10+$0x0], $0xffff  }
0x441: {  	v48 =	vadd.s32 $0x280, v38;
	v38 =	vadd.s32 $0x380, v60;
	v51 =	vadd.s32 $0x240, v60;
	v13 =	vld.idx.msk [tilespmem:v14+s10+$0x0], $0xffff;
	[tilespmem:s21+$0x300] =	vst v4  }
0x442: {  	s8 =	simm.s32 $0x4;
	v53 =	vadd.s32 $0x240, v57;
	v57 =	vadd.s32 $0x3C0, v60;
	v14 =	vadd.s32 $0x200, v32;
	v11 =	vld.idx.msk [tilespmem:v15+s10+$0x0], $0xffff;
	[tilespmem:s29+$0x300] =	vst v6  }
.LBB2_7:
0x443: {  	[tilespmem:$0x1FCB0] =	vst v20;
	v1 =	vmov v59  }
0x444: {  	[tilespmem:$0x1FCD0] =	vst v1  }
0x445: {  	[tilespmem:s28+$0x300] =	vst v9  }
0x446: {  	s8 =	sadd.s32 $0x4, s8;
	[tilespmem:s30+$0x300] =	vst v8;
	v0 =	vld.idx.msk [tilespmem:v18+s10+$0x0], $0xffff  }
0x447: {  	s31 =	sadd.s32 $0x200, s31;
	s0 =	sshll.u32 s8, $0x1;
	v36 =	vld.idx.msk [tilespmem:v16+s10+$0x0], $0xffff;
	[tilespmem:s22+$0x380] =	vst v10  }
0x448: {  	s4 =	sadd.s32 $0x40, s4;
	v6 =	vmov v57;
	s0 =	sand.u32 $0x3FFFFF80, s0;
	[tilespmem:s23+$0x380] =	vst v12;
	s23 =	sand.u32 $0x1C00, s31;
	v3 =	vld.idx.msk [tilespmem:v56+s10+$0x0], $0xffff  }
0x449: {  	s2 =	sand.u32 $0x40, s4;
	[tilespmem:$0x1FCF0] =	vst v6;
	v5 =	vld.idx.msk [tilespmem:v17+s10+$0x0], $0xffff;
	s0 =	sadd.s32 s0, s23  }
0x44a: {  	s9 =	sor.u32 $0x30, s2;
	[tilespmem:s20+$0x380] =	vst v13;
	v37 =	vld.idx.msk [tilespmem:v14+s10+$0x0], $0xffff;
	s0 =	sadd.s32 $0x200, s0  }
0x44b: {  	s19 =	sadd.s32 $0x4800, s19;
	s7 =	sor.u32 $0x10, s2;
	[tilespmem:s21+$0x380] =	vst v11;
	v6 =	vld.idx.msk [tilespmem:v55+s10+$0x0], $0xffff;
	s22 =	sor.u32 s9, s0  }
0x44c: {  	v4 =	vadd.s32 $0x240, v32;
	s20 =	sor.u32 $0x20, s2;
	s5 =	sor.u32 s2, s0;
	v60 =	vld [tilespmem:s22+$0x0];
	[tilespmem:s29+$0x380] =	vst v0;
	s29 =	sor.u32 s1, s19  }
0x44d: {  	s24 =	sor.u32 s7, s0;
	s0 =	sor.u32 s20, s0;
	v0 =	vld [tilespmem:s5+$0x0];
	[tilespmem:s29+$0x0] =	vst v3  }
0x44e: {  	v3 =	vld [tilespmem:s0+$0x0];
	[tilespmem:s30+$0x380] =	vst v5  }
0x44f: {  	v2 =	vmov v58;
	[tilespmem:s28+$0x380] =	vst v36;
	s5 =	sor.u32 s17, s19;
	v58 =	vld.idx.msk [tilespmem:v54+s10+$0x0], $0xffff  }
0x450: {  	v1 =	vld [tilespmem:s24+$0x0];
	[tilespmem:s5+$0x0] =	vst v37  }
0x451: {  	[tilespmem:$0x1FCA0] =	vst v2;
	v2 =	vld.idx.msk [tilespmem:v4+s10+$0x0], $0xffff  }
0x452: {  	[tilespmem:$0x1FCC0] =	vst v19;
	v59 =	vadd.s32 $0x280, v32;
	s28 =	sor.u32 s16, s19;
	s19 =	sor.u32 s18, s19  }
0x453: {  	[tilespmem:s28+$0x0] =	vst v6;
	s30 =	smov.u32 s19;
	v17 =	vld.idx.msk [tilespmem:v52+s10+$0x0], $0xffff  }
0x454: {  	s24 =	sshrl.u32 s8, $0x6;
	v19 =	vld.idx.msk [tilespmem:v53+s10+$0x0], $0xffff;
	v62 =	vadd.s32 $0x1C0, v0;
	[tilespmem:s30+$0x0] =	vst v58  }
0x455: {  	s0 =	smul.u32 $0x12000, s24;
	v23 =	vld.idx.msk [tilespmem:v60+s10+$0x0], $0xffff;
	[tilespmem:$0x1FCE0] =	vst v62  }
0x456: {  	v29 =	vadd.s32 $0x1C0, v1;
	[tilespmem:s5+$0x80] =	vst v2;
	v24 =	vld.idx.msk [tilespmem:v0+s10+$0x0], $0xffff  }
0x457: {  	s0 =	sshra.s32 s0, $0x2;
	v61 =	vadd.s32 $0x40, v60;
	[tilespmem:$0x1FD00] =	vst v29;
	v58 =	vadd.s32 $0x1C0, v3;
	v5 =	vld.idx.msk [tilespmem:v59+s10+$0x0], $0xffff  }
0x458: {  	s19 =	sadd.s32 s23, s0;
	v6 =	vadd.s32 $0x40, v0;
	[tilespmem:$0x1FD10] =	vst v58;
	v28 =	vld.idx.msk [tilespmem:v1+s10+$0x0], $0xffff  }
0x459: {  	s17 =	smov.u32 s9;
	s0 =	sadd.s32 $0x2400, s19;
	v63 =	vld.idx.msk [tilespmem:v3+s10+$0x0], $0xffff;
	[tilespmem:s29+$0x80] =	vst v17;
	v17 =	vadd.s32 $0x2C0, v32  }
0x45a: {  	s1 =	smov.u32 s2;
	v18 =	vadd.s32 $0x40, v1;
	s23 =	sor.u32 s17, s0;
	[tilespmem:s28+$0x80] =	vst v19;
	v19 =	vld.idx.msk [tilespmem:v51+s10+$0x0], $0xffff  }
0x45b: {  	v25 =	vadd.s32 $0x40, v3;
	s22 =	sor.u32 s1, s0;
	[tilespmem:s23+$0x0] =	vst v23;
	v23 =	vld.idx.msk [tilespmem:v48+s10+$0x0], $0xffff  }
0x45c: {  	s16 =	smov.u32 s7;
	v2 =	vld.idx.msk [tilespmem:v61+s10+$0x0], $0xffff;
	[tilespmem:s22+$0x0] =	vst v24  }
0x45d: {  	s18 =	smov.u32 s20;
	s20 =	sor.u32 s16, s0;
	[tilespmem:s5+$0x100] =	vst v5;
	v6 =	vld.idx.msk [tilespmem:v6+s10+$0x0], $0xffff  }
0x45e: {  	v31 =	vadd.s32 $0x80, v60;
	s21 =	sor.u32 s18, s0;
	[tilespmem:s20+$0x0] =	vst v28;
	v33 =	vld.idx.msk [tilespmem:v17+s10+$0x0], $0xffff  }
0x45f: {  	v7 =	vadd.s32 $0x80, v0;
	[tilespmem:s21+$0x0] =	vst v63;
	v35 =	vld.idx.msk [tilespmem:v18+s10+$0x0], $0xffff  }
0x460: {  	v63 =	vadd.s32 $0x300, v32;
	v25 =	vld.idx.msk [tilespmem:v25+s10+$0x0], $0xffff;
	[tilespmem:s30+$0x80] =	vst v19  }
0x461: {  	v22 =	vadd.s32 $0x80, v1;
	v29 =	vld.idx.msk [tilespmem:v50+s10+$0x0], $0xffff;
	[tilespmem:s29+$0x100] =	vst v23  }
0x462: {  	v26 =	vadd.s32 $0x80, v3;
	v30 =	vadd.s32 $0x280, v3;
	v23 =	vld.idx.msk [tilespmem:v49+s10+$0x0], $0xffff;
	[tilespmem:s23+$0x80] =	vst v2  }
0x463: {  	v50 =	vmov v30;
	v30 =	vld.idx.msk [tilespmem:v31+s10+$0x0], $0xffff;
	[tilespmem:s22+$0x80] =	vst v6  }
0x464: {  	[tilespmem:s5+$0x180] =	vst v33;
	v31 =	vld.idx.msk [tilespmem:v7+s10+$0x0], $0xffff  }
0x465: {  	[tilespmem:s20+$0x80] =	vst v35;
	v33 =	vadd.s32 $0xC0, v60;
	v6 =	vld.idx.msk [tilespmem:v63+s10+$0x0], $0xffff  }
0x466: {  	v21 =	vadd.s32 $0xC0, v0;
	v20 =	vadd.s32 $0xC0, v1;
	v16 =	vadd.s32 $0x100, v1;
	[tilespmem:s21+$0x80] =	vst v25;
	v7 =	vld.idx.msk [tilespmem:v22+s10+$0x0], $0xffff  }
0x467: {  	v27 =	vadd.s32 $0xC0, v3;
	v12 =	vadd.s32 $0x140, v1;
	v22 =	vld.idx.msk [tilespmem:v26+s10+$0x0], $0xffff;
	[tilespmem:s28+$0x100] =	vst v23;
	v23 =	vadd.s32 $0x340, v32  }
0x468: {  	v8 =	vadd.s32 $0x180, v1;
	v55 =	vadd.s32 $0x200, v1;
	v53 =	vadd.s32 $0x240, v1;
	v35 =	vld.idx.msk [tilespmem:v45+s10+$0x0], $0xffff;
	[tilespmem:s30+$0x100] =	vst v29  }
0x469: {  	v36 =	vadd.s32 $0x300, v1;
	v62 =	vadd.s32 $0x340, v1;
	v58 =	vadd.s32 $0x3C0, v1;
	v63 =	vld.idx.msk [tilespmem:v46+s10+$0x0], $0xffff;
	[tilespmem:s23+$0x100] =	vst v30  }
0x46a: {  	v59 =	vadd.s32 $0x280, v1;
	v5 =	vadd.s32 $0x2C0, v1;
	v18 =	vadd.s32 $0x380, v1;
	v1 =	vld.idx.msk [tilespmem:v33+s10+$0x0], $0xffff;
	[tilespmem:s22+$0x100] =	vst v31  }
0x46b: {  	v24 =	vadd.s32 $0x2C0, v0;
	[tilespmem:s5+$0x200] =	vst v6;
	v2 =	vld.idx.msk [tilespmem:v21+s10+$0x0], $0xffff  }
0x46c: {  	v45 =	vmov v24;
	v24 =	vadd.s32 $0x100, v60;
	[tilespmem:s20+$0x100] =	vst v7;
	v26 =	vld.idx.msk [tilespmem:v23+s10+$0x0], $0xffff  }
0x46d: {  	[tilespmem:s21+$0x100] =	vst v22;
	v6 =	vld.idx.msk [tilespmem:v20+s10+$0x0], $0xffff  }
0x46e: {  	v14 =	vadd.s32 $0x100, v0;
	v7 =	vld.idx.msk [tilespmem:v27+s10+$0x0], $0xffff;
	[tilespmem:s29+$0x180] =	vst v35  }
0x46f: {  	v20 =	vadd.s32 $0x380, v32;
	v27 =	vld.idx.msk [tilespmem:v47+s10+$0x0], $0xffff;
	[tilespmem:s28+$0x180] =	vst v63  }
0x470: {  	v29 =	vld.idx.msk [tilespmem:v41+s10+$0x0], $0xffff;
	[tilespmem:s23+$0x180] =	vst v1  }
0x471: {  	v63 =	vld.idx.msk [tilespmem:v24+s10+$0x0], $0xffff;
	[tilespmem:s22+$0x180] =	vst v2  }
0x472: {  	v15 =	vadd.s32 $0x100, v3;
	v25 =	vadd.s32 $0x140, v60;
	[tilespmem:s5+$0x280] =	vst v26;
	v26 =	vadd.s32 $0x3C0, v32;
	v32 =	vmovc v60;
	v60 =	vld [tilespmem:$0x1FCC0]  }
0x473: {  	v24 =	vld.idx.msk [tilespmem:v14+s10+$0x0], $0xffff  }
0x474: {  	[tilespmem:s20+$0x180] =	vst v6;
	v6 =	vld.idx.msk [tilespmem:v20+s10+$0x0], $0xffff  }
0x475: {  	v14 =	vld.idx.msk [tilespmem:v16+s10+$0x0], $0xffff  }
0x476: {  	v19 =	vadd.s32 $0x380, v0;
	[tilespmem:s21+$0x180] =	vst v7;
	v16 =	vld [tilespmem:$0x1FCA0]  }
0x477: {  	v7 =	vld.idx.msk [tilespmem:v15+s10+$0x0], $0xffff  }
0x478: {  	v11 =	vadd.s32 $0x140, v0;
	[tilespmem:s30+$0x180] =	vst v27;
	v27 =	vld.idx.msk [tilespmem:v42+s10+$0x0], $0xffff  }
0x479: {  	v28 =	vadd.s32 $0x2C0, v3;
	v20 =	vmov v19;
	v19 =	vmov v18;
	v18 =	vld [tilespmem:$0x1FCD0]  }
0x47a: {  	v47 =	vmov v28;
	[tilespmem:s29+$0x200] =	vst v29;
	v28 =	vld.idx.msk [tilespmem:v43+s10+$0x0], $0xffff  }
0x47b: {  	v13 =	vadd.s32 $0x140, v3;
	[tilespmem:s23+$0x200] =	vst v63;
	v63 =	vld [tilespmem:$0x1FD10]  }
0x47c: {  	v10 =	vadd.s32 $0x180, v0;
	v29 =	vld.idx.msk [tilespmem:v25+s10+$0x0], $0xffff;
	[tilespmem:s22+$0x200] =	vst v24  }
0x47d: {  	v56 =	vadd.s32 $0x200, v0;
	v52 =	vadd.s32 $0x240, v0;
	v34 =	vadd.s32 $0x300, v0;
	[tilespmem:s5+$0x300] =	vst v6;
	v30 =	vld.idx.msk [tilespmem:v11+s10+$0x0], $0xffff  }
0x47e: {  	v48 =	vadd.s32 $0x280, v0;
	v61 =	vadd.s32 $0x340, v0;
	v49 =	vmovc v59;
	v59 =	vadd.s32 $0x3C0, v0;
	[tilespmem:s20+$0x200] =	vst v14;
	v0 =	vld.idx.msk [tilespmem:v26+s10+$0x0], $0xffff  }
0x47f: {  	[tilespmem:s21+$0x200] =	vst v7;
	v6 =	vld.idx.msk [tilespmem:v12+s10+$0x0], $0xffff  }
0x480: {  	v7 =	vld.idx.msk [tilespmem:v13+s10+$0x0], $0xffff  }
0x481: {  	v33 =	vld.idx.msk [tilespmem:v39+s10+$0x0], $0xffff  }
0x482: {  	v31 =	vadd.s32 $0x180, v32;
	[tilespmem:s28+$0x200] =	vst v27;
	v39 =	vmov v61;
	v61 =	vld [tilespmem:$0x1FCE0]  }
0x483: {  	v41 =	vmov v34;
	[tilespmem:s30+$0x200] =	vst v28;
	v34 =	vld.idx.msk [tilespmem:v40+s10+$0x0], $0xffff  }
0x484: {  	v37 =	vadd.s32 $0x340, v3;
	v42 =	vmov v36;
	v36 =	vld.idx.msk [tilespmem:v44+s10+$0x0], $0xffff  }
0x485: {  	v9 =	vadd.s32 $0x180, v3;
	v44 =	vmov v37;
	v37 =	vld [tilespmem:$0x1FCB0]  }
0x486: {  	v54 =	vadd.s32 $0x200, v3;
	v4 =	vadd.s32 $0x300, v3;
	v40 =	vmov v62;
	v62 =	vld [tilespmem:$0x1FD00];
	[tilespmem:s23+$0x280] =	vst v29  }
0x487: {  	v57 =	vadd.s32 $0x3C0, v3;
	v51 =	vadd.s32 $0x240, v3;
	v17 =	vadd.s32 $0x380, v3;
	v3 =	vld.idx.msk [tilespmem:v31+s10+$0x0], $0xffff;
	[tilespmem:s22+$0x280] =	vst v30  }
0x488: {  	v43 =	vmov v4;
	[tilespmem:s20+$0x280] =	vst v6;
	v4 =	vld.idx.msk [tilespmem:v10+s10+$0x0], $0xffff  }
0x489: {  	[tilespmem:s21+$0x280] =	vst v7;
	v6 =	vld.idx.msk [tilespmem:v8+s10+$0x0], $0xffff  }
0x48a: {  	v35 =	vadd.s32 $0x1C0, v32;
	v7 =	vld.idx.msk [tilespmem:v9+s10+$0x0], $0xffff;
	[tilespmem:s28+$0x280] =	vst v34  }
0x48b: {  	[tilespmem:s30+$0x280] =	vst v36;
	v9 =	vld.idx.msk [tilespmem:v60+s10+$0x0], $0xffff  }
0x48c: {  	[tilespmem:s29+$0x280] =	vst v33;
	v8 =	vld.idx.msk [tilespmem:v38+s10+$0x0], $0xffff  }
0x48d: {  	p1 =	slt.u32 s8, $0x7C;
	[tilespmem:s5+$0x380] =	vst v0;
	v1 =	vld.idx.msk [tilespmem:v37+s10+$0x0], $0xffff  }
.Ltmp4:
0x48e: {  	v38 =	vmov v17;
	v17 =	vld [tilespmem:$0x1FCF0];
	[tilespmem:s23+$0x300] =	vst v3;
	(pc) =	sbr.rel @p1 .LBB2_7-.Ltmp4, $4  }
0x48f: {  	v12 =	vld.idx.msk [tilespmem:v35+s10+$0x0], $0xffff;
	[tilespmem:s22+$0x300] =	vst v4  }
0x490: {  	[tilespmem:s20+$0x300] =	vst v6;
	v10 =	vld.idx.msk [tilespmem:v61+s10+$0x0], $0xffff  }
0x491: {  	[tilespmem:s21+$0x300] =	vst v7;
	v13 =	vld.idx.msk [tilespmem:v62+s10+$0x0], $0xffff  }
0x492: {  	v46 =	vmov v5;
	v14 =	vadd.s32 $0x200, v32;
	v11 =	vld.idx.msk [tilespmem:v63+s10+$0x0], $0xffff;
	[tilespmem:s29+$0x300] =	vst v1  }
0x493: {  	_ =	sdelay $0x2  }
0x494: {  	[tilespmem:s23+$0x380] =	vst v12  }
0x495: {  	[tilespmem:s22+$0x380] =	vst v10;
	v0 =	vld.idx.msk [tilespmem:v14+s10+$0x0], $0xffff  }
0x496: {  	v2 =	vadd.s32 $0x240, v32;
	v1 =	vld.idx.msk [tilespmem:v56+s10+$0x0], $0xffff;
	[tilespmem:s20+$0x380] =	vst v13  }
0x497: {  	v3 =	vld.idx.msk [tilespmem:v55+s10+$0x0], $0xffff;
	[tilespmem:s21+$0x380] =	vst v11  }
0x498: {  	s0 =	sadd.s32 $0x4800, s19;
	v4 =	vld.idx.msk [tilespmem:v54+s10+$0x0], $0xffff  }
0x499: {  	s4 =	sor.u32 s17, s0  }
0x49a: {  	s1 =	sor.u32 s1, s0;
	[tilespmem:s4+$0x0] =	vst v0  }
0x49b: {  	s5 =	sor.u32 s16, s0;
	[tilespmem:s1+$0x0] =	vst v1;
	v0 =	vld.idx.msk [tilespmem:v2+s10+$0x0], $0xffff  }
0x49c: {  	v26 =	vadd.s32 $0x280, v32;
	s8 =	sor.u32 s18, s0;
	[tilespmem:s5+$0x0] =	vst v3;
	v27 =	vld.idx.msk [tilespmem:v52+s10+$0x0], $0xffff  }
0x49d: {  	v3 =	vld.idx.msk [tilespmem:v53+s10+$0x0], $0xffff;
	[tilespmem:s8+$0x0] =	vst v4  }
0x49e: {  	v4 =	vld.idx.msk [tilespmem:v51+s10+$0x0], $0xffff;
	_ =	sdelay $0x1  }
0x49f: {  	[tilespmem:s4+$0x80] =	vst v0  }
0x4a0: {  	v0 =	vld.idx.msk [tilespmem:v26+s10+$0x0], $0xffff;
	[tilespmem:s1+$0x80] =	vst v27  }
0x4a1: {  	v28 =	vadd.s32 $0x2C0, v32;
	[tilespmem:s5+$0x80] =	vst v3;
	v2 =	vld.idx.msk [tilespmem:v48+s10+$0x0], $0xffff  }
0x4a2: {  	[tilespmem:s8+$0x80] =	vst v4;
	v3 =	vld.idx.msk [tilespmem:v49+s10+$0x0], $0xffff  }
0x4a3: {  	v4 =	vld.idx.msk [tilespmem:v50+s10+$0x0], $0xffff;
	_ =	sdelay $0x1  }
0x4a4: {  	[tilespmem:s4+$0x100] =	vst v0  }
0x4a5: {  	v0 =	vld.idx.msk [tilespmem:v28+s10+$0x0], $0xffff;
	[tilespmem:s1+$0x100] =	vst v2  }
0x4a6: {  	v29 =	vadd.s32 $0x300, v32;
	[tilespmem:s5+$0x100] =	vst v3;
	v2 =	vld.idx.msk [tilespmem:v45+s10+$0x0], $0xffff  }
0x4a7: {  	[tilespmem:s8+$0x100] =	vst v4;
	v3 =	vld.idx.msk [tilespmem:v46+s10+$0x0], $0xffff  }
0x4a8: {  	v4 =	vld.idx.msk [tilespmem:v47+s10+$0x0], $0xffff;
	_ =	sdelay $0x1  }
0x4a9: {  	[tilespmem:s4+$0x180] =	vst v0  }
0x4aa: {  	v0 =	vld.idx.msk [tilespmem:v29+s10+$0x0], $0xffff;
	[tilespmem:s1+$0x180] =	vst v2  }
0x4ab: {  	v30 =	vadd.s32 $0x340, v32;
	[tilespmem:s5+$0x180] =	vst v3;
	v2 =	vld.idx.msk [tilespmem:v41+s10+$0x0], $0xffff  }
0x4ac: {  	[tilespmem:s8+$0x180] =	vst v4;
	v3 =	vld.idx.msk [tilespmem:v42+s10+$0x0], $0xffff  }
0x4ad: {  	v4 =	vld.idx.msk [tilespmem:v43+s10+$0x0], $0xffff;
	_ =	sdelay $0x1  }
0x4ae: {  	[tilespmem:s4+$0x200] =	vst v0  }
0x4af: {  	v0 =	vld.idx.msk [tilespmem:v30+s10+$0x0], $0xffff;
	[tilespmem:s1+$0x200] =	vst v2  }
0x4b0: {  	v31 =	vadd.s32 $0x380, v32;
	[tilespmem:s5+$0x200] =	vst v3;
	v2 =	vld.idx.msk [tilespmem:v39+s10+$0x0], $0xffff  }
0x4b1: {  	[tilespmem:s8+$0x200] =	vst v4;
	v3 =	vld.idx.msk [tilespmem:v40+s10+$0x0], $0xffff  }
0x4b2: {  	v4 =	vld.idx.msk [tilespmem:v44+s10+$0x0], $0xffff  }
0x4b3: {  	[tilespmem:s28+$0x300] =	vst v9  }
0x4b4: {  	v5 =	vld.idx.msk [tilespmem:v18+s10+$0x0], $0xffff;
	[tilespmem:s4+$0x280] =	vst v0  }
0x4b5: {  	v0 =	vld.idx.msk [tilespmem:v31+s10+$0x0], $0xffff;
	[tilespmem:s1+$0x280] =	vst v2  }
0x4b6: {  	v33 =	vadd.s32 $0x3C0, v32;
	v2 =	vld.idx.msk [tilespmem:v20+s10+$0x0], $0xffff;
	[tilespmem:s5+$0x280] =	vst v3  }
0x4b7: {  	v3 =	vld.idx.msk [tilespmem:v19+s10+$0x0], $0xffff;
	[tilespmem:s8+$0x280] =	vst v4  }
0x4b8: {  	[tilespmem:s30+$0x300] =	vst v8;
	v4 =	vld.idx.msk [tilespmem:v38+s10+$0x0], $0xffff  }
0x4b9: {  	v6 =	vld.idx.msk [tilespmem:v16+s10+$0x0], $0xffff;
	[tilespmem:s29+$0x380] =	vst v5  }
0x4ba: {  	v34 =	vld.idx.msk [tilespmem:v17+s10+$0x0], $0xffff;
	[tilespmem:s4+$0x300] =	vst v0  }
0x4bb: {  	v0 =	vld.idx.msk [tilespmem:v33+s10+$0x0], $0xffff;
	[tilespmem:s1+$0x300] =	vst v2  }
0x4bc: {  	v35 =	vld.idx.msk [tilespmem:v59+s10+$0x0], $0xffff;
	[tilespmem:s5+$0x300] =	vst v3  }
0x4bd: {  	v36 =	vld.idx.msk [tilespmem:v58+s10+$0x0], $0xffff;
	[tilespmem:s8+$0x300] =	vst v4  }
0x4be: {  	[tilespmem:s28+$0x380] =	vst v6;
	v37 =	vld.idx.msk [tilespmem:v57+s10+$0x0], $0xffff  }
0x4bf: {  	[tilespmem:s30+$0x380] =	vst v34  }
0x4c0: {  	[tilespmem:s4+$0x380] =	vst v0  }
0x4c1: {  	[tilespmem:s1+$0x380] =	vst v35  }
0x4c2: {  	[tilespmem:s5+$0x380] =	vst v36  }
0x4c3: {  	[tilespmem:s8+$0x380] =	vst v37  }
0x4c4: {  	v4 =	vld [tilespmem:$0x1FE40];
	_ =	sdelay $0x6  }
0x4c5: {  	s24 =	simm.s32 $0x0  }
0x4c6: {  	v0 =	vld.idx.msk [tilespmem:v4+s24+$0x0], $0xffff;
	_ =	sdelay $0x4  }
0x4c7: {  	v3 =	vld [tilespmem:$0x1FE00];
	_ =	sdelay $0x2  }
0x4c8: {  	v1 =	vld.idx.msk [tilespmem:v0+s10+$0x0], $0xffff  }
0x4c9: {  	v38 =	vadd.s32 $0x40, v0;
	_ =	sdelay $0x1  }
0x4ca: {  	v40 =	vld [tilespmem:$0x1FE10];
	_ =	sdelay $0x1  }
0x4cb: {  	[tilespmem:v3+s12+$0x0] =	vst.idx.msk $0xffff, v1  }
0x4cc: {  	v1 =	vld.idx.msk [tilespmem:v38+s10+$0x0], $0xffff  }
0x4cd: {  	v39 =	vadd.s32 $0x80, v0;
	_ =	sdelay $0x1  }
0x4ce: {  	v42 =	vld [tilespmem:$0x1FE20];
	_ =	sdelay $0x1  }
0x4cf: {  	[tilespmem:v40+s12+$0x0] =	vst.idx.msk $0xffff, v1  }
0x4d0: {  	v1 =	vld.idx.msk [tilespmem:v39+s10+$0x0], $0xffff  }
0x4d1: {  	v41 =	vadd.s32 $0xC0, v0;
	_ =	sdelay $0x1  }
0x4d2: {  	v44 =	vld [tilespmem:$0x1FE30];
	_ =	sdelay $0x1  }
0x4d3: {  	[tilespmem:v42+s12+$0x0] =	vst.idx.msk $0xffff, v1  }
0x4d4: {  	v1 =	vld.idx.msk [tilespmem:v41+s10+$0x0], $0xffff  }
0x4d5: {  	v43 =	vadd.s32 $0x100, v0;
	_ =	sdelay $0x3  }
0x4d6: {  	[tilespmem:v44+s12+$0x0] =	vst.idx.msk $0xffff, v1  }
0x4d7: {  	v1 =	vld.idx.msk [tilespmem:v43+s10+$0x0], $0xffff  }
0x4d8: {  	v45 =	vadd.s32 $0x140, v0;
	_ =	sdelay $0x1  }
0x4d9: {  	v47 =	vld [tilespmem:$0x1FE50];
	_ =	sdelay $0x1  }
0x4da: {  	[tilespmem:v4+s12+$0x0] =	vst.idx.msk $0xffff, v1  }
0x4db: {  	v1 =	vld.idx.msk [tilespmem:v45+s10+$0x0], $0xffff  }
0x4dc: {  	v46 =	vadd.s32 $0x180, v0;
	_ =	sdelay $0x1  }
0x4dd: {  	v49 =	vld [tilespmem:$0x1FE60];
	_ =	sdelay $0x1  }
0x4de: {  	[tilespmem:v47+s12+$0x0] =	vst.idx.msk $0xffff, v1  }
0x4df: {  	v1 =	vld.idx.msk [tilespmem:v46+s10+$0x0], $0xffff  }
0x4e0: {  	v48 =	vadd.s32 $0x1C0, v0;
	_ =	sdelay $0x1  }
0x4e1: {  	v51 =	vld [tilespmem:$0x1FE70];
	_ =	sdelay $0x1  }
0x4e2: {  	[tilespmem:v49+s12+$0x0] =	vst.idx.msk $0xffff, v1  }
0x4e3: {  	v1 =	vld.idx.msk [tilespmem:v48+s10+$0x0], $0xffff  }
0x4e4: {  	v50 =	vadd.s32 $0x200, v0;
	_ =	sdelay $0x1  }
0x4e5: {  	v53 =	vld [tilespmem:$0x1FE80];
	_ =	sdelay $0x1  }
0x4e6: {  	[tilespmem:v51+s12+$0x0] =	vst.idx.msk $0xffff, v1  }
0x4e7: {  	v1 =	vld.idx.msk [tilespmem:v50+s10+$0x0], $0xffff  }
0x4e8: {  	v52 =	vadd.s32 $0x240, v0;
	_ =	sdelay $0x1  }
0x4e9: {  	v55 =	vld [tilespmem:$0x1FE90];
	_ =	sdelay $0x1  }
0x4ea: {  	[tilespmem:v53+s12+$0x0] =	vst.idx.msk $0xffff, v1  }
0x4eb: {  	v1 =	vld.idx.msk [tilespmem:v52+s10+$0x0], $0xffff  }
0x4ec: {  	v54 =	vadd.s32 $0x280, v0;
	_ =	sdelay $0x1  }
0x4ed: {  	v57 =	vld [tilespmem:$0x1FEA0];
	_ =	sdelay $0x1  }
0x4ee: {  	[tilespmem:v55+s12+$0x0] =	vst.idx.msk $0xffff, v1  }
0x4ef: {  	v1 =	vld.idx.msk [tilespmem:v54+s10+$0x0], $0xffff  }
0x4f0: {  	v56 =	vadd.s32 $0x2C0, v0;
	_ =	sdelay $0x1  }
0x4f1: {  	v59 =	vld [tilespmem:$0x1FEB0];
	_ =	sdelay $0x1  }
0x4f2: {  	[tilespmem:v57+s12+$0x0] =	vst.idx.msk $0xffff, v1  }
0x4f3: {  	v1 =	vld.idx.msk [tilespmem:v56+s10+$0x0], $0xffff  }
0x4f4: {  	v58 =	vadd.s32 $0x300, v0;
	_ =	sdelay $0x1  }
0x4f5: {  	v61 =	vld [tilespmem:$0x1FEC0];
	_ =	sdelay $0x1  }
0x4f6: {  	[tilespmem:v59+s12+$0x0] =	vst.idx.msk $0xffff, v1  }
0x4f7: {  	v1 =	vld.idx.msk [tilespmem:v58+s10+$0x0], $0xffff  }
0x4f8: {  	v60 =	vadd.s32 $0x340, v0;
	_ =	sdelay $0x1  }
0x4f9: {  	v63 =	vld [tilespmem:$0x1FED0];
	_ =	sdelay $0x1  }
0x4fa: {  	[tilespmem:v61+s12+$0x0] =	vst.idx.msk $0xffff, v1  }
0x4fb: {  	v1 =	vld.idx.msk [tilespmem:v60+s10+$0x0], $0xffff  }
0x4fc: {  	v62 =	vadd.s32 $0x380, v0;
	_ =	sdelay $0x1  }
0x4fd: {  	v24 =	vld [tilespmem:$0x1FEE0];
	_ =	sdelay $0x1  }
0x4fe: {  	[tilespmem:v63+s12+$0x0] =	vst.idx.msk $0xffff, v1  }
0x4ff: {  	v1 =	vld.idx.msk [tilespmem:v62+s10+$0x0], $0xffff  }
0x500: {  	v0 =	vadd.s32 $0x3C0, v0;
	_ =	sdelay $0x1  }
0x501: {  	v25 =	vld [tilespmem:$0x1FEF0];
	_ =	sdelay $0x1  }
0x502: {  	[tilespmem:v24+s12+$0x0] =	vst.idx.msk $0xffff, v1  }
0x503: {  	v0 =	vld.idx.msk [tilespmem:v0+s10+$0x0], $0xffff;
	_ =	sdelay $0x4  }
0x504: {  	[tilespmem:v25+s12+$0x0] =	vst.idx.msk $0xffff, v0  }
0x505: {  	v0 =	vld.idx.msk [tilespmem:v47+s24+$0x0], $0xffff;
	_ =	sdelay $0x4  }
0x506: {  	v27 =	vld [tilespmem:$0x1FF00];
	_ =	sdelay $0x2  }
0x507: {  	v1 =	vld.idx.msk [tilespmem:v0+s10+$0x0], $0xffff  }
0x508: {  	v26 =	vadd.s32 $0x40, v0;
	_ =	sdelay $0x1  }
0x509: {  	v29 =	vld [tilespmem:$0x1FF10];
	_ =	sdelay $0x1  }
0x50a: {  	[tilespmem:v27+s12+$0x0] =	vst.idx.msk $0xffff, v1  }
0x50b: {  	v1 =	vld.idx.msk [tilespmem:v26+s10+$0x0], $0xffff  }
0x50c: {  	v28 =	vadd.s32 $0x80, v0;
	_ =	sdelay $0x1  }
0x50d: {  	v31 =	vld [tilespmem:$0x1FF20];
	_ =	sdelay $0x1  }
0x50e: {  	[tilespmem:v29+s12+$0x0] =	vst.idx.msk $0xffff, v1  }
0x50f: {  	v1 =	vld.idx.msk [tilespmem:v28+s10+$0x0], $0xffff  }
0x510: {  	v30 =	vadd.s32 $0xC0, v0;
	_ =	sdelay $0x1  }
0x511: {  	v33 =	vld [tilespmem:$0x1FF30];
	_ =	sdelay $0x1  }
0x512: {  	[tilespmem:v31+s12+$0x0] =	vst.idx.msk $0xffff, v1  }
0x513: {  	v1 =	vld.idx.msk [tilespmem:v30+s10+$0x0], $0xffff  }
0x514: {  	v32 =	vadd.s32 $0x100, v0;
	_ =	sdelay $0x1  }
0x515: {  	v35 =	vld [tilespmem:$0x1FF40];
	_ =	sdelay $0x1  }
0x516: {  	[tilespmem:v33+s12+$0x0] =	vst.idx.msk $0xffff, v1  }
0x517: {  	v1 =	vld.idx.msk [tilespmem:v32+s10+$0x0], $0xffff  }
0x518: {  	v34 =	vadd.s32 $0x140, v0;
	_ =	sdelay $0x1  }
0x519: {  	v37 =	vld [tilespmem:$0x1FF50];
	_ =	sdelay $0x1  }
0x51a: {  	[tilespmem:v35+s12+$0x0] =	vst.idx.msk $0xffff, v1  }
0x51b: {  	v1 =	vld.idx.msk [tilespmem:v34+s10+$0x0], $0xffff  }
0x51c: {  	v36 =	vadd.s32 $0x180, v0;
	_ =	sdelay $0x1  }
0x51d: {  	v39 =	vld [tilespmem:$0x1FF60];
	_ =	sdelay $0x1  }
0x51e: {  	[tilespmem:v37+s12+$0x0] =	vst.idx.msk $0xffff, v1  }
0x51f: {  	v1 =	vld.idx.msk [tilespmem:v36+s10+$0x0], $0xffff  }
0x520: {  	v38 =	vadd.s32 $0x1C0, v0;
	_ =	sdelay $0x1  }
0x521: {  	v41 =	vld [tilespmem:$0x1FF70];
	_ =	sdelay $0x1  }
0x522: {  	[tilespmem:v39+s12+$0x0] =	vst.idx.msk $0xffff, v1  }
0x523: {  	v1 =	vld.idx.msk [tilespmem:v38+s10+$0x0], $0xffff  }
0x524: {  	v40 =	vadd.s32 $0x200, v0;
	_ =	sdelay $0x1  }
0x525: {  	v43 =	vld [tilespmem:$0x1FF80];
	_ =	sdelay $0x1  }
0x526: {  	[tilespmem:v41+s12+$0x0] =	vst.idx.msk $0xffff, v1  }
0x527: {  	v1 =	vld.idx.msk [tilespmem:v40+s10+$0x0], $0xffff  }
0x528: {  	v42 =	vadd.s32 $0x240, v0;
	_ =	sdelay $0x1  }
0x529: {  	v45 =	vld [tilespmem:$0x1FF90];
	_ =	sdelay $0x1  }
0x52a: {  	[tilespmem:v43+s12+$0x0] =	vst.idx.msk $0xffff, v1  }
0x52b: {  	v1 =	vld.idx.msk [tilespmem:v42+s10+$0x0], $0xffff  }
0x52c: {  	v44 =	vadd.s32 $0x280, v0;
	_ =	sdelay $0x1  }
0x52d: {  	v47 =	vld [tilespmem:$0x1FFA0];
	_ =	sdelay $0x1  }
0x52e: {  	[tilespmem:v45+s12+$0x0] =	vst.idx.msk $0xffff, v1  }
0x52f: {  	v1 =	vld.idx.msk [tilespmem:v44+s10+$0x0], $0xffff  }
0x530: {  	v46 =	vadd.s32 $0x2C0, v0;
	_ =	sdelay $0x1  }
0x531: {  	v49 =	vld [tilespmem:$0x1FFB0];
	_ =	sdelay $0x1  }
0x532: {  	[tilespmem:v47+s12+$0x0] =	vst.idx.msk $0xffff, v1  }
0x533: {  	v1 =	vld.idx.msk [tilespmem:v46+s10+$0x0], $0xffff  }
0x534: {  	v48 =	vadd.s32 $0x300, v0;
	_ =	sdelay $0x1  }
0x535: {  	v51 =	vld [tilespmem:$0x1FFC0];
	_ =	sdelay $0x1  }
0x536: {  	[tilespmem:v49+s12+$0x0] =	vst.idx.msk $0xffff, v1  }
0x537: {  	v1 =	vld.idx.msk [tilespmem:v48+s10+$0x0], $0xffff  }
0x538: {  	v50 =	vadd.s32 $0x340, v0;
	_ =	sdelay $0x1  }
0x539: {  	v53 =	vld [tilespmem:$0x1FFD0];
	_ =	sdelay $0x1  }
0x53a: {  	[tilespmem:v51+s12+$0x0] =	vst.idx.msk $0xffff, v1  }
0x53b: {  	v1 =	vld.idx.msk [tilespmem:v50+s10+$0x0], $0xffff  }
0x53c: {  	v52 =	vadd.s32 $0x380, v0;
	_ =	sdelay $0x1  }
0x53d: {  	v54 =	vld [tilespmem:$0x1FFE0];
	_ =	sdelay $0x1  }
0x53e: {  	[tilespmem:v53+s12+$0x0] =	vst.idx.msk $0xffff, v1  }
0x53f: {  	v1 =	vld.idx.msk [tilespmem:v52+s10+$0x0], $0xffff  }
0x540: {  	v0 =	vadd.s32 $0x3C0, v0;
	_ =	sdelay $0x1  }
0x541: {  	v55 =	vld [tilespmem:$0x1FFF0];
	_ =	sdelay $0x1  }
0x542: {  	[tilespmem:v54+s12+$0x0] =	vst.idx.msk $0xffff, v1  }
0x543: {  	v0 =	vld.idx.msk [tilespmem:v0+s10+$0x0], $0xffff;
	_ =	sdelay $0x3  }
0x544: {  	s5 =	simm.s32 $0x0  }
0x545: {  	s2 =	sand.u32 $0x1C00, s24;
	s4 =	sadd.s32 $0x2400, s26;
	s0 =	sand.u32 $0x3FFFFF80, s5;
	[tilespmem:v55+s12+$0x0] =	vst.idx.msk $0xffff, v0  }
0x546: {  	[hbm4b:s4+s24] =	stream.linear.scatter [tilespmem:s12], [sflag:$0x1], $0x9000, $0x38;
	[tilespmem:$0x14800] =	vst v63  }
0x547: {  	s19 =	sand.u32 $0x40, s24;
	s0 =	sadd.s32 s0, s2;
	_ =	swait.ge [sflag:s15], $0x9000  }
0x548: {  	s5 =	sor.u32 $0x30, s19;
	s0 =	sadd.s32 $0x300, s0;
	[sflag:s15] =	ssyncset.done $0x0  }
0x549: {  	s7 =	sor.u32 s5, s0;
	[sflag:s15] =	ssyncadd.s32 $0xFFFF7000  }
0x54a: {  	s20 =	sor.u32 $0x10, s19;
	s8 =	sor.u32 s19, s0;
	v35 =	vld [tilespmem:s7+$0x0]  }
0x54b: {  	s9 =	sor.u32 s20, s0;
	v33 =	vld [tilespmem:s8+$0x0]  }
0x54c: {  	v36 =	vld [tilespmem:s9+$0x0]  }
0x54d: {  	s8 =	sor.u32 $0x20, s19  }
0x54e: {  	s0 =	sor.u32 s8, s0  }
0x54f: {  	v34 =	vld [tilespmem:s0+$0x0]  }
0x550: {  	s16 =	simm.s32 $0x0  }
0x551: {  	s0 =	smul.u32 $0x12000, s16  }
0x552: {  	v56 =	vld.idx.msk [tilespmem:v35+s10+$0x0], $0xffff  }
0x553: {  	s0 =	sshra.s32 s0, $0x2;
	v58 =	vadd.s32 $0x40, v35;
	v57 =	vld.idx.msk [tilespmem:v33+s10+$0x0], $0xffff  }
0x554: {  	v59 =	vadd.s32 $0x40, v33;
	s18 =	sadd.s32 s2, s0;
	v60 =	vld.idx.msk [tilespmem:v36+s10+$0x0], $0xffff  }
0x555: {  	v61 =	vadd.s32 $0x40, v36;
	s0 =	sadd.s32 $0xB400, s18  }
0x556: {  	s17 =	sor.u32 s5, s0  }
0x557: {  	s21 =	sor.u32 s19, s0;
	v6 =	vld.idx.msk [tilespmem:v34+s10+$0x0], $0xffff;
	[tilespmem:s17+$0x0] =	vst v56  }
0x558: {  	v62 =	vadd.s32 $0x40, v34;
	s23 =	sor.u32 s20, s0;
	[tilespmem:s21+$0x0] =	vst v57;
	v63 =	vld.idx.msk [tilespmem:v58+s10+$0x0], $0xffff  }
0x559: {  	v25 =	vadd.s32 $0x80, v35;
	[tilespmem:s23+$0x0] =	vst v60;
	v24 =	vld.idx.msk [tilespmem:v59+s10+$0x0], $0xffff  }
0x55a: {  	v26 =	vadd.s32 $0x80, v33;
	v5 =	vld.idx.msk [tilespmem:v61+s10+$0x0], $0xffff  }
0x55b: {  	v7 =	vadd.s32 $0x80, v36;
	s24 =	sor.u32 s8, s0  }
0x55c: {  	[tilespmem:s24+$0x0] =	vst v6  }
0x55d: {  	v0 =	vld.idx.msk [tilespmem:v62+s10+$0x0], $0xffff;
	[tilespmem:s17+$0x80] =	vst v63  }
0x55e: {  	v27 =	vadd.s32 $0x80, v34;
	[tilespmem:s21+$0x80] =	vst v24;
	v28 =	vld.idx.msk [tilespmem:v25+s10+$0x0], $0xffff  }
0x55f: {  	v30 =	vadd.s32 $0xC0, v35;
	[tilespmem:s23+$0x80] =	vst v5;
	v29 =	vld.idx.msk [tilespmem:v26+s10+$0x0], $0xffff  }
0x560: {  	v31 =	vadd.s32 $0xC0, v33;
	v6 =	vld.idx.msk [tilespmem:v7+s10+$0x0], $0xffff  }
0x561: {  	v7 =	vadd.s32 $0xC0, v36  }
0x562: {  	[tilespmem:s24+$0x80] =	vst v0  }
0x563: {  	v0 =	vld.idx.msk [tilespmem:v27+s10+$0x0], $0xffff;
	[tilespmem:s17+$0x100] =	vst v28  }
0x564: {  	v32 =	vadd.s32 $0xC0, v34;
	[tilespmem:s21+$0x100] =	vst v29;
	v2 =	vld.idx.msk [tilespmem:v30+s10+$0x0], $0xffff  }
0x565: {  	v37 =	vadd.s32 $0x100, v35;
	[tilespmem:s23+$0x100] =	vst v6;
	v3 =	vld.idx.msk [tilespmem:v31+s10+$0x0], $0xffff  }
0x566: {  	v38 =	vadd.s32 $0x100, v33;
	v6 =	vld.idx.msk [tilespmem:v7+s10+$0x0], $0xffff  }
0x567: {  	v7 =	vadd.s32 $0x100, v36  }
0x568: {  	[tilespmem:s24+$0x100] =	vst v0  }
0x569: {  	v0 =	vld.idx.msk [tilespmem:v32+s10+$0x0], $0xffff;
	[tilespmem:s17+$0x180] =	vst v2  }
0x56a: {  	v39 =	vadd.s32 $0x100, v34;
	[tilespmem:s21+$0x180] =	vst v3;
	v2 =	vld.idx.msk [tilespmem:v37+s10+$0x0], $0xffff  }
0x56b: {  	v40 =	vadd.s32 $0x140, v35;
	[tilespmem:s23+$0x180] =	vst v6;
	v3 =	vld.idx.msk [tilespmem:v38+s10+$0x0], $0xffff  }
0x56c: {  	v41 =	vadd.s32 $0x140, v33;
	v6 =	vld.idx.msk [tilespmem:v7+s10+$0x0], $0xffff  }
0x56d: {  	v7 =	vadd.s32 $0x140, v36  }
0x56e: {  	[tilespmem:s24+$0x180] =	vst v0  }
0x56f: {  	v0 =	vld.idx.msk [tilespmem:v39+s10+$0x0], $0xffff;
	[tilespmem:s17+$0x200] =	vst v2  }
0x570: {  	v42 =	vadd.s32 $0x140, v34;
	[tilespmem:s21+$0x200] =	vst v3;
	v2 =	vld.idx.msk [tilespmem:v40+s10+$0x0], $0xffff  }
0x571: {  	v43 =	vadd.s32 $0x180, v35;
	[tilespmem:s23+$0x200] =	vst v6;
	v3 =	vld.idx.msk [tilespmem:v41+s10+$0x0], $0xffff  }
0x572: {  	v44 =	vadd.s32 $0x180, v33;
	v6 =	vld.idx.msk [tilespmem:v7+s10+$0x0], $0xffff  }
0x573: {  	v7 =	vadd.s32 $0x180, v36  }
0x574: {  	[tilespmem:s24+$0x200] =	vst v0  }
0x575: {  	v0 =	vld.idx.msk [tilespmem:v42+s10+$0x0], $0xffff;
	[tilespmem:s17+$0x280] =	vst v2  }
0x576: {  	v45 =	vadd.s32 $0x180, v34;
	[tilespmem:s21+$0x280] =	vst v3;
	v2 =	vld.idx.msk [tilespmem:v43+s10+$0x0], $0xffff  }
0x577: {  	v46 =	vadd.s32 $0x1C0, v35;
	[tilespmem:s23+$0x280] =	vst v6;
	v3 =	vld.idx.msk [tilespmem:v44+s10+$0x0], $0xffff  }
0x578: {  	v47 =	vadd.s32 $0x1C0, v33;
	v6 =	vld.idx.msk [tilespmem:v7+s10+$0x0], $0xffff  }
0x579: {  	v7 =	vadd.s32 $0x1C0, v36  }
0x57a: {  	s31 =	simm.s32 $0x200;
	s22 =	simm.s32 $0x8;
	[tilespmem:s24+$0x280] =	vst v0  }
0x57b: {  	s2 =	sand.u32 $0x1C00, s31;
	s0 =	sand.u32 $0x3FFFFF80, s22;
	v0 =	vld.idx.msk [tilespmem:v45+s10+$0x0], $0xffff;
	[tilespmem:s17+$0x300] =	vst v2  }
0x57c: {  	s4 =	simm.s32 $0x40;
	v48 =	vadd.s32 $0x1C0, v34;
	s0 =	sadd.s32 s0, s2;
	[tilespmem:s21+$0x300] =	vst v3;
	v2 =	vld.idx.msk [tilespmem:v46+s10+$0x0], $0xffff  }
0x57d: {  	s1 =	sand.u32 $0x40, s4;
	v49 =	vadd.s32 $0x200, v35;
	s0 =	sadd.s32 $0x300, s0;
	[tilespmem:s23+$0x300] =	vst v6;
	v3 =	vld.idx.msk [tilespmem:v47+s10+$0x0], $0xffff  }
0x57e: {  	v50 =	vadd.s32 $0x200, v33;
	s9 =	sor.u32 s1, s0;
	v6 =	vld.idx.msk [tilespmem:v7+s10+$0x0], $0xffff  }
0x57f: {  	v38 =	vld [tilespmem:s9+$0x0];
	v7 =	vadd.s32 $0x200, v36  }
0x580: {  	[tilespmem:s24+$0x300] =	vst v0  }
0x581: {  	v0 =	vld.idx.msk [tilespmem:v48+s10+$0x0], $0xffff;
	[tilespmem:s17+$0x380] =	vst v2  }
0x582: {  	[tilespmem:s21+$0x380] =	vst v3;
	v51 =	vld.idx.msk [tilespmem:v49+s10+$0x0], $0xffff  }
0x583: {  	s16 =	sor.u32 $0x10, s1;
	v55 =	vadd.s32 $0x200, v34;
	[tilespmem:s23+$0x380] =	vst v6;
	v52 =	vld.idx.msk [tilespmem:v50+s10+$0x0], $0xffff  }
0x584: {  	s17 =	sor.u32 $0x30, s1;
	s23 =	sor.u32 s16, s0;
	v54 =	vld.idx.msk [tilespmem:v7+s10+$0x0], $0xffff  }
0x585: {  	v53 =	vadd.s32 $0x240, v35;
	s7 =	sor.u32 s17, s0;
	v57 =	vld [tilespmem:s23+$0x0]  }
0x586: {  	v6 =	vadd.s32 $0x240, v33;
	v32 =	vld [tilespmem:s7+$0x0]  }
0x587: {  	v8 =	vld.idx.msk [tilespmem:v38+s10+$0x0], $0xffff;
	v7 =	vadd.s32 $0x240, v36;
	s7 =	sadd.s32 $0xD800, s18;
	s18 =	sor.u32 $0x20, s1;
	[tilespmem:s24+$0x380] =	vst v0  }
0x588: {  	s24 =	simm.s32 $0x0;
	s5 =	sor.u32 s5, s7;
	s0 =	sor.u32 s18, s0;
	v0 =	vld.idx.msk [tilespmem:v55+s10+$0x0], $0xffff  }
0x589: {  	s29 =	sor.u32 s19, s7;
	v60 =	vld [tilespmem:s0+$0x0];
	s0 =	smul.u32 $0x12000, s24;
	[tilespmem:s5+$0x0] =	vst v51  }
0x58a: {  	v63 =	vadd.s32 $0x240, v34;
	s28 =	sor.u32 s20, s7;
	[tilespmem:s29+$0x0] =	vst v52;
	v1 =	vld.idx.msk [tilespmem:v53+s10+$0x0], $0xffff  }
0x58b: {  	v9 =	vadd.s32 $0x40, v38;
	[tilespmem:s28+$0x0] =	vst v54;
	s0 =	sshra.s32 s0, $0x2;
	v62 =	vld.idx.msk [tilespmem:v6+s10+$0x0], $0xffff  }
0x58c: {  	v4 =	vld.idx.msk [tilespmem:v7+s10+$0x0], $0xffff;
	s19 =	sadd.s32 s2, s0  }
0x58d: {  	v61 =	vadd.s32 $0x280, v35;
	s30 =	sor.u32 s8, s7;
	s0 =	sadd.s32 $0xB400, s19;
	v10 =	vld.idx.msk [tilespmem:v57+s10+$0x0], $0xffff  }
0x58e: {  	v7 =	vadd.s32 $0x280, v33;
	[tilespmem:s30+$0x0] =	vst v0;
	s22 =	sor.u32 s1, s0;
	v6 =	vld.idx.msk [tilespmem:v32+s10+$0x0], $0xffff  }
0x58f: {  	v11 =	vadd.s32 $0x40, v57;
	v27 =	vld.idx.msk [tilespmem:v63+s10+$0x0], $0xffff;
	[tilespmem:s22+$0x0] =	vst v8  }
0x590: {  	v8 =	vadd.s32 $0x280, v34;
	v9 =	vld.idx.msk [tilespmem:v9+s10+$0x0], $0xffff;
	[tilespmem:s5+$0x80] =	vst v1  }
0x591: {  	v24 =	vadd.s32 $0x40, v32;
	s20 =	sor.u32 s16, s0;
	v25 =	vld.idx.msk [tilespmem:v60+s10+$0x0], $0xffff;
	[tilespmem:s29+$0x80] =	vst v62  }
0x592: {  	s23 =	sor.u32 s17, s0;
	v28 =	vadd.s32 $0x40, v60;
	v2 =	vld.idx.msk [tilespmem:v61+s10+$0x0], $0xffff;
	[tilespmem:s20+$0x0] =	vst v10  }
0x593: {  	v26 =	vadd.s32 $0x2C0, v35;
	[tilespmem:s23+$0x0] =	vst v6;
	v6 =	vld.idx.msk [tilespmem:v7+s10+$0x0], $0xffff  }
0x594: {  	v10 =	vadd.s32 $0x80, v38;
	[tilespmem:s30+$0x80] =	vst v27;
	v11 =	vld.idx.msk [tilespmem:v11+s10+$0x0], $0xffff  }
0x595: {  	s21 =	sor.u32 s18, s0;
	[tilespmem:s28+$0x80] =	vst v4;
	v7 =	vadd.s32 $0x280, v36;
	v37 =	vld.idx.msk [tilespmem:v8+s10+$0x0], $0xffff  }
0x596: {  	v31 =	vadd.s32 $0x80, v57;
	v1 =	vld.idx.msk [tilespmem:v24+s10+$0x0], $0xffff;
	[tilespmem:s21+$0x0] =	vst v25  }
0x597: {  	v29 =	vadd.s32 $0x80, v32;
	[tilespmem:s5+$0x100] =	vst v2;
	v0 =	vld.idx.msk [tilespmem:v28+s10+$0x0], $0xffff  }
0x598: {  	v8 =	vadd.s32 $0x2C0, v33;
	[tilespmem:s22+$0x80] =	vst v9;
	v3 =	vld.idx.msk [tilespmem:v26+s10+$0x0], $0xffff  }
0x599: {  	v30 =	vadd.s32 $0x300, v35;
	v10 =	vld.idx.msk [tilespmem:v10+s10+$0x0], $0xffff;
	[tilespmem:s29+$0x100] =	vst v6  }
0x59a: {  	v6 =	vld.idx.msk [tilespmem:v7+s10+$0x0], $0xffff;
	v7 =	vadd.s32 $0x80, v60;
	[tilespmem:s20+$0x80] =	vst v11  }
0x59b: {  	v11 =	vadd.s32 $0xC0, v38;
	[tilespmem:s23+$0x80] =	vst v1;
	v5 =	vld.idx.msk [tilespmem:v31+s10+$0x0], $0xffff  }
0x59c: {  	v9 =	vadd.s32 $0x2C0, v36;
	v2 =	vld.idx.msk [tilespmem:v29+s10+$0x0], $0xffff;
	[tilespmem:s21+$0x80] =	vst v0  }
0x59d: {  	v39 =	vadd.s32 $0xC0, v32;
	v8 =	vld.idx.msk [tilespmem:v8+s10+$0x0], $0xffff;
	[tilespmem:s5+$0x180] =	vst v3  }
0x59e: {  	[tilespmem:s22+$0x100] =	vst v10;
	v10 =	vadd.s32 $0x300, v33;
	v4 =	vld.idx.msk [tilespmem:v30+s10+$0x0], $0xffff  }
0x59f: {  	v0 =	vld.idx.msk [tilespmem:v7+s10+$0x0], $0xffff;
	v7 =	vadd.s32 $0xC0, v57  }
0x5a0: {  	[tilespmem:s28+$0x100] =	vst v6;
	v6 =	vadd.s32 $0x340, v35;
	v11 =	vld.idx.msk [tilespmem:v11+s10+$0x0], $0xffff  }
0x5a1: {  	v40 =	vadd.s32 $0xC0, v60;
	v41 =	vld.idx.msk [tilespmem:v9+s10+$0x0], $0xffff;
	[tilespmem:s23+$0x100] =	vst v2  }
0x5a2: {  	v9 =	vadd.s32 $0x2C0, v34;
	[tilespmem:s29+$0x180] =	vst v8;
	v3 =	vld.idx.msk [tilespmem:v39+s10+$0x0], $0xffff  }
0x5a3: {  	v42 =	vadd.s32 $0x100, v32;
	[tilespmem:s20+$0x100] =	vst v5;
	v46 =	vld.idx.msk [tilespmem:v10+s10+$0x0], $0xffff  }
0x5a4: {  	v10 =	vadd.s32 $0x300, v36;
	[tilespmem:s5+$0x200] =	vst v4;
	v7 =	vld.idx.msk [tilespmem:v7+s10+$0x0], $0xffff  }
0x5a5: {  	[tilespmem:s21+$0x100] =	vst v0;
	v43 =	vld.idx.msk [tilespmem:v6+s10+$0x0], $0xffff;
	v6 =	vadd.s32 $0x100, v38  }
0x5a6: {  	[tilespmem:s30+$0x100] =	vst v37;
	v8 =	vadd.s32 $0x100, v57;
	v0 =	vld.idx.msk [tilespmem:v40+s10+$0x0], $0xffff  }
0x5a7: {  	v44 =	vadd.s32 $0x380, v35;
	v45 =	vld.idx.msk [tilespmem:v9+s10+$0x0], $0xffff;
	[tilespmem:s23+$0x180] =	vst v3  }
0x5a8: {  	[tilespmem:s28+$0x180] =	vst v41;
	v9 =	vadd.s32 $0x100, v60;
	v4 =	vld.idx.msk [tilespmem:v42+s10+$0x0], $0xffff  }
0x5a9: {  	[tilespmem:s22+$0x180] =	vst v11;
	v11 =	vadd.s32 $0x300, v34;
	v49 =	vld.idx.msk [tilespmem:v10+s10+$0x0], $0xffff  }
0x5aa: {  	[tilespmem:s20+$0x180] =	vst v7;
	v6 =	vld.idx.msk [tilespmem:v6+s10+$0x0], $0xffff  }
0x5ab: {  	v47 =	vadd.s32 $0x140, v32;
	[tilespmem:s5+$0x280] =	vst v43;
	v8 =	vld.idx.msk [tilespmem:v8+s10+$0x0], $0xffff  }
0x5ac: {  	v7 =	vadd.s32 $0x140, v38;
	[tilespmem:s21+$0x180] =	vst v0;
	v1 =	vld.idx.msk [tilespmem:v44+s10+$0x0], $0xffff  }
0x5ad: {  	[tilespmem:s30+$0x180] =	vst v45;
	v0 =	vld.idx.msk [tilespmem:v9+s10+$0x0], $0xffff;
	v9 =	vadd.s32 $0x140, v57  }
0x5ae: {  	[tilespmem:s29+$0x200] =	vst v46;
	v50 =	vld.idx.msk [tilespmem:v11+s10+$0x0], $0xffff;
	v11 =	vadd.s32 $0x340, v33  }
0x5af: {  	v48 =	vadd.s32 $0x3C0, v35;
	[tilespmem:s23+$0x200] =	vst v4  }
0x5b0: {  	v10 =	vadd.s32 $0x140, v60;
	v5 =	vld.idx.msk [tilespmem:v47+s10+$0x0], $0xffff;
	[tilespmem:s22+$0x200] =	vst v6  }
0x5b1: {  	v52 =	vadd.s32 $0x340, v34;
	[tilespmem:s20+$0x200] =	vst v8;
	v7 =	vld.idx.msk [tilespmem:v7+s10+$0x0], $0xffff  }
0x5b2: {  	[tilespmem:s28+$0x200] =	vst v49;
	v6 =	vadd.s32 $0x340, v36;
	v9 =	vld.idx.msk [tilespmem:v9+s10+$0x0], $0xffff  }
0x5b3: {  	v51 =	vadd.s32 $0x180, v32;
	[tilespmem:s5+$0x300] =	vst v1;
	v11 =	vld.idx.msk [tilespmem:v11+s10+$0x0], $0xffff  }
0x5b4: {  	v8 =	vadd.s32 $0x180, v38;
	[tilespmem:s21+$0x200] =	vst v0;
	v2 =	vld.idx.msk [tilespmem:v48+s10+$0x0], $0xffff  }
0x5b5: {  	v53 =	vadd.s32 $0x180, v57;
	[tilespmem:s30+$0x200] =	vst v50;
	v10 =	vld.idx.msk [tilespmem:v10+s10+$0x0], $0xffff  }
0x5b6: {  	v61 =	vadd.s32 $0x180, v60;
	v0 =	vld.idx.msk [tilespmem:v52+s10+$0x0], $0xffff;
	[tilespmem:s23+$0x280] =	vst v5  }
0x5b7: {  	v12 =	vadd.s32 $0x380, v36;
	v62 =	vld.idx.msk [tilespmem:v6+s10+$0x0], $0xffff;
	v6 =	vadd.s32 $0x380, v33;
	[tilespmem:s22+$0x280] =	vst v7  }
0x5b8: {  	v18 =	vadd.s32 $0x3C0, v33;
	v16 =	vadd.s32 $0x3C0, v36;
	v17 =	vadd.s32 $0x3C0, v34;
	v1 =	vld.idx.msk [tilespmem:v51+s10+$0x0], $0xffff;
	[tilespmem:s20+$0x280] =	vst v9  }
0x5b9: {  	v56 =	vadd.s32 $0x200, v38;
	v20 =	vadd.s32 $0x380, v38;
	v13 =	vadd.s32 $0x1C0, v32;
	[tilespmem:s29+$0x280] =	vst v11;
	v8 =	vld.idx.msk [tilespmem:v8+s10+$0x0], $0xffff  }
0x5ba: {  	v59 =	vadd.s32 $0x3C0, v38;
	v14 =	vadd.s32 $0x1C0, v57;
	v7 =	vadd.s32 $0x380, v34;
	v3 =	vld.idx.msk [tilespmem:v53+s10+$0x0], $0xffff;
	[tilespmem:s21+$0x280] =	vst v10  }
0x5bb: {  	v55 =	vadd.s32 $0x200, v57;
	v19 =	vadd.s32 $0x380, v57;
	v63 =	vadd.s32 $0x1C0, v38;
	[tilespmem:s5+$0x380] =	vst v2;
	v4 =	vld.idx.msk [tilespmem:v61+s10+$0x0], $0xffff  }
0x5bc: {  	v58 =	vadd.s32 $0x3C0, v57;
	v15 =	vadd.s32 $0x1C0, v60;
	v54 =	vadd.s32 $0x200, v60;
	v6 =	vld.idx.msk [tilespmem:v6+s10+$0x0], $0xffff;
	[tilespmem:s28+$0x280] =	vst v62  }
0x5bd: {  	v39 =	vadd.s32 $0x340, v38;
	v41 =	vadd.s32 $0x300, v38;
	v40 =	vadd.s32 $0x340, v57;
	[tilespmem:s23+$0x300] =	vst v1;
	v9 =	vld.idx.msk [tilespmem:v12+s10+$0x0], $0xffff  }
0x5be: {  	v46 =	vadd.s32 $0x2C0, v57;
	v42 =	vadd.s32 $0x300, v57;
	v45 =	vadd.s32 $0x2C0, v38;
	[tilespmem:s30+$0x280] =	vst v0;
	v11 =	vld.idx.msk [tilespmem:v13+s10+$0x0], $0xffff  }
0x5bf: {  	v43 =	vadd.s32 $0x300, v60;
	v44 =	vadd.s32 $0x340, v60;
	v49 =	vadd.s32 $0x280, v57;
	[tilespmem:s22+$0x300] =	vst v8;
	v8 =	vld.idx.msk [tilespmem:v7+s10+$0x0], $0xffff  }
0x5c0: {  	v47 =	vadd.s32 $0x2C0, v60;
	v50 =	vadd.s32 $0x280, v60;
	v52 =	vadd.s32 $0x240, v38;
	[tilespmem:s20+$0x300] =	vst v3;
	v10 =	vld.idx.msk [tilespmem:v63+s10+$0x0], $0xffff  }
0x5c1: {  	v48 =	vadd.s32 $0x280, v38;
	v38 =	vadd.s32 $0x380, v60;
	v51 =	vadd.s32 $0x240, v60;
	v13 =	vld.idx.msk [tilespmem:v14+s10+$0x0], $0xffff;
	[tilespmem:s21+$0x300] =	vst v4  }
0x5c2: {  	s8 =	simm.s32 $0x4;
	v53 =	vadd.s32 $0x240, v57;
	v57 =	vadd.s32 $0x3C0, v60;
	v14 =	vadd.s32 $0x200, v32;
	v12 =	vld.idx.msk [tilespmem:v15+s10+$0x0], $0xffff;
	[tilespmem:s29+$0x300] =	vst v6  }
.LBB2_9:
0x5c3: {  	[tilespmem:$0x1FC30] =	vst v20;
	v1 =	vmov v59  }
0x5c4: {  	[tilespmem:$0x1FC50] =	vst v1  }
0x5c5: {  	[tilespmem:s28+$0x300] =	vst v9  }
0x5c6: {  	s8 =	sadd.s32 $0x4, s8;
	[tilespmem:s30+$0x300] =	vst v8;
	v0 =	vld.idx.msk [tilespmem:v18+s10+$0x0], $0xffff  }
0x5c7: {  	s31 =	sadd.s32 $0x200, s31;
	s0 =	sshll.u32 s8, $0x1;
	v36 =	vld.idx.msk [tilespmem:v16+s10+$0x0], $0xffff;
	[tilespmem:s22+$0x380] =	vst v10  }
0x5c8: {  	s4 =	sadd.s32 $0x40, s4;
	v6 =	vmov v57;
	s0 =	sand.u32 $0x3FFFFF80, s0;
	[tilespmem:s23+$0x380] =	vst v11;
	s23 =	sand.u32 $0x1C00, s31;
	v3 =	vld.idx.msk [tilespmem:v56+s10+$0x0], $0xffff  }
0x5c9: {  	s2 =	sand.u32 $0x40, s4;
	[tilespmem:$0x1FC70] =	vst v6;
	v5 =	vld.idx.msk [tilespmem:v17+s10+$0x0], $0xffff;
	s0 =	sadd.s32 s0, s23  }
0x5ca: {  	s9 =	sor.u32 $0x30, s2;
	[tilespmem:s20+$0x380] =	vst v13;
	v37 =	vld.idx.msk [tilespmem:v14+s10+$0x0], $0xffff;
	s0 =	sadd.s32 $0x300, s0  }
0x5cb: {  	s19 =	sadd.s32 $0xD800, s19;
	s7 =	sor.u32 $0x10, s2;
	[tilespmem:s21+$0x380] =	vst v12;
	v6 =	vld.idx.msk [tilespmem:v55+s10+$0x0], $0xffff;
	s22 =	sor.u32 s9, s0  }
0x5cc: {  	v4 =	vadd.s32 $0x240, v32;
	s20 =	sor.u32 $0x20, s2;
	s5 =	sor.u32 s2, s0;
	v60 =	vld [tilespmem:s22+$0x0];
	[tilespmem:s29+$0x380] =	vst v0;
	s29 =	sor.u32 s1, s19  }
0x5cd: {  	s24 =	sor.u32 s7, s0;
	s0 =	sor.u32 s20, s0;
	v0 =	vld [tilespmem:s5+$0x0];
	[tilespmem:s29+$0x0] =	vst v3  }
0x5ce: {  	v3 =	vld [tilespmem:s0+$0x0];
	[tilespmem:s30+$0x380] =	vst v5  }
0x5cf: {  	v2 =	vmov v58;
	[tilespmem:s28+$0x380] =	vst v36;
	s5 =	sor.u32 s17, s19;
	v58 =	vld.idx.msk [tilespmem:v54+s10+$0x0], $0xffff  }
0x5d0: {  	v1 =	vld [tilespmem:s24+$0x0];
	[tilespmem:s5+$0x0] =	vst v37  }
0x5d1: {  	[tilespmem:$0x1FC20] =	vst v2;
	v2 =	vld.idx.msk [tilespmem:v4+s10+$0x0], $0xffff  }
0x5d2: {  	[tilespmem:$0x1FC40] =	vst v19;
	v59 =	vadd.s32 $0x280, v32;
	s28 =	sor.u32 s16, s19;
	s19 =	sor.u32 s18, s19  }
0x5d3: {  	[tilespmem:s28+$0x0] =	vst v6;
	s30 =	smov.u32 s19;
	v17 =	vld.idx.msk [tilespmem:v52+s10+$0x0], $0xffff  }
0x5d4: {  	s24 =	sshrl.u32 s8, $0x6;
	v19 =	vld.idx.msk [tilespmem:v53+s10+$0x0], $0xffff;
	v62 =	vadd.s32 $0x1C0, v0;
	[tilespmem:s30+$0x0] =	vst v58  }
0x5d5: {  	s0 =	smul.u32 $0x12000, s24;
	v23 =	vld.idx.msk [tilespmem:v60+s10+$0x0], $0xffff;
	[tilespmem:$0x1FC60] =	vst v62  }
0x5d6: {  	v29 =	vadd.s32 $0x1C0, v1;
	[tilespmem:s5+$0x80] =	vst v2;
	v24 =	vld.idx.msk [tilespmem:v0+s10+$0x0], $0xffff  }
0x5d7: {  	s0 =	sshra.s32 s0, $0x2;
	v61 =	vadd.s32 $0x40, v60;
	[tilespmem:$0x1FC80] =	vst v29;
	v58 =	vadd.s32 $0x1C0, v3;
	v5 =	vld.idx.msk [tilespmem:v59+s10+$0x0], $0xffff  }
0x5d8: {  	s19 =	sadd.s32 s23, s0;
	v6 =	vadd.s32 $0x40, v0;
	[tilespmem:$0x1FC90] =	vst v58;
	v28 =	vld.idx.msk [tilespmem:v1+s10+$0x0], $0xffff  }
0x5d9: {  	s17 =	smov.u32 s9;
	s0 =	sadd.s32 $0xB400, s19;
	v63 =	vld.idx.msk [tilespmem:v3+s10+$0x0], $0xffff;
	[tilespmem:s29+$0x80] =	vst v17;
	v17 =	vadd.s32 $0x2C0, v32  }
0x5da: {  	s1 =	smov.u32 s2;
	v18 =	vadd.s32 $0x40, v1;
	s23 =	sor.u32 s17, s0;
	[tilespmem:s28+$0x80] =	vst v19;
	v19 =	vld.idx.msk [tilespmem:v51+s10+$0x0], $0xffff  }
0x5db: {  	v25 =	vadd.s32 $0x40, v3;
	s22 =	sor.u32 s1, s0;
	[tilespmem:s23+$0x0] =	vst v23;
	v23 =	vld.idx.msk [tilespmem:v48+s10+$0x0], $0xffff  }
0x5dc: {  	s16 =	smov.u32 s7;
	v2 =	vld.idx.msk [tilespmem:v61+s10+$0x0], $0xffff;
	[tilespmem:s22+$0x0] =	vst v24  }
0x5dd: {  	s18 =	smov.u32 s20;
	s20 =	sor.u32 s16, s0;
	[tilespmem:s5+$0x100] =	vst v5;
	v6 =	vld.idx.msk [tilespmem:v6+s10+$0x0], $0xffff  }
0x5de: {  	v31 =	vadd.s32 $0x80, v60;
	s21 =	sor.u32 s18, s0;
	[tilespmem:s20+$0x0] =	vst v28;
	v33 =	vld.idx.msk [tilespmem:v17+s10+$0x0], $0xffff  }
0x5df: {  	v7 =	vadd.s32 $0x80, v0;
	[tilespmem:s21+$0x0] =	vst v63;
	v35 =	vld.idx.msk [tilespmem:v18+s10+$0x0], $0xffff  }
0x5e0: {  	v63 =	vadd.s32 $0x300, v32;
	v25 =	vld.idx.msk [tilespmem:v25+s10+$0x0], $0xffff;
	[tilespmem:s30+$0x80] =	vst v19  }
0x5e1: {  	v22 =	vadd.s32 $0x80, v1;
	v29 =	vld.idx.msk [tilespmem:v50+s10+$0x0], $0xffff;
	[tilespmem:s29+$0x100] =	vst v23  }
0x5e2: {  	v26 =	vadd.s32 $0x80, v3;
	v30 =	vadd.s32 $0x280, v3;
	v23 =	vld.idx.msk [tilespmem:v49+s10+$0x0], $0xffff;
	[tilespmem:s23+$0x80] =	vst v2  }
0x5e3: {  	v50 =	vmov v30;
	v30 =	vld.idx.msk [tilespmem:v31+s10+$0x0], $0xffff;
	[tilespmem:s22+$0x80] =	vst v6  }
0x5e4: {  	[tilespmem:s5+$0x180] =	vst v33;
	v31 =	vld.idx.msk [tilespmem:v7+s10+$0x0], $0xffff  }
0x5e5: {  	[tilespmem:s20+$0x80] =	vst v35;
	v33 =	vadd.s32 $0xC0, v60;
	v6 =	vld.idx.msk [tilespmem:v63+s10+$0x0], $0xffff  }
0x5e6: {  	v21 =	vadd.s32 $0xC0, v0;
	v20 =	vadd.s32 $0xC0, v1;
	v16 =	vadd.s32 $0x100, v1;
	[tilespmem:s21+$0x80] =	vst v25;
	v7 =	vld.idx.msk [tilespmem:v22+s10+$0x0], $0xffff  }
0x5e7: {  	v27 =	vadd.s32 $0xC0, v3;
	v12 =	vadd.s32 $0x140, v1;
	v22 =	vld.idx.msk [tilespmem:v26+s10+$0x0], $0xffff;
	[tilespmem:s28+$0x100] =	vst v23;
	v23 =	vadd.s32 $0x340, v32  }
0x5e8: {  	v8 =	vadd.s32 $0x180, v1;
	v55 =	vadd.s32 $0x200, v1;
	v53 =	vadd.s32 $0x240, v1;
	v35 =	vld.idx.msk [tilespmem:v45+s10+$0x0], $0xffff;
	[tilespmem:s30+$0x100] =	vst v29  }
0x5e9: {  	v36 =	vadd.s32 $0x300, v1;
	v62 =	vadd.s32 $0x340, v1;
	v58 =	vadd.s32 $0x3C0, v1;
	v63 =	vld.idx.msk [tilespmem:v46+s10+$0x0], $0xffff;
	[tilespmem:s23+$0x100] =	vst v30  }
0x5ea: {  	v59 =	vadd.s32 $0x280, v1;
	v5 =	vadd.s32 $0x2C0, v1;
	v18 =	vadd.s32 $0x380, v1;
	v1 =	vld.idx.msk [tilespmem:v33+s10+$0x0], $0xffff;
	[tilespmem:s22+$0x100] =	vst v31  }
0x5eb: {  	v24 =	vadd.s32 $0x2C0, v0;
	[tilespmem:s5+$0x200] =	vst v6;
	v2 =	vld.idx.msk [tilespmem:v21+s10+$0x0], $0xffff  }
0x5ec: {  	v45 =	vmov v24;
	v24 =	vadd.s32 $0x100, v60;
	[tilespmem:s20+$0x100] =	vst v7;
	v26 =	vld.idx.msk [tilespmem:v23+s10+$0x0], $0xffff  }
0x5ed: {  	[tilespmem:s21+$0x100] =	vst v22;
	v6 =	vld.idx.msk [tilespmem:v20+s10+$0x0], $0xffff  }
0x5ee: {  	v14 =	vadd.s32 $0x100, v0;
	v7 =	vld.idx.msk [tilespmem:v27+s10+$0x0], $0xffff;
	[tilespmem:s29+$0x180] =	vst v35  }
0x5ef: {  	v20 =	vadd.s32 $0x380, v32;
	v27 =	vld.idx.msk [tilespmem:v47+s10+$0x0], $0xffff;
	[tilespmem:s28+$0x180] =	vst v63  }
0x5f0: {  	v29 =	vld.idx.msk [tilespmem:v41+s10+$0x0], $0xffff;
	[tilespmem:s23+$0x180] =	vst v1  }
0x5f1: {  	v63 =	vld.idx.msk [tilespmem:v24+s10+$0x0], $0xffff;
	[tilespmem:s22+$0x180] =	vst v2  }
0x5f2: {  	v15 =	vadd.s32 $0x100, v3;
	v25 =	vadd.s32 $0x140, v60;
	[tilespmem:s5+$0x280] =	vst v26;
	v26 =	vadd.s32 $0x3C0, v32;
	v32 =	vmovc v60;
	v60 =	vld [tilespmem:$0x1FC40]  }
0x5f3: {  	v24 =	vld.idx.msk [tilespmem:v14+s10+$0x0], $0xffff  }
0x5f4: {  	[tilespmem:s20+$0x180] =	vst v6;
	v6 =	vld.idx.msk [tilespmem:v20+s10+$0x0], $0xffff  }
0x5f5: {  	v14 =	vld.idx.msk [tilespmem:v16+s10+$0x0], $0xffff  }
0x5f6: {  	v19 =	vadd.s32 $0x380, v0;
	[tilespmem:s21+$0x180] =	vst v7;
	v16 =	vld [tilespmem:$0x1FC20]  }
0x5f7: {  	v7 =	vld.idx.msk [tilespmem:v15+s10+$0x0], $0xffff  }
0x5f8: {  	v11 =	vadd.s32 $0x140, v0;
	[tilespmem:s30+$0x180] =	vst v27;
	v27 =	vld.idx.msk [tilespmem:v42+s10+$0x0], $0xffff  }
0x5f9: {  	v28 =	vadd.s32 $0x2C0, v3;
	v20 =	vmov v19;
	v19 =	vmov v18;
	v18 =	vld [tilespmem:$0x1FC50]  }
0x5fa: {  	v47 =	vmov v28;
	[tilespmem:s29+$0x200] =	vst v29;
	v28 =	vld.idx.msk [tilespmem:v43+s10+$0x0], $0xffff  }
0x5fb: {  	v13 =	vadd.s32 $0x140, v3;
	[tilespmem:s23+$0x200] =	vst v63;
	v63 =	vld [tilespmem:$0x1FC90]  }
0x5fc: {  	v10 =	vadd.s32 $0x180, v0;
	v29 =	vld.idx.msk [tilespmem:v25+s10+$0x0], $0xffff;
	[tilespmem:s22+$0x200] =	vst v24  }
0x5fd: {  	v56 =	vadd.s32 $0x200, v0;
	v52 =	vadd.s32 $0x240, v0;
	v34 =	vadd.s32 $0x300, v0;
	[tilespmem:s5+$0x300] =	vst v6;
	v30 =	vld.idx.msk [tilespmem:v11+s10+$0x0], $0xffff  }
0x5fe: {  	v48 =	vadd.s32 $0x280, v0;
	v61 =	vadd.s32 $0x340, v0;
	v49 =	vmovc v59;
	v59 =	vadd.s32 $0x3C0, v0;
	[tilespmem:s20+$0x200] =	vst v14;
	v0 =	vld.idx.msk [tilespmem:v26+s10+$0x0], $0xffff  }
0x5ff: {  	[tilespmem:s21+$0x200] =	vst v7;
	v6 =	vld.idx.msk [tilespmem:v12+s10+$0x0], $0xffff  }
0x600: {  	v7 =	vld.idx.msk [tilespmem:v13+s10+$0x0], $0xffff  }
0x601: {  	v33 =	vld.idx.msk [tilespmem:v39+s10+$0x0], $0xffff  }
0x602: {  	v31 =	vadd.s32 $0x180, v32;
	[tilespmem:s28+$0x200] =	vst v27;
	v39 =	vmov v61;
	v61 =	vld [tilespmem:$0x1FC60]  }
0x603: {  	v41 =	vmov v34;
	[tilespmem:s30+$0x200] =	vst v28;
	v34 =	vld.idx.msk [tilespmem:v40+s10+$0x0], $0xffff  }
0x604: {  	v37 =	vadd.s32 $0x340, v3;
	v42 =	vmov v36;
	v36 =	vld.idx.msk [tilespmem:v44+s10+$0x0], $0xffff  }
0x605: {  	v9 =	vadd.s32 $0x180, v3;
	v44 =	vmov v37;
	v37 =	vld [tilespmem:$0x1FC30]  }
0x606: {  	v54 =	vadd.s32 $0x200, v3;
	v4 =	vadd.s32 $0x300, v3;
	v40 =	vmov v62;
	v62 =	vld [tilespmem:$0x1FC80];
	[tilespmem:s23+$0x280] =	vst v29  }
0x607: {  	v57 =	vadd.s32 $0x3C0, v3;
	v51 =	vadd.s32 $0x240, v3;
	v17 =	vadd.s32 $0x380, v3;
	v3 =	vld.idx.msk [tilespmem:v31+s10+$0x0], $0xffff;
	[tilespmem:s22+$0x280] =	vst v30  }
0x608: {  	v43 =	vmov v4;
	[tilespmem:s20+$0x280] =	vst v6;
	v4 =	vld.idx.msk [tilespmem:v10+s10+$0x0], $0xffff  }
0x609: {  	[tilespmem:s21+$0x280] =	vst v7;
	v6 =	vld.idx.msk [tilespmem:v8+s10+$0x0], $0xffff  }
0x60a: {  	v35 =	vadd.s32 $0x1C0, v32;
	v7 =	vld.idx.msk [tilespmem:v9+s10+$0x0], $0xffff;
	[tilespmem:s28+$0x280] =	vst v34  }
0x60b: {  	[tilespmem:s30+$0x280] =	vst v36;
	v9 =	vld.idx.msk [tilespmem:v60+s10+$0x0], $0xffff  }
0x60c: {  	[tilespmem:s29+$0x280] =	vst v33;
	v8 =	vld.idx.msk [tilespmem:v38+s10+$0x0], $0xffff  }
0x60d: {  	p1 =	slt.u32 s8, $0x7C;
	[tilespmem:s5+$0x380] =	vst v0;
	v1 =	vld.idx.msk [tilespmem:v37+s10+$0x0], $0xffff  }
.Ltmp5:
0x60e: {  	v38 =	vmov v17;
	v17 =	vld [tilespmem:$0x1FC70];
	[tilespmem:s23+$0x300] =	vst v3;
	(pc) =	sbr.rel @p1 .LBB2_9-.Ltmp5, $4  }
0x60f: {  	v11 =	vld.idx.msk [tilespmem:v35+s10+$0x0], $0xffff;
	[tilespmem:s22+$0x300] =	vst v4  }
0x610: {  	[tilespmem:s20+$0x300] =	vst v6;
	v10 =	vld.idx.msk [tilespmem:v61+s10+$0x0], $0xffff  }
0x611: {  	[tilespmem:s21+$0x300] =	vst v7;
	v13 =	vld.idx.msk [tilespmem:v62+s10+$0x0], $0xffff  }
0x612: {  	v46 =	vmov v5;
	v14 =	vadd.s32 $0x200, v32;
	v12 =	vld.idx.msk [tilespmem:v63+s10+$0x0], $0xffff;
	[tilespmem:s29+$0x300] =	vst v1  }
0x613: {  	_ =	sdelay $0x2  }
0x614: {  	[tilespmem:s23+$0x380] =	vst v11  }
0x615: {  	[tilespmem:s22+$0x380] =	vst v10;
	v0 =	vld.idx.msk [tilespmem:v14+s10+$0x0], $0xffff  }
0x616: {  	v2 =	vadd.s32 $0x240, v32;
	v1 =	vld.idx.msk [tilespmem:v56+s10+$0x0], $0xffff;
	[tilespmem:s20+$0x380] =	vst v13  }
0x617: {  	[tilespmem:s21+$0x380] =	vst v12;
	v3 =	vld.idx.msk [tilespmem:v55+s10+$0x0], $0xffff  }
0x618: {  	s0 =	sadd.s32 $0xD800, s19;
	v4 =	vld.idx.msk [tilespmem:v54+s10+$0x0], $0xffff  }
0x619: {  	s4 =	sor.u32 s17, s0  }
0x61a: {  	s1 =	sor.u32 s1, s0;
	[tilespmem:s4+$0x0] =	vst v0  }
0x61b: {  	s5 =	sor.u32 s16, s0;
	[tilespmem:s1+$0x0] =	vst v1;
	v0 =	vld.idx.msk [tilespmem:v2+s10+$0x0], $0xffff  }
0x61c: {  	v36 =	vadd.s32 $0x280, v32;
	s8 =	sor.u32 s18, s0;
	[tilespmem:s5+$0x0] =	vst v3;
	v37 =	vld.idx.msk [tilespmem:v52+s10+$0x0], $0xffff  }
0x61d: {  	[tilespmem:s8+$0x0] =	vst v4;
	v3 =	vld.idx.msk [tilespmem:v53+s10+$0x0], $0xffff  }
0x61e: {  	v4 =	vld.idx.msk [tilespmem:v51+s10+$0x0], $0xffff;
	_ =	sdelay $0x1  }
0x61f: {  	[tilespmem:s4+$0x80] =	vst v0  }
0x620: {  	[tilespmem:s1+$0x80] =	vst v37;
	v0 =	vld.idx.msk [tilespmem:v36+s10+$0x0], $0xffff  }
0x621: {  	v51 =	vadd.s32 $0x2C0, v32;
	[tilespmem:s5+$0x80] =	vst v3;
	v2 =	vld.idx.msk [tilespmem:v48+s10+$0x0], $0xffff  }
0x622: {  	[tilespmem:s8+$0x80] =	vst v4;
	v3 =	vld.idx.msk [tilespmem:v49+s10+$0x0], $0xffff  }
0x623: {  	v4 =	vld.idx.msk [tilespmem:v50+s10+$0x0], $0xffff;
	_ =	sdelay $0x1  }
0x624: {  	[tilespmem:s4+$0x100] =	vst v0  }
0x625: {  	[tilespmem:s1+$0x100] =	vst v2;
	v0 =	vld.idx.msk [tilespmem:v51+s10+$0x0], $0xffff  }
0x626: {  	v52 =	vadd.s32 $0x300, v32;
	[tilespmem:s5+$0x100] =	vst v3;
	v2 =	vld.idx.msk [tilespmem:v45+s10+$0x0], $0xffff  }
0x627: {  	[tilespmem:s8+$0x100] =	vst v4;
	v3 =	vld.idx.msk [tilespmem:v46+s10+$0x0], $0xffff  }
0x628: {  	v4 =	vld.idx.msk [tilespmem:v47+s10+$0x0], $0xffff;
	_ =	sdelay $0x1  }
0x629: {  	[tilespmem:s4+$0x180] =	vst v0  }
0x62a: {  	[tilespmem:s1+$0x180] =	vst v2;
	v0 =	vld.idx.msk [tilespmem:v52+s10+$0x0], $0xffff  }
0x62b: {  	v53 =	vadd.s32 $0x340, v32;
	[tilespmem:s5+$0x180] =	vst v3;
	v2 =	vld.idx.msk [tilespmem:v41+s10+$0x0], $0xffff  }
0x62c: {  	[tilespmem:s8+$0x180] =	vst v4;
	v3 =	vld.idx.msk [tilespmem:v42+s10+$0x0], $0xffff  }
0x62d: {  	v4 =	vld.idx.msk [tilespmem:v43+s10+$0x0], $0xffff;
	_ =	sdelay $0x1  }
0x62e: {  	[tilespmem:s4+$0x200] =	vst v0  }
0x62f: {  	[tilespmem:s1+$0x200] =	vst v2;
	v0 =	vld.idx.msk [tilespmem:v53+s10+$0x0], $0xffff  }
0x630: {  	v54 =	vadd.s32 $0x380, v32;
	[tilespmem:s5+$0x200] =	vst v3;
	v2 =	vld.idx.msk [tilespmem:v39+s10+$0x0], $0xffff  }
0x631: {  	[tilespmem:s8+$0x200] =	vst v4;
	v3 =	vld.idx.msk [tilespmem:v40+s10+$0x0], $0xffff  }
0x632: {  	v4 =	vld.idx.msk [tilespmem:v44+s10+$0x0], $0xffff  }
0x633: {  	[tilespmem:s28+$0x300] =	vst v9  }
0x634: {  	v62 =	vld.idx.msk [tilespmem:v16+s10+$0x0], $0xffff;
	[tilespmem:s4+$0x280] =	vst v0  }
0x635: {  	[tilespmem:s1+$0x280] =	vst v2;
	v1 =	vld.idx.msk [tilespmem:v54+s10+$0x0], $0xffff  }
0x636: {  	v56 =	vadd.s32 $0x3C0, v32;
	[tilespmem:s5+$0x280] =	vst v3;
	v60 =	vld.idx.msk [tilespmem:v20+s10+$0x0], $0xffff  }
0x637: {  	[tilespmem:s8+$0x280] =	vst v4;
	v61 =	vld.idx.msk [tilespmem:v19+s10+$0x0], $0xffff  }
0x638: {  	[tilespmem:s30+$0x300] =	vst v8;
	v5 =	vld.idx.msk [tilespmem:v38+s10+$0x0], $0xffff  }
0x639: {  	v63 =	vld.idx.msk [tilespmem:v17+s10+$0x0], $0xffff;
	[tilespmem:s28+$0x380] =	vst v62  }
0x63a: {  	v55 =	vld.idx.msk [tilespmem:v18+s10+$0x0], $0xffff;
	[tilespmem:s4+$0x300] =	vst v1  }
0x63b: {  	[tilespmem:s1+$0x300] =	vst v60;
	v2 =	vld.idx.msk [tilespmem:v56+s10+$0x0], $0xffff  }
0x63c: {  	[tilespmem:s5+$0x300] =	vst v61;
	v3 =	vld.idx.msk [tilespmem:v59+s10+$0x0], $0xffff  }
0x63d: {  	[tilespmem:s8+$0x300] =	vst v5;
	v4 =	vld.idx.msk [tilespmem:v58+s10+$0x0], $0xffff  }
0x63e: {  	[tilespmem:s30+$0x380] =	vst v63;
	v5 =	vld.idx.msk [tilespmem:v57+s10+$0x0], $0xffff  }
0x63f: {  	[tilespmem:s29+$0x380] =	vst v55  }
0x640: {  	[tilespmem:s4+$0x380] =	vst v2  }
0x641: {  	[tilespmem:s1+$0x380] =	vst v3  }
0x642: {  	[tilespmem:s5+$0x380] =	vst v4  }
0x643: {  	[tilespmem:s8+$0x380] =	vst v5  }
0x644: {  	v4 =	vld [tilespmem:$0x1FE60];
	_ =	sdelay $0x7  }
0x645: {  	v0 =	vld.idx.msk [tilespmem:v4+s3+$0x0], $0xffff;
	_ =	sdelay $0x4  }
0x646: {  	v3 =	vld [tilespmem:$0x1FE00];
	_ =	sdelay $0x2  }
0x647: {  	v1 =	vld.idx.msk [tilespmem:v0+s10+$0x0], $0xffff  }
0x648: {  	v6 =	vadd.s32 $0x40, v0;
	_ =	sdelay $0x1  }
0x649: {  	v8 =	vld [tilespmem:$0x1FE10];
	_ =	sdelay $0x1  }
0x64a: {  	[tilespmem:v3+s13+$0x0] =	vst.idx.msk $0xffff, v1  }
0x64b: {  	v1 =	vld.idx.msk [tilespmem:v6+s10+$0x0], $0xffff  }
0x64c: {  	v7 =	vadd.s32 $0x80, v0;
	_ =	sdelay $0x1  }
0x64d: {  	v10 =	vld [tilespmem:$0x1FE20];
	_ =	sdelay $0x1  }
0x64e: {  	[tilespmem:v8+s13+$0x0] =	vst.idx.msk $0xffff, v1  }
0x64f: {  	v1 =	vld.idx.msk [tilespmem:v7+s10+$0x0], $0xffff  }
0x650: {  	v9 =	vadd.s32 $0xC0, v0;
	_ =	sdelay $0x1  }
0x651: {  	v12 =	vld [tilespmem:$0x1FE30];
	_ =	sdelay $0x1  }
0x652: {  	[tilespmem:v10+s13+$0x0] =	vst.idx.msk $0xffff, v1  }
0x653: {  	v1 =	vld.idx.msk [tilespmem:v9+s10+$0x0], $0xffff  }
0x654: {  	v11 =	vadd.s32 $0x100, v0;
	_ =	sdelay $0x1  }
0x655: {  	v14 =	vld [tilespmem:$0x1FE40];
	_ =	sdelay $0x1  }
0x656: {  	[tilespmem:v12+s13+$0x0] =	vst.idx.msk $0xffff, v1  }
0x657: {  	v1 =	vld.idx.msk [tilespmem:v11+s10+$0x0], $0xffff  }
0x658: {  	v13 =	vadd.s32 $0x140, v0;
	_ =	sdelay $0x1  }
0x659: {  	v16 =	vld [tilespmem:$0x1FE50];
	_ =	sdelay $0x1  }
0x65a: {  	[tilespmem:v14+s13+$0x0] =	vst.idx.msk $0xffff, v1  }
0x65b: {  	v1 =	vld.idx.msk [tilespmem:v13+s10+$0x0], $0xffff  }
0x65c: {  	v15 =	vadd.s32 $0x180, v0;
	_ =	sdelay $0x3  }
0x65d: {  	[tilespmem:v16+s13+$0x0] =	vst.idx.msk $0xffff, v1  }
0x65e: {  	v1 =	vld.idx.msk [tilespmem:v15+s10+$0x0], $0xffff  }
0x65f: {  	v17 =	vadd.s32 $0x1C0, v0;
	_ =	sdelay $0x1  }
0x660: {  	v19 =	vld [tilespmem:$0x1FE70];
	_ =	sdelay $0x1  }
0x661: {  	[tilespmem:v4+s13+$0x0] =	vst.idx.msk $0xffff, v1  }
0x662: {  	v1 =	vld.idx.msk [tilespmem:v17+s10+$0x0], $0xffff  }
0x663: {  	v18 =	vadd.s32 $0x200, v0;
	_ =	sdelay $0x1  }
0x664: {  	v21 =	vld [tilespmem:$0x1FE80];
	_ =	sdelay $0x1  }
0x665: {  	[tilespmem:v19+s13+$0x0] =	vst.idx.msk $0xffff, v1  }
0x666: {  	v1 =	vld.idx.msk [tilespmem:v18+s10+$0x0], $0xffff  }
0x667: {  	v20 =	vadd.s32 $0x240, v0;
	_ =	sdelay $0x1  }
0x668: {  	v23 =	vld [tilespmem:$0x1FE90];
	_ =	sdelay $0x1  }
0x669: {  	[tilespmem:v21+s13+$0x0] =	vst.idx.msk $0xffff, v1  }
0x66a: {  	v1 =	vld.idx.msk [tilespmem:v20+s10+$0x0], $0xffff  }
0x66b: {  	v22 =	vadd.s32 $0x280, v0;
	_ =	sdelay $0x1  }
0x66c: {  	v25 =	vld [tilespmem:$0x1FEA0];
	_ =	sdelay $0x1  }
0x66d: {  	[tilespmem:v23+s13+$0x0] =	vst.idx.msk $0xffff, v1  }
0x66e: {  	v1 =	vld.idx.msk [tilespmem:v22+s10+$0x0], $0xffff  }
0x66f: {  	v24 =	vadd.s32 $0x2C0, v0;
	_ =	sdelay $0x1  }
0x670: {  	v27 =	vld [tilespmem:$0x1FEB0];
	_ =	sdelay $0x1  }
0x671: {  	[tilespmem:v25+s13+$0x0] =	vst.idx.msk $0xffff, v1  }
0x672: {  	v1 =	vld.idx.msk [tilespmem:v24+s10+$0x0], $0xffff  }
0x673: {  	v26 =	vadd.s32 $0x300, v0;
	_ =	sdelay $0x1  }
0x674: {  	v29 =	vld [tilespmem:$0x1FEC0];
	_ =	sdelay $0x1  }
0x675: {  	[tilespmem:v27+s13+$0x0] =	vst.idx.msk $0xffff, v1  }
0x676: {  	v1 =	vld.idx.msk [tilespmem:v26+s10+$0x0], $0xffff  }
0x677: {  	v28 =	vadd.s32 $0x340, v0;
	_ =	sdelay $0x1  }
0x678: {  	v31 =	vld [tilespmem:$0x1FED0];
	_ =	sdelay $0x1  }
0x679: {  	[tilespmem:v29+s13+$0x0] =	vst.idx.msk $0xffff, v1  }
0x67a: {  	v1 =	vld.idx.msk [tilespmem:v28+s10+$0x0], $0xffff  }
0x67b: {  	v30 =	vadd.s32 $0x380, v0;
	_ =	sdelay $0x1  }
0x67c: {  	v32 =	vld [tilespmem:$0x1FEE0];
	_ =	sdelay $0x1  }
0x67d: {  	[tilespmem:v31+s13+$0x0] =	vst.idx.msk $0xffff, v1  }
0x67e: {  	v1 =	vld.idx.msk [tilespmem:v30+s10+$0x0], $0xffff  }
0x67f: {  	v0 =	vadd.s32 $0x3C0, v0;
	_ =	sdelay $0x1  }
0x680: {  	v33 =	vld [tilespmem:$0x1FEF0];
	_ =	sdelay $0x1  }
0x681: {  	[tilespmem:v32+s13+$0x0] =	vst.idx.msk $0xffff, v1  }
0x682: {  	v0 =	vld.idx.msk [tilespmem:v0+s10+$0x0], $0xffff;
	_ =	sdelay $0x4  }
0x683: {  	[tilespmem:v33+s13+$0x0] =	vst.idx.msk $0xffff, v0  }
0x684: {  	v0 =	vld.idx.msk [tilespmem:v19+s3+$0x0], $0xffff;
	_ =	sdelay $0x4  }
0x685: {  	v35 =	vld [tilespmem:$0x1FF00];
	_ =	sdelay $0x2  }
0x686: {  	v1 =	vld.idx.msk [tilespmem:v0+s10+$0x0], $0xffff  }
0x687: {  	v34 =	vadd.s32 $0x40, v0;
	_ =	sdelay $0x1  }
0x688: {  	v37 =	vld [tilespmem:$0x1FF10];
	_ =	sdelay $0x1  }
0x689: {  	[tilespmem:v35+s13+$0x0] =	vst.idx.msk $0xffff, v1  }
0x68a: {  	v1 =	vld.idx.msk [tilespmem:v34+s10+$0x0], $0xffff  }
0x68b: {  	v36 =	vadd.s32 $0x80, v0;
	_ =	sdelay $0x1  }
0x68c: {  	v39 =	vld [tilespmem:$0x1FF20];
	_ =	sdelay $0x1  }
0x68d: {  	[tilespmem:v37+s13+$0x0] =	vst.idx.msk $0xffff, v1  }
0x68e: {  	v1 =	vld.idx.msk [tilespmem:v36+s10+$0x0], $0xffff  }
0x68f: {  	v38 =	vadd.s32 $0xC0, v0;
	_ =	sdelay $0x1  }
0x690: {  	v41 =	vld [tilespmem:$0x1FF30];
	_ =	sdelay $0x1  }
0x691: {  	[tilespmem:v39+s13+$0x0] =	vst.idx.msk $0xffff, v1  }
0x692: {  	v1 =	vld.idx.msk [tilespmem:v38+s10+$0x0], $0xffff  }
0x693: {  	v40 =	vadd.s32 $0x100, v0;
	_ =	sdelay $0x1  }
0x694: {  	v43 =	vld [tilespmem:$0x1FF40];
	_ =	sdelay $0x1  }
0x695: {  	[tilespmem:v41+s13+$0x0] =	vst.idx.msk $0xffff, v1  }
0x696: {  	v1 =	vld.idx.msk [tilespmem:v40+s10+$0x0], $0xffff  }
0x697: {  	v42 =	vadd.s32 $0x140, v0;
	_ =	sdelay $0x1  }
0x698: {  	v45 =	vld [tilespmem:$0x1FF50];
	_ =	sdelay $0x1  }
0x699: {  	[tilespmem:v43+s13+$0x0] =	vst.idx.msk $0xffff, v1  }
0x69a: {  	v1 =	vld.idx.msk [tilespmem:v42+s10+$0x0], $0xffff  }
0x69b: {  	v44 =	vadd.s32 $0x180, v0;
	_ =	sdelay $0x1  }
0x69c: {  	v47 =	vld [tilespmem:$0x1FF60];
	_ =	sdelay $0x1  }
0x69d: {  	[tilespmem:v45+s13+$0x0] =	vst.idx.msk $0xffff, v1  }
0x69e: {  	v1 =	vld.idx.msk [tilespmem:v44+s10+$0x0], $0xffff  }
0x69f: {  	v46 =	vadd.s32 $0x1C0, v0;
	_ =	sdelay $0x1  }
0x6a0: {  	v49 =	vld [tilespmem:$0x1FF70];
	_ =	sdelay $0x1  }
0x6a1: {  	[tilespmem:v47+s13+$0x0] =	vst.idx.msk $0xffff, v1  }
0x6a2: {  	v1 =	vld.idx.msk [tilespmem:v46+s10+$0x0], $0xffff  }
0x6a3: {  	v48 =	vadd.s32 $0x200, v0;
	_ =	sdelay $0x1  }
0x6a4: {  	v51 =	vld [tilespmem:$0x1FF80];
	_ =	sdelay $0x1  }
0x6a5: {  	[tilespmem:v49+s13+$0x0] =	vst.idx.msk $0xffff, v1  }
0x6a6: {  	v1 =	vld.idx.msk [tilespmem:v48+s10+$0x0], $0xffff  }
0x6a7: {  	v50 =	vadd.s32 $0x240, v0;
	_ =	sdelay $0x1  }
0x6a8: {  	v53 =	vld [tilespmem:$0x1FF90];
	_ =	sdelay $0x1  }
0x6a9: {  	[tilespmem:v51+s13+$0x0] =	vst.idx.msk $0xffff, v1  }
0x6aa: {  	v1 =	vld.idx.msk [tilespmem:v50+s10+$0x0], $0xffff  }
0x6ab: {  	v52 =	vadd.s32 $0x280, v0;
	_ =	sdelay $0x1  }
0x6ac: {  	v55 =	vld [tilespmem:$0x1FFA0];
	_ =	sdelay $0x1  }
0x6ad: {  	[tilespmem:v53+s13+$0x0] =	vst.idx.msk $0xffff, v1  }
0x6ae: {  	v1 =	vld.idx.msk [tilespmem:v52+s10+$0x0], $0xffff  }
0x6af: {  	v54 =	vadd.s32 $0x2C0, v0;
	_ =	sdelay $0x1  }
0x6b0: {  	v57 =	vld [tilespmem:$0x1FFB0];
	_ =	sdelay $0x1  }
0x6b1: {  	[tilespmem:v55+s13+$0x0] =	vst.idx.msk $0xffff, v1  }
0x6b2: {  	v1 =	vld.idx.msk [tilespmem:v54+s10+$0x0], $0xffff  }
0x6b3: {  	v56 =	vadd.s32 $0x300, v0;
	_ =	sdelay $0x1  }
0x6b4: {  	v59 =	vld [tilespmem:$0x1FFC0];
	_ =	sdelay $0x1  }
0x6b5: {  	[tilespmem:v57+s13+$0x0] =	vst.idx.msk $0xffff, v1  }
0x6b6: {  	v1 =	vld.idx.msk [tilespmem:v56+s10+$0x0], $0xffff  }
0x6b7: {  	v58 =	vadd.s32 $0x340, v0;
	_ =	sdelay $0x1  }
0x6b8: {  	v61 =	vld [tilespmem:$0x1FFD0];
	_ =	sdelay $0x1  }
0x6b9: {  	[tilespmem:v59+s13+$0x0] =	vst.idx.msk $0xffff, v1  }
0x6ba: {  	v1 =	vld.idx.msk [tilespmem:v58+s10+$0x0], $0xffff  }
0x6bb: {  	v60 =	vadd.s32 $0x380, v0;
	_ =	sdelay $0x1  }
0x6bc: {  	v62 =	vld [tilespmem:$0x1FFE0];
	_ =	sdelay $0x1  }
0x6bd: {  	[tilespmem:v61+s13+$0x0] =	vst.idx.msk $0xffff, v1  }
0x6be: {  	v1 =	vld.idx.msk [tilespmem:v60+s10+$0x0], $0xffff  }
0x6bf: {  	v0 =	vadd.s32 $0x3C0, v0;
	_ =	sdelay $0x1  }
0x6c0: {  	v63 =	vld [tilespmem:$0x1FFF0];
	_ =	sdelay $0x1  }
0x6c1: {  	[tilespmem:v62+s13+$0x0] =	vst.idx.msk $0xffff, v1  }
0x6c2: {  	s25 =	sadd.s32 $0x1, s25;
	v0 =	vld.idx.msk [tilespmem:v0+s10+$0x0], $0xffff  }
0x6c3: {  	p1 =	sne.s32 s25, $0x4  }
.Ltmp6:
0x6c4: {  	_ = 	snop;
	(pc) =	sbr.rel @p1 .LBB2_2-.Ltmp6, $3  }
0x6c5: {  	_ =	sdelay $0x1  }
0x6c6: {  	s31 =	sadd.s32 $0x3600, s26;
	[tilespmem:v63+s13+$0x0] =	vst.idx.msk $0xffff, v0  }
0x6c7: {  	[hbm4b:s31+s3] =	stream.linear.scatter [tilespmem:s13], [sflag:$0x2], $0x9000, $0x38;
	[tilespmem:$0x14800] =	vst v63  }
0x6c8: {  	_ =	swait.ge [sflag:s14], $0x9000  }
.Ltmp7:
0x6c9: {  	[sflag:s14] =	ssyncset.done $0x0;
	(pc) =	sbr.rel @p0 .LBB2_15-.Ltmp7, $4  }
0x6ca: {  	[sflag:s14] =	ssyncadd.s32 $0xFFFF7000  }
0x6cb: {  	_ =	swait.ge [sflag:s15], $0x9000  }
0x6cc: {  	[sflag:s15] =	ssyncset.done $0x0  }
0x6cd: {  	s1 =	rddreg [dreg:$0x9];
	[sflag:s15] =	ssyncadd.s32 $0xFFFF7000  }
0x6ce: {  	s0 =	simm.s32 $0x0;
	s2 =	rddreg [dreg:$0x6]  }
0x6cf: {  	[tilespmem:s0], [sflag:$0x3] =	stream.linear.gather [hbm4b:s2+s0], $0x80, $0x38;
	[tilespmem:$0x14800] =	vst v63  }
0x6d0: {  	s4 =	simm.s32 $0x400;
	s1 =	sadd.s32 $0x80, s2  }
0x6d1: {  	[tilespmem:s4], [sflag:$0x3] =	stream.linear.gather [hbm4b:s1+s0], $0x80, $0x38;
	[tilespmem:$0x14800] =	vst v63  }
0x6d2: {  	s22 =	simm.s32 $0x800;
	s21 =	sadd.s32 $0x100, s2  }
0x6d3: {  	[tilespmem:s22], [sflag:$0x3] =	stream.linear.gather [hbm4b:s21+s0], $0x80, $0x38;
	[tilespmem:$0x14800] =	vst v63  }
0x6d4: {  	s24 =	simm.s32 $0xC00;
	s23 =	sadd.s32 $0x180, s2  }
0x6d5: {  	[tilespmem:s24], [sflag:$0x3] =	stream.linear.gather [hbm4b:s23+s0], $0x80, $0x38;
	[tilespmem:$0x14800] =	vst v63  }
0x6d6: {  	s26 =	simm.s32 $0x1000;
	s25 =	sadd.s32 $0x200, s2  }
0x6d7: {  	[tilespmem:s26], [sflag:$0x3] =	stream.linear.gather [hbm4b:s25+s0], $0x80, $0x38;
	[tilespmem:$0x14800] =	vst v63  }
0x6d8: {  	s31 =	simm.s32 $0x1400;
	s30 =	sadd.s32 $0x280, s2  }
0x6d9: {  	[tilespmem:s31], [sflag:$0x3] =	stream.linear.gather [hbm4b:s30+s0], $0x80, $0x38;
	[tilespmem:$0x14800] =	vst v63  }
0x6da: {  	s5 =	simm.s32 $0x1800;
	s4 =	sadd.s32 $0x300, s2  }
0x6db: {  	[tilespmem:s5], [sflag:$0x3] =	stream.linear.gather [hbm4b:s4+s0], $0x80, $0x38;
	[tilespmem:$0x14800] =	vst v63  }
0x6dc: {  	s8 =	simm.s32 $0x1C00;
	s7 =	sadd.s32 $0x380, s2  }
0x6dd: {  	[tilespmem:s8], [sflag:$0x3] =	stream.linear.gather [hbm4b:s7+s0], $0x80, $0x38;
	[tilespmem:$0x14800] =	vst v63  }
0x6de: {  	s16 =	simm.s32 $0x2000;
	s9 =	sadd.s32 $0x400, s2  }
0x6df: {  	[tilespmem:s16], [sflag:$0x3] =	stream.linear.gather [hbm4b:s9+s0], $0x80, $0x38;
	[tilespmem:$0x14800] =	vst v63  }
0x6e0: {  	s5 =	sand.u32 $0x40, s0;
	_ =	swait.ge [sflag:s11], $0x480  }
0x6e1: {  	s21 =	sand.u32 $0x1C00, s0;
	s20 =	sor.u32 $0x30, s5;
	[sflag:s11] =	ssyncset.done $0x0  }
0x6e2: {  	s8 =	sor.u32 $0x10, s5;
	s0 =	sor.u32 s20, s21;
	[sflag:s11] =	ssyncadd.s32 $0xFFFFFB80  }
0x6e3: {  	s19 =	sor.u32 $0x20, s5;
	s17 =	sor.u32 s8, s21;
	v36 =	vld [tilespmem:s0+$0x0]  }
0x6e4: {  	s18 =	sor.u32 s19, s21;
	v34 =	vld [tilespmem:s17+$0x0]  }
0x6e5: {  	v35 =	vld [tilespmem:s18+$0x0];
	_ =	sdelay $0x3  }
0x6e6: {  	s22 =	sor.u32 s5, s21  }
0x6e7: {  	v33 =	vld [tilespmem:s22+$0x0]  }
0x6e8: {  	v0 =	vld.idx.msk [tilespmem:v36+s10+$0x0], $0xffff  }
0x6e9: {  	v2 =	vadd.s32 $0x40, v36;
	v1 =	vld.idx.msk [tilespmem:v34+s10+$0x0], $0xffff  }
0x6ea: {  	v3 =	vadd.s32 $0x40, v34;
	v4 =	vld.idx.msk [tilespmem:v35+s10+$0x0], $0xffff  }
0x6eb: {  	s23 =	sadd.s32 $0x2400, s21;
	v5 =	vadd.s32 $0x40, v35  }
0x6ec: {  	s24 =	sor.u32 s20, s23  }
0x6ed: {  	s25 =	sor.u32 s8, s23;
	[tilespmem:s24+$0x0] =	vst v0  }
0x6ee: {  	s16 =	sor.u32 s19, s23;
	[tilespmem:s25+$0x0] =	vst v1;
	v16 =	vld.idx.msk [tilespmem:v2+s10+$0x0], $0xffff  }
0x6ef: {  	v18 =	vadd.s32 $0x80, v36;
	[tilespmem:s16+$0x0] =	vst v4;
	v17 =	vld.idx.msk [tilespmem:v3+s10+$0x0], $0xffff  }
0x6f0: {  	v4 =	vadd.s32 $0x80, v34;
	v5 =	vld.idx.msk [tilespmem:v5+s10+$0x0], $0xffff  }
0x6f1: {  	v7 =	vadd.s32 $0x80, v35;
	v6 =	vld.idx.msk [tilespmem:v33+s10+$0x0], $0xffff;
	_ =	sdelay $0x1  }
0x6f2: {  	v63 =	vadd.s32 $0x40, v33;
	[tilespmem:s24+$0x80] =	vst v16  }
0x6f3: {  	[tilespmem:s25+$0x80] =	vst v17;
	v20 =	vld.idx.msk [tilespmem:v18+s10+$0x0], $0xffff  }
0x6f4: {  	s22 =	sor.u32 s5, s23;
	[tilespmem:s16+$0x80] =	vst v5;
	v21 =	vld.idx.msk [tilespmem:v4+s10+$0x0], $0xffff;
	v4 =	vadd.s32 $0xC0, v36  }
0x6f5: {  	[tilespmem:s22+$0x0] =	vst v6;
	v5 =	vadd.s32 $0xC0, v34;
	v6 =	vld.idx.msk [tilespmem:v7+s10+$0x0], $0xffff  }
0x6f6: {  	v7 =	vadd.s32 $0xC0, v35  }
0x6f7: {  	v0 =	vld.idx.msk [tilespmem:v63+s10+$0x0], $0xffff  }
0x6f8: {  	v19 =	vadd.s32 $0x80, v33;
	[tilespmem:s24+$0x100] =	vst v20  }
0x6f9: {  	[tilespmem:s25+$0x100] =	vst v21;
	v2 =	vld.idx.msk [tilespmem:v4+s10+$0x0], $0xffff  }
0x6fa: {  	[tilespmem:s16+$0x100] =	vst v6;
	v3 =	vld.idx.msk [tilespmem:v5+s10+$0x0], $0xffff;
	v4 =	vadd.s32 $0x100, v36  }
0x6fb: {  	v5 =	vadd.s32 $0x100, v34;
	v6 =	vld.idx.msk [tilespmem:v7+s10+$0x0], $0xffff  }
0x6fc: {  	[tilespmem:s22+$0x80] =	vst v0;
	v7 =	vadd.s32 $0x100, v35  }
0x6fd: {  	v0 =	vld.idx.msk [tilespmem:v19+s10+$0x0], $0xffff  }
0x6fe: {  	v22 =	vadd.s32 $0xC0, v33;
	[tilespmem:s24+$0x180] =	vst v2  }
0x6ff: {  	[tilespmem:s25+$0x180] =	vst v3;
	v2 =	vld.idx.msk [tilespmem:v4+s10+$0x0], $0xffff  }
0x700: {  	[tilespmem:s16+$0x180] =	vst v6;
	v3 =	vld.idx.msk [tilespmem:v5+s10+$0x0], $0xffff;
	v4 =	vadd.s32 $0x140, v36  }
0x701: {  	v5 =	vadd.s32 $0x140, v34;
	v6 =	vld.idx.msk [tilespmem:v7+s10+$0x0], $0xffff  }
0x702: {  	[tilespmem:s22+$0x100] =	vst v0;
	v7 =	vadd.s32 $0x140, v35  }
0x703: {  	v0 =	vld.idx.msk [tilespmem:v22+s10+$0x0], $0xffff  }
0x704: {  	v23 =	vadd.s32 $0x100, v33;
	[tilespmem:s24+$0x200] =	vst v2  }
0x705: {  	[tilespmem:s25+$0x200] =	vst v3;
	v2 =	vld.idx.msk [tilespmem:v4+s10+$0x0], $0xffff  }
0x706: {  	[tilespmem:s16+$0x200] =	vst v6;
	v3 =	vld.idx.msk [tilespmem:v5+s10+$0x0], $0xffff;
	v4 =	vadd.s32 $0x180, v36  }
0x707: {  	v5 =	vadd.s32 $0x180, v34;
	v6 =	vld.idx.msk [tilespmem:v7+s10+$0x0], $0xffff  }
0x708: {  	[tilespmem:s22+$0x180] =	vst v0;
	v7 =	vadd.s32 $0x180, v35  }
0x709: {  	v0 =	vld.idx.msk [tilespmem:v23+s10+$0x0], $0xffff  }
0x70a: {  	v24 =	vadd.s32 $0x140, v33;
	[tilespmem:s24+$0x280] =	vst v2  }
0x70b: {  	s26 =	simm.s32 $0x40;
	s4 =	simm.s32 $0x200;
	[tilespmem:s25+$0x280] =	vst v3;
	v2 =	vld.idx.msk [tilespmem:v4+s10+$0x0], $0xffff  }
0x70c: {  	s1 =	sand.u32 $0x40, s26;
	s29 =	sand.u32 $0x1C00, s4;
	[tilespmem:s16+$0x280] =	vst v6;
	v3 =	vld.idx.msk [tilespmem:v5+s10+$0x0], $0xffff;
	v4 =	vadd.s32 $0x1C0, v36  }
0x70d: {  	s23 =	sor.u32 s1, s29;
	v5 =	vadd.s32 $0x1C0, v34;
	v6 =	vld.idx.msk [tilespmem:v7+s10+$0x0], $0xffff  }
0x70e: {  	s17 =	sor.u32 $0x30, s1;
	v59 =	vld [tilespmem:s23+$0x0];
	[tilespmem:s22+$0x200] =	vst v0;
	v7 =	vadd.s32 $0x1C0, v35  }
0x70f: {  	s30 =	sor.u32 s17, s29;
	v0 =	vld.idx.msk [tilespmem:v24+s10+$0x0], $0xffff  }
0x710: {  	v32 =	vld [tilespmem:s30+$0x0];
	v25 =	vadd.s32 $0x180, v33;
	[tilespmem:s24+$0x300] =	vst v2  }
0x711: {  	[tilespmem:s25+$0x300] =	vst v3;
	v2 =	vld.idx.msk [tilespmem:v4+s10+$0x0], $0xffff  }
0x712: {  	s18 =	sor.u32 $0x20, s1;
	[tilespmem:s16+$0x300] =	vst v6;
	v3 =	vld.idx.msk [tilespmem:v5+s10+$0x0], $0xffff;
	v4 =	vadd.s32 $0x200, v36  }
0x713: {  	s7 =	sor.u32 s18, s29;
	v5 =	vadd.s32 $0x200, v34;
	v6 =	vld.idx.msk [tilespmem:v7+s10+$0x0], $0xffff  }
0x714: {  	v58 =	vld [tilespmem:s7+$0x0];
	[tilespmem:s22+$0x280] =	vst v0;
	v7 =	vadd.s32 $0x200, v35  }
0x715: {  	v0 =	vld.idx.msk [tilespmem:v25+s10+$0x0], $0xffff  }
0x716: {  	v26 =	vadd.s32 $0x1C0, v33;
	v39 =	vld.idx.msk [tilespmem:v59+s10+$0x0], $0xffff;
	[tilespmem:s24+$0x380] =	vst v2  }
0x717: {  	[tilespmem:s25+$0x380] =	vst v3;
	v27 =	vld.idx.msk [tilespmem:v4+s10+$0x0], $0xffff  }
0x718: {  	v29 =	vadd.s32 $0x240, v36;
	[tilespmem:s16+$0x380] =	vst v6;
	s16 =	sor.u32 $0x10, s1;
	v28 =	vld.idx.msk [tilespmem:v5+s10+$0x0], $0xffff  }
0x719: {  	v6 =	vadd.s32 $0x240, v34;
	v4 =	vld.idx.msk [tilespmem:v7+s10+$0x0], $0xffff;
	s31 =	sor.u32 s16, s29  }
0x71a: {  	s9 =	sadd.s32 $0x4800, s21;
	[tilespmem:s22+$0x300] =	vst v0;
	v7 =	vadd.s32 $0x240, v35;
	v57 =	vld [tilespmem:s31+$0x0]  }
0x71b: {  	s21 =	sor.u32 s20, s9;
	v0 =	vld.idx.msk [tilespmem:v26+s10+$0x0], $0xffff  }
0x71c: {  	s28 =	sor.u32 s8, s9;
	v10 =	vld.idx.msk [tilespmem:v58+s10+$0x0], $0xffff;
	v5 =	vadd.s32 $0x200, v33;
	[tilespmem:s21+$0x0] =	vst v27  }
0x71d: {  	s25 =	sor.u32 s19, s9;
	[tilespmem:s28+$0x0] =	vst v28;
	v1 =	vld.idx.msk [tilespmem:v29+s10+$0x0], $0xffff  }
0x71e: {  	v11 =	vadd.s32 $0x40, v58;
	[tilespmem:s25+$0x0] =	vst v4;
	v37 =	vld.idx.msk [tilespmem:v6+s10+$0x0], $0xffff  }
0x71f: {  	v31 =	vadd.s32 $0x280, v36;
	s24 =	sadd.s32 $0x2400, s29;
	v4 =	vld.idx.msk [tilespmem:v7+s10+$0x0], $0xffff  }
0x720: {  	[tilespmem:s22+$0x380] =	vst v0;
	s20 =	sor.u32 s18, s24;
	v6 =	vld.idx.msk [tilespmem:v32+s10+$0x0], $0xffff;
	v7 =	vadd.s32 $0x280, v34  }
0x721: {  	v38 =	vadd.s32 $0x40, v32;
	[tilespmem:s20+$0x0] =	vst v10;
	v0 =	vld.idx.msk [tilespmem:v5+s10+$0x0], $0xffff  }
0x722: {  	v5 =	vadd.s32 $0x240, v33;
	v8 =	vld.idx.msk [tilespmem:v57+s10+$0x0], $0xffff;
	[tilespmem:s21+$0x80] =	vst v1  }
0x723: {  	v42 =	vld.idx.msk [tilespmem:v11+s10+$0x0], $0xffff;
	v9 =	vadd.s32 $0x40, v57;
	[tilespmem:s28+$0x80] =	vst v37  }
0x724: {  	s30 =	sor.u32 s17, s24;
	[tilespmem:s25+$0x80] =	vst v4;
	v4 =	vadd.s32 $0x40, v59;
	v2 =	vld.idx.msk [tilespmem:v31+s10+$0x0], $0xffff  }
0x725: {  	s26 =	sor.u32 s5, s9;
	[tilespmem:s30+$0x0] =	vst v6;
	v6 =	vld.idx.msk [tilespmem:v7+s10+$0x0], $0xffff;
	v7 =	vadd.s32 $0x280, v35  }
0x726: {  	v40 =	vadd.s32 $0x2C0, v36;
	s31 =	sor.u32 s16, s24;
	[tilespmem:s26+$0x0] =	vst v0;
	v1 =	vld.idx.msk [tilespmem:v38+s10+$0x0], $0xffff  }
0x727: {  	v41 =	vadd.s32 $0x80, v32;
	s19 =	sor.u32 s1, s24;
	v5 =	vld.idx.msk [tilespmem:v5+s10+$0x0], $0xffff;
	[tilespmem:s31+$0x0] =	vst v8  }
0x728: {  	[tilespmem:s19+$0x0] =	vst v39;
	v8 =	vadd.s32 $0x280, v33;
	v9 =	vld.idx.msk [tilespmem:v9+s10+$0x0], $0xffff  }
0x729: {  	v10 =	vadd.s32 $0x80, v57;
	v4 =	vld.idx.msk [tilespmem:v4+s10+$0x0], $0xffff;
	[tilespmem:s21+$0x100] =	vst v2  }
0x72a: {  	v11 =	vadd.s32 $0x80, v58;
	[tilespmem:s28+$0x100] =	vst v6;
	v6 =	vld.idx.msk [tilespmem:v7+s10+$0x0], $0xffff  }
0x72b: {  	v7 =	vadd.s32 $0x80, v59;
	[tilespmem:s30+$0x80] =	vst v1;
	v3 =	vld.idx.msk [tilespmem:v40+s10+$0x0], $0xffff  }
0x72c: {  	[tilespmem:s26+$0x80] =	vst v5;
	v5 =	vadd.s32 $0x300, v36;
	v2 =	vld.idx.msk [tilespmem:v41+s10+$0x0], $0xffff  }
0x72d: {  	v43 =	vld.idx.msk [tilespmem:v8+s10+$0x0], $0xffff;
	v8 =	vadd.s32 $0x2C0, v34;
	[tilespmem:s31+$0x80] =	vst v9  }
0x72e: {  	v44 =	vadd.s32 $0xC0, v32;
	[tilespmem:s20+$0x80] =	vst v42;
	v10 =	vld.idx.msk [tilespmem:v10+s10+$0x0], $0xffff  }
0x72f: {  	v9 =	vadd.s32 $0x2C0, v35;
	[tilespmem:s19+$0x80] =	vst v4;
	v4 =	vld.idx.msk [tilespmem:v11+s10+$0x0], $0xffff  }
0x730: {  	v11 =	vadd.s32 $0xC0, v58;
	v7 =	vld.idx.msk [tilespmem:v7+s10+$0x0], $0xffff;
	[tilespmem:s21+$0x180] =	vst v3  }
0x731: {  	[tilespmem:s25+$0x100] =	vst v6;
	v3 =	vld.idx.msk [tilespmem:v5+s10+$0x0], $0xffff;
	v5 =	vadd.s32 $0xC0, v57  }
0x732: {  	[tilespmem:s30+$0x100] =	vst v2;
	v45 =	vld.idx.msk [tilespmem:v8+s10+$0x0], $0xffff;
	v8 =	vadd.s32 $0xC0, v59  }
0x733: {  	v6 =	vadd.s32 $0x340, v36;
	v0 =	vld.idx.msk [tilespmem:v44+s10+$0x0], $0xffff;
	[tilespmem:s31+$0x100] =	vst v10  }
0x734: {  	v46 =	vld.idx.msk [tilespmem:v9+s10+$0x0], $0xffff;
	v9 =	vadd.s32 $0x2C0, v33;
	[tilespmem:s20+$0x100] =	vst v4  }
0x735: {  	v47 =	vadd.s32 $0x100, v32;
	[tilespmem:s19+$0x100] =	vst v7;
	v7 =	vld.idx.msk [tilespmem:v11+s10+$0x0], $0xffff  }
0x736: {  	[tilespmem:s26+$0x100] =	vst v43;
	v10 =	vadd.s32 $0x300, v34;
	v5 =	vld.idx.msk [tilespmem:v5+s10+$0x0], $0xffff  }
0x737: {  	v11 =	vadd.s32 $0x100, v58;
	[tilespmem:s21+$0x200] =	vst v3;
	v8 =	vld.idx.msk [tilespmem:v8+s10+$0x0], $0xffff  }
0x738: {  	[tilespmem:s28+$0x180] =	vst v45;
	v4 =	vld.idx.msk [tilespmem:v6+s10+$0x0], $0xffff;
	v6 =	vadd.s32 $0x100, v57  }
0x739: {  	v49 =	vadd.s32 $0x100, v59;
	[tilespmem:s30+$0x180] =	vst v0;
	v9 =	vld.idx.msk [tilespmem:v9+s10+$0x0], $0xffff  }
0x73a: {  	v48 =	vadd.s32 $0x380, v36;
	v3 =	vld.idx.msk [tilespmem:v47+s10+$0x0], $0xffff;
	[tilespmem:s20+$0x180] =	vst v7  }
0x73b: {  	v50 =	vld.idx.msk [tilespmem:v10+s10+$0x0], $0xffff;
	v10 =	vadd.s32 $0x300, v35;
	[tilespmem:s31+$0x180] =	vst v5  }
0x73c: {  	v5 =	vadd.s32 $0x300, v33;
	[tilespmem:s19+$0x180] =	vst v8;
	v8 =	vld.idx.msk [tilespmem:v11+s10+$0x0], $0xffff  }
0x73d: {  	v6 =	vld.idx.msk [tilespmem:v6+s10+$0x0], $0xffff;
	[tilespmem:s21+$0x280] =	vst v4;
	v4 =	vadd.s32 $0x140, v32  }
0x73e: {  	[tilespmem:s25+$0x180] =	vst v46;
	v11 =	vadd.s32 $0x140, v58;
	v2 =	vld.idx.msk [tilespmem:v49+s10+$0x0], $0xffff  }
0x73f: {  	v7 =	vadd.s32 $0x140, v57;
	[tilespmem:s26+$0x180] =	vst v9;
	v1 =	vld.idx.msk [tilespmem:v48+s10+$0x0], $0xffff  }
0x740: {  	[tilespmem:s30+$0x200] =	vst v3;
	v51 =	vld.idx.msk [tilespmem:v10+s10+$0x0], $0xffff;
	v10 =	vadd.s32 $0x140, v59  }
0x741: {  	v9 =	vadd.s32 $0x3C0, v36;
	[tilespmem:s28+$0x200] =	vst v50;
	v52 =	vld.idx.msk [tilespmem:v5+s10+$0x0], $0xffff  }
0x742: {  	v5 =	vadd.s32 $0x340, v34;
	[tilespmem:s20+$0x200] =	vst v8;
	v4 =	vld.idx.msk [tilespmem:v4+s10+$0x0], $0xffff  }
0x743: {  	[tilespmem:s31+$0x200] =	vst v6;
	v6 =	vadd.s32 $0x340, v35;
	v54 =	vld.idx.msk [tilespmem:v11+s10+$0x0], $0xffff  }
0x744: {  	v53 =	vadd.s32 $0x180, v32;
	[tilespmem:s19+$0x200] =	vst v2;
	v7 =	vld.idx.msk [tilespmem:v7+s10+$0x0], $0xffff  }
0x745: {  	v55 =	vadd.s32 $0x180, v58;
	[tilespmem:s21+$0x300] =	vst v1;
	v10 =	vld.idx.msk [tilespmem:v10+s10+$0x0], $0xffff  }
0x746: {  	[tilespmem:s25+$0x200] =	vst v51;
	v8 =	vld.idx.msk [tilespmem:v9+s10+$0x0], $0xffff;
	v9 =	vadd.s32 $0x180, v57  }
0x747: {  	v11 =	vadd.s32 $0x340, v33;
	[tilespmem:s26+$0x200] =	vst v52;
	v56 =	vld.idx.msk [tilespmem:v5+s10+$0x0], $0xffff  }
0x748: {  	v5 =	vadd.s32 $0x180, v59;
	[tilespmem:s30+$0x280] =	vst v4;
	v4 =	vld.idx.msk [tilespmem:v6+s10+$0x0], $0xffff  }
0x749: {  	v6 =	vadd.s32 $0x380, v34;
	[tilespmem:s20+$0x280] =	vst v54;
	v1 =	vld.idx.msk [tilespmem:v53+s10+$0x0], $0xffff  }
0x74a: {  	[tilespmem:s31+$0x280] =	vst v7;
	v7 =	vadd.s32 $0x380, v35;
	v0 =	vld.idx.msk [tilespmem:v55+s10+$0x0], $0xffff  }
0x74b: {  	v60 =	vadd.s32 $0x1C0, v32;
	[tilespmem:s19+$0x280] =	vst v10;
	v9 =	vld.idx.msk [tilespmem:v9+s10+$0x0], $0xffff  }
0x74c: {  	v12 =	vadd.s32 $0x1C0, v58;
	[tilespmem:s21+$0x380] =	vst v8;
	v8 =	vld.idx.msk [tilespmem:v11+s10+$0x0], $0xffff  }
0x74d: {  	v11 =	vadd.s32 $0x1C0, v57;
	v5 =	vld.idx.msk [tilespmem:v5+s10+$0x0], $0xffff;
	[tilespmem:s28+$0x280] =	vst v56  }
0x74e: {  	v61 =	vadd.s32 $0x3C0, v34;
	v13 =	vadd.s32 $0x3C0, v35;
	v10 =	vadd.s32 $0x380, v33;
	v6 =	vld.idx.msk [tilespmem:v6+s10+$0x0], $0xffff;
	[tilespmem:s25+$0x280] =	vst v4  }
0x74f: {  	v14 =	vadd.s32 $0x3C0, v33;
	v63 =	vadd.s32 $0x200, v32;
	v4 =	vadd.s32 $0x1C0, v59;
	[tilespmem:s30+$0x300] =	vst v1;
	v62 =	vld.idx.msk [tilespmem:v7+s10+$0x0], $0xffff  }
0x750: {  	v39 =	vadd.s32 $0x340, v58;
	v42 =	vadd.s32 $0x300, v59;
	v37 =	vadd.s32 $0x380, v58;
	[tilespmem:s20+$0x300] =	vst v0;
	v2 =	vld.idx.msk [tilespmem:v60+s10+$0x0], $0xffff  }
0x751: {  	v38 =	vadd.s32 $0x380, v57;
	v41 =	vadd.s32 $0x340, v57;
	v40 =	vadd.s32 $0x340, v59;
	[tilespmem:s31+$0x300] =	vst v9;
	v12 =	vld.idx.msk [tilespmem:v12+s10+$0x0], $0xffff  }
0x752: {  	v43 =	vadd.s32 $0x2C0, v57;
	v44 =	vadd.s32 $0x300, v58;
	v45 =	vadd.s32 $0x300, v57;
	[tilespmem:s26+$0x280] =	vst v8;
	v7 =	vld.idx.msk [tilespmem:v11+s10+$0x0], $0xffff  }
0x753: {  	v46 =	vadd.s32 $0x2C0, v59;
	v47 =	vadd.s32 $0x2C0, v58;
	v49 =	vadd.s32 $0x280, v57;
	v9 =	vld.idx.msk [tilespmem:v10+s10+$0x0], $0xffff;
	[tilespmem:s19+$0x300] =	vst v5  }
0x754: {  	v36 =	vadd.s32 $0x380, v59;
	v48 =	vadd.s32 $0x280, v59;
	v56 =	vadd.s32 $0x200, v57;
	v11 =	vld.idx.msk [tilespmem:v4+s10+$0x0], $0xffff;
	[tilespmem:s28+$0x300] =	vst v6  }
0x755: {  	v50 =	vadd.s32 $0x280, v58;
	v51 =	vadd.s32 $0x240, v59;
	v55 =	vadd.s32 $0x200, v58;
	v10 =	vld.idx.msk [tilespmem:v61+s10+$0x0], $0xffff;
	[tilespmem:s25+$0x300] =	vst v62  }
0x756: {  	v52 =	vadd.s32 $0x240, v57;
	v54 =	vadd.s32 $0x200, v59;
	v53 =	vadd.s32 $0x240, v58;
	[tilespmem:s30+$0x380] =	vst v2;
	v8 =	vld.idx.msk [tilespmem:v13+s10+$0x0], $0xffff  }
0x757: {  	s8 =	simm.s32 $0x4;
	s21 =	simm.s32 $0x80;
	v6 =	vadd.s32 $0x3C0, v58;
	[tilespmem:s31+$0x380] =	vst v7;
	v7 =	vadd.s32 $0x3C0, v57;
	v57 =	vadd.s32 $0x3C0, v59;
	v13 =	vld.idx.msk [tilespmem:v63+s10+$0x0], $0xffff  }
.LBB2_13:
0x758: {  	[tilespmem:$0x1FC00] =	vst v7;
	s0 =	sand.u32 $0x40, s21;
	s4 =	sadd.s32 $0x200, s4  }
0x759: {  	v0 =	vld.idx.msk [tilespmem:v56+s10+$0x0], $0xffff;
	[tilespmem:s20+$0x380] =	vst v12;
	s2 =	sand.u32 $0x1C00, s4;
	s7 =	sor.u32 $0x30, s0  }
0x75a: {  	[tilespmem:$0x1FC10] =	vst v6;
	v1 =	vadd.s32 $0x240, v32;
	v60 =	vld.idx.msk [tilespmem:v55+s10+$0x0], $0xffff;
	s5 =	sor.u32 s7, s2  }
0x75b: {  	[tilespmem:s26+$0x300] =	vst v9;
	s9 =	sor.u32 $0x10, s0;
	v59 =	vld [tilespmem:s5+$0x0]  }
0x75c: {  	s23 =	sadd.s32 $0x4800, s29;
	s20 =	sor.u32 $0x20, s0;
	s30 =	sor.u32 s9, s2;
	v2 =	vld.idx.msk [tilespmem:v14+s10+$0x0], $0xffff;
	[tilespmem:s28+$0x380] =	vst v10  }
0x75d: {  	s22 =	sor.u32 s20, s2;
	s5 =	sor.u32 s17, s23;
	[tilespmem:s25+$0x380] =	vst v8;
	v4 =	vld [tilespmem:s30+$0x0]  }
0x75e: {  	[tilespmem:s5+$0x0] =	vst v13;
	v5 =	vld [tilespmem:s22+$0x0]  }
0x75f: {  	v3 =	vmov v57;
	s24 =	sor.u32 s0, s2;
	[tilespmem:s19+$0x380] =	vst v11;
	v61 =	vld.idx.msk [tilespmem:v1+s10+$0x0], $0xffff  }
0x760: {  	[tilespmem:$0x1FBA0] =	vst v3;
	s28 =	sor.u32 s16, s23;
	v1 =	vld [tilespmem:s24+$0x0]  }
0x761: {  	s25 =	sor.u32 s18, s23;
	[tilespmem:s28+$0x0] =	vst v0  }
0x762: {  	v62 =	vadd.s32 $0x280, v32;
	[tilespmem:s25+$0x0] =	vst v60;
	v13 =	vld.idx.msk [tilespmem:v52+s10+$0x0], $0xffff  }
0x763: {  	v18 =	vld.idx.msk [tilespmem:v53+s10+$0x0], $0xffff;
	[tilespmem:s26+$0x380] =	vst v2  }
0x764: {  	v8 =	vadd.s32 $0x180, v5;
	v19 =	vld.idx.msk [tilespmem:v59+s10+$0x0], $0xffff;
	[tilespmem:s5+$0x80] =	vst v61  }
0x765: {  	[tilespmem:$0x1FBB0] =	vst v8;
	v8 =	vadd.s32 $0x180, v1  }
0x766: {  	v2 =	vld.idx.msk [tilespmem:v54+s10+$0x0], $0xffff;
	[tilespmem:$0x1FBC0] =	vst v8;
	v8 =	vadd.s32 $0x1C0, v4  }
0x767: {  	v3 =	vld.idx.msk [tilespmem:v62+s10+$0x0], $0xffff;
	[tilespmem:$0x1FBD0] =	vst v8  }
0x768: {  	v26 =	vld.idx.msk [tilespmem:v4+s10+$0x0], $0xffff;
	[tilespmem:s28+$0x80] =	vst v13  }
0x769: {  	s31 =	sor.u32 s1, s23;
	v63 =	vadd.s32 $0x40, v59;
	v27 =	vld.idx.msk [tilespmem:v5+s10+$0x0], $0xffff;
	v8 =	vadd.s32 $0x1C0, v1;
	[tilespmem:s25+$0x80] =	vst v18  }
0x76a: {  	s29 =	smov.u32 s2;
	s26 =	smov.u32 s31;
	v13 =	vadd.s32 $0x2C0, v32;
	[tilespmem:$0x1FBF0] =	vst v8  }
0x76b: {  	s17 =	smov.u32 s7;
	s24 =	sadd.s32 $0x2400, s29;
	v6 =	vadd.s32 $0x40, v4;
	v8 =	vadd.s32 $0x1C0, v5;
	v29 =	vld.idx.msk [tilespmem:v49+s10+$0x0], $0xffff;
	[tilespmem:s26+$0x0] =	vst v2  }
0x76c: {  	s31 =	sor.u32 s17, s24;
	v17 =	vadd.s32 $0x40, v5;
	[tilespmem:$0x1FBE0] =	vst v8;
	v2 =	vld.idx.msk [tilespmem:v1+s10+$0x0], $0xffff  }
0x76d: {  	s16 =	smov.u32 s9;
	v28 =	vld.idx.msk [tilespmem:v51+s10+$0x0], $0xffff;
	[tilespmem:s31+$0x0] =	vst v19  }
0x76e: {  	s18 =	smov.u32 s20;
	s30 =	sor.u32 s16, s24;
	v23 =	vadd.s32 $0x40, v1;
	v0 =	vld.idx.msk [tilespmem:v63+s10+$0x0], $0xffff;
	[tilespmem:s5+$0x100] =	vst v3  }
0x76f: {  	s20 =	sor.u32 s18, s24;
	v33 =	vadd.s32 $0x80, v59;
	v7 =	vadd.s32 $0x80, v4;
	v21 =	vadd.s32 $0xC0, v4;
	[tilespmem:s30+$0x0] =	vst v26;
	v34 =	vld.idx.msk [tilespmem:v13+s10+$0x0], $0xffff  }
0x770: {  	s1 =	smov.u32 s0;
	v22 =	vadd.s32 $0x80, v5;
	v20 =	vadd.s32 $0xC0, v5;
	v14 =	vadd.s32 $0x100, v4;
	[tilespmem:s20+$0x0] =	vst v27;
	v6 =	vld.idx.msk [tilespmem:v6+s10+$0x0], $0xffff  }
0x771: {  	s19 =	sor.u32 s1, s24;
	v10 =	vadd.s32 $0x140, v4;
	v16 =	vadd.s32 $0x100, v5;
	v24 =	vadd.s32 $0x80, v1;
	v60 =	vld.idx.msk [tilespmem:v17+s10+$0x0], $0xffff;
	[tilespmem:s28+$0x100] =	vst v29  }
0x772: {  	v11 =	vadd.s32 $0x140, v5;
	v9 =	vadd.s32 $0x180, v4;
	v56 =	vadd.s32 $0x200, v4;
	v29 =	vld.idx.msk [tilespmem:v50+s10+$0x0], $0xffff;
	[tilespmem:s19+$0x0] =	vst v2  }
0x773: {  	v52 =	vadd.s32 $0x240, v4;
	v55 =	vadd.s32 $0x200, v5;
	v53 =	vadd.s32 $0x240, v5;
	v23 =	vld.idx.msk [tilespmem:v23+s10+$0x0], $0xffff;
	[tilespmem:s26+$0x80] =	vst v28  }
0x774: {  	v30 =	vadd.s32 $0x2C0, v4;
	v26 =	vadd.s32 $0x280, v1;
	v28 =	vadd.s32 $0x300, v32;
	[tilespmem:s31+$0x80] =	vst v0;
	v0 =	vld.idx.msk [tilespmem:v48+s10+$0x0], $0xffff  }
0x775: {  	v31 =	vadd.s32 $0x280, v5;
	v58 =	vadd.s32 $0x300, v4;
	v49 =	vadd.s32 $0x280, v4;
	v48 =	vmovc v26;
	v26 =	vld.idx.msk [tilespmem:v33+s10+$0x0], $0xffff;
	[tilespmem:s30+$0x80] =	vst v6  }
0x776: {  	v8 =	vadd.s32 $0x340, v4;
	v19 =	vadd.s32 $0x380, v4;
	v63 =	vadd.s32 $0x3C0, v4;
	[tilespmem:s20+$0x80] =	vst v60;
	v4 =	vld.idx.msk [tilespmem:v7+s10+$0x0], $0xffff  }
0x777: {  	v35 =	vadd.s32 $0x340, v5;
	v61 =	vadd.s32 $0x300, v5;
	v18 =	vadd.s32 $0x380, v5;
	[tilespmem:s5+$0x180] =	vst v34;
	v7 =	vld.idx.msk [tilespmem:v22+s10+$0x0], $0xffff  }
0x778: {  	v27 =	vadd.s32 $0x2C0, v5;
	v13 =	vadd.s32 $0x3C0, v5;
	v5 =	vadd.s32 $0xC0, v59;
	[tilespmem:s25+$0x100] =	vst v29;
	v34 =	vld.idx.msk [tilespmem:v43+s10+$0x0], $0xffff  }
0x779: {  	v6 =	vld.idx.msk [tilespmem:v28+s10+$0x0], $0xffff;
	[tilespmem:s19+$0x80] =	vst v23  }
0x77a: {  	v50 =	vmov v31;
	v31 =	vld.idx.msk [tilespmem:v24+s10+$0x0], $0xffff;
	[tilespmem:s26+$0x100] =	vst v0  }
0x77b: {  	v33 =	vadd.s32 $0x340, v32;
	[tilespmem:s31+$0x100] =	vst v26  }
0x77c: {  	v25 =	vadd.s32 $0xC0, v1;
	v60 =	vld.idx.msk [tilespmem:v47+s10+$0x0], $0xffff;
	[tilespmem:s30+$0x100] =	vst v4  }
0x77d: {  	v4 =	vld.idx.msk [tilespmem:v5+s10+$0x0], $0xffff;
	[tilespmem:s20+$0x100] =	vst v7  }
0x77e: {  	v5 =	vld.idx.msk [tilespmem:v21+s10+$0x0], $0xffff;
	[tilespmem:s28+$0x180] =	vst v34  }
0x77f: {  	v20 =	vld.idx.msk [tilespmem:v20+s10+$0x0], $0xffff;
	[tilespmem:s5+$0x200] =	vst v6;
	v6 =	vadd.s32 $0x100, v59  }
0x780: {  	v7 =	vld.idx.msk [tilespmem:v33+s10+$0x0], $0xffff;
	[tilespmem:s19+$0x100] =	vst v31  }
0x781: {  	[tilespmem:s25+$0x180] =	vst v60;
	v24 =	vld.idx.msk [tilespmem:v25+s10+$0x0], $0xffff;
	v25 =	vadd.s32 $0x380, v32  }
0x782: {  	v15 =	vadd.s32 $0x100, v1;
	v26 =	vld.idx.msk [tilespmem:v45+s10+$0x0], $0xffff;
	[tilespmem:s31+$0x180] =	vst v4  }
0x783: {  	v22 =	vld.idx.msk [tilespmem:v46+s10+$0x0], $0xffff;
	[tilespmem:s30+$0x180] =	vst v5  }
0x784: {  	v47 =	vmov v27;
	[tilespmem:s20+$0x180] =	vst v20;
	v27 =	vld.idx.msk [tilespmem:v6+s10+$0x0], $0xffff  }
0x785: {  	v5 =	vadd.s32 $0x140, v59;
	v4 =	vld.idx.msk [tilespmem:v14+s10+$0x0], $0xffff;
	[tilespmem:s5+$0x280] =	vst v7  }
0x786: {  	v0 =	vld.idx.msk [tilespmem:v25+s10+$0x0], $0xffff;
	[tilespmem:s19+$0x180] =	vst v24  }
0x787: {  	v14 =	vadd.s32 $0x3C0, v32;
	[tilespmem:s28+$0x200] =	vst v26;
	v7 =	vld.idx.msk [tilespmem:v15+s10+$0x0], $0xffff  }
0x788: {  	v12 =	vadd.s32 $0x140, v1;
	v6 =	vld.idx.msk [tilespmem:v16+s10+$0x0], $0xffff;
	[tilespmem:s26+$0x180] =	vst v22  }
0x789: {  	v28 =	vld.idx.msk [tilespmem:v44+s10+$0x0], $0xffff;
	[tilespmem:s31+$0x200] =	vst v27  }
0x78a: {  	v43 =	vmov v30;
	v32 =	vmov v59;
	[tilespmem:s30+$0x200] =	vst v4;
	v30 =	vld.idx.msk [tilespmem:v5+s10+$0x0], $0xffff  }
0x78b: {  	v31 =	vadd.s32 $0x180, v32;
	v29 =	vld.idx.msk [tilespmem:v42+s10+$0x0], $0xffff;
	[tilespmem:s5+$0x300] =	vst v0  }
0x78c: {  	v5 =	vld.idx.msk [tilespmem:v14+s10+$0x0], $0xffff;
	[tilespmem:s19+$0x200] =	vst v7  }
0x78d: {  	[tilespmem:s20+$0x200] =	vst v6;
	v7 =	vld.idx.msk [tilespmem:v12+s10+$0x0], $0xffff  }
0x78e: {  	v6 =	vld.idx.msk [tilespmem:v11+s10+$0x0], $0xffff;
	[tilespmem:s25+$0x200] =	vst v28  }
0x78f: {  	v4 =	vld.idx.msk [tilespmem:v10+s10+$0x0], $0xffff;
	[tilespmem:s31+$0x280] =	vst v30  }
0x790: {  	[tilespmem:s26+$0x200] =	vst v29;
	v0 =	vld.idx.msk [tilespmem:v31+s10+$0x0], $0xffff  }
0x791: {  	[tilespmem:s5+$0x380] =	vst v5;
	v5 =	vld.idx.msk [tilespmem:v40+s10+$0x0], $0xffff  }
0x792: {  	[tilespmem:s19+$0x280] =	vst v7;
	v7 =	vld [tilespmem:$0x1FBC0]  }
0x793: {  	v34 =	vld.idx.msk [tilespmem:v39+s10+$0x0], $0xffff  }
0x794: {  	[tilespmem:s20+$0x280] =	vst v6;
	v6 =	vld [tilespmem:$0x1FBB0];
	_ =	sdelay $0x2  }
0x795: {  	v33 =	vld.idx.msk [tilespmem:v41+s10+$0x0], $0xffff  }
0x796: {  	v44 =	vmov v61;
	v61 =	vld [tilespmem:$0x1FBD0];
	[tilespmem:s30+$0x280] =	vst v4  }
0x797: {  	v45 =	vmov v58;
	v58 =	vld.idx.msk [tilespmem:v9+s10+$0x0], $0xffff  }
0x798: {  	v4 =	vadd.s32 $0x1C0, v32;
	v7 =	vld.idx.msk [tilespmem:v7+s10+$0x0], $0xffff  }
0x799: {  	v54 =	vadd.s32 $0x200, v1;
	[tilespmem:s26+$0x280] =	vst v5;
	v5 =	vld [tilespmem:$0x1FBE0]  }
0x79a: {  	v57 =	vadd.s32 $0x3C0, v1;
	v62 =	vadd.s32 $0x340, v1;
	v51 =	vadd.s32 $0x240, v1;
	[tilespmem:s28+$0x280] =	vst v33;
	v6 =	vld.idx.msk [tilespmem:v6+s10+$0x0], $0xffff  }
0x79b: {  	v3 =	vadd.s32 $0x2C0, v1;
	v17 =	vadd.s32 $0x380, v1;
	v2 =	vadd.s32 $0x300, v1;
	v1 =	vld.idx.msk [tilespmem:v38+s10+$0x0], $0xffff  }
0x79c: {  	v40 =	vmov v62;
	v62 =	vld [tilespmem:$0x1FC00];
	[tilespmem:s31+$0x300] =	vst v0  }
0x79d: {  	v60 =	vld.idx.msk [tilespmem:v4+s10+$0x0], $0xffff;
	[tilespmem:s25+$0x280] =	vst v34  }
0x79e: {  	v59 =	vld.idx.msk [tilespmem:v37+s10+$0x0], $0xffff  }
0x79f: {  	v9 =	vld.idx.msk [tilespmem:v36+s10+$0x0], $0xffff;
	[tilespmem:s20+$0x300] =	vst v6  }
0x7a0: {  	[tilespmem:s19+$0x300] =	vst v7;
	v7 =	vmov v63;
	v63 =	vld [tilespmem:$0x1FC10]  }
0x7a1: {  	v12 =	vld.idx.msk [tilespmem:v5+s10+$0x0], $0xffff  }
0x7a2: {  	v5 =	vld [tilespmem:$0x1FBF0]  }
0x7a3: {  	v4 =	vadd.s32 $0x200, v32  }
0x7a4: {  	s8 =	sadd.s32 $0x4, s8;
	[tilespmem:s30+$0x300] =	vst v58  }
0x7a5: {  	p1 =	slt.u32 s8, $0x3C;
	v46 =	vmov v3;
	v3 =	vld.idx.msk [tilespmem:v61+s10+$0x0], $0xffff  }
.Ltmp8:
0x7a6: {  	v14 =	vld [tilespmem:$0x1FBA0];
	[tilespmem:s28+$0x300] =	vst v1;
	(pc) =	sbr.rel @p1 .LBB2_13-.Ltmp8, $4  }
0x7a7: {  	v10 =	vld.idx.msk [tilespmem:v62+s10+$0x0], $0xffff;
	[tilespmem:s31+$0x380] =	vst v60  }
0x7a8: {  	v6 =	vmov v13;
	v13 =	vld.idx.msk [tilespmem:v4+s10+$0x0], $0xffff;
	[tilespmem:s25+$0x300] =	vst v59  }
0x7a9: {  	v41 =	vmov v8;
	v8 =	vld.idx.msk [tilespmem:v63+s10+$0x0], $0xffff  }
0x7aa: {  	s21 =	sadd.s32 $0x40, s21;
	v42 =	vmovc v2;
	v39 =	vmovc v35;
	v38 =	vmov v19;
	v37 =	vmov v18;
	v36 =	vmov v17;
	[tilespmem:s30+$0x380] =	vst v3;
	v11 =	vld.idx.msk [tilespmem:v5+s10+$0x0], $0xffff  }
0x7ab: {  	_ =	sdelay $0x3  }
0x7ac: {  	v0 =	vld.idx.msk [tilespmem:v56+s10+$0x0], $0xffff;
	[tilespmem:s20+$0x380] =	vst v12;
	v1 =	vadd.s32 $0x240, v32  }
0x7ad: {  	v2 =	vld.idx.msk [tilespmem:v55+s10+$0x0], $0xffff;
	[tilespmem:s19+$0x380] =	vst v11  }
0x7ae: {  	s0 =	sadd.s32 $0x4800, s29;
	v3 =	vld.idx.msk [tilespmem:v54+s10+$0x0], $0xffff  }
0x7af: {  	s4 =	sor.u32 s17, s0  }
0x7b0: {  	s5 =	sor.u32 s16, s0;
	[tilespmem:s4+$0x0] =	vst v13  }
0x7b1: {  	s8 =	sor.u32 s18, s0;
	[tilespmem:s5+$0x0] =	vst v0;
	v22 =	vld.idx.msk [tilespmem:v1+s10+$0x0], $0xffff  }
0x7b2: {  	v23 =	vadd.s32 $0x280, v32;
	s1 =	sor.u32 s1, s0;
	[tilespmem:s8+$0x0] =	vst v2;
	v24 =	vld.idx.msk [tilespmem:v52+s10+$0x0], $0xffff  }
0x7b3: {  	v4 =	vld.idx.msk [tilespmem:v53+s10+$0x0], $0xffff;
	[tilespmem:s1+$0x0] =	vst v3  }
0x7b4: {  	v3 =	vld.idx.msk [tilespmem:v51+s10+$0x0], $0xffff;
	_ =	sdelay $0x1  }
0x7b5: {  	[tilespmem:s4+$0x80] =	vst v22  }
0x7b6: {  	v0 =	vld.idx.msk [tilespmem:v23+s10+$0x0], $0xffff;
	[tilespmem:s5+$0x80] =	vst v24  }
0x7b7: {  	v25 =	vadd.s32 $0x2C0, v32;
	[tilespmem:s8+$0x80] =	vst v4;
	v2 =	vld.idx.msk [tilespmem:v49+s10+$0x0], $0xffff  }
0x7b8: {  	v26 =	vld.idx.msk [tilespmem:v50+s10+$0x0], $0xffff;
	[tilespmem:s1+$0x80] =	vst v3  }
0x7b9: {  	v27 =	vld.idx.msk [tilespmem:v48+s10+$0x0], $0xffff;
	_ =	sdelay $0x1  }
0x7ba: {  	[tilespmem:s4+$0x100] =	vst v0  }
0x7bb: {  	v0 =	vld.idx.msk [tilespmem:v25+s10+$0x0], $0xffff;
	[tilespmem:s5+$0x100] =	vst v2  }
0x7bc: {  	v28 =	vadd.s32 $0x300, v32;
	[tilespmem:s8+$0x100] =	vst v26;
	v2 =	vld.idx.msk [tilespmem:v43+s10+$0x0], $0xffff  }
0x7bd: {  	v3 =	vld.idx.msk [tilespmem:v47+s10+$0x0], $0xffff;
	[tilespmem:s1+$0x100] =	vst v27  }
0x7be: {  	v4 =	vld.idx.msk [tilespmem:v46+s10+$0x0], $0xffff;
	_ =	sdelay $0x1  }
0x7bf: {  	[tilespmem:s4+$0x180] =	vst v0  }
0x7c0: {  	v0 =	vld.idx.msk [tilespmem:v28+s10+$0x0], $0xffff;
	[tilespmem:s5+$0x180] =	vst v2  }
0x7c1: {  	v29 =	vadd.s32 $0x340, v32;
	[tilespmem:s8+$0x180] =	vst v3;
	v2 =	vld.idx.msk [tilespmem:v45+s10+$0x0], $0xffff  }
0x7c2: {  	v3 =	vld.idx.msk [tilespmem:v44+s10+$0x0], $0xffff;
	[tilespmem:s1+$0x180] =	vst v4  }
0x7c3: {  	v4 =	vld.idx.msk [tilespmem:v42+s10+$0x0], $0xffff;
	_ =	sdelay $0x1  }
0x7c4: {  	[tilespmem:s4+$0x200] =	vst v0  }
0x7c5: {  	v0 =	vld.idx.msk [tilespmem:v29+s10+$0x0], $0xffff;
	[tilespmem:s5+$0x200] =	vst v2  }
0x7c6: {  	v30 =	vadd.s32 $0x380, v32;
	[tilespmem:s8+$0x200] =	vst v3;
	v2 =	vld.idx.msk [tilespmem:v41+s10+$0x0], $0xffff  }
0x7c7: {  	v3 =	vld.idx.msk [tilespmem:v39+s10+$0x0], $0xffff;
	[tilespmem:s1+$0x200] =	vst v4  }
0x7c8: {  	v4 =	vld.idx.msk [tilespmem:v40+s10+$0x0], $0xffff;
	_ =	sdelay $0x1  }
0x7c9: {  	[tilespmem:s4+$0x280] =	vst v0  }
0x7ca: {  	v0 =	vld.idx.msk [tilespmem:v30+s10+$0x0], $0xffff;
	[tilespmem:s5+$0x280] =	vst v2  }
0x7cb: {  	v31 =	vadd.s32 $0x3C0, v32;
	v2 =	vld.idx.msk [tilespmem:v38+s10+$0x0], $0xffff;
	[tilespmem:s8+$0x280] =	vst v3  }
0x7cc: {  	v3 =	vld.idx.msk [tilespmem:v37+s10+$0x0], $0xffff;
	[tilespmem:s1+$0x280] =	vst v4  }
0x7cd: {  	[tilespmem:s26+$0x300] =	vst v9;
	v4 =	vld.idx.msk [tilespmem:v36+s10+$0x0], $0xffff  }
0x7ce: {  	[tilespmem:s28+$0x380] =	vst v10  }
0x7cf: {  	v5 =	vld.idx.msk [tilespmem:v14+s10+$0x0], $0xffff;
	[tilespmem:s4+$0x300] =	vst v0  }
0x7d0: {  	v0 =	vld.idx.msk [tilespmem:v31+s10+$0x0], $0xffff;
	[tilespmem:s5+$0x300] =	vst v2  }
0x7d1: {  	v32 =	vld.idx.msk [tilespmem:v7+s10+$0x0], $0xffff;
	[tilespmem:s8+$0x300] =	vst v3  }
0x7d2: {  	v33 =	vld.idx.msk [tilespmem:v6+s10+$0x0], $0xffff;
	[tilespmem:s1+$0x300] =	vst v4  }
0x7d3: {  	[tilespmem:s25+$0x380] =	vst v8;
	v34 =	vld.idx.msk [tilespmem:v57+s10+$0x0], $0xffff  }
0x7d4: {  	[tilespmem:s26+$0x380] =	vst v5  }
0x7d5: {  	[tilespmem:s4+$0x380] =	vst v0  }
0x7d6: {  	[tilespmem:s5+$0x380] =	vst v32  }
0x7d7: {  	[tilespmem:s8+$0x380] =	vst v33  }
0x7d8: {  	[tilespmem:s1+$0x380] =	vst v34  }
0x7d9: {  	v3 =	vld [tilespmem:$0x1FE00];
	_ =	sdelay $0x7  }
0x7da: {  	v0 =	vld.idx.msk [tilespmem:v3+s3+$0x0], $0xffff;
	_ =	sdelay $0x7  }
0x7db: {  	v1 =	vld.idx.msk [tilespmem:v0+s10+$0x0], $0xffff  }
0x7dc: {  	v35 =	vadd.s32 $0x40, v0;
	_ =	sdelay $0x1  }
0x7dd: {  	v37 =	vld [tilespmem:$0x1FE10];
	_ =	sdelay $0x1  }
0x7de: {  	[tilespmem:v3+s12+$0x0] =	vst.idx.msk $0xffff, v1  }
0x7df: {  	v1 =	vld.idx.msk [tilespmem:v35+s10+$0x0], $0xffff  }
0x7e0: {  	v36 =	vadd.s32 $0x80, v0;
	_ =	sdelay $0x1  }
0x7e1: {  	v39 =	vld [tilespmem:$0x1FE20];
	_ =	sdelay $0x1  }
0x7e2: {  	[tilespmem:v37+s12+$0x0] =	vst.idx.msk $0xffff, v1  }
0x7e3: {  	v1 =	vld.idx.msk [tilespmem:v36+s10+$0x0], $0xffff  }
0x7e4: {  	v38 =	vadd.s32 $0xC0, v0;
	_ =	sdelay $0x1  }
0x7e5: {  	v41 =	vld [tilespmem:$0x1FE30];
	_ =	sdelay $0x1  }
0x7e6: {  	[tilespmem:v39+s12+$0x0] =	vst.idx.msk $0xffff, v1  }
0x7e7: {  	v1 =	vld.idx.msk [tilespmem:v38+s10+$0x0], $0xffff  }
0x7e8: {  	v40 =	vadd.s32 $0x100, v0;
	_ =	sdelay $0x1  }
0x7e9: {  	v43 =	vld [tilespmem:$0x1FE40];
	_ =	sdelay $0x1  }
0x7ea: {  	[tilespmem:v41+s12+$0x0] =	vst.idx.msk $0xffff, v1  }
0x7eb: {  	v1 =	vld.idx.msk [tilespmem:v40+s10+$0x0], $0xffff  }
0x7ec: {  	v42 =	vadd.s32 $0x140, v0;
	_ =	sdelay $0x1  }
0x7ed: {  	v45 =	vld [tilespmem:$0x1FE50];
	_ =	sdelay $0x1  }
0x7ee: {  	[tilespmem:v43+s12+$0x0] =	vst.idx.msk $0xffff, v1  }
0x7ef: {  	v1 =	vld.idx.msk [tilespmem:v42+s10+$0x0], $0xffff  }
0x7f0: {  	v44 =	vadd.s32 $0x180, v0;
	_ =	sdelay $0x1  }
0x7f1: {  	v47 =	vld [tilespmem:$0x1FE60];
	_ =	sdelay $0x1  }
0x7f2: {  	[tilespmem:v45+s12+$0x0] =	vst.idx.msk $0xffff, v1  }
0x7f3: {  	v1 =	vld.idx.msk [tilespmem:v44+s10+$0x0], $0xffff  }
0x7f4: {  	v46 =	vadd.s32 $0x1C0, v0;
	_ =	sdelay $0x1  }
0x7f5: {  	v49 =	vld [tilespmem:$0x1FE70];
	_ =	sdelay $0x1  }
0x7f6: {  	[tilespmem:v47+s12+$0x0] =	vst.idx.msk $0xffff, v1  }
0x7f7: {  	v1 =	vld.idx.msk [tilespmem:v46+s10+$0x0], $0xffff  }
0x7f8: {  	v48 =	vadd.s32 $0x200, v0;
	_ =	sdelay $0x1  }
0x7f9: {  	v51 =	vld [tilespmem:$0x1FE80];
	_ =	sdelay $0x1  }
0x7fa: {  	[tilespmem:v49+s12+$0x0] =	vst.idx.msk $0xffff, v1  }
0x7fb: {  	v1 =	vld.idx.msk [tilespmem:v48+s10+$0x0], $0xffff  }
0x7fc: {  	v50 =	vadd.s32 $0x240, v0;
	_ =	sdelay $0x1  }
0x7fd: {  	v53 =	vld [tilespmem:$0x1FE90];
	_ =	sdelay $0x1  }
0x7fe: {  	[tilespmem:v51+s12+$0x0] =	vst.idx.msk $0xffff, v1  }
0x7ff: {  	v1 =	vld.idx.msk [tilespmem:v50+s10+$0x0], $0xffff  }
0x800: {  	v52 =	vadd.s32 $0x280, v0;
	_ =	sdelay $0x1  }
0x801: {  	v55 =	vld [tilespmem:$0x1FEA0];
	_ =	sdelay $0x1  }
0x802: {  	[tilespmem:v53+s12+$0x0] =	vst.idx.msk $0xffff, v1  }
0x803: {  	v1 =	vld.idx.msk [tilespmem:v52+s10+$0x0], $0xffff  }
0x804: {  	v54 =	vadd.s32 $0x2C0, v0;
	_ =	sdelay $0x1  }
0x805: {  	v57 =	vld [tilespmem:$0x1FEB0];
	_ =	sdelay $0x1  }
0x806: {  	[tilespmem:v55+s12+$0x0] =	vst.idx.msk $0xffff, v1  }
0x807: {  	v1 =	vld.idx.msk [tilespmem:v54+s10+$0x0], $0xffff  }
0x808: {  	v56 =	vadd.s32 $0x300, v0;
	_ =	sdelay $0x1  }
0x809: {  	v59 =	vld [tilespmem:$0x1FEC0];
	_ =	sdelay $0x1  }
0x80a: {  	[tilespmem:v57+s12+$0x0] =	vst.idx.msk $0xffff, v1  }
0x80b: {  	v1 =	vld.idx.msk [tilespmem:v56+s10+$0x0], $0xffff  }
0x80c: {  	v58 =	vadd.s32 $0x340, v0;
	_ =	sdelay $0x1  }
0x80d: {  	v61 =	vld [tilespmem:$0x1FED0];
	_ =	sdelay $0x1  }
0x80e: {  	[tilespmem:v59+s12+$0x0] =	vst.idx.msk $0xffff, v1  }
0x80f: {  	v1 =	vld.idx.msk [tilespmem:v58+s10+$0x0], $0xffff  }
0x810: {  	v60 =	vadd.s32 $0x380, v0;
	_ =	sdelay $0x1  }
0x811: {  	v62 =	vld [tilespmem:$0x1FEE0];
	_ =	sdelay $0x1  }
0x812: {  	[tilespmem:v61+s12+$0x0] =	vst.idx.msk $0xffff, v1  }
0x813: {  	v1 =	vld.idx.msk [tilespmem:v60+s10+$0x0], $0xffff  }
0x814: {  	v0 =	vadd.s32 $0x3C0, v0;
	_ =	sdelay $0x1  }
0x815: {  	v63 =	vld [tilespmem:$0x1FEF0];
	_ =	sdelay $0x1  }
0x816: {  	[tilespmem:v62+s12+$0x0] =	vst.idx.msk $0xffff, v1  }
0x817: {  	v0 =	vld.idx.msk [tilespmem:v0+s10+$0x0], $0xffff;
	_ =	sdelay $0x4  }
.Ltmp9:
0x818: {  	s31 =	rddreg [dreg:$0x7];
	[tilespmem:v63+s12+$0x0] =	vst.idx.msk $0xffff, v0;
	(pc) =	sbr.rel .LBB2_15-.Ltmp9, $4  }
0x819: {  	[hbm4b:s31+s3] =	stream.linear.scatter [tilespmem:s12], [sflag:$0x1], $0x4800, $0x38;
	[tilespmem:$0x14800] =	vst v63  }
0x81a: {  	_ =	swait.ge [sflag:s14], $0x4800  }
0x81b: {  	[sflag:s14] =	ssyncset.done $0x0  }
0x81c: {  	s1 =	rddreg [dreg:$0x9];
	[sflag:s14] =	ssyncadd.s32 $0xFFFFB800  }
.LBB2_16:
0x81d: {  	_ =	sfence.sel $0x180000  }
0x81e: {  	[bflag:$0x0] =	sbarrier.arrive $0xFFFF  }
0x81f: {  	_ =	strace $0x90000047  }
0x820: {  	s0 =	stileid.u32;
	[bflag:$0x2] =	sbarrier.arrive $0xFFFF  }
0x821: {  	p0 =	sne.s32 s0, $0x0;
	s0 =	rddreg [dreg:$0x3]  }
0x822: {  	s0 =	sadd.s32 @!p0 $0x100000, s0  }
0x823: {  	[sflag:s0] =	ssyncadd.tile.s32 @!p0 $0x1;
	_ =	shalt  }
.Lfunc_end2:
_tile_overlayer_lowered:
.L_overlay_start_2:
0x824: {  	(tag) =	ssettag $0x2  }
0x825: {  	s0 =	rddreg [dreg:$0x0];
	s2 =	stileid.u32  }
0x826: {  	s1 =	rddreg [dreg:$0x1];
	p0 =	sne.s32 s2, $0x0  }
0x827: {  	s3 =	rddreg [dreg:$0x2];
	[bflag:$0x3] =	sbarrier.arrive $0xFFFF;
	s2 =	simm.s32 @!p0 $0x1C03  }
0x828: {  	[timem:s3], [sflag:s2] =	dma.local @!p0 [hbm:s0], s1  }
0x829: {  	s0 =	simm.s32 @!p0 $0x3  }
0x82a: {  	_ =	swait.ge @!p0 [sflag:s0], s1  }
0x82b: {  	s1 =	ssub.s32 @!p0 $0x0, s1;
	[sflag:s0] =	ssyncset.done @!p0 $0x0  }
0x82c: {  	[sflag:s0] =	ssyncadd.s32 @!p0 s1  }
0x82d: {  	[bflag:$0x3] =	sbarrier.arrive $0xFFFF  }
0x82e: {  	_ =	shalt  }

</sc_bundles>
